<compile_context>
chip_gen: v7x
topology: tpu7x:2x2x1
jax: 0.10.2.dev20260603
libtpu: 0.0.44.dev20260713+nightly
codegen_flags: <defaults>
</compile_context>

<pallas_src>
import functools

import jax
import jax.numpy as jnp
from jax import lax
from jax.experimental import pallas as pl
from jax.experimental.pallas import tpu as pltpu
from jax.experimental.pallas import tpu_sc as plsc

N1 = 8192
N2 = 2048
D_DENSE = 128
D_SPARSE = 256
D_OUT = 256
K = 3

BLK = 512
NBLK = N1 // BLK
LANES = 16
NW = 32
CH = 32
NCHUNKS = 2
NROWS = N1 // NCHUNKS
PER = NBLK // NCHUNKS


def _knn_body(p2_ref, p1t_ref, i1_ref, i2_ref, i3_ref, w1_ref, w2_ref, w3_ref):
    pv = p2_ref[...]
    qt = p1t_ref[...]
    d2 = jnp.zeros((N2, BLK), jnp.float32)
    for c in range(3):
        diff = pv[:, c : c + 1] - qt[c : c + 1, :]
        d2 = d2 + diff * diff
    rowsf = lax.broadcasted_iota(jnp.int32, (N2, BLK), 0).astype(jnp.float32)
    work = d2
    idxs, dists = [], []
    for _ in range(K):
        m = jnp.min(work, axis=0, keepdims=True)
        sel = jnp.where(work <= m, rowsf, float(N2))
        ikf = jnp.min(sel, axis=0, keepdims=True)
        idxs.append(ikf.astype(jnp.int32))
        dists.append(m)
        work = jnp.where(rowsf == ikf, 1e30, work)
    recips = [1.0 / (jnp.sqrt(jnp.maximum(m, 1e-12)) + 1e-8) for m in dists]
    norm = recips[0] + recips[1] + recips[2]
    for ref, ik in zip((i1_ref, i2_ref, i3_ref), idxs):
        ref[...] = ik.reshape(BLK)
    for ref, r in zip((w1_ref, w2_ref, w3_ref), recips):
        ref[...] = (r / norm).reshape(BLK)


def _tc_knn(p2in, p1t, chunk):
    out_i = jax.ShapeDtypeStruct((NROWS,), jnp.int32)
    out_w = jax.ShapeDtypeStruct((NROWS,), jnp.float32)
    return pl.pallas_call(
        _knn_body,
        grid=(PER,),
        in_specs=[
            pl.BlockSpec((N2, 3), lambda i: (0, 0)),
            pl.BlockSpec((8, BLK), lambda i, c=chunk: (0, c * PER + i)),
        ],
        out_specs=[pl.BlockSpec((BLK,), lambda i: (i,))] * 6,
        out_shape=[out_i] * 3 + [out_w] * 3,
    )(p2in, p1t)


def _make_sc_body(bpw, ch, nch):
    def _sc_body(i1, i2, i3, w1, w2, w3, x2_hbm, out_hbm,
                 i1v, i2v, i3v, w1v, w2v, w3v,
                 rA, rB, rC, rA2, rB2, rC2, outv, sem):
        wid = lax.axis_index("s") * 2 + lax.axis_index("c")
        base = wid * bpw
        pltpu.sync_copy(i1.at[pl.ds(base, bpw)], i1v)
        pltpu.sync_copy(i2.at[pl.ds(base, bpw)], i2v)
        pltpu.sync_copy(i3.at[pl.ds(base, bpw)], i3v)
        pltpu.sync_copy(w1.at[pl.ds(base, bpw)], w1v)
        pltpu.sync_copy(w2.at[pl.ds(base, bpw)], w2v)
        pltpu.sync_copy(w3.at[pl.ds(base, bpw)], w3v)
        bufs = ((rA, rB, rC), (rA2, rB2, rC2))

        def issue(c):
            q0 = c * ch
            return [
                pltpu.async_copy(x2_hbm.at[iv.at[pl.ds(q0, ch)]], r, sem)
                for iv, r in zip((i1v, i2v, i3v), bufs[c % 2])
            ]

        cps = issue(0)
        for c in range(nch):
            for cp in cps:
                cp.wait()
            if c + 1 < nch:
                cps = issue(c + 1)
            q0 = c * ch
            bA, bB, bC = bufs[c % 2]

            def body(q, _):
                qi = jnp.full((LANES,), q0 + q, jnp.int32)
                wa = plsc.load_gather(w1v, [qi])
                wb = plsc.load_gather(w2v, [qi])
                wc = plsc.load_gather(w3v, [qi])
                for f in range(D_SPARSE // LANES):
                    s = pl.ds(f * LANES, LANES)
                    outv[q, s] = wa * bA[q, s] + wb * bB[q, s] + wc * bC[q, s]
                return 0

            lax.fori_loop(0, ch, body, 0)
            pltpu.sync_copy(outv, out_hbm.at[pl.ds(base + q0, ch)])

    return _sc_body


def _sc_gather(i1, i2, i3, w1, w2, w3, x2):
    n = i1.shape[0]
    bpw = n // NW
    ch = min(CH, bpw)
    nch = bpw // ch
    mesh = plsc.VectorSubcoreMesh(core_axis_name="c", subcore_axis_name="s")
    fn = pl.kernel(
        _make_sc_body(bpw, ch, nch),
        out_type=jax.ShapeDtypeStruct((n, D_SPARSE), jnp.float32),
        mesh=mesh,
        compiler_params=pltpu.CompilerParams(needs_layout_passes=False),
        scratch_types=(
            [pltpu.VMEM((bpw,), jnp.int32)] * 3
            + [pltpu.VMEM((bpw,), jnp.float32)] * 3
            + [pltpu.VMEM((ch, D_SPARSE), jnp.float32)] * 7
            + [pltpu.SemaphoreType.DMA]
        ),
    )
    return fn(i1, i2, i3, w1, w2, w3, x2)


def _mlp_body(x1_ref, it_ref, w1t_ref, w2t_ref, b_ref, y_ref, ps_ref, pss_ref):
    i = pl.program_id(0)
    y = (
        jnp.dot(x1_ref[...].astype(jnp.bfloat16), w1t_ref[...],
                preferred_element_type=jnp.float32)
        + jnp.dot(it_ref[...].astype(jnp.bfloat16), w2t_ref[...],
                  preferred_element_type=jnp.float32)
        + b_ref[...]
    )
    y_ref[...] = y.astype(jnp.bfloat16)

    @pl.when(i == 0)
    def _init():
        ps_ref[...] = jnp.zeros((1, D_OUT), jnp.float32)
        pss_ref[...] = jnp.zeros((1, D_OUT), jnp.float32)

    ps_ref[...] += jnp.sum(y, axis=0, keepdims=True)
    pss_ref[...] += jnp.sum(y * y, axis=0, keepdims=True)


def _tc_mlp(x1, interp, w1t, w2t, b2d, chunk):
    return pl.pallas_call(
        _mlp_body,
        grid=(PER,),
        in_specs=[
            pl.BlockSpec((BLK, D_DENSE), lambda i, c=chunk: (c * PER + i, 0)),
            pl.BlockSpec((BLK, D_SPARSE), lambda i: (i, 0)),
            pl.BlockSpec((D_DENSE, D_OUT), lambda i: (0, 0)),
            pl.BlockSpec((D_SPARSE, D_OUT), lambda i: (0, 0)),
            pl.BlockSpec((1, D_OUT), lambda i: (0, 0)),
        ],
        out_specs=[
            pl.BlockSpec((BLK, D_OUT), lambda i: (i, 0)),
            pl.BlockSpec((1, D_OUT), lambda i: (0, 0)),
            pl.BlockSpec((1, D_OUT), lambda i: (0, 0)),
        ],
        out_shape=[
            jax.ShapeDtypeStruct((NROWS, D_OUT), jnp.bfloat16),
            jax.ShapeDtypeStruct((1, D_OUT), jnp.float32),
            jax.ShapeDtypeStruct((1, D_OUT), jnp.float32),
        ],
    )(x1, interp, w1t, w2t, b2d)


def _bn_body(*refs):
    y_refs = refs[:NCHUNKS]
    ps_refs = refs[NCHUNKS : 2 * NCHUNKS]
    pss_refs = refs[2 * NCHUNKS : 3 * NCHUNKS]
    g_ref, be_ref, o_ref = refs[3 * NCHUNKS :]
    i = pl.program_id(0)
    y = y_refs[0][...]
    for c in range(1, NCHUNKS):
        y = jnp.where(i < c * PER, y, y_refs[c][...])
    y = y.astype(jnp.float32)
    ps = ps_refs[0][...]
    pss = pss_refs[0][...]
    for c in range(1, NCHUNKS):
        ps = ps + ps_refs[c][...]
        pss = pss + pss_refs[c][...]
    inv_n = 1.0 / N1
    mean = ps * inv_n
    var = pss * inv_n - mean * mean
    scale = lax.rsqrt(var + 1e-5) * g_ref[...]
    o_ref[...] = jnp.maximum((y - mean) * scale + be_ref[...], 0.0)


def _tc_bn(ys, pss_all, psss_all, g2d, be2d):
    def _mk_y_spec(c):
        return pl.BlockSpec(
            (BLK, D_OUT), lambda i: (jnp.clip(i - c * PER, 0, PER - 1), 0)
        )

    small = pl.BlockSpec((1, D_OUT), lambda i: (0, 0))
    return pl.pallas_call(
        _bn_body,
        grid=(NBLK,),
        in_specs=[_mk_y_spec(c) for c in range(NCHUNKS)]
        + [small] * (2 * NCHUNKS)
        + [small, small],
        out_specs=pl.BlockSpec((BLK, D_OUT), lambda i: (i, 0)),
        out_shape=jax.ShapeDtypeStruct((N1, D_OUT), jnp.float32),
    )(*ys, *pss_all, *psss_all, g2d, be2d)


def kernel(p1, x1, o1, p2, x2, o2, W, b, gamma, beta):
    p1t = jnp.pad(p1.T, ((0, 5), (0, 0)))
    w1t = W[:, :D_DENSE].T.astype(jnp.bfloat16)
    w2t = W[:, D_DENSE:].T.astype(jnp.bfloat16)
    b2d = b.reshape(1, D_OUT)
    interps = []
    for c in range(NCHUNKS):
        i1, i2, i3, w1, w2, w3 = _tc_knn(p2, p1t, c)
        interps.append(_sc_gather(i1, i2, i3, w1, w2, w3, x2))
    ys, pss_all, psss_all = [], [], []
    for c in range(NCHUNKS):
        y, ps, pss = _tc_mlp(x1, interps[c], w1t, w2t, b2d, c)
        ys.append(y)
        pss_all.append(ps)
        psss_all.append(pss)
    out = _tc_bn(ys, pss_all, psss_all,
                 gamma.reshape(1, D_OUT), beta.reshape(1, D_OUT))
    return (p1, out, o1)

# --- scband reference (transcript-rebuilt; emitter-appended) ---
"""Pipeline reference for scband-upsampling-28278064677299 (READ-ONLY COPY).

The authoritative reference and input builder live on the scoring server;
editing this copy changes nothing except your own understanding.
"""

import jax, jax.numpy as jnp
import numpy as np

N1 = 8192
N2 = 2048
D_DENSE = 128
D_SPARSE = 256
D_OUT = 256
K = 3


def setup_inputs(seed: int = 0) -> dict:
    key = jax.random.key(seed)
    ks = jax.random.split(key, 6)
    p1 = jax.random.uniform(ks[0], (N1, 3), dtype=jnp.float32)
    x1 = jax.random.normal(ks[1], (N1, D_DENSE), dtype=jnp.float32)
    o1 = jnp.array([N1], dtype=jnp.int32)
    p2 = jax.random.uniform(ks[2], (N2, 3), dtype=jnp.float32)
    x2 = jax.random.normal(ks[3], (N2, D_SPARSE), dtype=jnp.float32)
    o2 = jnp.array([N2], dtype=jnp.int32)
    d_in = D_SPARSE + D_DENSE
    W = jax.random.normal(ks[4], (D_OUT, d_in), dtype=jnp.float32) * (1.0 / np.sqrt(d_in))
    b = jnp.zeros((D_OUT,), dtype=jnp.float32)
    gamma = jnp.ones((D_OUT,), dtype=jnp.float32)
    beta = jnp.zeros((D_OUT,), dtype=jnp.float32)
    return {"p1": p1, "x1": x1, "o1": o1, "p2": p2, "x2": x2, "o2": o2,
            "W": W, "b": b, "gamma": gamma, "beta": beta}


def _interpolation(p2, p1, x2, k=K):
    # pointops.interpolation: 3-NN inverse-distance-weighted feature interpolation
    # (single batch segment: o1=[N1], o2=[N2])
    d2 = jnp.sum((p1[:, None, :] - p2[None, :, :]) ** 2, axis=-1)  # [N1, N2]
    neg_vals, idx = jax.lax.top_k(-d2, k)                          # nearest k
    dist = jnp.sqrt(jnp.maximum(-neg_vals, 1e-12))                 # [N1, k]
    dist_recip = 1.0 / (dist + 1e-8)
    norm = jnp.sum(dist_recip, axis=1, keepdims=True)
    weight = dist_recip / norm                                      # [N1, k]
    feats = jnp.take(x2, idx, axis=0)                               # [N1, k, C]
    return jnp.sum(feats * weight[:, :, None], axis=1)              # [N1, C]


def reference(p1, x1, o1, p2, x2, o2, W, b, gamma, beta):
    interpolated = _interpolation(p2, p1, x2)
    x = jnp.concatenate([x1, interpolated], axis=1)  # [N1, d_dense + d_sparse]
    # nn.Linear
    x = x @ W.T + b
    # nn.BatchNorm1d (training mode: batch statistics)
    mean = jnp.mean(x, axis=0)
    var = jnp.var(x, axis=0)
    x = (x - mean) / jnp.sqrt(var + 1e-5) * gamma + beta
    # ReLU
    x = jnp.maximum(x, 0.0)
    return (p1, x, o1)

if __name__ == "__main__":
    import jax
    _d = setup_inputs()
    print(jax.jit(kernel)(*tuple(_d.values())))

</pallas_src>

<mosaic_0001>
#map = affine_map<(d0, d1) -> (0)>
#map1 = affine_map<(d0, d1) -> (0, 0)>
module attributes {stable_mosaic.version = 14 : i64} {
  func.func @_sc_body(%arg0: i32, %arg1: i32, %arg2: memref<4096xi32, #tpu.memory_space<hbm>>, %arg3: memref<4096xi32, #tpu.memory_space<hbm>>, %arg4: memref<4096xi32, #tpu.memory_space<hbm>>, %arg5: memref<4096xf32, #tpu.memory_space<hbm>>, %arg6: memref<4096xf32, #tpu.memory_space<hbm>>, %arg7: memref<4096xf32, #tpu.memory_space<hbm>>, %arg8: memref<2048x256xf32, #tpu.memory_space<hbm>>, %arg9: memref<4096x256xf32, #tpu.memory_space<hbm>>, %arg10: memref<128xi32, #tpu.memory_space<vmem>>, %arg11: memref<128xi32, #tpu.memory_space<vmem>>, %arg12: memref<128xi32, #tpu.memory_space<vmem>>, %arg13: memref<128xf32, #tpu.memory_space<vmem>>, %arg14: memref<128xf32, #tpu.memory_space<vmem>>, %arg15: memref<128xf32, #tpu.memory_space<vmem>>, %arg16: memref<32x256xf32, #tpu.memory_space<vmem>>, %arg17: memref<32x256xf32, #tpu.memory_space<vmem>>, %arg18: memref<32x256xf32, #tpu.memory_space<vmem>>, %arg19: memref<32x256xf32, #tpu.memory_space<vmem>>, %arg20: memref<32x256xf32, #tpu.memory_space<vmem>>, %arg21: memref<32x256xf32, #tpu.memory_space<vmem>>, %arg22: memref<32x256xf32, #tpu.memory_space<vmem>>, %arg23: memref<!tpu.dma_semaphore, #tpu.memory_space<semaphore_mem>>) attributes {dimension_semantics = [#tpu.dimension_semantics<core_parallel>, #tpu.dimension_semantics<subcore_parallel>], iteration_bounds = array<i64: 2, 16>, scalar_prefetch = 0 : i64, scratch_operands = 14 : i64, tpu.core_type = #tpu.core_type<sc_vector_subcore>, window_params = [{transform_indices = #map}, {transform_indices = #map}, {transform_indices = #map}, {transform_indices = #map}, {transform_indices = #map}, {transform_indices = #map}, {transform_indices = #map1}, {transform_indices = #map1}]} {
    %mul3A = arith.constant 2 : i32
    %mul3A_0 = arith.muli %arg1, %mul3A : i32
    %add3A = arith.addi %mul3A_0, %arg0 : i32
    %mul3A_1 = arith.constant 128 : i32
    %mul3A_2 = arith.muli %add3A, %mul3A_1 : i32
    "tpu.region"() ({
      %run_scoped3A = tpu.sem_alloc : memref<!tpu.dma_semaphore, #tpu.memory_space<semaphore_mem>>
      %dma_start3A_156 = tpu.memref_slice %arg2[%mul3A_2] : memref<4096xi32, #tpu.memory_space<hbm>> -> memref<128xi32, #tpu.memory_space<hbm>>
      %dma_start3A_157 = tpu.memref_slice %arg2[%mul3A_2] : memref<4096xi32, #tpu.memory_space<hbm>> -> memref<128xi32, #tpu.memory_space<hbm>>
      tpu.enqueue_dma source(%dma_start3A_157 : memref<128xi32, #tpu.memory_space<hbm>>) target(%arg10 : memref<128xi32, #tpu.memory_space<vmem>>) target_semaphore(%run_scoped3A : memref<!tpu.dma_semaphore, #tpu.memory_space<semaphore_mem>>)
      %dma_wait3A_158 = tpu.memref_slice %arg2[%mul3A_2] : memref<4096xi32, #tpu.memory_space<hbm>> -> memref<128xi32, #tpu.memory_space<hbm>>
      %dma_wait3A_159 = tpu.memref_slice %arg2[%mul3A_2] : memref<4096xi32, #tpu.memory_space<hbm>> -> memref<128xi32, #tpu.memory_space<hbm>>
      tpu.wait_dma2 semaphore(%run_scoped3A : memref<!tpu.dma_semaphore, #tpu.memory_space<semaphore_mem>>) src(%dma_wait3A_159 : memref<128xi32, #tpu.memory_space<hbm>>) dst(%arg10 : memref<128xi32, #tpu.memory_space<vmem>>)
      tpu.yield
    }) : () -> ()
    "tpu.region"() ({
      %run_scoped3A = tpu.sem_alloc : memref<!tpu.dma_semaphore, #tpu.memory_space<semaphore_mem>>
      %dma_start3A_156 = tpu.memref_slice %arg3[%mul3A_2] : memref<4096xi32, #tpu.memory_space<hbm>> -> memref<128xi32, #tpu.memory_space<hbm>>
      %dma_start3A_157 = tpu.memref_slice %arg3[%mul3A_2] : memref<4096xi32, #tpu.memory_space<hbm>> -> memref<128xi32, #tpu.memory_space<hbm>>
      tpu.enqueue_dma source(%dma_start3A_157 : memref<128xi32, #tpu.memory_space<hbm>>) target(%arg11 : memref<128xi32, #tpu.memory_space<vmem>>) target_semaphore(%run_scoped3A : memref<!tpu.dma_semaphore, #tpu.memory_space<semaphore_mem>>)
      %dma_wait3A_158 = tpu.memref_slice %arg3[%mul3A_2] : memref<4096xi32, #tpu.memory_space<hbm>> -> memref<128xi32, #tpu.memory_space<hbm>>
      %dma_wait3A_159 = tpu.memref_slice %arg3[%mul3A_2] : memref<4096xi32, #tpu.memory_space<hbm>> -> memref<128xi32, #tpu.memory_space<hbm>>
      tpu.wait_dma2 semaphore(%run_scoped3A : memref<!tpu.dma_semaphore, #tpu.memory_space<semaphore_mem>>) src(%dma_wait3A_159 : memref<128xi32, #tpu.memory_space<hbm>>) dst(%arg11 : memref<128xi32, #tpu.memory_space<vmem>>)
      tpu.yield
    }) : () -> ()
    "tpu.region"() ({
      %run_scoped3A = tpu.sem_alloc : memref<!tpu.dma_semaphore, #tpu.memory_space<semaphore_mem>>
      %dma_start3A_156 = tpu.memref_slice %arg4[%mul3A_2] : memref<4096xi32, #tpu.memory_space<hbm>> -> memref<128xi32, #tpu.memory_space<hbm>>
      %dma_start3A_157 = tpu.memref_slice %arg4[%mul3A_2] : memref<4096xi32, #tpu.memory_space<hbm>> -> memref<128xi32, #tpu.memory_space<hbm>>
      tpu.enqueue_dma source(%dma_start3A_157 : memref<128xi32, #tpu.memory_space<hbm>>) target(%arg12 : memref<128xi32, #tpu.memory_space<vmem>>) target_semaphore(%run_scoped3A : memref<!tpu.dma_semaphore, #tpu.memory_space<semaphore_mem>>)
      %dma_wait3A_158 = tpu.memref_slice %arg4[%mul3A_2] : memref<4096xi32, #tpu.memory_space<hbm>> -> memref<128xi32, #tpu.memory_space<hbm>>
      %dma_wait3A_159 = tpu.memref_slice %arg4[%mul3A_2] : memref<4096xi32, #tpu.memory_space<hbm>> -> memref<128xi32, #tpu.memory_space<hbm>>
      tpu.wait_dma2 semaphore(%run_scoped3A : memref<!tpu.dma_semaphore, #tpu.memory_space<semaphore_mem>>) src(%dma_wait3A_159 : memref<128xi32, #tpu.memory_space<hbm>>) dst(%arg12 : memref<128xi32, #tpu.memory_space<vmem>>)
      tpu.yield
    }) : () -> ()
    "tpu.region"() ({
      %run_scoped3A = tpu.sem_alloc : memref<!tpu.dma_semaphore, #tpu.memory_space<semaphore_mem>>
      %dma_start3A_156 = tpu.memref_slice %arg5[%mul3A_2] : memref<4096xf32, #tpu.memory_space<hbm>> -> memref<128xf32, #tpu.memory_space<hbm>>
      %dma_start3A_157 = tpu.memref_slice %arg5[%mul3A_2] : memref<4096xf32, #tpu.memory_space<hbm>> -> memref<128xf32, #tpu.memory_space<hbm>>
      tpu.enqueue_dma source(%dma_start3A_157 : memref<128xf32, #tpu.memory_space<hbm>>) target(%arg13 : memref<128xf32, #tpu.memory_space<vmem>>) target_semaphore(%run_scoped3A : memref<!tpu.dma_semaphore, #tpu.memory_space<semaphore_mem>>)
      %dma_wait3A_158 = tpu.memref_slice %arg5[%mul3A_2] : memref<4096xf32, #tpu.memory_space<hbm>> -> memref<128xf32, #tpu.memory_space<hbm>>
      %dma_wait3A_159 = tpu.memref_slice %arg5[%mul3A_2] : memref<4096xf32, #tpu.memory_space<hbm>> -> memref<128xf32, #tpu.memory_space<hbm>>
      tpu.wait_dma2 semaphore(%run_scoped3A : memref<!tpu.dma_semaphore, #tpu.memory_space<semaphore_mem>>) src(%dma_wait3A_159 : memref<128xf32, #tpu.memory_space<hbm>>) dst(%arg13 : memref<128xf32, #tpu.memory_space<vmem>>)
      tpu.yield
    }) : () -> ()
    "tpu.region"() ({
      %run_scoped3A = tpu.sem_alloc : memref<!tpu.dma_semaphore, #tpu.memory_space<semaphore_mem>>
      %dma_start3A_156 = tpu.memref_slice %arg6[%mul3A_2] : memref<4096xf32, #tpu.memory_space<hbm>> -> memref<128xf32, #tpu.memory_space<hbm>>
      %dma_start3A_157 = tpu.memref_slice %arg6[%mul3A_2] : memref<4096xf32, #tpu.memory_space<hbm>> -> memref<128xf32, #tpu.memory_space<hbm>>
      tpu.enqueue_dma source(%dma_start3A_157 : memref<128xf32, #tpu.memory_space<hbm>>) target(%arg14 : memref<128xf32, #tpu.memory_space<vmem>>) target_semaphore(%run_scoped3A : memref<!tpu.dma_semaphore, #tpu.memory_space<semaphore_mem>>)
      %dma_wait3A_158 = tpu.memref_slice %arg6[%mul3A_2] : memref<4096xf32, #tpu.memory_space<hbm>> -> memref<128xf32, #tpu.memory_space<hbm>>
      %dma_wait3A_159 = tpu.memref_slice %arg6[%mul3A_2] : memref<4096xf32, #tpu.memory_space<hbm>> -> memref<128xf32, #tpu.memory_space<hbm>>
      tpu.wait_dma2 semaphore(%run_scoped3A : memref<!tpu.dma_semaphore, #tpu.memory_space<semaphore_mem>>) src(%dma_wait3A_159 : memref<128xf32, #tpu.memory_space<hbm>>) dst(%arg14 : memref<128xf32, #tpu.memory_space<vmem>>)
      tpu.yield
    }) : () -> ()
    "tpu.region"() ({
      %run_scoped3A = tpu.sem_alloc : memref<!tpu.dma_semaphore, #tpu.memory_space<semaphore_mem>>
      %dma_start3A_156 = tpu.memref_slice %arg7[%mul3A_2] : memref<4096xf32, #tpu.memory_space<hbm>> -> memref<128xf32, #tpu.memory_space<hbm>>
      %dma_start3A_157 = tpu.memref_slice %arg7[%mul3A_2] : memref<4096xf32, #tpu.memory_space<hbm>> -> memref<128xf32, #tpu.memory_space<hbm>>
      tpu.enqueue_dma source(%dma_start3A_157 : memref<128xf32, #tpu.memory_space<hbm>>) target(%arg15 : memref<128xf32, #tpu.memory_space<vmem>>) target_semaphore(%run_scoped3A : memref<!tpu.dma_semaphore, #tpu.memory_space<semaphore_mem>>)
      %dma_wait3A_158 = tpu.memref_slice %arg7[%mul3A_2] : memref<4096xf32, #tpu.memory_space<hbm>> -> memref<128xf32, #tpu.memory_space<hbm>>
      %dma_wait3A_159 = tpu.memref_slice %arg7[%mul3A_2] : memref<4096xf32, #tpu.memory_space<hbm>> -> memref<128xf32, #tpu.memory_space<hbm>>
      tpu.wait_dma2 semaphore(%run_scoped3A : memref<!tpu.dma_semaphore, #tpu.memory_space<semaphore_mem>>) src(%dma_wait3A_159 : memref<128xf32, #tpu.memory_space<hbm>>) dst(%arg15 : memref<128xf32, #tpu.memory_space<vmem>>)
      tpu.yield
    }) : () -> ()
    %dma_start3A = arith.constant 0 : i32
    %dma_start3A_3 = tpu.memref_slice %arg10[%dma_start3A] : memref<128xi32, #tpu.memory_space<vmem>> -> memref<32xi32, #tpu.memory_space<vmem>>
    %dma_start3A_4 = arith.constant 0 : i32
    %dma_start3A_5 = arith.constant 0 : i32
    %dma_start3A_6 = tpu.memref_slice %arg8[%dma_start3A_4, %dma_start3A_5] : memref<2048x256xf32, #tpu.memory_space<hbm>> -> memref<2048x256xf32, #tpu.memory_space<hbm>>
    tpu.enqueue_indirect_dma source(%dma_start3A_6 : memref<2048x256xf32, #tpu.memory_space<hbm>>) target(%arg16 : memref<32x256xf32, #tpu.memory_space<vmem>>) offsets(%dma_start3A_3 : memref<32xi32, #tpu.memory_space<vmem>>) semaphore(%arg23 : memref<!tpu.dma_semaphore, #tpu.memory_space<semaphore_mem>>)
    %dma_start3A_7 = arith.constant 0 : i32
    %dma_start3A_8 = tpu.memref_slice %arg11[%dma_start3A_7] : memref<128xi32, #tpu.memory_space<vmem>> -> memref<32xi32, #tpu.memory_space<vmem>>
    %dma_start3A_9 = arith.constant 0 : i32
    %dma_start3A_10 = arith.constant 0 : i32
    %dma_start3A_11 = tpu.memref_slice %arg8[%dma_start3A_9, %dma_start3A_10] : memref<2048x256xf32, #tpu.memory_space<hbm>> -> memref<2048x256xf32, #tpu.memory_space<hbm>>
    tpu.enqueue_indirect_dma source(%dma_start3A_11 : memref<2048x256xf32, #tpu.memory_space<hbm>>) target(%arg17 : memref<32x256xf32, #tpu.memory_space<vmem>>) offsets(%dma_start3A_8 : memref<32xi32, #tpu.memory_space<vmem>>) semaphore(%arg23 : memref<!tpu.dma_semaphore, #tpu.memory_space<semaphore_mem>>)
    %dma_start3A_12 = arith.constant 0 : i32
    %dma_start3A_13 = tpu.memref_slice %arg12[%dma_start3A_12] : memref<128xi32, #tpu.memory_space<vmem>> -> memref<32xi32, #tpu.memory_space<vmem>>
    %dma_start3A_14 = arith.constant 0 : i32
    %dma_start3A_15 = arith.constant 0 : i32
    %dma_start3A_16 = tpu.memref_slice %arg8[%dma_start3A_14, %dma_start3A_15] : memref<2048x256xf32, #tpu.memory_space<hbm>> -> memref<2048x256xf32, #tpu.memory_space<hbm>>
    tpu.enqueue_indirect_dma source(%dma_start3A_16 : memref<2048x256xf32, #tpu.memory_space<hbm>>) target(%arg18 : memref<32x256xf32, #tpu.memory_space<vmem>>) offsets(%dma_start3A_13 : memref<32xi32, #tpu.memory_space<vmem>>) semaphore(%arg23 : memref<!tpu.dma_semaphore, #tpu.memory_space<semaphore_mem>>)
    %dma_wait3A = arith.constant 0 : i32
    %dma_wait3A_17 = tpu.memref_slice %arg10[%dma_wait3A] : memref<128xi32, #tpu.memory_space<vmem>> -> memref<32xi32, #tpu.memory_space<vmem>>
    %dma_wait3A_18 = arith.constant 0 : i32
    %dma_wait3A_19 = arith.constant 0 : i32
    %dma_wait3A_20 = tpu.memref_slice %arg8[%dma_wait3A_18, %dma_wait3A_19] : memref<2048x256xf32, #tpu.memory_space<hbm>> -> memref<2048x256xf32, #tpu.memory_space<hbm>>
    tpu.wait_indirect_dma semaphore(%arg23 : memref<!tpu.dma_semaphore, #tpu.memory_space<semaphore_mem>>) src(%dma_wait3A_20 : memref<2048x256xf32, #tpu.memory_space<hbm>>) dst(%arg16 : memref<32x256xf32, #tpu.memory_space<vmem>>)
    %dma_wait3A_21 = arith.constant 0 : i32
    %dma_wait3A_22 = tpu.memref_slice %arg11[%dma_wait3A_21] : memref<128xi32, #tpu.memory_space<vmem>> -> memref<32xi32, #tpu.memory_space<vmem>>
    %dma_wait3A_23 = arith.constant 0 : i32
    %dma_wait3A_24 = arith.constant 0 : i32
    %dma_wait3A_25 = tpu.memref_slice %arg8[%dma_wait3A_23, %dma_wait3A_24] : memref<2048x256xf32, #tpu.memory_space<hbm>> -> memref<2048x256xf32, #tpu.memory_space<hbm>>
    tpu.wait_indirect_dma semaphore(%arg23 : memref<!tpu.dma_semaphore, #tpu.memory_space<semaphore_mem>>) src(%dma_wait3A_25 : memref<2048x256xf32, #tpu.memory_space<hbm>>) dst(%arg17 : memref<32x256xf32, #tpu.memory_space<vmem>>)
    %dma_wait3A_26 = arith.constant 0 : i32
    %dma_wait3A_27 = tpu.memref_slice %arg12[%dma_wait3A_26] : memref<128xi32, #tpu.memory_space<vmem>> -> memref<32xi32, #tpu.memory_space<vmem>>
    %dma_wait3A_28 = arith.constant 0 : i32
    %dma_wait3A_29 = arith.constant 0 : i32
    %dma_wait3A_30 = tpu.memref_slice %arg8[%dma_wait3A_28, %dma_wait3A_29] : memref<2048x256xf32, #tpu.memory_space<hbm>> -> memref<2048x256xf32, #tpu.memory_space<hbm>>
    tpu.wait_indirect_dma semaphore(%arg23 : memref<!tpu.dma_semaphore, #tpu.memory_space<semaphore_mem>>) src(%dma_wait3A_30 : memref<2048x256xf32, #tpu.memory_space<hbm>>) dst(%arg18 : memref<32x256xf32, #tpu.memory_space<vmem>>)
    %dma_start3A_31 = arith.constant 32 : i32
    %dma_start3A_32 = tpu.memref_slice %arg10[%dma_start3A_31] : memref<128xi32, #tpu.memory_space<vmem>> -> memref<32xi32, #tpu.memory_space<vmem>>
    %dma_start3A_33 = arith.constant 0 : i32
    %dma_start3A_34 = arith.constant 0 : i32
    %dma_start3A_35 = tpu.memref_slice %arg8[%dma_start3A_33, %dma_start3A_34] : memref<2048x256xf32, #tpu.memory_space<hbm>> -> memref<2048x256xf32, #tpu.memory_space<hbm>>
    tpu.enqueue_indirect_dma source(%dma_start3A_35 : memref<2048x256xf32, #tpu.memory_space<hbm>>) target(%arg19 : memref<32x256xf32, #tpu.memory_space<vmem>>) offsets(%dma_start3A_32 : memref<32xi32, #tpu.memory_space<vmem>>) semaphore(%arg23 : memref<!tpu.dma_semaphore, #tpu.memory_space<semaphore_mem>>)
    %dma_start3A_36 = arith.constant 32 : i32
    %dma_start3A_37 = tpu.memref_slice %arg11[%dma_start3A_36] : memref<128xi32, #tpu.memory_space<vmem>> -> memref<32xi32, #tpu.memory_space<vmem>>
    %dma_start3A_38 = arith.constant 0 : i32
    %dma_start3A_39 = arith.constant 0 : i32
    %dma_start3A_40 = tpu.memref_slice %arg8[%dma_start3A_38, %dma_start3A_39] : memref<2048x256xf32, #tpu.memory_space<hbm>> -> memref<2048x256xf32, #tpu.memory_space<hbm>>
    tpu.enqueue_indirect_dma source(%dma_start3A_40 : memref<2048x256xf32, #tpu.memory_space<hbm>>) target(%arg20 : memref<32x256xf32, #tpu.memory_space<vmem>>) offsets(%dma_start3A_37 : memref<32xi32, #tpu.memory_space<vmem>>) semaphore(%arg23 : memref<!tpu.dma_semaphore, #tpu.memory_space<semaphore_mem>>)
    %dma_start3A_41 = arith.constant 32 : i32
    %dma_start3A_42 = tpu.memref_slice %arg12[%dma_start3A_41] : memref<128xi32, #tpu.memory_space<vmem>> -> memref<32xi32, #tpu.memory_space<vmem>>
    %dma_start3A_43 = arith.constant 0 : i32
    %dma_start3A_44 = arith.constant 0 : i32
    %dma_start3A_45 = tpu.memref_slice %arg8[%dma_start3A_43, %dma_start3A_44] : memref<2048x256xf32, #tpu.memory_space<hbm>> -> memref<2048x256xf32, #tpu.memory_space<hbm>>
    tpu.enqueue_indirect_dma source(%dma_start3A_45 : memref<2048x256xf32, #tpu.memory_space<hbm>>) target(%arg21 : memref<32x256xf32, #tpu.memory_space<vmem>>) offsets(%dma_start3A_42 : memref<32xi32, #tpu.memory_space<vmem>>) semaphore(%arg23 : memref<!tpu.dma_semaphore, #tpu.memory_space<semaphore_mem>>)
    %scan3A = arith.constant 0 : i32
    %scan3A_46 = arith.constant 0 : i32
    %scan3A_47 = arith.constant 32 : i32
    %scan3A_48 = arith.addi %scan3A_46, %scan3A_47 : i32
    %scan3A_49 = arith.constant 1 : i32
    %scan3A_50 = scf.for %scan3A_156 = %scan3A_46 to %scan3A_48 step %scan3A_49 iter_args(%scan3A_157 = %scan3A) -> (i32)  : i32 {
      %add3A_158 = arith.constant 0 : i32
      %add3A_159 = arith.addi %add3A_158, %scan3A_156 : i32
      %broadcast_in_dim3A = vector.broadcast %add3A_159 : i32 to vector<16xi32>
      %gather3A = tpu.vector_load_idx %arg13[%broadcast_in_dim3A] : memref<128xf32, #tpu.memory_space<vmem>>[vector<16xi32>], vector<16xf32>,
      %gather3A_160 = tpu.vector_load_idx %arg14[%broadcast_in_dim3A] : memref<128xf32, #tpu.memory_space<vmem>>[vector<16xi32>], vector<16xf32>,
      %gather3A_161 = tpu.vector_load_idx %arg15[%broadcast_in_dim3A] : memref<128xf32, #tpu.memory_space<vmem>>[vector<16xi32>], vector<16xf32>,
      %get3A = arith.index_cast %scan3A_156 : i32 to index
      %get3A_162 = arith.constant 0 : index
      %get3A_163 = tpu.vector_load %arg16[%get3A, %get3A_162] {strides = array<i32>} : memref<32x256xf32, #tpu.memory_space<vmem>>, vector<16xf32>,
      %mul3A_164 = arith.mulf %gather3A, %get3A_163 : vector<16xf32>
      %get3A_165 = arith.index_cast %scan3A_156 : i32 to index
      %get3A_166 = arith.constant 0 : index
      %get3A_167 = tpu.vector_load %arg17[%get3A_165, %get3A_166] {strides = array<i32>} : memref<32x256xf32, #tpu.memory_space<vmem>>, vector<16xf32>,
      %mul3A_168 = arith.mulf %gather3A_160, %get3A_167 : vector<16xf32>
      %add3A_169 = arith.addf %mul3A_164, %mul3A_168 : vector<16xf32>
      %get3A_170 = arith.index_cast %scan3A_156 : i32 to index
      %get3A_171 = arith.constant 0 : index
      %get3A_172 = tpu.vector_load %arg18[%get3A_170, %get3A_171] {strides = array<i32>} : memref<32x256xf32, #tpu.memory_space<vmem>>, vector<16xf32>,
      %mul3A_173 = arith.mulf %gather3A_161, %get3A_172 : vector<16xf32>
      %add3A_174 = arith.addf %add3A_169, %mul3A_173 : vector<16xf32>
      %swap3A = arith.index_cast %scan3A_156 : i32 to index
      %swap3A_175 = arith.constant 0 : index
      %swap3A_176 = tpu.vector_load %arg22[%swap3A, %swap3A_175] {strides = array<i32>} : memref<32x256xf32, #tpu.memory_space<vmem>>, vector<16xf32>,
      tpu.vector_store %arg22[%swap3A, %swap3A_175], %add3A_174 {strides = array<i32>} : memref<32x256xf32, #tpu.memory_space<vmem>>, vector<16xf32>,
      %get3A_177 = arith.index_cast %scan3A_156 : i32 to index
      %get3A_178 = arith.constant 16 : index
      %get3A_179 = tpu.vector_load %arg16[%get3A_177, %get3A_178] {strides = array<i32>} : memref<32x256xf32, #tpu.memory_space<vmem>>, vector<16xf32>,
      %mul3A_180 = arith.mulf %gather3A, %get3A_179 : vector<16xf32>
      %get3A_181 = arith.index_cast %scan3A_156 : i32 to index
      %get3A_182 = arith.constant 16 : index
      %get3A_183 = tpu.vector_load %arg17[%get3A_181, %get3A_182] {strides = array<i32>} : memref<32x256xf32, #tpu.memory_space<vmem>>, vector<16xf32>,
      %mul3A_184 = arith.mulf %gather3A_160, %get3A_183 : vector<16xf32>
      %add3A_185 = arith.addf %mul3A_180, %mul3A_184 : vector<16xf32>
      %get3A_186 = arith.index_cast %scan3A_156 : i32 to index
      %get3A_187 = arith.constant 16 : index
      %get3A_188 = tpu.vector_load %arg18[%get3A_186, %get3A_187] {strides = array<i32>} : memref<32x256xf32, #tpu.memory_space<vmem>>, vector<16xf32>,
      %mul3A_189 = arith.mulf %gather3A_161, %get3A_188 : vector<16xf32>
      %add3A_190 = arith.addf %add3A_185, %mul3A_189 : vector<16xf32>
      %swap3A_191 = arith.index_cast %scan3A_156 : i32 to index
      %swap3A_192 = arith.constant 16 : index
      %swap3A_193 = tpu.vector_load %arg22[%swap3A_191, %swap3A_192] {strides = array<i32>} : memref<32x256xf32, #tpu.memory_space<vmem>>, vector<16xf32>,
      tpu.vector_store %arg22[%swap3A_191, %swap3A_192], %add3A_190 {strides = array<i32>} : memref<32x256xf32, #tpu.memory_space<vmem>>, vector<16xf32>,
      %get3A_194 = arith.index_cast %scan3A_156 : i32 to index
      %get3A_195 = arith.constant 32 : index
      %get3A_196 = tpu.vector_load %arg16[%get3A_194, %get3A_195] {strides = array<i32>} : memref<32x256xf32, #tpu.memory_space<vmem>>, vector<16xf32>,
      %mul3A_197 = arith.mulf %gather3A, %get3A_196 : vector<16xf32>
      %get3A_198 = arith.index_cast %scan3A_156 : i32 to index
      %get3A_199 = arith.constant 32 : index
      %get3A_200 = tpu.vector_load %arg17[%get3A_198, %get3A_199] {strides = array<i32>} : memref<32x256xf32, #tpu.memory_space<vmem>>, vector<16xf32>,
      %mul3A_201 = arith.mulf %gather3A_160, %get3A_200 : vector<16xf32>
      %add3A_202 = arith.addf %mul3A_197, %mul3A_201 : vector<16xf32>
      %get3A_203 = arith.index_cast %scan3A_156 : i32 to index
      %get3A_204 = arith.constant 32 : index
      %get3A_205 = tpu.vector_load %arg18[%get3A_203, %get3A_204] {strides = array<i32>} : memref<32x256xf32, #tpu.memory_space<vmem>>, vector<16xf32>,
      %mul3A_206 = arith.mulf %gather3A_161, %get3A_205 : vector<16xf32>
      %add3A_207 = arith.addf %add3A_202, %mul3A_206 : vector<16xf32>
      %swap3A_208 = arith.index_cast %scan3A_156 : i32 to index
      %swap3A_209 = arith.constant 32 : index
      %swap3A_210 = tpu.vector_load %arg22[%swap3A_208, %swap3A_209] {strides = array<i32>} : memref<32x256xf32, #tpu.memory_space<vmem>>, vector<16xf32>,
      tpu.vector_store %arg22[%swap3A_208, %swap3A_209], %add3A_207 {strides = array<i32>} : memref<32x256xf32, #tpu.memory_space<vmem>>, vector<16xf32>,
      %get3A_211 = arith.index_cast %scan3A_156 : i32 to index
      %get3A_212 = arith.constant 48 : index
      %get3A_213 = tpu.vector_load %arg16[%get3A_211, %get3A_212] {strides = array<i32>} : memref<32x256xf32, #tpu.memory_space<vmem>>, vector<16xf32>,
      %mul3A_214 = arith.mulf %gather3A, %get3A_213 : vector<16xf32>
      %get3A_215 = arith.index_cast %scan3A_156 : i32 to index
      %get3A_216 = arith.constant 48 : index
      %get3A_217 = tpu.vector_load %arg17[%get3A_215, %get3A_216] {strides = array<i32>} : memref<32x256xf32, #tpu.memory_space<vmem>>, vector<16xf32>,
      %mul3A_218 = arith.mulf %gather3A_160, %get3A_217 : vector<16xf32>
      %add3A_219 = arith.addf %mul3A_214, %mul3A_218 : vector<16xf32>
      %get3A_220 = arith.index_cast %scan3A_156 : i32 to index
      %get3A_221 = arith.constant 48 : index
      %get3A_222 = tpu.vector_load %arg18[%get3A_220, %get3A_221] {strides = array<i32>} : memref<32x256xf32, #tpu.memory_space<vmem>>, vector<16xf32>,
      %mul3A_223 = arith.mulf %gather3A_161, %get3A_222 : vector<16xf32>
      %add3A_224 = arith.addf %add3A_219, %mul3A_223 : vector<16xf32>
      %swap3A_225 = arith.index_cast %scan3A_156 : i32 to index
      %swap3A_226 = arith.constant 48 : index
      %swap3A_227 = tpu.vector_load %arg22[%swap3A_225, %swap3A_226] {strides = array<i32>} : memref<32x256xf32, #tpu.memory_space<vmem>>, vector<16xf32>,
      tpu.vector_store %arg22[%swap3A_225, %swap3A_226], %add3A_224 {strides = array<i32>} : memref<32x256xf32, #tpu.memory_space<vmem>>, vector<16xf32>,
      %get3A_228 = arith.index_cast %scan3A_156 : i32 to index
      %get3A_229 = arith.constant 64 : index
      %get3A_230 = tpu.vector_load %arg16[%get3A_228, %get3A_229] {strides = array<i32>} : memref<32x256xf32, #tpu.memory_space<vmem>>, vector<16xf32>,
      %mul3A_231 = arith.mulf %gather3A, %get3A_230 : vector<16xf32>
      %get3A_232 = arith.index_cast %scan3A_156 : i32 to index
      %get3A_233 = arith.constant 64 : index
      %get3A_234 = tpu.vector_load %arg17[%get3A_232, %get3A_233] {strides = array<i32>} : memref<32x256xf32, #tpu.memory_space<vmem>>, vector<16xf32>,
      %mul3A_235 = arith.mulf %gather3A_160, %get3A_234 : vector<16xf32>
      %add3A_236 = arith.addf %mul3A_231, %mul3A_235 : vector<16xf32>
      %get3A_237 = arith.index_cast %scan3A_156 : i32 to index
      %get3A_238 = arith.constant 64 : index
      %get3A_239 = tpu.vector_load %arg18[%get3A_237, %get3A_238] {strides = array<i32>} : memref<32x256xf32, #tpu.memory_space<vmem>>, vector<16xf32>,
      %mul3A_240 = arith.mulf %gather3A_161, %get3A_239 : vector<16xf32>
      %add3A_241 = arith.addf %add3A_236, %mul3A_240 : vector<16xf32>
      %swap3A_242 = arith.index_cast %scan3A_156 : i32 to index
      %swap3A_243 = arith.constant 64 : index
      %swap3A_244 = tpu.vector_load %arg22[%swap3A_242, %swap3A_243] {strides = array<i32>} : memref<32x256xf32, #tpu.memory_space<vmem>>, vector<16xf32>,
      tpu.vector_store %arg22[%swap3A_242, %swap3A_243], %add3A_241 {strides = array<i32>} : memref<32x256xf32, #tpu.memory_space<vmem>>, vector<16xf32>,
      %get3A_245 = arith.index_cast %scan3A_156 : i32 to index
      %get3A_246 = arith.constant 80 : index
      %get3A_247 = tpu.vector_load %arg16[%get3A_245, %get3A_246] {strides = array<i32>} : memref<32x256xf32, #tpu.memory_space<vmem>>, vector<16xf32>,
      %mul3A_248 = arith.mulf %gather3A, %get3A_247 : vector<16xf32>
      %get3A_249 = arith.index_cast %scan3A_156 : i32 to index
      %get3A_250 = arith.constant 80 : index
      %get3A_251 = tpu.vector_load %arg17[%get3A_249, %get3A_250] {strides = array<i32>} : memref<32x256xf32, #tpu.memory_space<vmem>>, vector<16xf32>,
      %mul3A_252 = arith.mulf %gather3A_160, %get3A_251 : vector<16xf32>
      %add3A_253 = arith.addf %mul3A_248, %mul3A_252 : vector<16xf32>
      %get3A_254 = arith.index_cast %scan3A_156 : i32 to index
      %get3A_255 = arith.constant 80 : index
      %get3A_256 = tpu.vector_load %arg18[%get3A_254, %get3A_255] {strides = array<i32>} : memref<32x256xf32, #tpu.memory_space<vmem>>, vector<16xf32>,
      %mul3A_257 = arith.mulf %gather3A_161, %get3A_256 : vector<16xf32>
      %add3A_258 = arith.addf %add3A_253, %mul3A_257 : vector<16xf32>
      %swap3A_259 = arith.index_cast %scan3A_156 : i32 to index
      %swap3A_260 = arith.constant 80 : index
      %swap3A_261 = tpu.vector_load %arg22[%swap3A_259, %swap3A_260] {strides = array<i32>} : memref<32x256xf32, #tpu.memory_space<vmem>>, vector<16xf32>,
      tpu.vector_store %arg22[%swap3A_259, %swap3A_260], %add3A_258 {strides = array<i32>} : memref<32x256xf32, #tpu.memory_space<vmem>>, vector<16xf32>,
      %get3A_262 = arith.index_cast %scan3A_156 : i32 to index
      %get3A_263 = arith.constant 96 : index
      %get3A_264 = tpu.vector_load %arg16[%get3A_262, %get3A_263] {strides = array<i32>} : memref<32x256xf32, #tpu.memory_space<vmem>>, vector<16xf32>,
      %mul3A_265 = arith.mulf %gather3A, %get3A_264 : vector<16xf32>
      %get3A_266 = arith.index_cast %scan3A_156 : i32 to index
      %get3A_267 = arith.constant 96 : index
      %get3A_268 = tpu.vector_load %arg17[%get3A_266, %get3A_267] {strides = array<i32>} : memref<32x256xf32, #tpu.memory_space<vmem>>, vector<16xf32>,
      %mul3A_269 = arith.mulf %gather3A_160, %get3A_268 : vector<16xf32>
      %add3A_270 = arith.addf %mul3A_265, %mul3A_269 : vector<16xf32>
      %get3A_271 = arith.index_cast %scan3A_156 : i32 to index
      %get3A_272 = arith.constant 96 : index
      %get3A_273 = tpu.vector_load %arg18[%get3A_271, %get3A_272] {strides = array<i32>} : memref<32x256xf32, #tpu.memory_space<vmem>>, vector<16xf32>,
      %mul3A_274 = arith.mulf %gather3A_161, %get3A_273 : vector<16xf32>
      %add3A_275 = arith.addf %add3A_270, %mul3A_274 : vector<16xf32>
      %swap3A_276 = arith.index_cast %scan3A_156 : i32 to index
      %swap3A_277 = arith.constant 96 : index
      %swap3A_278 = tpu.vector_load %arg22[%swap3A_276, %swap3A_277] {strides = array<i32>} : memref<32x256xf32, #tpu.memory_space<vmem>>, vector<16xf32>,
      tpu.vector_store %arg22[%swap3A_276, %swap3A_277], %add3A_275 {strides = array<i32>} : memref<32x256xf32, #tpu.memory_space<vmem>>, vector<16xf32>,
      %get3A_279 = arith.index_cast %scan3A_156 : i32 to index
      %get3A_280 = arith.constant 112 : index
      %get3A_281 = tpu.vector_load %arg16[%get3A_279, %get3A_280] {strides = array<i32>} : memref<32x256xf32, #tpu.memory_space<vmem>>, vector<16xf32>,
      %mul3A_282 = arith.mulf %gather3A, %get3A_281 : vector<16xf32>
      %get3A_283 = arith.index_cast %scan3A_156 : i32 to index
      %get3A_284 = arith.constant 112 : index
      %get3A_285 = tpu.vector_load %arg17[%get3A_283, %get3A_284] {strides = array<i32>} : memref<32x256xf32, #tpu.memory_space<vmem>>, vector<16xf32>,
      %mul3A_286 = arith.mulf %gather3A_160, %get3A_285 : vector<16xf32>
      %add3A_287 = arith.addf %mul3A_282, %mul3A_286 : vector<16xf32>
      %get3A_288 = arith.index_cast %scan3A_156 : i32 to index
      %get3A_289 = arith.constant 112 : index
      %get3A_290 = tpu.vector_load %arg18[%get3A_288, %get3A_289] {strides = array<i32>} : memref<32x256xf32, #tpu.memory_space<vmem>>, vector<16xf32>,
      %mul3A_291 = arith.mulf %gather3A_161, %get3A_290 : vector<16xf32>
      %add3A_292 = arith.addf %add3A_287, %mul3A_291 : vector<16xf32>
      %swap3A_293 = arith.index_cast %scan3A_156 : i32 to index
      %swap3A_294 = arith.constant 112 : index
      %swap3A_295 = tpu.vector_load %arg22[%swap3A_293, %swap3A_294] {strides = array<i32>} : memref<32x256xf32, #tpu.memory_space<vmem>>, vector<16xf32>,
      tpu.vector_store %arg22[%swap3A_293, %swap3A_294], %add3A_292 {strides = array<i32>} : memref<32x256xf32, #tpu.memory_space<vmem>>, vector<16xf32>,
      %get3A_296 = arith.index_cast %scan3A_156 : i32 to index
      %get3A_297 = arith.constant 128 : index
      %get3A_298 = tpu.vector_load %arg16[%get3A_296, %get3A_297] {strides = array<i32>} : memref<32x256xf32, #tpu.memory_space<vmem>>, vector<16xf32>,
      %mul3A_299 = arith.mulf %gather3A, %get3A_298 : vector<16xf32>
      %get3A_300 = arith.index_cast %scan3A_156 : i32 to index
      %get3A_301 = arith.constant 128 : index
      %get3A_302 = tpu.vector_load %arg17[%get3A_300, %get3A_301] {strides = array<i32>} : memref<32x256xf32, #tpu.memory_space<vmem>>, vector<16xf32>,
      %mul3A_303 = arith.mulf %gather3A_160, %get3A_302 : vector<16xf32>
      %add3A_304 = arith.addf %mul3A_299, %mul3A_303 : vector<16xf32>
      %get3A_305 = arith.index_cast %scan3A_156 : i32 to index
      %get3A_306 = arith.constant 128 : index
      %get3A_307 = tpu.vector_load %arg18[%get3A_305, %get3A_306] {strides = array<i32>} : memref<32x256xf32, #tpu.memory_space<vmem>>, vector<16xf32>,
      %mul3A_308 = arith.mulf %gather3A_161, %get3A_307 : vector<16xf32>
      %add3A_309 = arith.addf %add3A_304, %mul3A_308 : vector<16xf32>
      %swap3A_310 = arith.index_cast %scan3A_156 : i32 to index
      %swap3A_311 = arith.constant 128 : index
      %swap3A_312 = tpu.vector_load %arg22[%swap3A_310, %swap3A_311] {strides = array<i32>} : memref<32x256xf32, #tpu.memory_space<vmem>>, vector<16xf32>,
      tpu.vector_store %arg22[%swap3A_310, %swap3A_311], %add3A_309 {strides = array<i32>} : memref<32x256xf32, #tpu.memory_space<vmem>>, vector<16xf32>,
      %get3A_313 = arith.index_cast %scan3A_156 : i32 to index
      %get3A_314 = arith.constant 144 : index
      %get3A_315 = tpu.vector_load %arg16[%get3A_313, %get3A_314] {strides = array<i32>} : memref<32x256xf32, #tpu.memory_space<vmem>>, vector<16xf32>,
      %mul3A_316 = arith.mulf %gather3A, %get3A_315 : vector<16xf32>
      %get3A_317 = arith.index_cast %scan3A_156 : i32 to index
      %get3A_318 = arith.constant 144 : index
      %get3A_319 = tpu.vector_load %arg17[%get3A_317, %get3A_318] {strides = array<i32>} : memref<32x256xf32, #tpu.memory_space<vmem>>, vector<16xf32>,
      %mul3A_320 = arith.mulf %gather3A_160, %get3A_319 : vector<16xf32>
      %add3A_321 = arith.addf %mul3A_316, %mul3A_320 : vector<16xf32>
      %get3A_322 = arith.index_cast %scan3A_156 : i32 to index
      %get3A_323 = arith.constant 144 : index
      %get3A_324 = tpu.vector_load %arg18[%get3A_322, %get3A_323] {strides = array<i32>} : memref<32x256xf32, #tpu.memory_space<vmem>>, vector<16xf32>,
      %mul3A_325 = arith.mulf %gather3A_161, %get3A_324 : vector<16xf32>
      %add3A_326 = arith.addf %add3A_321, %mul3A_325 : vector<16xf32>
      %swap3A_327 = arith.index_cast %scan3A_156 : i32 to index
      %swap3A_328 = arith.constant 144 : index
      %swap3A_329 = tpu.vector_load %arg22[%swap3A_327, %swap3A_328] {strides = array<i32>} : memref<32x256xf32, #tpu.memory_space<vmem>>, vector<16xf32>,
      tpu.vector_store %arg22[%swap3A_327, %swap3A_328], %add3A_326 {strides = array<i32>} : memref<32x256xf32, #tpu.memory_space<vmem>>, vector<16xf32>,
      %get3A_330 = arith.index_cast %scan3A_156 : i32 to index
      %get3A_331 = arith.constant 160 : index
      %get3A_332 = tpu.vector_load %arg16[%get3A_330, %get3A_331] {strides = array<i32>} : memref<32x256xf32, #tpu.memory_space<vmem>>, vector<16xf32>,
      %mul3A_333 = arith.mulf %gather3A, %get3A_332 : vector<16xf32>
      %get3A_334 = arith.index_cast %scan3A_156 : i32 to index
      %get3A_335 = arith.constant 160 : index
      %get3A_336 = tpu.vector_load %arg17[%get3A_334, %get3A_335] {strides = array<i32>} : memref<32x256xf32, #tpu.memory_space<vmem>>, vector<16xf32>,
      %mul3A_337 = arith.mulf %gather3A_160, %get3A_336 : vector<16xf32>
      %add3A_338 = arith.addf %mul3A_333, %mul3A_337 : vector<16xf32>
      %get3A_339 = arith.index_cast %scan3A_156 : i32 to index
      %get3A_340 = arith.constant 160 : index
      %get3A_341 = tpu.vector_load %arg18[%get3A_339, %get3A_340] {strides = array<i32>} : memref<32x256xf32, #tpu.memory_space<vmem>>, vector<16xf32>,
      %mul3A_342 = arith.mulf %gather3A_161, %get3A_341 : vector<16xf32>
      %add3A_343 = arith.addf %add3A_338, %mul3A_342 : vector<16xf32>
      %swap3A_344 = arith.index_cast %scan3A_156 : i32 to index
      %swap3A_345 = arith.constant 160 : index
      %swap3A_346 = tpu.vector_load %arg22[%swap3A_344, %swap3A_345] {strides = array<i32>} : memref<32x256xf32, #tpu.memory_space<vmem>>, vector<16xf32>,
      tpu.vector_store %arg22[%swap3A_344, %swap3A_345], %add3A_343 {strides = array<i32>} : memref<32x256xf32, #tpu.memory_space<vmem>>, vector<16xf32>,
      %get3A_347 = arith.index_cast %scan3A_156 : i32 to index
      %get3A_348 = arith.constant 176 : index
      %get3A_349 = tpu.vector_load %arg16[%get3A_347, %get3A_348] {strides = array<i32>} : memref<32x256xf32, #tpu.memory_space<vmem>>, vector<16xf32>,
      %mul3A_350 = arith.mulf %gather3A, %get3A_349 : vector<16xf32>
      %get3A_351 = arith.index_cast %scan3A_156 : i32 to index
      %get3A_352 = arith.constant 176 : index
      %get3A_353 = tpu.vector_load %arg17[%get3A_351, %get3A_352] {strides = array<i32>} : memref<32x256xf32, #tpu.memory_space<vmem>>, vector<16xf32>,
      %mul3A_354 = arith.mulf %gather3A_160, %get3A_353 : vector<16xf32>
      %add3A_355 = arith.addf %mul3A_350, %mul3A_354 : vector<16xf32>
      %get3A_356 = arith.index_cast %scan3A_156 : i32 to index
      %get3A_357 = arith.constant 176 : index
      %get3A_358 = tpu.vector_load %arg18[%get3A_356, %get3A_357] {strides = array<i32>} : memref<32x256xf32, #tpu.memory_space<vmem>>, vector<16xf32>,
      %mul3A_359 = arith.mulf %gather3A_161, %get3A_358 : vector<16xf32>
      %add3A_360 = arith.addf %add3A_355, %mul3A_359 : vector<16xf32>
      %swap3A_361 = arith.index_cast %scan3A_156 : i32 to index
      %swap3A_362 = arith.constant 176 : index
      %swap3A_363 = tpu.vector_load %arg22[%swap3A_361, %swap3A_362] {strides = array<i32>} : memref<32x256xf32, #tpu.memory_space<vmem>>, vector<16xf32>,
      tpu.vector_store %arg22[%swap3A_361, %swap3A_362], %add3A_360 {strides = array<i32>} : memref<32x256xf32, #tpu.memory_space<vmem>>, vector<16xf32>,
      %get3A_364 = arith.index_cast %scan3A_156 : i32 to index
      %get3A_365 = arith.constant 192 : index
      %get3A_366 = tpu.vector_load %arg16[%get3A_364, %get3A_365] {strides = array<i32>} : memref<32x256xf32, #tpu.memory_space<vmem>>, vector<16xf32>,
      %mul3A_367 = arith.mulf %gather3A, %get3A_366 : vector<16xf32>
      %get3A_368 = arith.index_cast %scan3A_156 : i32 to index
      %get3A_369 = arith.constant 192 : index
      %get3A_370 = tpu.vector_load %arg17[%get3A_368, %get3A_369] {strides = array<i32>} : memref<32x256xf32, #tpu.memory_space<vmem>>, vector<16xf32>,
      %mul3A_371 = arith.mulf %gather3A_160, %get3A_370 : vector<16xf32>
      %add3A_372 = arith.addf %mul3A_367, %mul3A_371 : vector<16xf32>
      %get3A_373 = arith.index_cast %scan3A_156 : i32 to index
      %get3A_374 = arith.constant 192 : index
      %get3A_375 = tpu.vector_load %arg18[%get3A_373, %get3A_374] {strides = array<i32>} : memref<32x256xf32, #tpu.memory_space<vmem>>, vector<16xf32>,
      %mul3A_376 = arith.mulf %gather3A_161, %get3A_375 : vector<16xf32>
      %add3A_377 = arith.addf %add3A_372, %mul3A_376 : vector<16xf32>
      %swap3A_378 = arith.index_cast %scan3A_156 : i32 to index
      %swap3A_379 = arith.constant 192 : index
      %swap3A_380 = tpu.vector_load %arg22[%swap3A_378, %swap3A_379] {strides = array<i32>} : memref<32x256xf32, #tpu.memory_space<vmem>>, vector<16xf32>,
      tpu.vector_store %arg22[%swap3A_378, %swap3A_379], %add3A_377 {strides = array<i32>} : memref<32x256xf32, #tpu.memory_space<vmem>>, vector<16xf32>,
      %get3A_381 = arith.index_cast %scan3A_156 : i32 to index
      %get3A_382 = arith.constant 208 : index
      %get3A_383 = tpu.vector_load %arg16[%get3A_381, %get3A_382] {strides = array<i32>} : memref<32x256xf32, #tpu.memory_space<vmem>>, vector<16xf32>,
      %mul3A_384 = arith.mulf %gather3A, %get3A_383 : vector<16xf32>
      %get3A_385 = arith.index_cast %scan3A_156 : i32 to index
      %get3A_386 = arith.constant 208 : index
      %get3A_387 = tpu.vector_load %arg17[%get3A_385, %get3A_386] {strides = array<i32>} : memref<32x256xf32, #tpu.memory_space<vmem>>, vector<16xf32>,
      %mul3A_388 = arith.mulf %gather3A_160, %get3A_387 : vector<16xf32>
      %add3A_389 = arith.addf %mul3A_384, %mul3A_388 : vector<16xf32>
      %get3A_390 = arith.index_cast %scan3A_156 : i32 to index
      %get3A_391 = arith.constant 208 : index
      %get3A_392 = tpu.vector_load %arg18[%get3A_390, %get3A_391] {strides = array<i32>} : memref<32x256xf32, #tpu.memory_space<vmem>>, vector<16xf32>,
      %mul3A_393 = arith.mulf %gather3A_161, %get3A_392 : vector<16xf32>
      %add3A_394 = arith.addf %add3A_389, %mul3A_393 : vector<16xf32>
      %swap3A_395 = arith.index_cast %scan3A_156 : i32 to index
      %swap3A_396 = arith.constant 208 : index
      %swap3A_397 = tpu.vector_load %arg22[%swap3A_395, %swap3A_396] {strides = array<i32>} : memref<32x256xf32, #tpu.memory_space<vmem>>, vector<16xf32>,
      tpu.vector_store %arg22[%swap3A_395, %swap3A_396], %add3A_394 {strides = array<i32>} : memref<32x256xf32, #tpu.memory_space<vmem>>, vector<16xf32>,
      %get3A_398 = arith.index_cast %scan3A_156 : i32 to index
      %get3A_399 = arith.constant 224 : index
      %get3A_400 = tpu.vector_load %arg16[%get3A_398, %get3A_399] {strides = array<i32>} : memref<32x256xf32, #tpu.memory_space<vmem>>, vector<16xf32>,
      %mul3A_401 = arith.mulf %gather3A, %get3A_400 : vector<16xf32>
      %get3A_402 = arith.index_cast %scan3A_156 : i32 to index
      %get3A_403 = arith.constant 224 : index
      %get3A_404 = tpu.vector_load %arg17[%get3A_402, %get3A_403] {strides = array<i32>} : memref<32x256xf32, #tpu.memory_space<vmem>>, vector<16xf32>,
      %mul3A_405 = arith.mulf %gather3A_160, %get3A_404 : vector<16xf32>
      %add3A_406 = arith.addf %mul3A_401, %mul3A_405 : vector<16xf32>
      %get3A_407 = arith.index_cast %scan3A_156 : i32 to index
      %get3A_408 = arith.constant 224 : index
      %get3A_409 = tpu.vector_load %arg18[%get3A_407, %get3A_408] {strides = array<i32>} : memref<32x256xf32, #tpu.memory_space<vmem>>, vector<16xf32>,
      %mul3A_410 = arith.mulf %gather3A_161, %get3A_409 : vector<16xf32>
      %add3A_411 = arith.addf %add3A_406, %mul3A_410 : vector<16xf32>
      %swap3A_412 = arith.index_cast %scan3A_156 : i32 to index
      %swap3A_413 = arith.constant 224 : index
      %swap3A_414 = tpu.vector_load %arg22[%swap3A_412, %swap3A_413] {strides = array<i32>} : memref<32x256xf32, #tpu.memory_space<vmem>>, vector<16xf32>,
      tpu.vector_store %arg22[%swap3A_412, %swap3A_413], %add3A_411 {strides = array<i32>} : memref<32x256xf32, #tpu.memory_space<vmem>>, vector<16xf32>,
      %get3A_415 = arith.index_cast %scan3A_156 : i32 to index
      %get3A_416 = arith.constant 240 : index
      %get3A_417 = tpu.vector_load %arg16[%get3A_415, %get3A_416] {strides = array<i32>} : memref<32x256xf32, #tpu.memory_space<vmem>>, vector<16xf32>,
      %mul3A_418 = arith.mulf %gather3A, %get3A_417 : vector<16xf32>
      %get3A_419 = arith.index_cast %scan3A_156 : i32 to index
      %get3A_420 = arith.constant 240 : index
      %get3A_421 = tpu.vector_load %arg17[%get3A_419, %get3A_420] {strides = array<i32>} : memref<32x256xf32, #tpu.memory_space<vmem>>, vector<16xf32>,
      %mul3A_422 = arith.mulf %gather3A_160, %get3A_421 : vector<16xf32>
      %add3A_423 = arith.addf %mul3A_418, %mul3A_422 : vector<16xf32>
      %get3A_424 = arith.index_cast %scan3A_156 : i32 to index
      %get3A_425 = arith.constant 240 : index
      %get3A_426 = tpu.vector_load %arg18[%get3A_424, %get3A_425] {strides = array<i32>} : memref<32x256xf32, #tpu.memory_space<vmem>>, vector<16xf32>,
      %mul3A_427 = arith.mulf %gather3A_161, %get3A_426 : vector<16xf32>
      %add3A_428 = arith.addf %add3A_423, %mul3A_427 : vector<16xf32>
      %swap3A_429 = arith.index_cast %scan3A_156 : i32 to index
      %swap3A_430 = arith.constant 240 : index
      %swap3A_431 = tpu.vector_load %arg22[%swap3A_429, %swap3A_430] {strides = array<i32>} : memref<32x256xf32, #tpu.memory_space<vmem>>, vector<16xf32>,
      tpu.vector_store %arg22[%swap3A_429, %swap3A_430], %add3A_428 {strides = array<i32>} : memref<32x256xf32, #tpu.memory_space<vmem>>, vector<16xf32>,
      %scan3A_432 = arith.constant 0 : i32
      scf.yield %scan3A_432 : i32
    }
    %scan3A_51 = arith.constant 32 : i32
    %add3A_52 = arith.constant 0 : i32
    %add3A_53 = arith.addi %mul3A_2, %add3A_52 : i32
    "tpu.region"() ({
      %run_scoped3A = tpu.sem_alloc : memref<!tpu.dma_semaphore, #tpu.memory_space<semaphore_mem>>
      %dma_start3A_156 = arith.constant 0 : i32
      %dma_start3A_157 = tpu.memref_slice %arg9[%add3A_53, %dma_start3A_156] : memref<4096x256xf32, #tpu.memory_space<hbm>> -> memref<32x256xf32, #tpu.memory_space<hbm>>
      %dma_start3A_158 = arith.constant 0 : i32
      %dma_start3A_159 = tpu.memref_slice %arg9[%add3A_53, %dma_start3A_158] : memref<4096x256xf32, #tpu.memory_space<hbm>> -> memref<32x256xf32, #tpu.memory_space<hbm>>
      tpu.enqueue_dma source(%arg22 : memref<32x256xf32, #tpu.memory_space<vmem>>) target(%dma_start3A_159 : memref<32x256xf32, #tpu.memory_space<hbm>>) target_semaphore(%run_scoped3A : memref<!tpu.dma_semaphore, #tpu.memory_space<semaphore_mem>>)
      %dma_wait3A_160 = arith.constant 0 : i32
      %dma_wait3A_161 = tpu.memref_slice %arg9[%add3A_53, %dma_wait3A_160] : memref<4096x256xf32, #tpu.memory_space<hbm>> -> memref<32x256xf32, #tpu.memory_space<hbm>>
      %dma_wait3A_162 = arith.constant 0 : i32
      %dma_wait3A_163 = tpu.memref_slice %arg9[%add3A_53, %dma_wait3A_162] : memref<4096x256xf32, #tpu.memory_space<hbm>> -> memref<32x256xf32, #tpu.memory_space<hbm>>
      tpu.wait_dma2 semaphore(%run_scoped3A : memref<!tpu.dma_semaphore, #tpu.memory_space<semaphore_mem>>) src(%arg22 : memref<32x256xf32, #tpu.memory_space<vmem>>) dst(%dma_wait3A_163 : memref<32x256xf32, #tpu.memory_space<hbm>>)
      tpu.yield
    }) : () -> ()
    %dma_wait3A_54 = arith.constant 32 : i32
    %dma_wait3A_55 = tpu.memref_slice %arg10[%dma_wait3A_54] : memref<128xi32, #tpu.memory_space<vmem>> -> memref<32xi32, #tpu.memory_space<vmem>>
    %dma_wait3A_56 = arith.constant 0 : i32
    %dma_wait3A_57 = arith.constant 0 : i32
    %dma_wait3A_58 = tpu.memref_slice %arg8[%dma_wait3A_56, %dma_wait3A_57] : memref<2048x256xf32, #tpu.memory_space<hbm>> -> memref<2048x256xf32, #tpu.memory_space<hbm>>
    tpu.wait_indirect_dma semaphore(%arg23 : memref<!tpu.dma_semaphore, #tpu.memory_space<semaphore_mem>>) src(%dma_wait3A_58 : memref<2048x256xf32, #tpu.memory_space<hbm>>) dst(%arg19 : memref<32x256xf32, #tpu.memory_space<vmem>>)
    %dma_wait3A_59 = arith.constant 32 : i32
    %dma_wait3A_60 = tpu.memref_slice %arg11[%dma_wait3A_59] : memref<128xi32, #tpu.memory_space<vmem>> -> memref<32xi32, #tpu.memory_space<vmem>>
    %dma_wait3A_61 = arith.constant 0 : i32
    %dma_wait3A_62 = arith.constant 0 : i32
    %dma_wait3A_63 = tpu.memref_slice %arg8[%dma_wait3A_61, %dma_wait3A_62] : memref<2048x256xf32, #tpu.memory_space<hbm>> -> memref<2048x256xf32, #tpu.memory_space<hbm>>
    tpu.wait_indirect_dma semaphore(%arg23 : memref<!tpu.dma_semaphore, #tpu.memory_space<semaphore_mem>>) src(%dma_wait3A_63 : memref<2048x256xf32, #tpu.memory_space<hbm>>) dst(%arg20 : memref<32x256xf32, #tpu.memory_space<vmem>>)
    %dma_wait3A_64 = arith.constant 32 : i32
    %dma_wait3A_65 = tpu.memref_slice %arg12[%dma_wait3A_64] : memref<128xi32, #tpu.memory_space<vmem>> -> memref<32xi32, #tpu.memory_space<vmem>>
    %dma_wait3A_66 = arith.constant 0 : i32
    %dma_wait3A_67 = arith.constant 0 : i32
    %dma_wait3A_68 = tpu.memref_slice %arg8[%dma_wait3A_66, %dma_wait3A_67] : memref<2048x256xf32, #tpu.memory_space<hbm>> -> memref<2048x256xf32, #tpu.memory_space<hbm>>
    tpu.wait_indirect_dma semaphore(%arg23 : memref<!tpu.dma_semaphore, #tpu.memory_space<semaphore_mem>>) src(%dma_wait3A_68 : memref<2048x256xf32, #tpu.memory_space<hbm>>) dst(%arg21 : memref<32x256xf32, #tpu.memory_space<vmem>>)
    %dma_start3A_69 = arith.constant 64 : i32
    %dma_start3A_70 = tpu.memref_slice %arg10[%dma_start3A_69] : memref<128xi32, #tpu.memory_space<vmem>> -> memref<32xi32, #tpu.memory_space<vmem>>
    %dma_start3A_71 = arith.constant 0 : i32
    %dma_start3A_72 = arith.constant 0 : i32
    %dma_start3A_73 = tpu.memref_slice %arg8[%dma_start3A_71, %dma_start3A_72] : memref<2048x256xf32, #tpu.memory_space<hbm>> -> memref<2048x256xf32, #tpu.memory_space<hbm>>
    tpu.enqueue_indirect_dma source(%dma_start3A_73 : memref<2048x256xf32, #tpu.memory_space<hbm>>) target(%arg16 : memref<32x256xf32, #tpu.memory_space<vmem>>) offsets(%dma_start3A_70 : memref<32xi32, #tpu.memory_space<vmem>>) semaphore(%arg23 : memref<!tpu.dma_semaphore, #tpu.memory_space<semaphore_mem>>)
    %dma_start3A_74 = arith.constant 64 : i32
    %dma_start3A_75 = tpu.memref_slice %arg11[%dma_start3A_74] : memref<128xi32, #tpu.memory_space<vmem>> -> memref<32xi32, #tpu.memory_space<vmem>>
    %dma_start3A_76 = arith.constant 0 : i32
    %dma_start3A_77 = arith.constant 0 : i32
    %dma_start3A_78 = tpu.memref_slice %arg8[%dma_start3A_76, %dma_start3A_77] : memref<2048x256xf32, #tpu.memory_space<hbm>> -> memref<2048x256xf32, #tpu.memory_space<hbm>>
    tpu.enqueue_indirect_dma source(%dma_start3A_78 : memref<2048x256xf32, #tpu.memory_space<hbm>>) target(%arg17 : memref<32x256xf32, #tpu.memory_space<vmem>>) offsets(%dma_start3A_75 : memref<32xi32, #tpu.memory_space<vmem>>) semaphore(%arg23 : memref<!tpu.dma_semaphore, #tpu.memory_space<semaphore_mem>>)
    %dma_start3A_79 = arith.constant 64 : i32
    %dma_start3A_80 = tpu.memref_slice %arg12[%dma_start3A_79] : memref<128xi32, #tpu.memory_space<vmem>> -> memref<32xi32, #tpu.memory_space<vmem>>
    %dma_start3A_81 = arith.constant 0 : i32
    %dma_start3A_82 = arith.constant 0 : i32
    %dma_start3A_83 = tpu.memref_slice %arg8[%dma_start3A_81, %dma_start3A_82] : memref<2048x256xf32, #tpu.memory_space<hbm>> -> memref<2048x256xf32, #tpu.memory_space<hbm>>
    tpu.enqueue_indirect_dma source(%dma_start3A_83 : memref<2048x256xf32, #tpu.memory_space<hbm>>) target(%arg18 : memref<32x256xf32, #tpu.memory_space<vmem>>) offsets(%dma_start3A_80 : memref<32xi32, #tpu.memory_space<vmem>>) semaphore(%arg23 : memref<!tpu.dma_semaphore, #tpu.memory_space<semaphore_mem>>)
    %scan3A_84 = arith.constant 0 : i32
    %scan3A_85 = arith.constant 0 : i32
    %scan3A_86 = arith.constant 32 : i32
    %scan3A_87 = arith.addi %scan3A_85, %scan3A_86 : i32
    %scan3A_88 = arith.constant 1 : i32
    %scan3A_89 = scf.for %scan3A_156 = %scan3A_85 to %scan3A_87 step %scan3A_88 iter_args(%scan3A_157 = %scan3A_84) -> (i32)  : i32 {
      %add3A_158 = arith.constant 32 : i32
      %add3A_159 = arith.addi %add3A_158, %scan3A_156 : i32
      %broadcast_in_dim3A = vector.broadcast %add3A_159 : i32 to vector<16xi32>
      %gather3A = tpu.vector_load_idx %arg13[%broadcast_in_dim3A] : memref<128xf32, #tpu.memory_space<vmem>>[vector<16xi32>], vector<16xf32>,
      %gather3A_160 = tpu.vector_load_idx %arg14[%broadcast_in_dim3A] : memref<128xf32, #tpu.memory_space<vmem>>[vector<16xi32>], vector<16xf32>,
      %gather3A_161 = tpu.vector_load_idx %arg15[%broadcast_in_dim3A] : memref<128xf32, #tpu.memory_space<vmem>>[vector<16xi32>], vector<16xf32>,
      %get3A = arith.index_cast %scan3A_156 : i32 to index
      %get3A_162 = arith.constant 0 : index
      %get3A_163 = tpu.vector_load %arg19[%get3A, %get3A_162] {strides = array<i32>} : memref<32x256xf32, #tpu.memory_space<vmem>>, vector<16xf32>,
      %mul3A_164 = arith.mulf %gather3A, %get3A_163 : vector<16xf32>
      %get3A_165 = arith.index_cast %scan3A_156 : i32 to index
      %get3A_166 = arith.constant 0 : index
      %get3A_167 = tpu.vector_load %arg20[%get3A_165, %get3A_166] {strides = array<i32>} : memref<32x256xf32, #tpu.memory_space<vmem>>, vector<16xf32>,
      %mul3A_168 = arith.mulf %gather3A_160, %get3A_167 : vector<16xf32>
      %add3A_169 = arith.addf %mul3A_164, %mul3A_168 : vector<16xf32>
      %get3A_170 = arith.index_cast %scan3A_156 : i32 to index
      %get3A_171 = arith.constant 0 : index
      %get3A_172 = tpu.vector_load %arg21[%get3A_170, %get3A_171] {strides = array<i32>} : memref<32x256xf32, #tpu.memory_space<vmem>>, vector<16xf32>,
      %mul3A_173 = arith.mulf %gather3A_161, %get3A_172 : vector<16xf32>
      %add3A_174 = arith.addf %add3A_169, %mul3A_173 : vector<16xf32>
      %swap3A = arith.index_cast %scan3A_156 : i32 to index
      %swap3A_175 = arith.constant 0 : index
      %swap3A_176 = tpu.vector_load %arg22[%swap3A, %swap3A_175] {strides = array<i32>} : memref<32x256xf32, #tpu.memory_space<vmem>>, vector<16xf32>,
      tpu.vector_store %arg22[%swap3A, %swap3A_175], %add3A_174 {strides = array<i32>} : memref<32x256xf32, #tpu.memory_space<vmem>>, vector<16xf32>,
      %get3A_177 = arith.index_cast %scan3A_156 : i32 to index
      %get3A_178 = arith.constant 16 : index
      %get3A_179 = tpu.vector_load %arg19[%get3A_177, %get3A_178] {strides = array<i32>} : memref<32x256xf32, #tpu.memory_space<vmem>>, vector<16xf32>,
      %mul3A_180 = arith.mulf %gather3A, %get3A_179 : vector<16xf32>
      %get3A_181 = arith.index_cast %scan3A_156 : i32 to index
      %get3A_182 = arith.constant 16 : index
      %get3A_183 = tpu.vector_load %arg20[%get3A_181, %get3A_182] {strides = array<i32>} : memref<32x256xf32, #tpu.memory_space<vmem>>, vector<16xf32>,
      %mul3A_184 = arith.mulf %gather3A_160, %get3A_183 : vector<16xf32>
      %add3A_185 = arith.addf %mul3A_180, %mul3A_184 : vector<16xf32>
      %get3A_186 = arith.index_cast %scan3A_156 : i32 to index
      %get3A_187 = arith.constant 16 : index
      %get3A_188 = tpu.vector_load %arg21[%get3A_186, %get3A_187] {strides = array<i32>} : memref<32x256xf32, #tpu.memory_space<vmem>>, vector<16xf32>,
      %mul3A_189 = arith.mulf %gather3A_161, %get3A_188 : vector<16xf32>
      %add3A_190 = arith.addf %add3A_185, %mul3A_189 : vector<16xf32>
      %swap3A_191 = arith.index_cast %scan3A_156 : i32 to index
      %swap3A_192 = arith.constant 16 : index
      %swap3A_193 = tpu.vector_load %arg22[%swap3A_191, %swap3A_192] {strides = array<i32>} : memref<32x256xf32, #tpu.memory_space<vmem>>, vector<16xf32>,
      tpu.vector_store %arg22[%swap3A_191, %swap3A_192], %add3A_190 {strides = array<i32>} : memref<32x256xf32, #tpu.memory_space<vmem>>, vector<16xf32>,
      %get3A_194 = arith.index_cast %scan3A_156 : i32 to index
      %get3A_195 = arith.constant 32 : index
      %get3A_196 = tpu.vector_load %arg19[%get3A_194, %get3A_195] {strides = array<i32>} : memref<32x256xf32, #tpu.memory_space<vmem>>, vector<16xf32>,
      %mul3A_197 = arith.mulf %gather3A, %get3A_196 : vector<16xf32>
      %get3A_198 = arith.index_cast %scan3A_156 : i32 to index
      %get3A_199 = arith.constant 32 : index
      %get3A_200 = tpu.vector_load %arg20[%get3A_198, %get3A_199] {strides = array<i32>} : memref<32x256xf32, #tpu.memory_space<vmem>>, vector<16xf32>,
      %mul3A_201 = arith.mulf %gather3A_160, %get3A_200 : vector<16xf32>
      %add3A_202 = arith.addf %mul3A_197, %mul3A_201 : vector<16xf32>
      %get3A_203 = arith.index_cast %scan3A_156 : i32 to index
      %get3A_204 = arith.constant 32 : index
      %get3A_205 = tpu.vector_load %arg21[%get3A_203, %get3A_204] {strides = array<i32>} : memref<32x256xf32, #tpu.memory_space<vmem>>, vector<16xf32>,
      %mul3A_206 = arith.mulf %gather3A_161, %get3A_205 : vector<16xf32>
      %add3A_207 = arith.addf %add3A_202, %mul3A_206 : vector<16xf32>
      %swap3A_208 = arith.index_cast %scan3A_156 : i32 to index
      %swap3A_209 = arith.constant 32 : index
      %swap3A_210 = tpu.vector_load %arg22[%swap3A_208, %swap3A_209] {strides = array<i32>} : memref<32x256xf32, #tpu.memory_space<vmem>>, vector<16xf32>,
      tpu.vector_store %arg22[%swap3A_208, %swap3A_209], %add3A_207 {strides = array<i32>} : memref<32x256xf32, #tpu.memory_space<vmem>>, vector<16xf32>,
      %get3A_211 = arith.index_cast %scan3A_156 : i32 to index
      %get3A_212 = arith.constant 48 : index
      %get3A_213 = tpu.vector_load %arg19[%get3A_211, %get3A_212] {strides = array<i32>} : memref<32x256xf32, #tpu.memory_space<vmem>>, vector<16xf32>,
      %mul3A_214 = arith.mulf %gather3A, %get3A_213 : vector<16xf32>
      %get3A_215 = arith.index_cast %scan3A_156 : i32 to index
      %get3A_216 = arith.constant 48 : index
      %get3A_217 = tpu.vector_load %arg20[%get3A_215, %get3A_216] {strides = array<i32>} : memref<32x256xf32, #tpu.memory_space<vmem>>, vector<16xf32>,
      %mul3A_218 = arith.mulf %gather3A_160, %get3A_217 : vector<16xf32>
      %add3A_219 = arith.addf %mul3A_214, %mul3A_218 : vector<16xf32>
      %get3A_220 = arith.index_cast %scan3A_156 : i32 to index
      %get3A_221 = arith.constant 48 : index
      %get3A_222 = tpu.vector_load %arg21[%get3A_220, %get3A_221] {strides = array<i32>} : memref<32x256xf32, #tpu.memory_space<vmem>>, vector<16xf32>,
      %mul3A_223 = arith.mulf %gather3A_161, %get3A_222 : vector<16xf32>
      %add3A_224 = arith.addf %add3A_219, %mul3A_223 : vector<16xf32>
      %swap3A_225 = arith.index_cast %scan3A_156 : i32 to index
      %swap3A_226 = arith.constant 48 : index
      %swap3A_227 = tpu.vector_load %arg22[%swap3A_225, %swap3A_226] {strides = array<i32>} : memref<32x256xf32, #tpu.memory_space<vmem>>, vector<16xf32>,
      tpu.vector_store %arg22[%swap3A_225, %swap3A_226], %add3A_224 {strides = array<i32>} : memref<32x256xf32, #tpu.memory_space<vmem>>, vector<16xf32>,
      %get3A_228 = arith.index_cast %scan3A_156 : i32 to index
      %get3A_229 = arith.constant 64 : index
      %get3A_230 = tpu.vector_load %arg19[%get3A_228, %get3A_229] {strides = array<i32>} : memref<32x256xf32, #tpu.memory_space<vmem>>, vector<16xf32>,
      %mul3A_231 = arith.mulf %gather3A, %get3A_230 : vector<16xf32>
      %get3A_232 = arith.index_cast %scan3A_156 : i32 to index
      %get3A_233 = arith.constant 64 : index
      %get3A_234 = tpu.vector_load %arg20[%get3A_232, %get3A_233] {strides = array<i32>} : memref<32x256xf32, #tpu.memory_space<vmem>>, vector<16xf32>,
      %mul3A_235 = arith.mulf %gather3A_160, %get3A_234 : vector<16xf32>
      %add3A_236 = arith.addf %mul3A_231, %mul3A_235 : vector<16xf32>
      %get3A_237 = arith.index_cast %scan3A_156 : i32 to index
      %get3A_238 = arith.constant 64 : index
      %get3A_239 = tpu.vector_load %arg21[%get3A_237, %get3A_238] {strides = array<i32>} : memref<32x256xf32, #tpu.memory_space<vmem>>, vector<16xf32>,
      %mul3A_240 = arith.mulf %gather3A_161, %get3A_239 : vector<16xf32>
      %add3A_241 = arith.addf %add3A_236, %mul3A_240 : vector<16xf32>
      %swap3A_242 = arith.index_cast %scan3A_156 : i32 to index
      %swap3A_243 = arith.constant 64 : index
      %swap3A_244 = tpu.vector_load %arg22[%swap3A_242, %swap3A_243] {strides = array<i32>} : memref<32x256xf32, #tpu.memory_space<vmem>>, vector<16xf32>,
      tpu.vector_store %arg22[%swap3A_242, %swap3A_243], %add3A_241 {strides = array<i32>} : memref<32x256xf32, #tpu.memory_space<vmem>>, vector<16xf32>,
      %get3A_245 = arith.index_cast %scan3A_156 : i32 to index
      %get3A_246 = arith.constant 80 : index
      %get3A_247 = tpu.vector_load %arg19[%get3A_245, %get3A_246] {strides = array<i32>} : memref<32x256xf32, #tpu.memory_space<vmem>>, vector<16xf32>,
      %mul3A_248 = arith.mulf %gather3A, %get3A_247 : vector<16xf32>
      %get3A_249 = arith.index_cast %scan3A_156 : i32 to index
      %get3A_250 = arith.constant 80 : index
      %get3A_251 = tpu.vector_load %arg20[%get3A_249, %get3A_250] {strides = array<i32>} : memref<32x256xf32, #tpu.memory_space<vmem>>, vector<16xf32>,
      %mul3A_252 = arith.mulf %gather3A_160, %get3A_251 : vector<16xf32>
      %add3A_253 = arith.addf %mul3A_248, %mul3A_252 : vector<16xf32>
      %get3A_254 = arith.index_cast %scan3A_156 : i32 to index
      %get3A_255 = arith.constant 80 : index
      %get3A_256 = tpu.vector_load %arg21[%get3A_254, %get3A_255] {strides = array<i32>} : memref<32x256xf32, #tpu.memory_space<vmem>>, vector<16xf32>,
      %mul3A_257 = arith.mulf %gather3A_161, %get3A_256 : vector<16xf32>
      %add3A_258 = arith.addf %add3A_253, %mul3A_257 : vector<16xf32>
      %swap3A_259 = arith.index_cast %scan3A_156 : i32 to index
      %swap3A_260 = arith.constant 80 : index
      %swap3A_261 = tpu.vector_load %arg22[%swap3A_259, %swap3A_260] {strides = array<i32>} : memref<32x256xf32, #tpu.memory_space<vmem>>, vector<16xf32>,
      tpu.vector_store %arg22[%swap3A_259, %swap3A_260], %add3A_258 {strides = array<i32>} : memref<32x256xf32, #tpu.memory_space<vmem>>, vector<16xf32>,
      %get3A_262 = arith.index_cast %scan3A_156 : i32 to index
      %get3A_263 = arith.constant 96 : index
      %get3A_264 = tpu.vector_load %arg19[%get3A_262, %get3A_263] {strides = array<i32>} : memref<32x256xf32, #tpu.memory_space<vmem>>, vector<16xf32>,
      %mul3A_265 = arith.mulf %gather3A, %get3A_264 : vector<16xf32>
      %get3A_266 = arith.index_cast %scan3A_156 : i32 to index
      %get3A_267 = arith.constant 96 : index
      %get3A_268 = tpu.vector_load %arg20[%get3A_266, %get3A_267] {strides = array<i32>} : memref<32x256xf32, #tpu.memory_space<vmem>>, vector<16xf32>,
      %mul3A_269 = arith.mulf %gather3A_160, %get3A_268 : vector<16xf32>
      %add3A_270 = arith.addf %mul3A_265, %mul3A_269 : vector<16xf32>
      %get3A_271 = arith.index_cast %scan3A_156 : i32 to index
      %get3A_272 = arith.constant 96 : index
      %get3A_273 = tpu.vector_load %arg21[%get3A_271, %get3A_272] {strides = array<i32>} : memref<32x256xf32, #tpu.memory_space<vmem>>, vector<16xf32>,
      %mul3A_274 = arith.mulf %gather3A_161, %get3A_273 : vector<16xf32>
      %add3A_275 = arith.addf %add3A_270, %mul3A_274 : vector<16xf32>
      %swap3A_276 = arith.index_cast %scan3A_156 : i32 to index
      %swap3A_277 = arith.constant 96 : index
      %swap3A_278 = tpu.vector_load %arg22[%swap3A_276, %swap3A_277] {strides = array<i32>} : memref<32x256xf32, #tpu.memory_space<vmem>>, vector<16xf32>,
      tpu.vector_store %arg22[%swap3A_276, %swap3A_277], %add3A_275 {strides = array<i32>} : memref<32x256xf32, #tpu.memory_space<vmem>>, vector<16xf32>,
      %get3A_279 = arith.index_cast %scan3A_156 : i32 to index
      %get3A_280 = arith.constant 112 : index
      %get3A_281 = tpu.vector_load %arg19[%get3A_279, %get3A_280] {strides = array<i32>} : memref<32x256xf32, #tpu.memory_space<vmem>>, vector<16xf32>,
      %mul3A_282 = arith.mulf %gather3A, %get3A_281 : vector<16xf32>
      %get3A_283 = arith.index_cast %scan3A_156 : i32 to index
      %get3A_284 = arith.constant 112 : index
      %get3A_285 = tpu.vector_load %arg20[%get3A_283, %get3A_284] {strides = array<i32>} : memref<32x256xf32, #tpu.memory_space<vmem>>, vector<16xf32>,
      %mul3A_286 = arith.mulf %gather3A_160, %get3A_285 : vector<16xf32>
      %add3A_287 = arith.addf %mul3A_282, %mul3A_286 : vector<16xf32>
      %get3A_288 = arith.index_cast %scan3A_156 : i32 to index
      %get3A_289 = arith.constant 112 : index
      %get3A_290 = tpu.vector_load %arg21[%get3A_288, %get3A_289] {strides = array<i32>} : memref<32x256xf32, #tpu.memory_space<vmem>>, vector<16xf32>,
      %mul3A_291 = arith.mulf %gather3A_161, %get3A_290 : vector<16xf32>
      %add3A_292 = arith.addf %add3A_287, %mul3A_291 : vector<16xf32>
      %swap3A_293 = arith.index_cast %scan3A_156 : i32 to index
      %swap3A_294 = arith.constant 112 : index
      %swap3A_295 = tpu.vector_load %arg22[%swap3A_293, %swap3A_294] {strides = array<i32>} : memref<32x256xf32, #tpu.memory_space<vmem>>, vector<16xf32>,
      tpu.vector_store %arg22[%swap3A_293, %swap3A_294], %add3A_292 {strides = array<i32>} : memref<32x256xf32, #tpu.memory_space<vmem>>, vector<16xf32>,
      %get3A_296 = arith.index_cast %scan3A_156 : i32 to index
      %get3A_297 = arith.constant 128 : index
      %get3A_298 = tpu.vector_load %arg19[%get3A_296, %get3A_297] {strides = array<i32>} : memref<32x256xf32, #tpu.memory_space<vmem>>, vector<16xf32>,
      %mul3A_299 = arith.mulf %gather3A, %get3A_298 : vector<16xf32>
      %get3A_300 = arith.index_cast %scan3A_156 : i32 to index
      %get3A_301 = arith.constant 128 : index
      %get3A_302 = tpu.vector_load %arg20[%get3A_300, %get3A_301] {strides = array<i32>} : memref<32x256xf32, #tpu.memory_space<vmem>>, vector<16xf32>,
      %mul3A_303 = arith.mulf %gather3A_160, %get3A_302 : vector<16xf32>
      %add3A_304 = arith.addf %mul3A_299, %mul3A_303 : vector<16xf32>
      %get3A_305 = arith.index_cast %scan3A_156 : i32 to index
      %get3A_306 = arith.constant 128 : index
      %get3A_307 = tpu.vector_load %arg21[%get3A_305, %get3A_306] {strides = array<i32>} : memref<32x256xf32, #tpu.memory_space<vmem>>, vector<16xf32>,
      %mul3A_308 = arith.mulf %gather3A_161, %get3A_307 : vector<16xf32>
      %add3A_309 = arith.addf %add3A_304, %mul3A_308 : vector<16xf32>
      %swap3A_310 = arith.index_cast %scan3A_156 : i32 to index
      %swap3A_311 = arith.constant 128 : index
      %swap3A_312 = tpu.vector_load %arg22[%swap3A_310, %swap3A_311] {strides = array<i32>} : memref<32x256xf32, #tpu.memory_space<vmem>>, vector<16xf32>,
      tpu.vector_store %arg22[%swap3A_310, %swap3A_311], %add3A_309 {strides = array<i32>} : memref<32x256xf32, #tpu.memory_space<vmem>>, vector<16xf32>,
      %get3A_313 = arith.index_cast %scan3A_156 : i32 to index
      %get3A_314 = arith.constant 144 : index
      %get3A_315 = tpu.vector_load %arg19[%get3A_313, %get3A_314] {strides = array<i32>} : memref<32x256xf32, #tpu.memory_space<vmem>>, vector<16xf32>,
      %mul3A_316 = arith.mulf %gather3A, %get3A_315 : vector<16xf32>
      %get3A_317 = arith.index_cast %scan3A_156 : i32 to index
      %get3A_318 = arith.constant 144 : index
      %get3A_319 = tpu.vector_load %arg20[%get3A_317, %get3A_318] {strides = array<i32>} : memref<32x256xf32, #tpu.memory_space<vmem>>, vector<16xf32>,
      %mul3A_320 = arith.mulf %gather3A_160, %get3A_319 : vector<16xf32>
      %add3A_321 = arith.addf %mul3A_316, %mul3A_320 : vector<16xf32>
      %get3A_322 = arith.index_cast %scan3A_156 : i32 to index
      %get3A_323 = arith.constant 144 : index
      %get3A_324 = tpu.vector_load %arg21[%get3A_322, %get3A_323] {strides = array<i32>} : memref<32x256xf32, #tpu.memory_space<vmem>>, vector<16xf32>,
      %mul3A_325 = arith.mulf %gather3A_161, %get3A_324 : vector<16xf32>
      %add3A_326 = arith.addf %add3A_321, %mul3A_325 : vector<16xf32>
      %swap3A_327 = arith.index_cast %scan3A_156 : i32 to index
      %swap3A_328 = arith.constant 144 : index
      %swap3A_329 = tpu.vector_load %arg22[%swap3A_327, %swap3A_328] {strides = array<i32>} : memref<32x256xf32, #tpu.memory_space<vmem>>, vector<16xf32>,
      tpu.vector_store %arg22[%swap3A_327, %swap3A_328], %add3A_326 {strides = array<i32>} : memref<32x256xf32, #tpu.memory_space<vmem>>, vector<16xf32>,
      %get3A_330 = arith.index_cast %scan3A_156 : i32 to index
      %get3A_331 = arith.constant 160 : index
      %get3A_332 = tpu.vector_load %arg19[%get3A_330, %get3A_331] {strides = array<i32>} : memref<32x256xf32, #tpu.memory_space<vmem>>, vector<16xf32>,
      %mul3A_333 = arith.mulf %gather3A, %get3A_332 : vector<16xf32>
      %get3A_334 = arith.index_cast %scan3A_156 : i32 to index
      %get3A_335 = arith.constant 160 : index
      %get3A_336 = tpu.vector_load %arg20[%get3A_334, %get3A_335] {strides = array<i32>} : memref<32x256xf32, #tpu.memory_space<vmem>>, vector<16xf32>,
      %mul3A_337 = arith.mulf %gather3A_160, %get3A_336 : vector<16xf32>
      %add3A_338 = arith.addf %mul3A_333, %mul3A_337 : vector<16xf32>
      %get3A_339 = arith.index_cast %scan3A_156 : i32 to index
      %get3A_340 = arith.constant 160 : index
      %get3A_341 = tpu.vector_load %arg21[%get3A_339, %get3A_340] {strides = array<i32>} : memref<32x256xf32, #tpu.memory_space<vmem>>, vector<16xf32>,
      %mul3A_342 = arith.mulf %gather3A_161, %get3A_341 : vector<16xf32>
      %add3A_343 = arith.addf %add3A_338, %mul3A_342 : vector<16xf32>
      %swap3A_344 = arith.index_cast %scan3A_156 : i32 to index
      %swap3A_345 = arith.constant 160 : index
      %swap3A_346 = tpu.vector_load %arg22[%swap3A_344, %swap3A_345] {strides = array<i32>} : memref<32x256xf32, #tpu.memory_space<vmem>>, vector<16xf32>,
      tpu.vector_store %arg22[%swap3A_344, %swap3A_345], %add3A_343 {strides = array<i32>} : memref<32x256xf32, #tpu.memory_space<vmem>>, vector<16xf32>,
      %get3A_347 = arith.index_cast %scan3A_156 : i32 to index
      %get3A_348 = arith.constant 176 : index
      %get3A_349 = tpu.vector_load %arg19[%get3A_347, %get3A_348] {strides = array<i32>} : memref<32x256xf32, #tpu.memory_space<vmem>>, vector<16xf32>,
      %mul3A_350 = arith.mulf %gather3A, %get3A_349 : vector<16xf32>
      %get3A_351 = arith.index_cast %scan3A_156 : i32 to index
      %get3A_352 = arith.constant 176 : index
      %get3A_353 = tpu.vector_load %arg20[%get3A_351, %get3A_352] {strides = array<i32>} : memref<32x256xf32, #tpu.memory_space<vmem>>, vector<16xf32>,
      %mul3A_354 = arith.mulf %gather3A_160, %get3A_353 : vector<16xf32>
      %add3A_355 = arith.addf %mul3A_350, %mul3A_354 : vector<16xf32>
      %get3A_356 = arith.index_cast %scan3A_156 : i32 to index
      %get3A_357 = arith.constant 176 : index
      %get3A_358 = tpu.vector_load %arg21[%get3A_356, %get3A_357] {strides = array<i32>} : memref<32x256xf32, #tpu.memory_space<vmem>>, vector<16xf32>,
      %mul3A_359 = arith.mulf %gather3A_161, %get3A_358 : vector<16xf32>
      %add3A_360 = arith.addf %add3A_355, %mul3A_359 : vector<16xf32>
      %swap3A_361 = arith.index_cast %scan3A_156 : i32 to index
      %swap3A_362 = arith.constant 176 : index
      %swap3A_363 = tpu.vector_load %arg22[%swap3A_361, %swap3A_362] {strides = array<i32>} : memref<32x256xf32, #tpu.memory_space<vmem>>, vector<16xf32>,
      tpu.vector_store %arg22[%swap3A_361, %swap3A_362], %add3A_360 {strides = array<i32>} : memref<32x256xf32, #tpu.memory_space<vmem>>, vector<16xf32>,
      %get3A_364 = arith.index_cast %scan3A_156 : i32 to index
      %get3A_365 = arith.constant 192 : index
      %get3A_366 = tpu.vector_load %arg19[%get3A_364, %get3A_365] {strides = array<i32>} : memref<32x256xf32, #tpu.memory_space<vmem>>, vector<16xf32>,
      %mul3A_367 = arith.mulf %gather3A, %get3A_366 : vector<16xf32>
      %get3A_368 = arith.index_cast %scan3A_156 : i32 to index
      %get3A_369 = arith.constant 192 : index
      %get3A_370 = tpu.vector_load %arg20[%get3A_368, %get3A_369] {strides = array<i32>} : memref<32x256xf32, #tpu.memory_space<vmem>>, vector<16xf32>,
      %mul3A_371 = arith.mulf %gather3A_160, %get3A_370 : vector<16xf32>
      %add3A_372 = arith.addf %mul3A_367, %mul3A_371 : vector<16xf32>
      %get3A_373 = arith.index_cast %scan3A_156 : i32 to index
      %get3A_374 = arith.constant 192 : index
      %get3A_375 = tpu.vector_load %arg21[%get3A_373, %get3A_374] {strides = array<i32>} : memref<32x256xf32, #tpu.memory_space<vmem>>, vector<16xf32>,
      %mul3A_376 = arith.mulf %gather3A_161, %get3A_375 : vector<16xf32>
      %add3A_377 = arith.addf %add3A_372, %mul3A_376 : vector<16xf32>
      %swap3A_378 = arith.index_cast %scan3A_156 : i32 to index
      %swap3A_379 = arith.constant 192 : index
      %swap3A_380 = tpu.vector_load %arg22[%swap3A_378, %swap3A_379] {strides = array<i32>} : memref<32x256xf32, #tpu.memory_space<vmem>>, vector<16xf32>,
      tpu.vector_store %arg22[%swap3A_378, %swap3A_379], %add3A_377 {strides = array<i32>} : memref<32x256xf32, #tpu.memory_space<vmem>>, vector<16xf32>,
      %get3A_381 = arith.index_cast %scan3A_156 : i32 to index
      %get3A_382 = arith.constant 208 : index
      %get3A_383 = tpu.vector_load %arg19[%get3A_381, %get3A_382] {strides = array<i32>} : memref<32x256xf32, #tpu.memory_space<vmem>>, vector<16xf32>,
      %mul3A_384 = arith.mulf %gather3A, %get3A_383 : vector<16xf32>
      %get3A_385 = arith.index_cast %scan3A_156 : i32 to index
      %get3A_386 = arith.constant 208 : index
      %get3A_387 = tpu.vector_load %arg20[%get3A_385, %get3A_386] {strides = array<i32>} : memref<32x256xf32, #tpu.memory_space<vmem>>, vector<16xf32>,
      %mul3A_388 = arith.mulf %gather3A_160, %get3A_387 : vector<16xf32>
      %add3A_389 = arith.addf %mul3A_384, %mul3A_388 : vector<16xf32>
      %get3A_390 = arith.index_cast %scan3A_156 : i32 to index
      %get3A_391 = arith.constant 208 : index
      %get3A_392 = tpu.vector_load %arg21[%get3A_390, %get3A_391] {strides = array<i32>} : memref<32x256xf32, #tpu.memory_space<vmem>>, vector<16xf32>,
      %mul3A_393 = arith.mulf %gather3A_161, %get3A_392 : vector<16xf32>
      %add3A_394 = arith.addf %add3A_389, %mul3A_393 : vector<16xf32>
      %swap3A_395 = arith.index_cast %scan3A_156 : i32 to index
      %swap3A_396 = arith.constant 208 : index
      %swap3A_397 = tpu.vector_load %arg22[%swap3A_395, %swap3A_396] {strides = array<i32>} : memref<32x256xf32, #tpu.memory_space<vmem>>, vector<16xf32>,
      tpu.vector_store %arg22[%swap3A_395, %swap3A_396], %add3A_394 {strides = array<i32>} : memref<32x256xf32, #tpu.memory_space<vmem>>, vector<16xf32>,
      %get3A_398 = arith.index_cast %scan3A_156 : i32 to index
      %get3A_399 = arith.constant 224 : index
      %get3A_400 = tpu.vector_load %arg19[%get3A_398, %get3A_399] {strides = array<i32>} : memref<32x256xf32, #tpu.memory_space<vmem>>, vector<16xf32>,
      %mul3A_401 = arith.mulf %gather3A, %get3A_400 : vector<16xf32>
      %get3A_402 = arith.index_cast %scan3A_156 : i32 to index
      %get3A_403 = arith.constant 224 : index
      %get3A_404 = tpu.vector_load %arg20[%get3A_402, %get3A_403] {strides = array<i32>} : memref<32x256xf32, #tpu.memory_space<vmem>>, vector<16xf32>,
      %mul3A_405 = arith.mulf %gather3A_160, %get3A_404 : vector<16xf32>
      %add3A_406 = arith.addf %mul3A_401, %mul3A_405 : vector<16xf32>
      %get3A_407 = arith.index_cast %scan3A_156 : i32 to index
      %get3A_408 = arith.constant 224 : index
      %get3A_409 = tpu.vector_load %arg21[%get3A_407, %get3A_408] {strides = array<i32>} : memref<32x256xf32, #tpu.memory_space<vmem>>, vector<16xf32>,
      %mul3A_410 = arith.mulf %gather3A_161, %get3A_409 : vector<16xf32>
      %add3A_411 = arith.addf %add3A_406, %mul3A_410 : vector<16xf32>
      %swap3A_412 = arith.index_cast %scan3A_156 : i32 to index
      %swap3A_413 = arith.constant 224 : index
      %swap3A_414 = tpu.vector_load %arg22[%swap3A_412, %swap3A_413] {strides = array<i32>} : memref<32x256xf32, #tpu.memory_space<vmem>>, vector<16xf32>,
      tpu.vector_store %arg22[%swap3A_412, %swap3A_413], %add3A_411 {strides = array<i32>} : memref<32x256xf32, #tpu.memory_space<vmem>>, vector<16xf32>,
      %get3A_415 = arith.index_cast %scan3A_156 : i32 to index
      %get3A_416 = arith.constant 240 : index
      %get3A_417 = tpu.vector_load %arg19[%get3A_415, %get3A_416] {strides = array<i32>} : memref<32x256xf32, #tpu.memory_space<vmem>>, vector<16xf32>,
      %mul3A_418 = arith.mulf %gather3A, %get3A_417 : vector<16xf32>
      %get3A_419 = arith.index_cast %scan3A_156 : i32 to index
      %get3A_420 = arith.constant 240 : index
      %get3A_421 = tpu.vector_load %arg20[%get3A_419, %get3A_420] {strides = array<i32>} : memref<32x256xf32, #tpu.memory_space<vmem>>, vector<16xf32>,
      %mul3A_422 = arith.mulf %gather3A_160, %get3A_421 : vector<16xf32>
      %add3A_423 = arith.addf %mul3A_418, %mul3A_422 : vector<16xf32>
      %get3A_424 = arith.index_cast %scan3A_156 : i32 to index
      %get3A_425 = arith.constant 240 : index
      %get3A_426 = tpu.vector_load %arg21[%get3A_424, %get3A_425] {strides = array<i32>} : memref<32x256xf32, #tpu.memory_space<vmem>>, vector<16xf32>,
      %mul3A_427 = arith.mulf %gather3A_161, %get3A_426 : vector<16xf32>
      %add3A_428 = arith.addf %add3A_423, %mul3A_427 : vector<16xf32>
      %swap3A_429 = arith.index_cast %scan3A_156 : i32 to index
      %swap3A_430 = arith.constant 240 : index
      %swap3A_431 = tpu.vector_load %arg22[%swap3A_429, %swap3A_430] {strides = array<i32>} : memref<32x256xf32, #tpu.memory_space<vmem>>, vector<16xf32>,
      tpu.vector_store %arg22[%swap3A_429, %swap3A_430], %add3A_428 {strides = array<i32>} : memref<32x256xf32, #tpu.memory_space<vmem>>, vector<16xf32>,
      %scan3A_432 = arith.constant 0 : i32
      scf.yield %scan3A_432 : i32
    }
    %scan3A_90 = arith.constant 32 : i32
    %add3A_91 = arith.constant 32 : i32
    %add3A_92 = arith.addi %mul3A_2, %add3A_91 : i32
    "tpu.region"() ({
      %run_scoped3A = tpu.sem_alloc : memref<!tpu.dma_semaphore, #tpu.memory_space<semaphore_mem>>
      %dma_start3A_156 = arith.constant 0 : i32
      %dma_start3A_157 = tpu.memref_slice %arg9[%add3A_92, %dma_start3A_156] : memref<4096x256xf32, #tpu.memory_space<hbm>> -> memref<32x256xf32, #tpu.memory_space<hbm>>
      %dma_start3A_158 = arith.constant 0 : i32
      %dma_start3A_159 = tpu.memref_slice %arg9[%add3A_92, %dma_start3A_158] : memref<4096x256xf32, #tpu.memory_space<hbm>> -> memref<32x256xf32, #tpu.memory_space<hbm>>
      tpu.enqueue_dma source(%arg22 : memref<32x256xf32, #tpu.memory_space<vmem>>) target(%dma_start3A_159 : memref<32x256xf32, #tpu.memory_space<hbm>>) target_semaphore(%run_scoped3A : memref<!tpu.dma_semaphore, #tpu.memory_space<semaphore_mem>>)
      %dma_wait3A_160 = arith.constant 0 : i32
      %dma_wait3A_161 = tpu.memref_slice %arg9[%add3A_92, %dma_wait3A_160] : memref<4096x256xf32, #tpu.memory_space<hbm>> -> memref<32x256xf32, #tpu.memory_space<hbm>>
      %dma_wait3A_162 = arith.constant 0 : i32
      %dma_wait3A_163 = tpu.memref_slice %arg9[%add3A_92, %dma_wait3A_162] : memref<4096x256xf32, #tpu.memory_space<hbm>> -> memref<32x256xf32, #tpu.memory_space<hbm>>
      tpu.wait_dma2 semaphore(%run_scoped3A : memref<!tpu.dma_semaphore, #tpu.memory_space<semaphore_mem>>) src(%arg22 : memref<32x256xf32, #tpu.memory_space<vmem>>) dst(%dma_wait3A_163 : memref<32x256xf32, #tpu.memory_space<hbm>>)
      tpu.yield
    }) : () -> ()
    %dma_wait3A_93 = arith.constant 64 : i32
    %dma_wait3A_94 = tpu.memref_slice %arg10[%dma_wait3A_93] : memref<128xi32, #tpu.memory_space<vmem>> -> memref<32xi32, #tpu.memory_space<vmem>>
    %dma_wait3A_95 = arith.constant 0 : i32
    %dma_wait3A_96 = arith.constant 0 : i32
    %dma_wait3A_97 = tpu.memref_slice %arg8[%dma_wait3A_95, %dma_wait3A_96] : memref<2048x256xf32, #tpu.memory_space<hbm>> -> memref<2048x256xf32, #tpu.memory_space<hbm>>
    tpu.wait_indirect_dma semaphore(%arg23 : memref<!tpu.dma_semaphore, #tpu.memory_space<semaphore_mem>>) src(%dma_wait3A_97 : memref<2048x256xf32, #tpu.memory_space<hbm>>) dst(%arg16 : memref<32x256xf32, #tpu.memory_space<vmem>>)
    %dma_wait3A_98 = arith.constant 64 : i32
    %dma_wait3A_99 = tpu.memref_slice %arg11[%dma_wait3A_98] : memref<128xi32, #tpu.memory_space<vmem>> -> memref<32xi32, #tpu.memory_space<vmem>>
    %dma_wait3A_100 = arith.constant 0 : i32
    %dma_wait3A_101 = arith.constant 0 : i32
    %dma_wait3A_102 = tpu.memref_slice %arg8[%dma_wait3A_100, %dma_wait3A_101] : memref<2048x256xf32, #tpu.memory_space<hbm>> -> memref<2048x256xf32, #tpu.memory_space<hbm>>
    tpu.wait_indirect_dma semaphore(%arg23 : memref<!tpu.dma_semaphore, #tpu.memory_space<semaphore_mem>>) src(%dma_wait3A_102 : memref<2048x256xf32, #tpu.memory_space<hbm>>) dst(%arg17 : memref<32x256xf32, #tpu.memory_space<vmem>>)
    %dma_wait3A_103 = arith.constant 64 : i32
    %dma_wait3A_104 = tpu.memref_slice %arg12[%dma_wait3A_103] : memref<128xi32, #tpu.memory_space<vmem>> -> memref<32xi32, #tpu.memory_space<vmem>>
    %dma_wait3A_105 = arith.constant 0 : i32
    %dma_wait3A_106 = arith.constant 0 : i32
    %dma_wait3A_107 = tpu.memref_slice %arg8[%dma_wait3A_105, %dma_wait3A_106] : memref<2048x256xf32, #tpu.memory_space<hbm>> -> memref<2048x256xf32, #tpu.memory_space<hbm>>
    tpu.wait_indirect_dma semaphore(%arg23 : memref<!tpu.dma_semaphore, #tpu.memory_space<semaphore_mem>>) src(%dma_wait3A_107 : memref<2048x256xf32, #tpu.memory_space<hbm>>) dst(%arg18 : memref<32x256xf32, #tpu.memory_space<vmem>>)
    %dma_start3A_108 = arith.constant 96 : i32
    %dma_start3A_109 = tpu.memref_slice %arg10[%dma_start3A_108] : memref<128xi32, #tpu.memory_space<vmem>> -> memref<32xi32, #tpu.memory_space<vmem>>
    %dma_start3A_110 = arith.constant 0 : i32
    %dma_start3A_111 = arith.constant 0 : i32
    %dma_start3A_112 = tpu.memref_slice %arg8[%dma_start3A_110, %dma_start3A_111] : memref<2048x256xf32, #tpu.memory_space<hbm>> -> memref<2048x256xf32, #tpu.memory_space<hbm>>
    tpu.enqueue_indirect_dma source(%dma_start3A_112 : memref<2048x256xf32, #tpu.memory_space<hbm>>) target(%arg19 : memref<32x256xf32, #tpu.memory_space<vmem>>) offsets(%dma_start3A_109 : memref<32xi32, #tpu.memory_space<vmem>>) semaphore(%arg23 : memref<!tpu.dma_semaphore, #tpu.memory_space<semaphore_mem>>)
    %dma_start3A_113 = arith.constant 96 : i32
    %dma_start3A_114 = tpu.memref_slice %arg11[%dma_start3A_113] : memref<128xi32, #tpu.memory_space<vmem>> -> memref<32xi32, #tpu.memory_space<vmem>>
    %dma_start3A_115 = arith.constant 0 : i32
    %dma_start3A_116 = arith.constant 0 : i32
    %dma_start3A_117 = tpu.memref_slice %arg8[%dma_start3A_115, %dma_start3A_116] : memref<2048x256xf32, #tpu.memory_space<hbm>> -> memref<2048x256xf32, #tpu.memory_space<hbm>>
    tpu.enqueue_indirect_dma source(%dma_start3A_117 : memref<2048x256xf32, #tpu.memory_space<hbm>>) target(%arg20 : memref<32x256xf32, #tpu.memory_space<vmem>>) offsets(%dma_start3A_114 : memref<32xi32, #tpu.memory_space<vmem>>) semaphore(%arg23 : memref<!tpu.dma_semaphore, #tpu.memory_space<semaphore_mem>>)
    %dma_start3A_118 = arith.constant 96 : i32
    %dma_start3A_119 = tpu.memref_slice %arg12[%dma_start3A_118] : memref<128xi32, #tpu.memory_space<vmem>> -> memref<32xi32, #tpu.memory_space<vmem>>
    %dma_start3A_120 = arith.constant 0 : i32
    %dma_start3A_121 = arith.constant 0 : i32
    %dma_start3A_122 = tpu.memref_slice %arg8[%dma_start3A_120, %dma_start3A_121] : memref<2048x256xf32, #tpu.memory_space<hbm>> -> memref<2048x256xf32, #tpu.memory_space<hbm>>
    tpu.enqueue_indirect_dma source(%dma_start3A_122 : memref<2048x256xf32, #tpu.memory_space<hbm>>) target(%arg21 : memref<32x256xf32, #tpu.memory_space<vmem>>) offsets(%dma_start3A_119 : memref<32xi32, #tpu.memory_space<vmem>>) semaphore(%arg23 : memref<!tpu.dma_semaphore, #tpu.memory_space<semaphore_mem>>)
    %scan3A_123 = arith.constant 0 : i32
    %scan3A_124 = arith.constant 0 : i32
    %scan3A_125 = arith.constant 32 : i32
    %scan3A_126 = arith.addi %scan3A_124, %scan3A_125 : i32
    %scan3A_127 = arith.constant 1 : i32
    %scan3A_128 = scf.for %scan3A_156 = %scan3A_124 to %scan3A_126 step %scan3A_127 iter_args(%scan3A_157 = %scan3A_123) -> (i32)  : i32 {
      %add3A_158 = arith.constant 64 : i32
      %add3A_159 = arith.addi %add3A_158, %scan3A_156 : i32
      %broadcast_in_dim3A = vector.broadcast %add3A_159 : i32 to vector<16xi32>
      %gather3A = tpu.vector_load_idx %arg13[%broadcast_in_dim3A] : memref<128xf32, #tpu.memory_space<vmem>>[vector<16xi32>], vector<16xf32>,
      %gather3A_160 = tpu.vector_load_idx %arg14[%broadcast_in_dim3A] : memref<128xf32, #tpu.memory_space<vmem>>[vector<16xi32>], vector<16xf32>,
      %gather3A_161 = tpu.vector_load_idx %arg15[%broadcast_in_dim3A] : memref<128xf32, #tpu.memory_space<vmem>>[vector<16xi32>], vector<16xf32>,
      %get3A = arith.index_cast %scan3A_156 : i32 to index
      %get3A_162 = arith.constant 0 : index
      %get3A_163 = tpu.vector_load %arg16[%get3A, %get3A_162] {strides = array<i32>} : memref<32x256xf32, #tpu.memory_space<vmem>>, vector<16xf32>,
      %mul3A_164 = arith.mulf %gather3A, %get3A_163 : vector<16xf32>
      %get3A_165 = arith.index_cast %scan3A_156 : i32 to index
      %get3A_166 = arith.constant 0 : index
      %get3A_167 = tpu.vector_load %arg17[%get3A_165, %get3A_166] {strides = array<i32>} : memref<32x256xf32, #tpu.memory_space<vmem>>, vector<16xf32>,
      %mul3A_168 = arith.mulf %gather3A_160, %get3A_167 : vector<16xf32>
      %add3A_169 = arith.addf %mul3A_164, %mul3A_168 : vector<16xf32>
      %get3A_170 = arith.index_cast %scan3A_156 : i32 to index
      %get3A_171 = arith.constant 0 : index
      %get3A_172 = tpu.vector_load %arg18[%get3A_170, %get3A_171] {strides = array<i32>} : memref<32x256xf32, #tpu.memory_space<vmem>>, vector<16xf32>,
      %mul3A_173 = arith.mulf %gather3A_161, %get3A_172 : vector<16xf32>
      %add3A_174 = arith.addf %add3A_169, %mul3A_173 : vector<16xf32>
      %swap3A = arith.index_cast %scan3A_156 : i32 to index
      %swap3A_175 = arith.constant 0 : index
      %swap3A_176 = tpu.vector_load %arg22[%swap3A, %swap3A_175] {strides = array<i32>} : memref<32x256xf32, #tpu.memory_space<vmem>>, vector<16xf32>,
      tpu.vector_store %arg22[%swap3A, %swap3A_175], %add3A_174 {strides = array<i32>} : memref<32x256xf32, #tpu.memory_space<vmem>>, vector<16xf32>,
      %get3A_177 = arith.index_cast %scan3A_156 : i32 to index
      %get3A_178 = arith.constant 16 : index
      %get3A_179 = tpu.vector_load %arg16[%get3A_177, %get3A_178] {strides = array<i32>} : memref<32x256xf32, #tpu.memory_space<vmem>>, vector<16xf32>,
      %mul3A_180 = arith.mulf %gather3A, %get3A_179 : vector<16xf32>
      %get3A_181 = arith.index_cast %scan3A_156 : i32 to index
      %get3A_182 = arith.constant 16 : index
      %get3A_183 = tpu.vector_load %arg17[%get3A_181, %get3A_182] {strides = array<i32>} : memref<32x256xf32, #tpu.memory_space<vmem>>, vector<16xf32>,
      %mul3A_184 = arith.mulf %gather3A_160, %get3A_183 : vector<16xf32>
      %add3A_185 = arith.addf %mul3A_180, %mul3A_184 : vector<16xf32>
      %get3A_186 = arith.index_cast %scan3A_156 : i32 to index
      %get3A_187 = arith.constant 16 : index
      %get3A_188 = tpu.vector_load %arg18[%get3A_186, %get3A_187] {strides = array<i32>} : memref<32x256xf32, #tpu.memory_space<vmem>>, vector<16xf32>,
      %mul3A_189 = arith.mulf %gather3A_161, %get3A_188 : vector<16xf32>
      %add3A_190 = arith.addf %add3A_185, %mul3A_189 : vector<16xf32>
      %swap3A_191 = arith.index_cast %scan3A_156 : i32 to index
      %swap3A_192 = arith.constant 16 : index
      %swap3A_193 = tpu.vector_load %arg22[%swap3A_191, %swap3A_192] {strides = array<i32>} : memref<32x256xf32, #tpu.memory_space<vmem>>, vector<16xf32>,
      tpu.vector_store %arg22[%swap3A_191, %swap3A_192], %add3A_190 {strides = array<i32>} : memref<32x256xf32, #tpu.memory_space<vmem>>, vector<16xf32>,
      %get3A_194 = arith.index_cast %scan3A_156 : i32 to index
      %get3A_195 = arith.constant 32 : index
      %get3A_196 = tpu.vector_load %arg16[%get3A_194, %get3A_195] {strides = array<i32>} : memref<32x256xf32, #tpu.memory_space<vmem>>, vector<16xf32>,
      %mul3A_197 = arith.mulf %gather3A, %get3A_196 : vector<16xf32>
      %get3A_198 = arith.index_cast %scan3A_156 : i32 to index
      %get3A_199 = arith.constant 32 : index
      %get3A_200 = tpu.vector_load %arg17[%get3A_198, %get3A_199] {strides = array<i32>} : memref<32x256xf32, #tpu.memory_space<vmem>>, vector<16xf32>,
      %mul3A_201 = arith.mulf %gather3A_160, %get3A_200 : vector<16xf32>
      %add3A_202 = arith.addf %mul3A_197, %mul3A_201 : vector<16xf32>
      %get3A_203 = arith.index_cast %scan3A_156 : i32 to index
      %get3A_204 = arith.constant 32 : index
      %get3A_205 = tpu.vector_load %arg18[%get3A_203, %get3A_204] {strides = array<i32>} : memref<32x256xf32, #tpu.memory_space<vmem>>, vector<16xf32>,
      %mul3A_206 = arith.mulf %gather3A_161, %get3A_205 : vector<16xf32>
      %add3A_207 = arith.addf %add3A_202, %mul3A_206 : vector<16xf32>
      %swap3A_208 = arith.index_cast %scan3A_156 : i32 to index
      %swap3A_209 = arith.constant 32 : index
      %swap3A_210 = tpu.vector_load %arg22[%swap3A_208, %swap3A_209] {strides = array<i32>} : memref<32x256xf32, #tpu.memory_space<vmem>>, vector<16xf32>,
      tpu.vector_store %arg22[%swap3A_208, %swap3A_209], %add3A_207 {strides = array<i32>} : memref<32x256xf32, #tpu.memory_space<vmem>>, vector<16xf32>,
      %get3A_211 = arith.index_cast %scan3A_156 : i32 to index
      %get3A_212 = arith.constant 48 : index
      %get3A_213 = tpu.vector_load %arg16[%get3A_211, %get3A_212] {strides = array<i32>} : memref<32x256xf32, #tpu.memory_space<vmem>>, vector<16xf32>,
      %mul3A_214 = arith.mulf %gather3A, %get3A_213 : vector<16xf32>
      %get3A_215 = arith.index_cast %scan3A_156 : i32 to index
      %get3A_216 = arith.constant 48 : index
      %get3A_217 = tpu.vector_load %arg17[%get3A_215, %get3A_216] {strides = array<i32>} : memref<32x256xf32, #tpu.memory_space<vmem>>, vector<16xf32>,
      %mul3A_218 = arith.mulf %gather3A_160, %get3A_217 : vector<16xf32>
      %add3A_219 = arith.addf %mul3A_214, %mul3A_218 : vector<16xf32>
      %get3A_220 = arith.index_cast %scan3A_156 : i32 to index
      %get3A_221 = arith.constant 48 : index
      %get3A_222 = tpu.vector_load %arg18[%get3A_220, %get3A_221] {strides = array<i32>} : memref<32x256xf32, #tpu.memory_space<vmem>>, vector<16xf32>,
      %mul3A_223 = arith.mulf %gather3A_161, %get3A_222 : vector<16xf32>
      %add3A_224 = arith.addf %add3A_219, %mul3A_223 : vector<16xf32>
      %swap3A_225 = arith.index_cast %scan3A_156 : i32 to index
      %swap3A_226 = arith.constant 48 : index
      %swap3A_227 = tpu.vector_load %arg22[%swap3A_225, %swap3A_226] {strides = array<i32>} : memref<32x256xf32, #tpu.memory_space<vmem>>, vector<16xf32>,
      tpu.vector_store %arg22[%swap3A_225, %swap3A_226], %add3A_224 {strides = array<i32>} : memref<32x256xf32, #tpu.memory_space<vmem>>, vector<16xf32>,
      %get3A_228 = arith.index_cast %scan3A_156 : i32 to index
      %get3A_229 = arith.constant 64 : index
      %get3A_230 = tpu.vector_load %arg16[%get3A_228, %get3A_229] {strides = array<i32>} : memref<32x256xf32, #tpu.memory_space<vmem>>, vector<16xf32>,
      %mul3A_231 = arith.mulf %gather3A, %get3A_230 : vector<16xf32>
      %get3A_232 = arith.index_cast %scan3A_156 : i32 to index
      %get3A_233 = arith.constant 64 : index
      %get3A_234 = tpu.vector_load %arg17[%get3A_232, %get3A_233] {strides = array<i32>} : memref<32x256xf32, #tpu.memory_space<vmem>>, vector<16xf32>,
      %mul3A_235 = arith.mulf %gather3A_160, %get3A_234 : vector<16xf32>
      %add3A_236 = arith.addf %mul3A_231, %mul3A_235 : vector<16xf32>
      %get3A_237 = arith.index_cast %scan3A_156 : i32 to index
      %get3A_238 = arith.constant 64 : index
      %get3A_239 = tpu.vector_load %arg18[%get3A_237, %get3A_238] {strides = array<i32>} : memref<32x256xf32, #tpu.memory_space<vmem>>, vector<16xf32>,
      %mul3A_240 = arith.mulf %gather3A_161, %get3A_239 : vector<16xf32>
      %add3A_241 = arith.addf %add3A_236, %mul3A_240 : vector<16xf32>
      %swap3A_242 = arith.index_cast %scan3A_156 : i32 to index
      %swap3A_243 = arith.constant 64 : index
      %swap3A_244 = tpu.vector_load %arg22[%swap3A_242, %swap3A_243] {strides = array<i32>} : memref<32x256xf32, #tpu.memory_space<vmem>>, vector<16xf32>,
      tpu.vector_store %arg22[%swap3A_242, %swap3A_243], %add3A_241 {strides = array<i32>} : memref<32x256xf32, #tpu.memory_space<vmem>>, vector<16xf32>,
      %get3A_245 = arith.index_cast %scan3A_156 : i32 to index
      %get3A_246 = arith.constant 80 : index
      %get3A_247 = tpu.vector_load %arg16[%get3A_245, %get3A_246] {strides = array<i32>} : memref<32x256xf32, #tpu.memory_space<vmem>>, vector<16xf32>,
      %mul3A_248 = arith.mulf %gather3A, %get3A_247 : vector<16xf32>
      %get3A_249 = arith.index_cast %scan3A_156 : i32 to index
      %get3A_250 = arith.constant 80 : index
      %get3A_251 = tpu.vector_load %arg17[%get3A_249, %get3A_250] {strides = array<i32>} : memref<32x256xf32, #tpu.memory_space<vmem>>, vector<16xf32>,
      %mul3A_252 = arith.mulf %gather3A_160, %get3A_251 : vector<16xf32>
      %add3A_253 = arith.addf %mul3A_248, %mul3A_252 : vector<16xf32>
      %get3A_254 = arith.index_cast %scan3A_156 : i32 to index
      %get3A_255 = arith.constant 80 : index
      %get3A_256 = tpu.vector_load %arg18[%get3A_254, %get3A_255] {strides = array<i32>} : memref<32x256xf32, #tpu.memory_space<vmem>>, vector<16xf32>,
      %mul3A_257 = arith.mulf %gather3A_161, %get3A_256 : vector<16xf32>
      %add3A_258 = arith.addf %add3A_253, %mul3A_257 : vector<16xf32>
      %swap3A_259 = arith.index_cast %scan3A_156 : i32 to index
      %swap3A_260 = arith.constant 80 : index
      %swap3A_261 = tpu.vector_load %arg22[%swap3A_259, %swap3A_260] {strides = array<i32>} : memref<32x256xf32, #tpu.memory_space<vmem>>, vector<16xf32>,
      tpu.vector_store %arg22[%swap3A_259, %swap3A_260], %add3A_258 {strides = array<i32>} : memref<32x256xf32, #tpu.memory_space<vmem>>, vector<16xf32>,
      %get3A_262 = arith.index_cast %scan3A_156 : i32 to index
      %get3A_263 = arith.constant 96 : index
      %get3A_264 = tpu.vector_load %arg16[%get3A_262, %get3A_263] {strides = array<i32>} : memref<32x256xf32, #tpu.memory_space<vmem>>, vector<16xf32>,
      %mul3A_265 = arith.mulf %gather3A, %get3A_264 : vector<16xf32>
      %get3A_266 = arith.index_cast %scan3A_156 : i32 to index
      %get3A_267 = arith.constant 96 : index
      %get3A_268 = tpu.vector_load %arg17[%get3A_266, %get3A_267] {strides = array<i32>} : memref<32x256xf32, #tpu.memory_space<vmem>>, vector<16xf32>,
      %mul3A_269 = arith.mulf %gather3A_160, %get3A_268 : vector<16xf32>
      %add3A_270 = arith.addf %mul3A_265, %mul3A_269 : vector<16xf32>
      %get3A_271 = arith.index_cast %scan3A_156 : i32 to index
      %get3A_272 = arith.constant 96 : index
      %get3A_273 = tpu.vector_load %arg18[%get3A_271, %get3A_272] {strides = array<i32>} : memref<32x256xf32, #tpu.memory_space<vmem>>, vector<16xf32>,
      %mul3A_274 = arith.mulf %gather3A_161, %get3A_273 : vector<16xf32>
      %add3A_275 = arith.addf %add3A_270, %mul3A_274 : vector<16xf32>
      %swap3A_276 = arith.index_cast %scan3A_156 : i32 to index
      %swap3A_277 = arith.constant 96 : index
      %swap3A_278 = tpu.vector_load %arg22[%swap3A_276, %swap3A_277] {strides = array<i32>} : memref<32x256xf32, #tpu.memory_space<vmem>>, vector<16xf32>,
      tpu.vector_store %arg22[%swap3A_276, %swap3A_277], %add3A_275 {strides = array<i32>} : memref<32x256xf32, #tpu.memory_space<vmem>>, vector<16xf32>,
      %get3A_279 = arith.index_cast %scan3A_156 : i32 to index
      %get3A_280 = arith.constant 112 : index
      %get3A_281 = tpu.vector_load %arg16[%get3A_279, %get3A_280] {strides = array<i32>} : memref<32x256xf32, #tpu.memory_space<vmem>>, vector<16xf32>,
      %mul3A_282 = arith.mulf %gather3A, %get3A_281 : vector<16xf32>
      %get3A_283 = arith.index_cast %scan3A_156 : i32 to index
      %get3A_284 = arith.constant 112 : index
      %get3A_285 = tpu.vector_load %arg17[%get3A_283, %get3A_284] {strides = array<i32>} : memref<32x256xf32, #tpu.memory_space<vmem>>, vector<16xf32>,
      %mul3A_286 = arith.mulf %gather3A_160, %get3A_285 : vector<16xf32>
      %add3A_287 = arith.addf %mul3A_282, %mul3A_286 : vector<16xf32>
      %get3A_288 = arith.index_cast %scan3A_156 : i32 to index
      %get3A_289 = arith.constant 112 : index
      %get3A_290 = tpu.vector_load %arg18[%get3A_288, %get3A_289] {strides = array<i32>} : memref<32x256xf32, #tpu.memory_space<vmem>>, vector<16xf32>,
      %mul3A_291 = arith.mulf %gather3A_161, %get3A_290 : vector<16xf32>
      %add3A_292 = arith.addf %add3A_287, %mul3A_291 : vector<16xf32>
      %swap3A_293 = arith.index_cast %scan3A_156 : i32 to index
      %swap3A_294 = arith.constant 112 : index
      %swap3A_295 = tpu.vector_load %arg22[%swap3A_293, %swap3A_294] {strides = array<i32>} : memref<32x256xf32, #tpu.memory_space<vmem>>, vector<16xf32>,
      tpu.vector_store %arg22[%swap3A_293, %swap3A_294], %add3A_292 {strides = array<i32>} : memref<32x256xf32, #tpu.memory_space<vmem>>, vector<16xf32>,
      %get3A_296 = arith.index_cast %scan3A_156 : i32 to index
      %get3A_297 = arith.constant 128 : index
      %get3A_298 = tpu.vector_load %arg16[%get3A_296, %get3A_297] {strides = array<i32>} : memref<32x256xf32, #tpu.memory_space<vmem>>, vector<16xf32>,
      %mul3A_299 = arith.mulf %gather3A, %get3A_298 : vector<16xf32>
      %get3A_300 = arith.index_cast %scan3A_156 : i32 to index
      %get3A_301 = arith.constant 128 : index
      %get3A_302 = tpu.vector_load %arg17[%get3A_300, %get3A_301] {strides = array<i32>} : memref<32x256xf32, #tpu.memory_space<vmem>>, vector<16xf32>,
      %mul3A_303 = arith.mulf %gather3A_160, %get3A_302 : vector<16xf32>
      %add3A_304 = arith.addf %mul3A_299, %mul3A_303 : vector<16xf32>
      %get3A_305 = arith.index_cast %scan3A_156 : i32 to index
      %get3A_306 = arith.constant 128 : index
      %get3A_307 = tpu.vector_load %arg18[%get3A_305, %get3A_306] {strides = array<i32>} : memref<32x256xf32, #tpu.memory_space<vmem>>, vector<16xf32>,
      %mul3A_308 = arith.mulf %gather3A_161, %get3A_307 : vector<16xf32>
      %add3A_309 = arith.addf %add3A_304, %mul3A_308 : vector<16xf32>
      %swap3A_310 = arith.index_cast %scan3A_156 : i32 to index
      %swap3A_311 = arith.constant 128 : index
      %swap3A_312 = tpu.vector_load %arg22[%swap3A_310, %swap3A_311] {strides = array<i32>} : memref<32x256xf32, #tpu.memory_space<vmem>>, vector<16xf32>,
      tpu.vector_store %arg22[%swap3A_310, %swap3A_311], %add3A_309 {strides = array<i32>} : memref<32x256xf32, #tpu.memory_space<vmem>>, vector<16xf32>,
      %get3A_313 = arith.index_cast %scan3A_156 : i32 to index
      %get3A_314 = arith.constant 144 : index
      %get3A_315 = tpu.vector_load %arg16[%get3A_313, %get3A_314] {strides = array<i32>} : memref<32x256xf32, #tpu.memory_space<vmem>>, vector<16xf32>,
      %mul3A_316 = arith.mulf %gather3A, %get3A_315 : vector<16xf32>
      %get3A_317 = arith.index_cast %scan3A_156 : i32 to index
      %get3A_318 = arith.constant 144 : index
      %get3A_319 = tpu.vector_load %arg17[%get3A_317, %get3A_318] {strides = array<i32>} : memref<32x256xf32, #tpu.memory_space<vmem>>, vector<16xf32>,
      %mul3A_320 = arith.mulf %gather3A_160, %get3A_319 : vector<16xf32>
      %add3A_321 = arith.addf %mul3A_316, %mul3A_320 : vector<16xf32>
      %get3A_322 = arith.index_cast %scan3A_156 : i32 to index
      %get3A_323 = arith.constant 144 : index
      %get3A_324 = tpu.vector_load %arg18[%get3A_322, %get3A_323] {strides = array<i32>} : memref<32x256xf32, #tpu.memory_space<vmem>>, vector<16xf32>,
      %mul3A_325 = arith.mulf %gather3A_161, %get3A_324 : vector<16xf32>
      %add3A_326 = arith.addf %add3A_321, %mul3A_325 : vector<16xf32>
      %swap3A_327 = arith.index_cast %scan3A_156 : i32 to index
      %swap3A_328 = arith.constant 144 : index
      %swap3A_329 = tpu.vector_load %arg22[%swap3A_327, %swap3A_328] {strides = array<i32>} : memref<32x256xf32, #tpu.memory_space<vmem>>, vector<16xf32>,
      tpu.vector_store %arg22[%swap3A_327, %swap3A_328], %add3A_326 {strides = array<i32>} : memref<32x256xf32, #tpu.memory_space<vmem>>, vector<16xf32>,
      %get3A_330 = arith.index_cast %scan3A_156 : i32 to index
      %get3A_331 = arith.constant 160 : index
      %get3A_332 = tpu.vector_load %arg16[%get3A_330, %get3A_331] {strides = array<i32>} : memref<32x256xf32, #tpu.memory_space<vmem>>, vector<16xf32>,
      %mul3A_333 = arith.mulf %gather3A, %get3A_332 : vector<16xf32>
      %get3A_334 = arith.index_cast %scan3A_156 : i32 to index
      %get3A_335 = arith.constant 160 : index
      %get3A_336 = tpu.vector_load %arg17[%get3A_334, %get3A_335] {strides = array<i32>} : memref<32x256xf32, #tpu.memory_space<vmem>>, vector<16xf32>,
      %mul3A_337 = arith.mulf %gather3A_160, %get3A_336 : vector<16xf32>
      %add3A_338 = arith.addf %mul3A_333, %mul3A_337 : vector<16xf32>
      %get3A_339 = arith.index_cast %scan3A_156 : i32 to index
      %get3A_340 = arith.constant 160 : index
      %get3A_341 = tpu.vector_load %arg18[%get3A_339, %get3A_340] {strides = array<i32>} : memref<32x256xf32, #tpu.memory_space<vmem>>, vector<16xf32>,
      %mul3A_342 = arith.mulf %gather3A_161, %get3A_341 : vector<16xf32>
      %add3A_343 = arith.addf %add3A_338, %mul3A_342 : vector<16xf32>
      %swap3A_344 = arith.index_cast %scan3A_156 : i32 to index
      %swap3A_345 = arith.constant 160 : index
      %swap3A_346 = tpu.vector_load %arg22[%swap3A_344, %swap3A_345] {strides = array<i32>} : memref<32x256xf32, #tpu.memory_space<vmem>>, vector<16xf32>,
      tpu.vector_store %arg22[%swap3A_344, %swap3A_345], %add3A_343 {strides = array<i32>} : memref<32x256xf32, #tpu.memory_space<vmem>>, vector<16xf32>,
      %get3A_347 = arith.index_cast %scan3A_156 : i32 to index
      %get3A_348 = arith.constant 176 : index
      %get3A_349 = tpu.vector_load %arg16[%get3A_347, %get3A_348] {strides = array<i32>} : memref<32x256xf32, #tpu.memory_space<vmem>>, vector<16xf32>,
      %mul3A_350 = arith.mulf %gather3A, %get3A_349 : vector<16xf32>
      %get3A_351 = arith.index_cast %scan3A_156 : i32 to index
      %get3A_352 = arith.constant 176 : index
      %get3A_353 = tpu.vector_load %arg17[%get3A_351, %get3A_352] {strides = array<i32>} : memref<32x256xf32, #tpu.memory_space<vmem>>, vector<16xf32>,
      %mul3A_354 = arith.mulf %gather3A_160, %get3A_353 : vector<16xf32>
      %add3A_355 = arith.addf %mul3A_350, %mul3A_354 : vector<16xf32>
      %get3A_356 = arith.index_cast %scan3A_156 : i32 to index
      %get3A_357 = arith.constant 176 : index
      %get3A_358 = tpu.vector_load %arg18[%get3A_356, %get3A_357] {strides = array<i32>} : memref<32x256xf32, #tpu.memory_space<vmem>>, vector<16xf32>,
      %mul3A_359 = arith.mulf %gather3A_161, %get3A_358 : vector<16xf32>
      %add3A_360 = arith.addf %add3A_355, %mul3A_359 : vector<16xf32>
      %swap3A_361 = arith.index_cast %scan3A_156 : i32 to index
      %swap3A_362 = arith.constant 176 : index
      %swap3A_363 = tpu.vector_load %arg22[%swap3A_361, %swap3A_362] {strides = array<i32>} : memref<32x256xf32, #tpu.memory_space<vmem>>, vector<16xf32>,
      tpu.vector_store %arg22[%swap3A_361, %swap3A_362], %add3A_360 {strides = array<i32>} : memref<32x256xf32, #tpu.memory_space<vmem>>, vector<16xf32>,
      %get3A_364 = arith.index_cast %scan3A_156 : i32 to index
      %get3A_365 = arith.constant 192 : index
      %get3A_366 = tpu.vector_load %arg16[%get3A_364, %get3A_365] {strides = array<i32>} : memref<32x256xf32, #tpu.memory_space<vmem>>, vector<16xf32>,
      %mul3A_367 = arith.mulf %gather3A, %get3A_366 : vector<16xf32>
      %get3A_368 = arith.index_cast %scan3A_156 : i32 to index
      %get3A_369 = arith.constant 192 : index
      %get3A_370 = tpu.vector_load %arg17[%get3A_368, %get3A_369] {strides = array<i32>} : memref<32x256xf32, #tpu.memory_space<vmem>>, vector<16xf32>,
      %mul3A_371 = arith.mulf %gather3A_160, %get3A_370 : vector<16xf32>
      %add3A_372 = arith.addf %mul3A_367, %mul3A_371 : vector<16xf32>
      %get3A_373 = arith.index_cast %scan3A_156 : i32 to index
      %get3A_374 = arith.constant 192 : index
      %get3A_375 = tpu.vector_load %arg18[%get3A_373, %get3A_374] {strides = array<i32>} : memref<32x256xf32, #tpu.memory_space<vmem>>, vector<16xf32>,
      %mul3A_376 = arith.mulf %gather3A_161, %get3A_375 : vector<16xf32>
      %add3A_377 = arith.addf %add3A_372, %mul3A_376 : vector<16xf32>
      %swap3A_378 = arith.index_cast %scan3A_156 : i32 to index
      %swap3A_379 = arith.constant 192 : index
      %swap3A_380 = tpu.vector_load %arg22[%swap3A_378, %swap3A_379] {strides = array<i32>} : memref<32x256xf32, #tpu.memory_space<vmem>>, vector<16xf32>,
      tpu.vector_store %arg22[%swap3A_378, %swap3A_379], %add3A_377 {strides = array<i32>} : memref<32x256xf32, #tpu.memory_space<vmem>>, vector<16xf32>,
      %get3A_381 = arith.index_cast %scan3A_156 : i32 to index
      %get3A_382 = arith.constant 208 : index
      %get3A_383 = tpu.vector_load %arg16[%get3A_381, %get3A_382] {strides = array<i32>} : memref<32x256xf32, #tpu.memory_space<vmem>>, vector<16xf32>,
      %mul3A_384 = arith.mulf %gather3A, %get3A_383 : vector<16xf32>
      %get3A_385 = arith.index_cast %scan3A_156 : i32 to index
      %get3A_386 = arith.constant 208 : index
      %get3A_387 = tpu.vector_load %arg17[%get3A_385, %get3A_386] {strides = array<i32>} : memref<32x256xf32, #tpu.memory_space<vmem>>, vector<16xf32>,
      %mul3A_388 = arith.mulf %gather3A_160, %get3A_387 : vector<16xf32>
      %add3A_389 = arith.addf %mul3A_384, %mul3A_388 : vector<16xf32>
      %get3A_390 = arith.index_cast %scan3A_156 : i32 to index
      %get3A_391 = arith.constant 208 : index
      %get3A_392 = tpu.vector_load %arg18[%get3A_390, %get3A_391] {strides = array<i32>} : memref<32x256xf32, #tpu.memory_space<vmem>>, vector<16xf32>,
      %mul3A_393 = arith.mulf %gather3A_161, %get3A_392 : vector<16xf32>
      %add3A_394 = arith.addf %add3A_389, %mul3A_393 : vector<16xf32>
      %swap3A_395 = arith.index_cast %scan3A_156 : i32 to index
      %swap3A_396 = arith.constant 208 : index
      %swap3A_397 = tpu.vector_load %arg22[%swap3A_395, %swap3A_396] {strides = array<i32>} : memref<32x256xf32, #tpu.memory_space<vmem>>, vector<16xf32>,
      tpu.vector_store %arg22[%swap3A_395, %swap3A_396], %add3A_394 {strides = array<i32>} : memref<32x256xf32, #tpu.memory_space<vmem>>, vector<16xf32>,
      %get3A_398 = arith.index_cast %scan3A_156 : i32 to index
      %get3A_399 = arith.constant 224 : index
      %get3A_400 = tpu.vector_load %arg16[%get3A_398, %get3A_399] {strides = array<i32>} : memref<32x256xf32, #tpu.memory_space<vmem>>, vector<16xf32>,
      %mul3A_401 = arith.mulf %gather3A, %get3A_400 : vector<16xf32>
      %get3A_402 = arith.index_cast %scan3A_156 : i32 to index
      %get3A_403 = arith.constant 224 : index
      %get3A_404 = tpu.vector_load %arg17[%get3A_402, %get3A_403] {strides = array<i32>} : memref<32x256xf32, #tpu.memory_space<vmem>>, vector<16xf32>,
      %mul3A_405 = arith.mulf %gather3A_160, %get3A_404 : vector<16xf32>
      %add3A_406 = arith.addf %mul3A_401, %mul3A_405 : vector<16xf32>
      %get3A_407 = arith.index_cast %scan3A_156 : i32 to index
      %get3A_408 = arith.constant 224 : index
      %get3A_409 = tpu.vector_load %arg18[%get3A_407, %get3A_408] {strides = array<i32>} : memref<32x256xf32, #tpu.memory_space<vmem>>, vector<16xf32>,
      %mul3A_410 = arith.mulf %gather3A_161, %get3A_409 : vector<16xf32>
      %add3A_411 = arith.addf %add3A_406, %mul3A_410 : vector<16xf32>
      %swap3A_412 = arith.index_cast %scan3A_156 : i32 to index
      %swap3A_413 = arith.constant 224 : index
      %swap3A_414 = tpu.vector_load %arg22[%swap3A_412, %swap3A_413] {strides = array<i32>} : memref<32x256xf32, #tpu.memory_space<vmem>>, vector<16xf32>,
      tpu.vector_store %arg22[%swap3A_412, %swap3A_413], %add3A_411 {strides = array<i32>} : memref<32x256xf32, #tpu.memory_space<vmem>>, vector<16xf32>,
      %get3A_415 = arith.index_cast %scan3A_156 : i32 to index
      %get3A_416 = arith.constant 240 : index
      %get3A_417 = tpu.vector_load %arg16[%get3A_415, %get3A_416] {strides = array<i32>} : memref<32x256xf32, #tpu.memory_space<vmem>>, vector<16xf32>,
      %mul3A_418 = arith.mulf %gather3A, %get3A_417 : vector<16xf32>
      %get3A_419 = arith.index_cast %scan3A_156 : i32 to index
      %get3A_420 = arith.constant 240 : index
      %get3A_421 = tpu.vector_load %arg17[%get3A_419, %get3A_420] {strides = array<i32>} : memref<32x256xf32, #tpu.memory_space<vmem>>, vector<16xf32>,
      %mul3A_422 = arith.mulf %gather3A_160, %get3A_421 : vector<16xf32>
      %add3A_423 = arith.addf %mul3A_418, %mul3A_422 : vector<16xf32>
      %get3A_424 = arith.index_cast %scan3A_156 : i32 to index
      %get3A_425 = arith.constant 240 : index
      %get3A_426 = tpu.vector_load %arg18[%get3A_424, %get3A_425] {strides = array<i32>} : memref<32x256xf32, #tpu.memory_space<vmem>>, vector<16xf32>,
      %mul3A_427 = arith.mulf %gather3A_161, %get3A_426 : vector<16xf32>
      %add3A_428 = arith.addf %add3A_423, %mul3A_427 : vector<16xf32>
      %swap3A_429 = arith.index_cast %scan3A_156 : i32 to index
      %swap3A_430 = arith.constant 240 : index
      %swap3A_431 = tpu.vector_load %arg22[%swap3A_429, %swap3A_430] {strides = array<i32>} : memref<32x256xf32, #tpu.memory_space<vmem>>, vector<16xf32>,
      tpu.vector_store %arg22[%swap3A_429, %swap3A_430], %add3A_428 {strides = array<i32>} : memref<32x256xf32, #tpu.memory_space<vmem>>, vector<16xf32>,
      %scan3A_432 = arith.constant 0 : i32
      scf.yield %scan3A_432 : i32
    }
    %scan3A_129 = arith.constant 32 : i32
    %add3A_130 = arith.constant 64 : i32
    %add3A_131 = arith.addi %mul3A_2, %add3A_130 : i32
    "tpu.region"() ({
      %run_scoped3A = tpu.sem_alloc : memref<!tpu.dma_semaphore, #tpu.memory_space<semaphore_mem>>
      %dma_start3A_156 = arith.constant 0 : i32
      %dma_start3A_157 = tpu.memref_slice %arg9[%add3A_131, %dma_start3A_156] : memref<4096x256xf32, #tpu.memory_space<hbm>> -> memref<32x256xf32, #tpu.memory_space<hbm>>
      %dma_start3A_158 = arith.constant 0 : i32
      %dma_start3A_159 = tpu.memref_slice %arg9[%add3A_131, %dma_start3A_158] : memref<4096x256xf32, #tpu.memory_space<hbm>> -> memref<32x256xf32, #tpu.memory_space<hbm>>
      tpu.enqueue_dma source(%arg22 : memref<32x256xf32, #tpu.memory_space<vmem>>) target(%dma_start3A_159 : memref<32x256xf32, #tpu.memory_space<hbm>>) target_semaphore(%run_scoped3A : memref<!tpu.dma_semaphore, #tpu.memory_space<semaphore_mem>>)
      %dma_wait3A_160 = arith.constant 0 : i32
      %dma_wait3A_161 = tpu.memref_slice %arg9[%add3A_131, %dma_wait3A_160] : memref<4096x256xf32, #tpu.memory_space<hbm>> -> memref<32x256xf32, #tpu.memory_space<hbm>>
      %dma_wait3A_162 = arith.constant 0 : i32
      %dma_wait3A_163 = tpu.memref_slice %arg9[%add3A_131, %dma_wait3A_162] : memref<4096x256xf32, #tpu.memory_space<hbm>> -> memref<32x256xf32, #tpu.memory_space<hbm>>
      tpu.wait_dma2 semaphore(%run_scoped3A : memref<!tpu.dma_semaphore, #tpu.memory_space<semaphore_mem>>) src(%arg22 : memref<32x256xf32, #tpu.memory_space<vmem>>) dst(%dma_wait3A_163 : memref<32x256xf32, #tpu.memory_space<hbm>>)
      tpu.yield
    }) : () -> ()
    %dma_wait3A_132 = arith.constant 96 : i32
    %dma_wait3A_133 = tpu.memref_slice %arg10[%dma_wait3A_132] : memref<128xi32, #tpu.memory_space<vmem>> -> memref<32xi32, #tpu.memory_space<vmem>>
    %dma_wait3A_134 = arith.constant 0 : i32
    %dma_wait3A_135 = arith.constant 0 : i32
    %dma_wait3A_136 = tpu.memref_slice %arg8[%dma_wait3A_134, %dma_wait3A_135] : memref<2048x256xf32, #tpu.memory_space<hbm>> -> memref<2048x256xf32, #tpu.memory_space<hbm>>
    tpu.wait_indirect_dma semaphore(%arg23 : memref<!tpu.dma_semaphore, #tpu.memory_space<semaphore_mem>>) src(%dma_wait3A_136 : memref<2048x256xf32, #tpu.memory_space<hbm>>) dst(%arg19 : memref<32x256xf32, #tpu.memory_space<vmem>>)
    %dma_wait3A_137 = arith.constant 96 : i32
    %dma_wait3A_138 = tpu.memref_slice %arg11[%dma_wait3A_137] : memref<128xi32, #tpu.memory_space<vmem>> -> memref<32xi32, #tpu.memory_space<vmem>>
    %dma_wait3A_139 = arith.constant 0 : i32
    %dma_wait3A_140 = arith.constant 0 : i32
    %dma_wait3A_141 = tpu.memref_slice %arg8[%dma_wait3A_139, %dma_wait3A_140] : memref<2048x256xf32, #tpu.memory_space<hbm>> -> memref<2048x256xf32, #tpu.memory_space<hbm>>
    tpu.wait_indirect_dma semaphore(%arg23 : memref<!tpu.dma_semaphore, #tpu.memory_space<semaphore_mem>>) src(%dma_wait3A_141 : memref<2048x256xf32, #tpu.memory_space<hbm>>) dst(%arg20 : memref<32x256xf32, #tpu.memory_space<vmem>>)
    %dma_wait3A_142 = arith.constant 96 : i32
    %dma_wait3A_143 = tpu.memref_slice %arg12[%dma_wait3A_142] : memref<128xi32, #tpu.memory_space<vmem>> -> memref<32xi32, #tpu.memory_space<vmem>>
    %dma_wait3A_144 = arith.constant 0 : i32
    %dma_wait3A_145 = arith.constant 0 : i32
    %dma_wait3A_146 = tpu.memref_slice %arg8[%dma_wait3A_144, %dma_wait3A_145] : memref<2048x256xf32, #tpu.memory_space<hbm>> -> memref<2048x256xf32, #tpu.memory_space<hbm>>
    tpu.wait_indirect_dma semaphore(%arg23 : memref<!tpu.dma_semaphore, #tpu.memory_space<semaphore_mem>>) src(%dma_wait3A_146 : memref<2048x256xf32, #tpu.memory_space<hbm>>) dst(%arg21 : memref<32x256xf32, #tpu.memory_space<vmem>>)
    %scan3A_147 = arith.constant 0 : i32
    %scan3A_148 = arith.constant 0 : i32
    %scan3A_149 = arith.constant 32 : i32
    %scan3A_150 = arith.addi %scan3A_148, %scan3A_149 : i32
    %scan3A_151 = arith.constant 1 : i32
    %scan3A_152 = scf.for %scan3A_156 = %scan3A_148 to %scan3A_150 step %scan3A_151 iter_args(%scan3A_157 = %scan3A_147) -> (i32)  : i32 {
      %add3A_158 = arith.constant 96 : i32
      %add3A_159 = arith.addi %add3A_158, %scan3A_156 : i32
      %broadcast_in_dim3A = vector.broadcast %add3A_159 : i32 to vector<16xi32>
      %gather3A = tpu.vector_load_idx %arg13[%broadcast_in_dim3A] : memref<128xf32, #tpu.memory_space<vmem>>[vector<16xi32>], vector<16xf32>,
      %gather3A_160 = tpu.vector_load_idx %arg14[%broadcast_in_dim3A] : memref<128xf32, #tpu.memory_space<vmem>>[vector<16xi32>], vector<16xf32>,
      %gather3A_161 = tpu.vector_load_idx %arg15[%broadcast_in_dim3A] : memref<128xf32, #tpu.memory_space<vmem>>[vector<16xi32>], vector<16xf32>,
      %get3A = arith.index_cast %scan3A_156 : i32 to index
      %get3A_162 = arith.constant 0 : index
      %get3A_163 = tpu.vector_load %arg19[%get3A, %get3A_162] {strides = array<i32>} : memref<32x256xf32, #tpu.memory_space<vmem>>, vector<16xf32>,
      %mul3A_164 = arith.mulf %gather3A, %get3A_163 : vector<16xf32>
      %get3A_165 = arith.index_cast %scan3A_156 : i32 to index
      %get3A_166 = arith.constant 0 : index
      %get3A_167 = tpu.vector_load %arg20[%get3A_165, %get3A_166] {strides = array<i32>} : memref<32x256xf32, #tpu.memory_space<vmem>>, vector<16xf32>,
      %mul3A_168 = arith.mulf %gather3A_160, %get3A_167 : vector<16xf32>
      %add3A_169 = arith.addf %mul3A_164, %mul3A_168 : vector<16xf32>
      %get3A_170 = arith.index_cast %scan3A_156 : i32 to index
      %get3A_171 = arith.constant 0 : index
      %get3A_172 = tpu.vector_load %arg21[%get3A_170, %get3A_171] {strides = array<i32>} : memref<32x256xf32, #tpu.memory_space<vmem>>, vector<16xf32>,
      %mul3A_173 = arith.mulf %gather3A_161, %get3A_172 : vector<16xf32>
      %add3A_174 = arith.addf %add3A_169, %mul3A_173 : vector<16xf32>
      %swap3A = arith.index_cast %scan3A_156 : i32 to index
      %swap3A_175 = arith.constant 0 : index
      %swap3A_176 = tpu.vector_load %arg22[%swap3A, %swap3A_175] {strides = array<i32>} : memref<32x256xf32, #tpu.memory_space<vmem>>, vector<16xf32>,
      tpu.vector_store %arg22[%swap3A, %swap3A_175], %add3A_174 {strides = array<i32>} : memref<32x256xf32, #tpu.memory_space<vmem>>, vector<16xf32>,
      %get3A_177 = arith.index_cast %scan3A_156 : i32 to index
      %get3A_178 = arith.constant 16 : index
      %get3A_179 = tpu.vector_load %arg19[%get3A_177, %get3A_178] {strides = array<i32>} : memref<32x256xf32, #tpu.memory_space<vmem>>, vector<16xf32>,
      %mul3A_180 = arith.mulf %gather3A, %get3A_179 : vector<16xf32>
      %get3A_181 = arith.index_cast %scan3A_156 : i32 to index
      %get3A_182 = arith.constant 16 : index
      %get3A_183 = tpu.vector_load %arg20[%get3A_181, %get3A_182] {strides = array<i32>} : memref<32x256xf32, #tpu.memory_space<vmem>>, vector<16xf32>,
      %mul3A_184 = arith.mulf %gather3A_160, %get3A_183 : vector<16xf32>
      %add3A_185 = arith.addf %mul3A_180, %mul3A_184 : vector<16xf32>
      %get3A_186 = arith.index_cast %scan3A_156 : i32 to index
      %get3A_187 = arith.constant 16 : index
      %get3A_188 = tpu.vector_load %arg21[%get3A_186, %get3A_187] {strides = array<i32>} : memref<32x256xf32, #tpu.memory_space<vmem>>, vector<16xf32>,
      %mul3A_189 = arith.mulf %gather3A_161, %get3A_188 : vector<16xf32>
      %add3A_190 = arith.addf %add3A_185, %mul3A_189 : vector<16xf32>
      %swap3A_191 = arith.index_cast %scan3A_156 : i32 to index
      %swap3A_192 = arith.constant 16 : index
      %swap3A_193 = tpu.vector_load %arg22[%swap3A_191, %swap3A_192] {strides = array<i32>} : memref<32x256xf32, #tpu.memory_space<vmem>>, vector<16xf32>,
      tpu.vector_store %arg22[%swap3A_191, %swap3A_192], %add3A_190 {strides = array<i32>} : memref<32x256xf32, #tpu.memory_space<vmem>>, vector<16xf32>,
      %get3A_194 = arith.index_cast %scan3A_156 : i32 to index
      %get3A_195 = arith.constant 32 : index
      %get3A_196 = tpu.vector_load %arg19[%get3A_194, %get3A_195] {strides = array<i32>} : memref<32x256xf32, #tpu.memory_space<vmem>>, vector<16xf32>,
      %mul3A_197 = arith.mulf %gather3A, %get3A_196 : vector<16xf32>
      %get3A_198 = arith.index_cast %scan3A_156 : i32 to index
      %get3A_199 = arith.constant 32 : index
      %get3A_200 = tpu.vector_load %arg20[%get3A_198, %get3A_199] {strides = array<i32>} : memref<32x256xf32, #tpu.memory_space<vmem>>, vector<16xf32>,
      %mul3A_201 = arith.mulf %gather3A_160, %get3A_200 : vector<16xf32>
      %add3A_202 = arith.addf %mul3A_197, %mul3A_201 : vector<16xf32>
      %get3A_203 = arith.index_cast %scan3A_156 : i32 to index
      %get3A_204 = arith.constant 32 : index
      %get3A_205 = tpu.vector_load %arg21[%get3A_203, %get3A_204] {strides = array<i32>} : memref<32x256xf32, #tpu.memory_space<vmem>>, vector<16xf32>,
      %mul3A_206 = arith.mulf %gather3A_161, %get3A_205 : vector<16xf32>
      %add3A_207 = arith.addf %add3A_202, %mul3A_206 : vector<16xf32>
      %swap3A_208 = arith.index_cast %scan3A_156 : i32 to index
      %swap3A_209 = arith.constant 32 : index
      %swap3A_210 = tpu.vector_load %arg22[%swap3A_208, %swap3A_209] {strides = array<i32>} : memref<32x256xf32, #tpu.memory_space<vmem>>, vector<16xf32>,
      tpu.vector_store %arg22[%swap3A_208, %swap3A_209], %add3A_207 {strides = array<i32>} : memref<32x256xf32, #tpu.memory_space<vmem>>, vector<16xf32>,
      %get3A_211 = arith.index_cast %scan3A_156 : i32 to index
      %get3A_212 = arith.constant 48 : index
      %get3A_213 = tpu.vector_load %arg19[%get3A_211, %get3A_212] {strides = array<i32>} : memref<32x256xf32, #tpu.memory_space<vmem>>, vector<16xf32>,
      %mul3A_214 = arith.mulf %gather3A, %get3A_213 : vector<16xf32>
      %get3A_215 = arith.index_cast %scan3A_156 : i32 to index
      %get3A_216 = arith.constant 48 : index
      %get3A_217 = tpu.vector_load %arg20[%get3A_215, %get3A_216] {strides = array<i32>} : memref<32x256xf32, #tpu.memory_space<vmem>>, vector<16xf32>,
      %mul3A_218 = arith.mulf %gather3A_160, %get3A_217 : vector<16xf32>
      %add3A_219 = arith.addf %mul3A_214, %mul3A_218 : vector<16xf32>
      %get3A_220 = arith.index_cast %scan3A_156 : i32 to index
      %get3A_221 = arith.constant 48 : index
      %get3A_222 = tpu.vector_load %arg21[%get3A_220, %get3A_221] {strides = array<i32>} : memref<32x256xf32, #tpu.memory_space<vmem>>, vector<16xf32>,
      %mul3A_223 = arith.mulf %gather3A_161, %get3A_222 : vector<16xf32>
      %add3A_224 = arith.addf %add3A_219, %mul3A_223 : vector<16xf32>
      %swap3A_225 = arith.index_cast %scan3A_156 : i32 to index
      %swap3A_226 = arith.constant 48 : index
      %swap3A_227 = tpu.vector_load %arg22[%swap3A_225, %swap3A_226] {strides = array<i32>} : memref<32x256xf32, #tpu.memory_space<vmem>>, vector<16xf32>,
      tpu.vector_store %arg22[%swap3A_225, %swap3A_226], %add3A_224 {strides = array<i32>} : memref<32x256xf32, #tpu.memory_space<vmem>>, vector<16xf32>,
      %get3A_228 = arith.index_cast %scan3A_156 : i32 to index
      %get3A_229 = arith.constant 64 : index
      %get3A_230 = tpu.vector_load %arg19[%get3A_228, %get3A_229] {strides = array<i32>} : memref<32x256xf32, #tpu.memory_space<vmem>>, vector<16xf32>,
      %mul3A_231 = arith.mulf %gather3A, %get3A_230 : vector<16xf32>
      %get3A_232 = arith.index_cast %scan3A_156 : i32 to index
      %get3A_233 = arith.constant 64 : index
      %get3A_234 = tpu.vector_load %arg20[%get3A_232, %get3A_233] {strides = array<i32>} : memref<32x256xf32, #tpu.memory_space<vmem>>, vector<16xf32>,
      %mul3A_235 = arith.mulf %gather3A_160, %get3A_234 : vector<16xf32>
      %add3A_236 = arith.addf %mul3A_231, %mul3A_235 : vector<16xf32>
      %get3A_237 = arith.index_cast %scan3A_156 : i32 to index
      %get3A_238 = arith.constant 64 : index
      %get3A_239 = tpu.vector_load %arg21[%get3A_237, %get3A_238] {strides = array<i32>} : memref<32x256xf32, #tpu.memory_space<vmem>>, vector<16xf32>,
      %mul3A_240 = arith.mulf %gather3A_161, %get3A_239 : vector<16xf32>
      %add3A_241 = arith.addf %add3A_236, %mul3A_240 : vector<16xf32>
      %swap3A_242 = arith.index_cast %scan3A_156 : i32 to index
      %swap3A_243 = arith.constant 64 : index
      %swap3A_244 = tpu.vector_load %arg22[%swap3A_242, %swap3A_243] {strides = array<i32>} : memref<32x256xf32, #tpu.memory_space<vmem>>, vector<16xf32>,
      tpu.vector_store %arg22[%swap3A_242, %swap3A_243], %add3A_241 {strides = array<i32>} : memref<32x256xf32, #tpu.memory_space<vmem>>, vector<16xf32>,
      %get3A_245 = arith.index_cast %scan3A_156 : i32 to index
      %get3A_246 = arith.constant 80 : index
      %get3A_247 = tpu.vector_load %arg19[%get3A_245, %get3A_246] {strides = array<i32>} : memref<32x256xf32, #tpu.memory_space<vmem>>, vector<16xf32>,
      %mul3A_248 = arith.mulf %gather3A, %get3A_247 : vector<16xf32>
      %get3A_249 = arith.index_cast %scan3A_156 : i32 to index
      %get3A_250 = arith.constant 80 : index
      %get3A_251 = tpu.vector_load %arg20[%get3A_249, %get3A_250] {strides = array<i32>} : memref<32x256xf32, #tpu.memory_space<vmem>>, vector<16xf32>,
      %mul3A_252 = arith.mulf %gather3A_160, %get3A_251 : vector<16xf32>
      %add3A_253 = arith.addf %mul3A_248, %mul3A_252 : vector<16xf32>
      %get3A_254 = arith.index_cast %scan3A_156 : i32 to index
      %get3A_255 = arith.constant 80 : index
      %get3A_256 = tpu.vector_load %arg21[%get3A_254, %get3A_255] {strides = array<i32>} : memref<32x256xf32, #tpu.memory_space<vmem>>, vector<16xf32>,
      %mul3A_257 = arith.mulf %gather3A_161, %get3A_256 : vector<16xf32>
      %add3A_258 = arith.addf %add3A_253, %mul3A_257 : vector<16xf32>
      %swap3A_259 = arith.index_cast %scan3A_156 : i32 to index
      %swap3A_260 = arith.constant 80 : index
      %swap3A_261 = tpu.vector_load %arg22[%swap3A_259, %swap3A_260] {strides = array<i32>} : memref<32x256xf32, #tpu.memory_space<vmem>>, vector<16xf32>,
      tpu.vector_store %arg22[%swap3A_259, %swap3A_260], %add3A_258 {strides = array<i32>} : memref<32x256xf32, #tpu.memory_space<vmem>>, vector<16xf32>,
      %get3A_262 = arith.index_cast %scan3A_156 : i32 to index
      %get3A_263 = arith.constant 96 : index
      %get3A_264 = tpu.vector_load %arg19[%get3A_262, %get3A_263] {strides = array<i32>} : memref<32x256xf32, #tpu.memory_space<vmem>>, vector<16xf32>,
      %mul3A_265 = arith.mulf %gather3A, %get3A_264 : vector<16xf32>
      %get3A_266 = arith.index_cast %scan3A_156 : i32 to index
      %get3A_267 = arith.constant 96 : index
      %get3A_268 = tpu.vector_load %arg20[%get3A_266, %get3A_267] {strides = array<i32>} : memref<32x256xf32, #tpu.memory_space<vmem>>, vector<16xf32>,
      %mul3A_269 = arith.mulf %gather3A_160, %get3A_268 : vector<16xf32>
      %add3A_270 = arith.addf %mul3A_265, %mul3A_269 : vector<16xf32>
      %get3A_271 = arith.index_cast %scan3A_156 : i32 to index
      %get3A_272 = arith.constant 96 : index
      %get3A_273 = tpu.vector_load %arg21[%get3A_271, %get3A_272] {strides = array<i32>} : memref<32x256xf32, #tpu.memory_space<vmem>>, vector<16xf32>,
      %mul3A_274 = arith.mulf %gather3A_161, %get3A_273 : vector<16xf32>
      %add3A_275 = arith.addf %add3A_270, %mul3A_274 : vector<16xf32>
      %swap3A_276 = arith.index_cast %scan3A_156 : i32 to index
      %swap3A_277 = arith.constant 96 : index
      %swap3A_278 = tpu.vector_load %arg22[%swap3A_276, %swap3A_277] {strides = array<i32>} : memref<32x256xf32, #tpu.memory_space<vmem>>, vector<16xf32>,
      tpu.vector_store %arg22[%swap3A_276, %swap3A_277], %add3A_275 {strides = array<i32>} : memref<32x256xf32, #tpu.memory_space<vmem>>, vector<16xf32>,
      %get3A_279 = arith.index_cast %scan3A_156 : i32 to index
      %get3A_280 = arith.constant 112 : index
      %get3A_281 = tpu.vector_load %arg19[%get3A_279, %get3A_280] {strides = array<i32>} : memref<32x256xf32, #tpu.memory_space<vmem>>, vector<16xf32>,
      %mul3A_282 = arith.mulf %gather3A, %get3A_281 : vector<16xf32>
      %get3A_283 = arith.index_cast %scan3A_156 : i32 to index
      %get3A_284 = arith.constant 112 : index
      %get3A_285 = tpu.vector_load %arg20[%get3A_283, %get3A_284] {strides = array<i32>} : memref<32x256xf32, #tpu.memory_space<vmem>>, vector<16xf32>,
      %mul3A_286 = arith.mulf %gather3A_160, %get3A_285 : vector<16xf32>
      %add3A_287 = arith.addf %mul3A_282, %mul3A_286 : vector<16xf32>
      %get3A_288 = arith.index_cast %scan3A_156 : i32 to index
      %get3A_289 = arith.constant 112 : index
      %get3A_290 = tpu.vector_load %arg21[%get3A_288, %get3A_289] {strides = array<i32>} : memref<32x256xf32, #tpu.memory_space<vmem>>, vector<16xf32>,
      %mul3A_291 = arith.mulf %gather3A_161, %get3A_290 : vector<16xf32>
      %add3A_292 = arith.addf %add3A_287, %mul3A_291 : vector<16xf32>
      %swap3A_293 = arith.index_cast %scan3A_156 : i32 to index
      %swap3A_294 = arith.constant 112 : index
      %swap3A_295 = tpu.vector_load %arg22[%swap3A_293, %swap3A_294] {strides = array<i32>} : memref<32x256xf32, #tpu.memory_space<vmem>>, vector<16xf32>,
      tpu.vector_store %arg22[%swap3A_293, %swap3A_294], %add3A_292 {strides = array<i32>} : memref<32x256xf32, #tpu.memory_space<vmem>>, vector<16xf32>,
      %get3A_296 = arith.index_cast %scan3A_156 : i32 to index
      %get3A_297 = arith.constant 128 : index
      %get3A_298 = tpu.vector_load %arg19[%get3A_296, %get3A_297] {strides = array<i32>} : memref<32x256xf32, #tpu.memory_space<vmem>>, vector<16xf32>,
      %mul3A_299 = arith.mulf %gather3A, %get3A_298 : vector<16xf32>
      %get3A_300 = arith.index_cast %scan3A_156 : i32 to index
      %get3A_301 = arith.constant 128 : index
      %get3A_302 = tpu.vector_load %arg20[%get3A_300, %get3A_301] {strides = array<i32>} : memref<32x256xf32, #tpu.memory_space<vmem>>, vector<16xf32>,
      %mul3A_303 = arith.mulf %gather3A_160, %get3A_302 : vector<16xf32>
      %add3A_304 = arith.addf %mul3A_299, %mul3A_303 : vector<16xf32>
      %get3A_305 = arith.index_cast %scan3A_156 : i32 to index
      %get3A_306 = arith.constant 128 : index
      %get3A_307 = tpu.vector_load %arg21[%get3A_305, %get3A_306] {strides = array<i32>} : memref<32x256xf32, #tpu.memory_space<vmem>>, vector<16xf32>,
      %mul3A_308 = arith.mulf %gather3A_161, %get3A_307 : vector<16xf32>
      %add3A_309 = arith.addf %add3A_304, %mul3A_308 : vector<16xf32>
      %swap3A_310 = arith.index_cast %scan3A_156 : i32 to index
      %swap3A_311 = arith.constant 128 : index
      %swap3A_312 = tpu.vector_load %arg22[%swap3A_310, %swap3A_311] {strides = array<i32>} : memref<32x256xf32, #tpu.memory_space<vmem>>, vector<16xf32>,
      tpu.vector_store %arg22[%swap3A_310, %swap3A_311], %add3A_309 {strides = array<i32>} : memref<32x256xf32, #tpu.memory_space<vmem>>, vector<16xf32>,
      %get3A_313 = arith.index_cast %scan3A_156 : i32 to index
      %get3A_314 = arith.constant 144 : index
      %get3A_315 = tpu.vector_load %arg19[%get3A_313, %get3A_314] {strides = array<i32>} : memref<32x256xf32, #tpu.memory_space<vmem>>, vector<16xf32>,
      %mul3A_316 = arith.mulf %gather3A, %get3A_315 : vector<16xf32>
      %get3A_317 = arith.index_cast %scan3A_156 : i32 to index
      %get3A_318 = arith.constant 144 : index
      %get3A_319 = tpu.vector_load %arg20[%get3A_317, %get3A_318] {strides = array<i32>} : memref<32x256xf32, #tpu.memory_space<vmem>>, vector<16xf32>,
      %mul3A_320 = arith.mulf %gather3A_160, %get3A_319 : vector<16xf32>
      %add3A_321 = arith.addf %mul3A_316, %mul3A_320 : vector<16xf32>
      %get3A_322 = arith.index_cast %scan3A_156 : i32 to index
      %get3A_323 = arith.constant 144 : index
      %get3A_324 = tpu.vector_load %arg21[%get3A_322, %get3A_323] {strides = array<i32>} : memref<32x256xf32, #tpu.memory_space<vmem>>, vector<16xf32>,
      %mul3A_325 = arith.mulf %gather3A_161, %get3A_324 : vector<16xf32>
      %add3A_326 = arith.addf %add3A_321, %mul3A_325 : vector<16xf32>
      %swap3A_327 = arith.index_cast %scan3A_156 : i32 to index
      %swap3A_328 = arith.constant 144 : index
      %swap3A_329 = tpu.vector_load %arg22[%swap3A_327, %swap3A_328] {strides = array<i32>} : memref<32x256xf32, #tpu.memory_space<vmem>>, vector<16xf32>,
      tpu.vector_store %arg22[%swap3A_327, %swap3A_328], %add3A_326 {strides = array<i32>} : memref<32x256xf32, #tpu.memory_space<vmem>>, vector<16xf32>,
      %get3A_330 = arith.index_cast %scan3A_156 : i32 to index
      %get3A_331 = arith.constant 160 : index
      %get3A_332 = tpu.vector_load %arg19[%get3A_330, %get3A_331] {strides = array<i32>} : memref<32x256xf32, #tpu.memory_space<vmem>>, vector<16xf32>,
      %mul3A_333 = arith.mulf %gather3A, %get3A_332 : vector<16xf32>
      %get3A_334 = arith.index_cast %scan3A_156 : i32 to index
      %get3A_335 = arith.constant 160 : index
      %get3A_336 = tpu.vector_load %arg20[%get3A_334, %get3A_335] {strides = array<i32>} : memref<32x256xf32, #tpu.memory_space<vmem>>, vector<16xf32>,
      %mul3A_337 = arith.mulf %gather3A_160, %get3A_336 : vector<16xf32>
      %add3A_338 = arith.addf %mul3A_333, %mul3A_337 : vector<16xf32>
      %get3A_339 = arith.index_cast %scan3A_156 : i32 to index
      %get3A_340 = arith.constant 160 : index
      %get3A_341 = tpu.vector_load %arg21[%get3A_339, %get3A_340] {strides = array<i32>} : memref<32x256xf32, #tpu.memory_space<vmem>>, vector<16xf32>,
      %mul3A_342 = arith.mulf %gather3A_161, %get3A_341 : vector<16xf32>
      %add3A_343 = arith.addf %add3A_338, %mul3A_342 : vector<16xf32>
      %swap3A_344 = arith.index_cast %scan3A_156 : i32 to index
      %swap3A_345 = arith.constant 160 : index
      %swap3A_346 = tpu.vector_load %arg22[%swap3A_344, %swap3A_345] {strides = array<i32>} : memref<32x256xf32, #tpu.memory_space<vmem>>, vector<16xf32>,
      tpu.vector_store %arg22[%swap3A_344, %swap3A_345], %add3A_343 {strides = array<i32>} : memref<32x256xf32, #tpu.memory_space<vmem>>, vector<16xf32>,
      %get3A_347 = arith.index_cast %scan3A_156 : i32 to index
      %get3A_348 = arith.constant 176 : index
      %get3A_349 = tpu.vector_load %arg19[%get3A_347, %get3A_348] {strides = array<i32>} : memref<32x256xf32, #tpu.memory_space<vmem>>, vector<16xf32>,
      %mul3A_350 = arith.mulf %gather3A, %get3A_349 : vector<16xf32>
      %get3A_351 = arith.index_cast %scan3A_156 : i32 to index
      %get3A_352 = arith.constant 176 : index
      %get3A_353 = tpu.vector_load %arg20[%get3A_351, %get3A_352] {strides = array<i32>} : memref<32x256xf32, #tpu.memory_space<vmem>>, vector<16xf32>,
      %mul3A_354 = arith.mulf %gather3A_160, %get3A_353 : vector<16xf32>
      %add3A_355 = arith.addf %mul3A_350, %mul3A_354 : vector<16xf32>
      %get3A_356 = arith.index_cast %scan3A_156 : i32 to index
      %get3A_357 = arith.constant 176 : index
      %get3A_358 = tpu.vector_load %arg21[%get3A_356, %get3A_357] {strides = array<i32>} : memref<32x256xf32, #tpu.memory_space<vmem>>, vector<16xf32>,
      %mul3A_359 = arith.mulf %gather3A_161, %get3A_358 : vector<16xf32>
      %add3A_360 = arith.addf %add3A_355, %mul3A_359 : vector<16xf32>
      %swap3A_361 = arith.index_cast %scan3A_156 : i32 to index
      %swap3A_362 = arith.constant 176 : index
      %swap3A_363 = tpu.vector_load %arg22[%swap3A_361, %swap3A_362] {strides = array<i32>} : memref<32x256xf32, #tpu.memory_space<vmem>>, vector<16xf32>,
      tpu.vector_store %arg22[%swap3A_361, %swap3A_362], %add3A_360 {strides = array<i32>} : memref<32x256xf32, #tpu.memory_space<vmem>>, vector<16xf32>,
      %get3A_364 = arith.index_cast %scan3A_156 : i32 to index
      %get3A_365 = arith.constant 192 : index
      %get3A_366 = tpu.vector_load %arg19[%get3A_364, %get3A_365] {strides = array<i32>} : memref<32x256xf32, #tpu.memory_space<vmem>>, vector<16xf32>,
      %mul3A_367 = arith.mulf %gather3A, %get3A_366 : vector<16xf32>
      %get3A_368 = arith.index_cast %scan3A_156 : i32 to index
      %get3A_369 = arith.constant 192 : index
      %get3A_370 = tpu.vector_load %arg20[%get3A_368, %get3A_369] {strides = array<i32>} : memref<32x256xf32, #tpu.memory_space<vmem>>, vector<16xf32>,
      %mul3A_371 = arith.mulf %gather3A_160, %get3A_370 : vector<16xf32>
      %add3A_372 = arith.addf %mul3A_367, %mul3A_371 : vector<16xf32>
      %get3A_373 = arith.index_cast %scan3A_156 : i32 to index
      %get3A_374 = arith.constant 192 : index
      %get3A_375 = tpu.vector_load %arg21[%get3A_373, %get3A_374] {strides = array<i32>} : memref<32x256xf32, #tpu.memory_space<vmem>>, vector<16xf32>,
      %mul3A_376 = arith.mulf %gather3A_161, %get3A_375 : vector<16xf32>
      %add3A_377 = arith.addf %add3A_372, %mul3A_376 : vector<16xf32>
      %swap3A_378 = arith.index_cast %scan3A_156 : i32 to index
      %swap3A_379 = arith.constant 192 : index
      %swap3A_380 = tpu.vector_load %arg22[%swap3A_378, %swap3A_379] {strides = array<i32>} : memref<32x256xf32, #tpu.memory_space<vmem>>, vector<16xf32>,
      tpu.vector_store %arg22[%swap3A_378, %swap3A_379], %add3A_377 {strides = array<i32>} : memref<32x256xf32, #tpu.memory_space<vmem>>, vector<16xf32>,
      %get3A_381 = arith.index_cast %scan3A_156 : i32 to index
      %get3A_382 = arith.constant 208 : index
      %get3A_383 = tpu.vector_load %arg19[%get3A_381, %get3A_382] {strides = array<i32>} : memref<32x256xf32, #tpu.memory_space<vmem>>, vector<16xf32>,
      %mul3A_384 = arith.mulf %gather3A, %get3A_383 : vector<16xf32>
      %get3A_385 = arith.index_cast %scan3A_156 : i32 to index
      %get3A_386 = arith.constant 208 : index
      %get3A_387 = tpu.vector_load %arg20[%get3A_385, %get3A_386] {strides = array<i32>} : memref<32x256xf32, #tpu.memory_space<vmem>>, vector<16xf32>,
      %mul3A_388 = arith.mulf %gather3A_160, %get3A_387 : vector<16xf32>
      %add3A_389 = arith.addf %mul3A_384, %mul3A_388 : vector<16xf32>
      %get3A_390 = arith.index_cast %scan3A_156 : i32 to index
      %get3A_391 = arith.constant 208 : index
      %get3A_392 = tpu.vector_load %arg21[%get3A_390, %get3A_391] {strides = array<i32>} : memref<32x256xf32, #tpu.memory_space<vmem>>, vector<16xf32>,
      %mul3A_393 = arith.mulf %gather3A_161, %get3A_392 : vector<16xf32>
      %add3A_394 = arith.addf %add3A_389, %mul3A_393 : vector<16xf32>
      %swap3A_395 = arith.index_cast %scan3A_156 : i32 to index
      %swap3A_396 = arith.constant 208 : index
      %swap3A_397 = tpu.vector_load %arg22[%swap3A_395, %swap3A_396] {strides = array<i32>} : memref<32x256xf32, #tpu.memory_space<vmem>>, vector<16xf32>,
      tpu.vector_store %arg22[%swap3A_395, %swap3A_396], %add3A_394 {strides = array<i32>} : memref<32x256xf32, #tpu.memory_space<vmem>>, vector<16xf32>,
      %get3A_398 = arith.index_cast %scan3A_156 : i32 to index
      %get3A_399 = arith.constant 224 : index
      %get3A_400 = tpu.vector_load %arg19[%get3A_398, %get3A_399] {strides = array<i32>} : memref<32x256xf32, #tpu.memory_space<vmem>>, vector<16xf32>,
      %mul3A_401 = arith.mulf %gather3A, %get3A_400 : vector<16xf32>
      %get3A_402 = arith.index_cast %scan3A_156 : i32 to index
      %get3A_403 = arith.constant 224 : index
      %get3A_404 = tpu.vector_load %arg20[%get3A_402, %get3A_403] {strides = array<i32>} : memref<32x256xf32, #tpu.memory_space<vmem>>, vector<16xf32>,
      %mul3A_405 = arith.mulf %gather3A_160, %get3A_404 : vector<16xf32>
      %add3A_406 = arith.addf %mul3A_401, %mul3A_405 : vector<16xf32>
      %get3A_407 = arith.index_cast %scan3A_156 : i32 to index
      %get3A_408 = arith.constant 224 : index
      %get3A_409 = tpu.vector_load %arg21[%get3A_407, %get3A_408] {strides = array<i32>} : memref<32x256xf32, #tpu.memory_space<vmem>>, vector<16xf32>,
      %mul3A_410 = arith.mulf %gather3A_161, %get3A_409 : vector<16xf32>
      %add3A_411 = arith.addf %add3A_406, %mul3A_410 : vector<16xf32>
      %swap3A_412 = arith.index_cast %scan3A_156 : i32 to index
      %swap3A_413 = arith.constant 224 : index
      %swap3A_414 = tpu.vector_load %arg22[%swap3A_412, %swap3A_413] {strides = array<i32>} : memref<32x256xf32, #tpu.memory_space<vmem>>, vector<16xf32>,
      tpu.vector_store %arg22[%swap3A_412, %swap3A_413], %add3A_411 {strides = array<i32>} : memref<32x256xf32, #tpu.memory_space<vmem>>, vector<16xf32>,
      %get3A_415 = arith.index_cast %scan3A_156 : i32 to index
      %get3A_416 = arith.constant 240 : index
      %get3A_417 = tpu.vector_load %arg19[%get3A_415, %get3A_416] {strides = array<i32>} : memref<32x256xf32, #tpu.memory_space<vmem>>, vector<16xf32>,
      %mul3A_418 = arith.mulf %gather3A, %get3A_417 : vector<16xf32>
      %get3A_419 = arith.index_cast %scan3A_156 : i32 to index
      %get3A_420 = arith.constant 240 : index
      %get3A_421 = tpu.vector_load %arg20[%get3A_419, %get3A_420] {strides = array<i32>} : memref<32x256xf32, #tpu.memory_space<vmem>>, vector<16xf32>,
      %mul3A_422 = arith.mulf %gather3A_160, %get3A_421 : vector<16xf32>
      %add3A_423 = arith.addf %mul3A_418, %mul3A_422 : vector<16xf32>
      %get3A_424 = arith.index_cast %scan3A_156 : i32 to index
      %get3A_425 = arith.constant 240 : index
      %get3A_426 = tpu.vector_load %arg21[%get3A_424, %get3A_425] {strides = array<i32>} : memref<32x256xf32, #tpu.memory_space<vmem>>, vector<16xf32>,
      %mul3A_427 = arith.mulf %gather3A_161, %get3A_426 : vector<16xf32>
      %add3A_428 = arith.addf %add3A_423, %mul3A_427 : vector<16xf32>
      %swap3A_429 = arith.index_cast %scan3A_156 : i32 to index
      %swap3A_430 = arith.constant 240 : index
      %swap3A_431 = tpu.vector_load %arg22[%swap3A_429, %swap3A_430] {strides = array<i32>} : memref<32x256xf32, #tpu.memory_space<vmem>>, vector<16xf32>,
      tpu.vector_store %arg22[%swap3A_429, %swap3A_430], %add3A_428 {strides = array<i32>} : memref<32x256xf32, #tpu.memory_space<vmem>>, vector<16xf32>,
      %scan3A_432 = arith.constant 0 : i32
      scf.yield %scan3A_432 : i32
    }
    %scan3A_153 = arith.constant 32 : i32
    %add3A_154 = arith.constant 96 : i32
    %add3A_155 = arith.addi %mul3A_2, %add3A_154 : i32
    "tpu.region"() ({
      %run_scoped3A = tpu.sem_alloc : memref<!tpu.dma_semaphore, #tpu.memory_space<semaphore_mem>>
      %dma_start3A_156 = arith.constant 0 : i32
      %dma_start3A_157 = tpu.memref_slice %arg9[%add3A_155, %dma_start3A_156] : memref<4096x256xf32, #tpu.memory_space<hbm>> -> memref<32x256xf32, #tpu.memory_space<hbm>>
      %dma_start3A_158 = arith.constant 0 : i32
      %dma_start3A_159 = tpu.memref_slice %arg9[%add3A_155, %dma_start3A_158] : memref<4096x256xf32, #tpu.memory_space<hbm>> -> memref<32x256xf32, #tpu.memory_space<hbm>>
      tpu.enqueue_dma source(%arg22 : memref<32x256xf32, #tpu.memory_space<vmem>>) target(%dma_start3A_159 : memref<32x256xf32, #tpu.memory_space<hbm>>) target_semaphore(%run_scoped3A : memref<!tpu.dma_semaphore, #tpu.memory_space<semaphore_mem>>)
      %dma_wait3A_160 = arith.constant 0 : i32
      %dma_wait3A_161 = tpu.memref_slice %arg9[%add3A_155, %dma_wait3A_160] : memref<4096x256xf32, #tpu.memory_space<hbm>> -> memref<32x256xf32, #tpu.memory_space<hbm>>
      %dma_wait3A_162 = arith.constant 0 : i32
      %dma_wait3A_163 = tpu.memref_slice %arg9[%add3A_155, %dma_wait3A_162] : memref<4096x256xf32, #tpu.memory_space<hbm>> -> memref<32x256xf32, #tpu.memory_space<hbm>>
      tpu.wait_dma2 semaphore(%run_scoped3A : memref<!tpu.dma_semaphore, #tpu.memory_space<semaphore_mem>>) src(%arg22 : memref<32x256xf32, #tpu.memory_space<vmem>>) dst(%dma_wait3A_163 : memref<32x256xf32, #tpu.memory_space<hbm>>)
      tpu.yield
    }) : () -> ()
    return
  }
}

#map = affine_map<(d0, d1) -> (0)>
#map1 = affine_map<(d0, d1) -> (0, 0)>
module attributes {stable_mosaic.version = 14 : i64} {
  func.func @_sc_body(%arg0: i32, %arg1: i32, %arg2: memref<4096xi32, #tpu.memory_space<hbm>>, %arg3: memref<4096xi32, #tpu.memory_space<hbm>>, %arg4: memref<4096xi32, #tpu.memory_space<hbm>>, %arg5: memref<4096xf32, #tpu.memory_space<hbm>>, %arg6: memref<4096xf32, #tpu.memory_space<hbm>>, %arg7: memref<4096xf32, #tpu.memory_space<hbm>>, %arg8: memref<2048x256xf32, #tpu.memory_space<hbm>>, %arg9: memref<4096x256xf32, #tpu.memory_space<hbm>>, %arg10: memref<128xi32, #tpu.memory_space<vmem>>, %arg11: memref<128xi32, #tpu.memory_space<vmem>>, %arg12: memref<128xi32, #tpu.memory_space<vmem>>, %arg13: memref<128xf32, #tpu.memory_space<vmem>>, %arg14: memref<128xf32, #tpu.memory_space<vmem>>, %arg15: memref<128xf32, #tpu.memory_space<vmem>>, %arg16: memref<32x256xf32, #tpu.memory_space<vmem>>, %arg17: memref<32x256xf32, #tpu.memory_space<vmem>>, %arg18: memref<32x256xf32, #tpu.memory_space<vmem>>, %arg19: memref<32x256xf32, #tpu.memory_space<vmem>>, %arg20: memref<32x256xf32, #tpu.memory_space<vmem>>, %arg21: memref<32x256xf32, #tpu.memory_space<vmem>>, %arg22: memref<32x256xf32, #tpu.memory_space<vmem>>, %arg23: memref<!tpu.dma_semaphore, #tpu.memory_space<semaphore_mem>>) attributes {dimension_semantics = [#tpu.dimension_semantics<core_parallel>, #tpu.dimension_semantics<subcore_parallel>], iteration_bounds = array<i64: 2, 16>, scalar_prefetch = 0 : i64, scratch_operands = 14 : i64, tpu.core_type = #tpu.core_type<sc_vector_subcore>, window_params = [{transform_indices = #map}, {transform_indices = #map}, {transform_indices = #map}, {transform_indices = #map}, {transform_indices = #map}, {transform_indices = #map}, {transform_indices = #map1}, {transform_indices = #map1}]} {
    %mul3A = arith.constant 2 : i32
    %mul3A_0 = arith.muli %arg1, %mul3A : i32
    %add3A = arith.addi %mul3A_0, %arg0 : i32
    %mul3A_1 = arith.constant 128 : i32
    %mul3A_2 = arith.muli %add3A, %mul3A_1 : i32
    "tpu.region"() ({
      %run_scoped3A = tpu.sem_alloc : memref<!tpu.dma_semaphore, #tpu.memory_space<semaphore_mem>>
      %dma_start3A_156 = tpu.memref_slice %arg2[%mul3A_2] : memref<4096xi32, #tpu.memory_space<hbm>> -> memref<128xi32, #tpu.memory_space<hbm>>
      %dma_start3A_157 = tpu.memref_slice %arg2[%mul3A_2] : memref<4096xi32, #tpu.memory_space<hbm>> -> memref<128xi32, #tpu.memory_space<hbm>>
      tpu.enqueue_dma source(%dma_start3A_157 : memref<128xi32, #tpu.memory_space<hbm>>) target(%arg10 : memref<128xi32, #tpu.memory_space<vmem>>) target_semaphore(%run_scoped3A : memref<!tpu.dma_semaphore, #tpu.memory_space<semaphore_mem>>)
      %dma_wait3A_158 = tpu.memref_slice %arg2[%mul3A_2] : memref<4096xi32, #tpu.memory_space<hbm>> -> memref<128xi32, #tpu.memory_space<hbm>>
      %dma_wait3A_159 = tpu.memref_slice %arg2[%mul3A_2] : memref<4096xi32, #tpu.memory_space<hbm>> -> memref<128xi32, #tpu.memory_space<hbm>>
      tpu.wait_dma2 semaphore(%run_scoped3A : memref<!tpu.dma_semaphore, #tpu.memory_space<semaphore_mem>>) src(%dma_wait3A_159 : memref<128xi32, #tpu.memory_space<hbm>>) dst(%arg10 : memref<128xi32, #tpu.memory_space<vmem>>)
      tpu.yield
    }) : () -> ()
    "tpu.region"() ({
      %run_scoped3A = tpu.sem_alloc : memref<!tpu.dma_semaphore, #tpu.memory_space<semaphore_mem>>
      %dma_start3A_156 = tpu.memref_slice %arg3[%mul3A_2] : memref<4096xi32, #tpu.memory_space<hbm>> -> memref<128xi32, #tpu.memory_space<hbm>>
      %dma_start3A_157 = tpu.memref_slice %arg3[%mul3A_2] : memref<4096xi32, #tpu.memory_space<hbm>> -> memref<128xi32, #tpu.memory_space<hbm>>
      tpu.enqueue_dma source(%dma_start3A_157 : memref<128xi32, #tpu.memory_space<hbm>>) target(%arg11 : memref<128xi32, #tpu.memory_space<vmem>>) target_semaphore(%run_scoped3A : memref<!tpu.dma_semaphore, #tpu.memory_space<semaphore_mem>>)
      %dma_wait3A_158 = tpu.memref_slice %arg3[%mul3A_2] : memref<4096xi32, #tpu.memory_space<hbm>> -> memref<128xi32, #tpu.memory_space<hbm>>
      %dma_wait3A_159 = tpu.memref_slice %arg3[%mul3A_2] : memref<4096xi32, #tpu.memory_space<hbm>> -> memref<128xi32, #tpu.memory_space<hbm>>
      tpu.wait_dma2 semaphore(%run_scoped3A : memref<!tpu.dma_semaphore, #tpu.memory_space<semaphore_mem>>) src(%dma_wait3A_159 : memref<128xi32, #tpu.memory_space<hbm>>) dst(%arg11 : memref<128xi32, #tpu.memory_space<vmem>>)
      tpu.yield
    }) : () -> ()
    "tpu.region"() ({
      %run_scoped3A = tpu.sem_alloc : memref<!tpu.dma_semaphore, #tpu.memory_space<semaphore_mem>>
      %dma_start3A_156 = tpu.memref_slice %arg4[%mul3A_2] : memref<4096xi32, #tpu.memory_space<hbm>> -> memref<128xi32, #tpu.memory_space<hbm>>
      %dma_start3A_157 = tpu.memref_slice %arg4[%mul3A_2] : memref<4096xi32, #tpu.memory_space<hbm>> -> memref<128xi32, #tpu.memory_space<hbm>>
      tpu.enqueue_dma source(%dma_start3A_157 : memref<128xi32, #tpu.memory_space<hbm>>) target(%arg12 : memref<128xi32, #tpu.memory_space<vmem>>) target_semaphore(%run_scoped3A : memref<!tpu.dma_semaphore, #tpu.memory_space<semaphore_mem>>)
      %dma_wait3A_158 = tpu.memref_slice %arg4[%mul3A_2] : memref<4096xi32, #tpu.memory_space<hbm>> -> memref<128xi32, #tpu.memory_space<hbm>>
      %dma_wait3A_159 = tpu.memref_slice %arg4[%mul3A_2] : memref<4096xi32, #tpu.memory_space<hbm>> -> memref<128xi32, #tpu.memory_space<hbm>>
      tpu.wait_dma2 semaphore(%run_scoped3A : memref<!tpu.dma_semaphore, #tpu.memory_space<semaphore_mem>>) src(%dma_wait3A_159 : memref<128xi32, #tpu.memory_space<hbm>>) dst(%arg12 : memref<128xi32, #tpu.memory_space<vmem>>)
      tpu.yield
    }) : () -> ()
    "tpu.region"() ({
      %run_scoped3A = tpu.sem_alloc : memref<!tpu.dma_semaphore, #tpu.memory_space<semaphore_mem>>
      %dma_start3A_156 = tpu.memref_slice %arg5[%mul3A_2] : memref<4096xf32, #tpu.memory_space<hbm>> -> memref<128xf32, #tpu.memory_space<hbm>>
      %dma_start3A_157 = tpu.memref_slice %arg5[%mul3A_2] : memref<4096xf32, #tpu.memory_space<hbm>> -> memref<128xf32, #tpu.memory_space<hbm>>
      tpu.enqueue_dma source(%dma_start3A_157 : memref<128xf32, #tpu.memory_space<hbm>>) target(%arg13 : memref<128xf32, #tpu.memory_space<vmem>>) target_semaphore(%run_scoped3A : memref<!tpu.dma_semaphore, #tpu.memory_space<semaphore_mem>>)
      %dma_wait3A_158 = tpu.memref_slice %arg5[%mul3A_2] : memref<4096xf32, #tpu.memory_space<hbm>> -> memref<128xf32, #tpu.memory_space<hbm>>
      %dma_wait3A_159 = tpu.memref_slice %arg5[%mul3A_2] : memref<4096xf32, #tpu.memory_space<hbm>> -> memref<128xf32, #tpu.memory_space<hbm>>
      tpu.wait_dma2 semaphore(%run_scoped3A : memref<!tpu.dma_semaphore, #tpu.memory_space<semaphore_mem>>) src(%dma_wait3A_159 : memref<128xf32, #tpu.memory_space<hbm>>) dst(%arg13 : memref<128xf32, #tpu.memory_space<vmem>>)
      tpu.yield
    }) : () -> ()
    "tpu.region"() ({
      %run_scoped3A = tpu.sem_alloc : memref<!tpu.dma_semaphore, #tpu.memory_space<semaphore_mem>>
      %dma_start3A_156 = tpu.memref_slice %arg6[%mul3A_2] : memref<4096xf32, #tpu.memory_space<hbm>> -> memref<128xf32, #tpu.memory_space<hbm>>
      %dma_start3A_157 = tpu.memref_slice %arg6[%mul3A_2] : memref<4096xf32, #tpu.memory_space<hbm>> -> memref<128xf32, #tpu.memory_space<hbm>>
      tpu.enqueue_dma source(%dma_start3A_157 : memref<128xf32, #tpu.memory_space<hbm>>) target(%arg14 : memref<128xf32, #tpu.memory_space<vmem>>) target_semaphore(%run_scoped3A : memref<!tpu.dma_semaphore, #tpu.memory_space<semaphore_mem>>)
      %dma_wait3A_158 = tpu.memref_slice %arg6[%mul3A_2] : memref<4096xf32, #tpu.memory_space<hbm>> -> memref<128xf32, #tpu.memory_space<hbm>>
      %dma_wait3A_159 = tpu.memref_slice %arg6[%mul3A_2] : memref<4096xf32, #tpu.memory_space<hbm>> -> memref<128xf32, #tpu.memory_space<hbm>>
      tpu.wait_dma2 semaphore(%run_scoped3A : memref<!tpu.dma_semaphore, #tpu.memory_space<semaphore_mem>>) src(%dma_wait3A_159 : memref<128xf32, #tpu.memory_space<hbm>>) dst(%arg14 : memref<128xf32, #tpu.memory_space<vmem>>)
      tpu.yield
    }) : () -> ()
    "tpu.region"() ({
      %run_scoped3A = tpu.sem_alloc : memref<!tpu.dma_semaphore, #tpu.memory_space<semaphore_mem>>
      %dma_start3A_156 = tpu.memref_slice %arg7[%mul3A_2] : memref<4096xf32, #tpu.memory_space<hbm>> -> memref<128xf32, #tpu.memory_space<hbm>>
      %dma_start3A_157 = tpu.memref_slice %arg7[%mul3A_2] : memref<4096xf32, #tpu.memory_space<hbm>> -> memref<128xf32, #tpu.memory_space<hbm>>
      tpu.enqueue_dma source(%dma_start3A_157 : memref<128xf32, #tpu.memory_space<hbm>>) target(%arg15 : memref<128xf32, #tpu.memory_space<vmem>>) target_semaphore(%run_scoped3A : memref<!tpu.dma_semaphore, #tpu.memory_space<semaphore_mem>>)
      %dma_wait3A_158 = tpu.memref_slice %arg7[%mul3A_2] : memref<4096xf32, #tpu.memory_space<hbm>> -> memref<128xf32, #tpu.memory_space<hbm>>
      %dma_wait3A_159 = tpu.memref_slice %arg7[%mul3A_2] : memref<4096xf32, #tpu.memory_space<hbm>> -> memref<128xf32, #tpu.memory_space<hbm>>
      tpu.wait_dma2 semaphore(%run_scoped3A : memref<!tpu.dma_semaphore, #tpu.memory_space<semaphore_mem>>) src(%dma_wait3A_159 : memref<128xf32, #tpu.memory_space<hbm>>) dst(%arg15 : memref<128xf32, #tpu.memory_space<vmem>>)
      tpu.yield
    }) : () -> ()
    %dma_start3A = arith.constant 0 : i32
    %dma_start3A_3 = tpu.memref_slice %arg10[%dma_start3A] : memref<128xi32, #tpu.memory_space<vmem>> -> memref<32xi32, #tpu.memory_space<vmem>>
    %dma_start3A_4 = arith.constant 0 : i32
    %dma_start3A_5 = arith.constant 0 : i32
    %dma_start3A_6 = tpu.memref_slice %arg8[%dma_start3A_4, %dma_start3A_5] : memref<2048x256xf32, #tpu.memory_space<hbm>> -> memref<2048x256xf32, #tpu.memory_space<hbm>>
    tpu.enqueue_indirect_dma source(%dma_start3A_6 : memref<2048x256xf32, #tpu.memory_space<hbm>>) target(%arg16 : memref<32x256xf32, #tpu.memory_space<vmem>>) offsets(%dma_start3A_3 : memref<32xi32, #tpu.memory_space<vmem>>) semaphore(%arg23 : memref<!tpu.dma_semaphore, #tpu.memory_space<semaphore_mem>>)
    %dma_start3A_7 = arith.constant 0 : i32
    %dma_start3A_8 = tpu.memref_slice %arg11[%dma_start3A_7] : memref<128xi32, #tpu.memory_space<vmem>> -> memref<32xi32, #tpu.memory_space<vmem>>
    %dma_start3A_9 = arith.constant 0 : i32
    %dma_start3A_10 = arith.constant 0 : i32
    %dma_start3A_11 = tpu.memref_slice %arg8[%dma_start3A_9, %dma_start3A_10] : memref<2048x256xf32, #tpu.memory_space<hbm>> -> memref<2048x256xf32, #tpu.memory_space<hbm>>
    tpu.enqueue_indirect_dma source(%dma_start3A_11 : memref<2048x256xf32, #tpu.memory_space<hbm>>) target(%arg17 : memref<32x256xf32, #tpu.memory_space<vmem>>) offsets(%dma_start3A_8 : memref<32xi32, #tpu.memory_space<vmem>>) semaphore(%arg23 : memref<!tpu.dma_semaphore, #tpu.memory_space<semaphore_mem>>)
    %dma_start3A_12 = arith.constant 0 : i32
    %dma_start3A_13 = tpu.memref_slice %arg12[%dma_start3A_12] : memref<128xi32, #tpu.memory_space<vmem>> -> memref<32xi32, #tpu.memory_space<vmem>>
    %dma_start3A_14 = arith.constant 0 : i32
    %dma_start3A_15 = arith.constant 0 : i32
    %dma_start3A_16 = tpu.memref_slice %arg8[%dma_start3A_14, %dma_start3A_15] : memref<2048x256xf32, #tpu.memory_space<hbm>> -> memref<2048x256xf32, #tpu.memory_space<hbm>>
    tpu.enqueue_indirect_dma source(%dma_start3A_16 : memref<2048x256xf32, #tpu.memory_space<hbm>>) target(%arg18 : memref<32x256xf32, #tpu.memory_space<vmem>>) offsets(%dma_start3A_13 : memref<32xi32, #tpu.memory_space<vmem>>) semaphore(%arg23 : memref<!tpu.dma_semaphore, #tpu.memory_space<semaphore_mem>>)
    %dma_wait3A = arith.constant 0 : i32
    %dma_wait3A_17 = tpu.memref_slice %arg10[%dma_wait3A] : memref<128xi32, #tpu.memory_space<vmem>> -> memref<32xi32, #tpu.memory_space<vmem>>
    %dma_wait3A_18 = arith.constant 0 : i32
    %dma_wait3A_19 = arith.constant 0 : i32
    %dma_wait3A_20 = tpu.memref_slice %arg8[%dma_wait3A_18, %dma_wait3A_19] : memref<2048x256xf32, #tpu.memory_space<hbm>> -> memref<2048x256xf32, #tpu.memory_space<hbm>>
    tpu.wait_indirect_dma semaphore(%arg23 : memref<!tpu.dma_semaphore, #tpu.memory_space<semaphore_mem>>) src(%dma_wait3A_20 : memref<2048x256xf32, #tpu.memory_space<hbm>>) dst(%arg16 : memref<32x256xf32, #tpu.memory_space<vmem>>)
    %dma_wait3A_21 = arith.constant 0 : i32
    %dma_wait3A_22 = tpu.memref_slice %arg11[%dma_wait3A_21] : memref<128xi32, #tpu.memory_space<vmem>> -> memref<32xi32, #tpu.memory_space<vmem>>
    %dma_wait3A_23 = arith.constant 0 : i32
    %dma_wait3A_24 = arith.constant 0 : i32
    %dma_wait3A_25 = tpu.memref_slice %arg8[%dma_wait3A_23, %dma_wait3A_24] : memref<2048x256xf32, #tpu.memory_space<hbm>> -> memref<2048x256xf32, #tpu.memory_space<hbm>>
    tpu.wait_indirect_dma semaphore(%arg23 : memref<!tpu.dma_semaphore, #tpu.memory_space<semaphore_mem>>) src(%dma_wait3A_25 : memref<2048x256xf32, #tpu.memory_space<hbm>>) dst(%arg17 : memref<32x256xf32, #tpu.memory_space<vmem>>)
    %dma_wait3A_26 = arith.constant 0 : i32
    %dma_wait3A_27 = tpu.memref_slice %arg12[%dma_wait3A_26] : memref<128xi32, #tpu.memory_space<vmem>> -> memref<32xi32, #tpu.memory_space<vmem>>
    %dma_wait3A_28 = arith.constant 0 : i32
    %dma_wait3A_29 = arith.constant 0 : i32
    %dma_wait3A_30 = tpu.memref_slice %arg8[%dma_wait3A_28, %dma_wait3A_29] : memref<2048x256xf32, #tpu.memory_space<hbm>> -> memref<2048x256xf32, #tpu.memory_space<hbm>>
    tpu.wait_indirect_dma semaphore(%arg23 : memref<!tpu.dma_semaphore, #tpu.memory_space<semaphore_mem>>) src(%dma_wait3A_30 : memref<2048x256xf32, #tpu.memory_space<hbm>>) dst(%arg18 : memref<32x256xf32, #tpu.memory_space<vmem>>)
    %dma_start3A_31 = arith.constant 32 : i32
    %dma_start3A_32 = tpu.memref_slice %arg10[%dma_start3A_31] : memref<128xi32, #tpu.memory_space<vmem>> -> memref<32xi32, #tpu.memory_space<vmem>>
    %dma_start3A_33 = arith.constant 0 : i32
    %dma_start3A_34 = arith.constant 0 : i32
    %dma_start3A_35 = tpu.memref_slice %arg8[%dma_start3A_33, %dma_start3A_34] : memref<2048x256xf32, #tpu.memory_space<hbm>> -> memref<2048x256xf32, #tpu.memory_space<hbm>>
    tpu.enqueue_indirect_dma source(%dma_start3A_35 : memref<2048x256xf32, #tpu.memory_space<hbm>>) target(%arg19 : memref<32x256xf32, #tpu.memory_space<vmem>>) offsets(%dma_start3A_32 : memref<32xi32, #tpu.memory_space<vmem>>) semaphore(%arg23 : memref<!tpu.dma_semaphore, #tpu.memory_space<semaphore_mem>>)
    %dma_start3A_36 = arith.constant 32 : i32
    %dma_start3A_37 = tpu.memref_slice %arg11[%dma_start3A_36] : memref<128xi32, #tpu.memory_space<vmem>> -> memref<32xi32, #tpu.memory_space<vmem>>
    %dma_start3A_38 = arith.constant 0 : i32
    %dma_start3A_39 = arith.constant 0 : i32
    %dma_start3A_40 = tpu.memref_slice %arg8[%dma_start3A_38, %dma_start3A_39] : memref<2048x256xf32, #tpu.memory_space<hbm>> -> memref<2048x256xf32, #tpu.memory_space<hbm>>
    tpu.enqueue_indirect_dma source(%dma_start3A_40 : memref<2048x256xf32, #tpu.memory_space<hbm>>) target(%arg20 : memref<32x256xf32, #tpu.memory_space<vmem>>) offsets(%dma_start3A_37 : memref<32xi32, #tpu.memory_space<vmem>>) semaphore(%arg23 : memref<!tpu.dma_semaphore, #tpu.memory_space<semaphore_mem>>)
    %dma_start3A_41 = arith.constant 32 : i32
    %dma_start3A_42 = tpu.memref_slice %arg12[%dma_start3A_41] : memref<128xi32, #tpu.memory_space<vmem>> -> memref<32xi32, #tpu.memory_space<vmem>>
    %dma_start3A_43 = arith.constant 0 : i32
    %dma_start3A_44 = arith.constant 0 : i32
    %dma_start3A_45 = tpu.memref_slice %arg8[%dma_start3A_43, %dma_start3A_44] : memref<2048x256xf32, #tpu.memory_space<hbm>> -> memref<2048x256xf32, #tpu.memory_space<hbm>>
    tpu.enqueue_indirect_dma source(%dma_start3A_45 : memref<2048x256xf32, #tpu.memory_space<hbm>>) target(%arg21 : memref<32x256xf32, #tpu.memory_space<vmem>>) offsets(%dma_start3A_42 : memref<32xi32, #tpu.memory_space<vmem>>) semaphore(%arg23 : memref<!tpu.dma_semaphore, #tpu.memory_space<semaphore_mem>>)
    %scan3A = arith.constant 0 : i32
    %scan3A_46 = arith.constant 0 : i32
    %scan3A_47 = arith.constant 32 : i32
    %scan3A_48 = arith.addi %scan3A_46, %scan3A_47 : i32
    %scan3A_49 = arith.constant 1 : i32
    %scan3A_50 = scf.for %scan3A_156 = %scan3A_46 to %scan3A_48 step %scan3A_49 iter_args(%scan3A_157 = %scan3A) -> (i32)  : i32 {
      %add3A_158 = arith.constant 0 : i32
      %add3A_159 = arith.addi %add3A_158, %scan3A_156 : i32
      %broadcast_in_dim3A = vector.broadcast %add3A_159 : i32 to vector<16xi32>
      %gather3A = tpu.vector_load_idx %arg13[%broadcast_in_dim3A] : memref<128xf32, #tpu.memory_space<vmem>>[vector<16xi32>], vector<16xf32>,
      %gather3A_160 = tpu.vector_load_idx %arg14[%broadcast_in_dim3A] : memref<128xf32, #tpu.memory_space<vmem>>[vector<16xi32>], vector<16xf32>,
      %gather3A_161 = tpu.vector_load_idx %arg15[%broadcast_in_dim3A] : memref<128xf32, #tpu.memory_space<vmem>>[vector<16xi32>], vector<16xf32>,
      %get3A = arith.index_cast %scan3A_156 : i32 to index
      %get3A_162 = arith.constant 0 : index
      %get3A_163 = tpu.vector_load %arg16[%get3A, %get3A_162] {strides = array<i32>} : memref<32x256xf32, #tpu.memory_space<vmem>>, vector<16xf32>,
      %mul3A_164 = arith.mulf %gather3A, %get3A_163 : vector<16xf32>
      %get3A_165 = arith.index_cast %scan3A_156 : i32 to index
      %get3A_166 = arith.constant 0 : index
      %get3A_167 = tpu.vector_load %arg17[%get3A_165, %get3A_166] {strides = array<i32>} : memref<32x256xf32, #tpu.memory_space<vmem>>, vector<16xf32>,
      %mul3A_168 = arith.mulf %gather3A_160, %get3A_167 : vector<16xf32>
      %add3A_169 = arith.addf %mul3A_164, %mul3A_168 : vector<16xf32>
      %get3A_170 = arith.index_cast %scan3A_156 : i32 to index
      %get3A_171 = arith.constant 0 : index
      %get3A_172 = tpu.vector_load %arg18[%get3A_170, %get3A_171] {strides = array<i32>} : memref<32x256xf32, #tpu.memory_space<vmem>>, vector<16xf32>,
      %mul3A_173 = arith.mulf %gather3A_161, %get3A_172 : vector<16xf32>
      %add3A_174 = arith.addf %add3A_169, %mul3A_173 : vector<16xf32>
      %swap3A = arith.index_cast %scan3A_156 : i32 to index
      %swap3A_175 = arith.constant 0 : index
      %swap3A_176 = tpu.vector_load %arg22[%swap3A, %swap3A_175] {strides = array<i32>} : memref<32x256xf32, #tpu.memory_space<vmem>>, vector<16xf32>,
      tpu.vector_store %arg22[%swap3A, %swap3A_175], %add3A_174 {strides = array<i32>} : memref<32x256xf32, #tpu.memory_space<vmem>>, vector<16xf32>,
      %get3A_177 = arith.index_cast %scan3A_156 : i32 to index
      %get3A_178 = arith.constant 16 : index
      %get3A_179 = tpu.vector_load %arg16[%get3A_177, %get3A_178] {strides = array<i32>} : memref<32x256xf32, #tpu.memory_space<vmem>>, vector<16xf32>,
      %mul3A_180 = arith.mulf %gather3A, %get3A_179 : vector<16xf32>
      %get3A_181 = arith.index_cast %scan3A_156 : i32 to index
      %get3A_182 = arith.constant 16 : index
      %get3A_183 = tpu.vector_load %arg17[%get3A_181, %get3A_182] {strides = array<i32>} : memref<32x256xf32, #tpu.memory_space<vmem>>, vector<16xf32>,
      %mul3A_184 = arith.mulf %gather3A_160, %get3A_183 : vector<16xf32>
      %add3A_185 = arith.addf %mul3A_180, %mul3A_184 : vector<16xf32>
      %get3A_186 = arith.index_cast %scan3A_156 : i32 to index
      %get3A_187 = arith.constant 16 : index
      %get3A_188 = tpu.vector_load %arg18[%get3A_186, %get3A_187] {strides = array<i32>} : memref<32x256xf32, #tpu.memory_space<vmem>>, vector<16xf32>,
      %mul3A_189 = arith.mulf %gather3A_161, %get3A_188 : vector<16xf32>
      %add3A_190 = arith.addf %add3A_185, %mul3A_189 : vector<16xf32>
      %swap3A_191 = arith.index_cast %scan3A_156 : i32 to index
      %swap3A_192 = arith.constant 16 : index
      %swap3A_193 = tpu.vector_load %arg22[%swap3A_191, %swap3A_192] {strides = array<i32>} : memref<32x256xf32, #tpu.memory_space<vmem>>, vector<16xf32>,
      tpu.vector_store %arg22[%swap3A_191, %swap3A_192], %add3A_190 {strides = array<i32>} : memref<32x256xf32, #tpu.memory_space<vmem>>, vector<16xf32>,
      %get3A_194 = arith.index_cast %scan3A_156 : i32 to index
      %get3A_195 = arith.constant 32 : index
      %get3A_196 = tpu.vector_load %arg16[%get3A_194, %get3A_195] {strides = array<i32>} : memref<32x256xf32, #tpu.memory_space<vmem>>, vector<16xf32>,
      %mul3A_197 = arith.mulf %gather3A, %get3A_196 : vector<16xf32>
      %get3A_198 = arith.index_cast %scan3A_156 : i32 to index
      %get3A_199 = arith.constant 32 : index
      %get3A_200 = tpu.vector_load %arg17[%get3A_198, %get3A_199] {strides = array<i32>} : memref<32x256xf32, #tpu.memory_space<vmem>>, vector<16xf32>,
      %mul3A_201 = arith.mulf %gather3A_160, %get3A_200 : vector<16xf32>
      %add3A_202 = arith.addf %mul3A_197, %mul3A_201 : vector<16xf32>
      %get3A_203 = arith.index_cast %scan3A_156 : i32 to index
      %get3A_204 = arith.constant 32 : index
      %get3A_205 = tpu.vector_load %arg18[%get3A_203, %get3A_204] {strides = array<i32>} : memref<32x256xf32, #tpu.memory_space<vmem>>, vector<16xf32>,
      %mul3A_206 = arith.mulf %gather3A_161, %get3A_205 : vector<16xf32>
      %add3A_207 = arith.addf %add3A_202, %mul3A_206 : vector<16xf32>
      %swap3A_208 = arith.index_cast %scan3A_156 : i32 to index
      %swap3A_209 = arith.constant 32 : index
      %swap3A_210 = tpu.vector_load %arg22[%swap3A_208, %swap3A_209] {strides = array<i32>} : memref<32x256xf32, #tpu.memory_space<vmem>>, vector<16xf32>,
      tpu.vector_store %arg22[%swap3A_208, %swap3A_209], %add3A_207 {strides = array<i32>} : memref<32x256xf32, #tpu.memory_space<vmem>>, vector<16xf32>,
      %get3A_211 = arith.index_cast %scan3A_156 : i32 to index
      %get3A_212 = arith.constant 48 : index
      %get3A_213 = tpu.vector_load %arg16[%get3A_211, %get3A_212] {strides = array<i32>} : memref<32x256xf32, #tpu.memory_space<vmem>>, vector<16xf32>,
      %mul3A_214 = arith.mulf %gather3A, %get3A_213 : vector<16xf32>
      %get3A_215 = arith.index_cast %scan3A_156 : i32 to index
      %get3A_216 = arith.constant 48 : index
      %get3A_217 = tpu.vector_load %arg17[%get3A_215, %get3A_216] {strides = array<i32>} : memref<32x256xf32, #tpu.memory_space<vmem>>, vector<16xf32>,
      %mul3A_218 = arith.mulf %gather3A_160, %get3A_217 : vector<16xf32>
      %add3A_219 = arith.addf %mul3A_214, %mul3A_218 : vector<16xf32>
      %get3A_220 = arith.index_cast %scan3A_156 : i32 to index
      %get3A_221 = arith.constant 48 : index
      %get3A_222 = tpu.vector_load %arg18[%get3A_220, %get3A_221] {strides = array<i32>} : memref<32x256xf32, #tpu.memory_space<vmem>>, vector<16xf32>,
      %mul3A_223 = arith.mulf %gather3A_161, %get3A_222 : vector<16xf32>
      %add3A_224 = arith.addf %add3A_219, %mul3A_223 : vector<16xf32>
      %swap3A_225 = arith.index_cast %scan3A_156 : i32 to index
      %swap3A_226 = arith.constant 48 : index
      %swap3A_227 = tpu.vector_load %arg22[%swap3A_225, %swap3A_226] {strides = array<i32>} : memref<32x256xf32, #tpu.memory_space<vmem>>, vector<16xf32>,
      tpu.vector_store %arg22[%swap3A_225, %swap3A_226], %add3A_224 {strides = array<i32>} : memref<32x256xf32, #tpu.memory_space<vmem>>, vector<16xf32>,
      %get3A_228 = arith.index_cast %scan3A_156 : i32 to index
      %get3A_229 = arith.constant 64 : index
      %get3A_230 = tpu.vector_load %arg16[%get3A_228, %get3A_229] {strides = array<i32>} : memref<32x256xf32, #tpu.memory_space<vmem>>, vector<16xf32>,
      %mul3A_231 = arith.mulf %gather3A, %get3A_230 : vector<16xf32>
      %get3A_232 = arith.index_cast %scan3A_156 : i32 to index
      %get3A_233 = arith.constant 64 : index
      %get3A_234 = tpu.vector_load %arg17[%get3A_232, %get3A_233] {strides = array<i32>} : memref<32x256xf32, #tpu.memory_space<vmem>>, vector<16xf32>,
      %mul3A_235 = arith.mulf %gather3A_160, %get3A_234 : vector<16xf32>
      %add3A_236 = arith.addf %mul3A_231, %mul3A_235 : vector<16xf32>
      %get3A_237 = arith.index_cast %scan3A_156 : i32 to index
      %get3A_238 = arith.constant 64 : index
      %get3A_239 = tpu.vector_load %arg18[%get3A_237, %get3A_238] {strides = array<i32>} : memref<32x256xf32, #tpu.memory_space<vmem>>, vector<16xf32>,
      %mul3A_240 = arith.mulf %gather3A_161, %get3A_239 : vector<16xf32>
      %add3A_241 = arith.addf %add3A_236, %mul3A_240 : vector<16xf32>
      %swap3A_242 = arith.index_cast %scan3A_156 : i32 to index
      %swap3A_243 = arith.constant 64 : index
      %swap3A_244 = tpu.vector_load %arg22[%swap3A_242, %swap3A_243] {strides = array<i32>} : memref<32x256xf32, #tpu.memory_space<vmem>>, vector<16xf32>,
      tpu.vector_store %arg22[%swap3A_242, %swap3A_243], %add3A_241 {strides = array<i32>} : memref<32x256xf32, #tpu.memory_space<vmem>>, vector<16xf32>,
      %get3A_245 = arith.index_cast %scan3A_156 : i32 to index
      %get3A_246 = arith.constant 80 : index
      %get3A_247 = tpu.vector_load %arg16[%get3A_245, %get3A_246] {strides = array<i32>} : memref<32x256xf32, #tpu.memory_space<vmem>>, vector<16xf32>,
      %mul3A_248 = arith.mulf %gather3A, %get3A_247 : vector<16xf32>
      %get3A_249 = arith.index_cast %scan3A_156 : i32 to index
      %get3A_250 = arith.constant 80 : index
      %get3A_251 = tpu.vector_load %arg17[%get3A_249, %get3A_250] {strides = array<i32>} : memref<32x256xf32, #tpu.memory_space<vmem>>, vector<16xf32>,
      %mul3A_252 = arith.mulf %gather3A_160, %get3A_251 : vector<16xf32>
      %add3A_253 = arith.addf %mul3A_248, %mul3A_252 : vector<16xf32>
      %get3A_254 = arith.index_cast %scan3A_156 : i32 to index
      %get3A_255 = arith.constant 80 : index
      %get3A_256 = tpu.vector_load %arg18[%get3A_254, %get3A_255] {strides = array<i32>} : memref<32x256xf32, #tpu.memory_space<vmem>>, vector<16xf32>,
      %mul3A_257 = arith.mulf %gather3A_161, %get3A_256 : vector<16xf32>
      %add3A_258 = arith.addf %add3A_253, %mul3A_257 : vector<16xf32>
      %swap3A_259 = arith.index_cast %scan3A_156 : i32 to index
      %swap3A_260 = arith.constant 80 : index
      %swap3A_261 = tpu.vector_load %arg22[%swap3A_259, %swap3A_260] {strides = array<i32>} : memref<32x256xf32, #tpu.memory_space<vmem>>, vector<16xf32>,
      tpu.vector_store %arg22[%swap3A_259, %swap3A_260], %add3A_258 {strides = array<i32>} : memref<32x256xf32, #tpu.memory_space<vmem>>, vector<16xf32>,
      %get3A_262 = arith.index_cast %scan3A_156 : i32 to index
      %get3A_263 = arith.constant 96 : index
      %get3A_264 = tpu.vector_load %arg16[%get3A_262, %get3A_263] {strides = array<i32>} : memref<32x256xf32, #tpu.memory_space<vmem>>, vector<16xf32>,
      %mul3A_265 = arith.mulf %gather3A, %get3A_264 : vector<16xf32>
      %get3A_266 = arith.index_cast %scan3A_156 : i32 to index
      %get3A_267 = arith.constant 96 : index
      %get3A_268 = tpu.vector_load %arg17[%get3A_266, %get3A_267] {strides = array<i32>} : memref<32x256xf32, #tpu.memory_space<vmem>>, vector<16xf32>,
      %mul3A_269 = arith.mulf %gather3A_160, %get3A_268 : vector<16xf32>
      %add3A_270 = arith.addf %mul3A_265, %mul3A_269 : vector<16xf32>
      %get3A_271 = arith.index_cast %scan3A_156 : i32 to index
      %get3A_272 = arith.constant 96 : index
      %get3A_273 = tpu.vector_load %arg18[%get3A_271, %get3A_272] {strides = array<i32>} : memref<32x256xf32, #tpu.memory_space<vmem>>, vector<16xf32>,
      %mul3A_274 = arith.mulf %gather3A_161, %get3A_273 : vector<16xf32>
      %add3A_275 = arith.addf %add3A_270, %mul3A_274 : vector<16xf32>
      %swap3A_276 = arith.index_cast %scan3A_156 : i32 to index
      %swap3A_277 = arith.constant 96 : index
      %swap3A_278 = tpu.vector_load %arg22[%swap3A_276, %swap3A_277] {strides = array<i32>} : memref<32x256xf32, #tpu.memory_space<vmem>>, vector<16xf32>,
      tpu.vector_store %arg22[%swap3A_276, %swap3A_277], %add3A_275 {strides = array<i32>} : memref<32x256xf32, #tpu.memory_space<vmem>>, vector<16xf32>,
      %get3A_279 = arith.index_cast %scan3A_156 : i32 to index
      %get3A_280 = arith.constant 112 : index
      %get3A_281 = tpu.vector_load %arg16[%get3A_279, %get3A_280] {strides = array<i32>} : memref<32x256xf32, #tpu.memory_space<vmem>>, vector<16xf32>,
      %mul3A_282 = arith.mulf %gather3A, %get3A_281 : vector<16xf32>
      %get3A_283 = arith.index_cast %scan3A_156 : i32 to index
      %get3A_284 = arith.constant 112 : index
      %get3A_285 = tpu.vector_load %arg17[%get3A_283, %get3A_284] {strides = array<i32>} : memref<32x256xf32, #tpu.memory_space<vmem>>, vector<16xf32>,
      %mul3A_286 = arith.mulf %gather3A_160, %get3A_285 : vector<16xf32>
      %add3A_287 = arith.addf %mul3A_282, %mul3A_286 : vector<16xf32>
      %get3A_288 = arith.index_cast %scan3A_156 : i32 to index
      %get3A_289 = arith.constant 112 : index
      %get3A_290 = tpu.vector_load %arg18[%get3A_288, %get3A_289] {strides = array<i32>} : memref<32x256xf32, #tpu.memory_space<vmem>>, vector<16xf32>,
      %mul3A_291 = arith.mulf %gather3A_161, %get3A_290 : vector<16xf32>
      %add3A_292 = arith.addf %add3A_287, %mul3A_291 : vector<16xf32>
      %swap3A_293 = arith.index_cast %scan3A_156 : i32 to index
      %swap3A_294 = arith.constant 112 : index
      %swap3A_295 = tpu.vector_load %arg22[%swap3A_293, %swap3A_294] {strides = array<i32>} : memref<32x256xf32, #tpu.memory_space<vmem>>, vector<16xf32>,
      tpu.vector_store %arg22[%swap3A_293, %swap3A_294], %add3A_292 {strides = array<i32>} : memref<32x256xf32, #tpu.memory_space<vmem>>, vector<16xf32>,
      %get3A_296 = arith.index_cast %scan3A_156 : i32 to index
      %get3A_297 = arith.constant 128 : index
      %get3A_298 = tpu.vector_load %arg16[%get3A_296, %get3A_297] {strides = array<i32>} : memref<32x256xf32, #tpu.memory_space<vmem>>, vector<16xf32>,
      %mul3A_299 = arith.mulf %gather3A, %get3A_298 : vector<16xf32>
      %get3A_300 = arith.index_cast %scan3A_156 : i32 to index
      %get3A_301 = arith.constant 128 : index
      %get3A_302 = tpu.vector_load %arg17[%get3A_300, %get3A_301] {strides = array<i32>} : memref<32x256xf32, #tpu.memory_space<vmem>>, vector<16xf32>,
      %mul3A_303 = arith.mulf %gather3A_160, %get3A_302 : vector<16xf32>
      %add3A_304 = arith.addf %mul3A_299, %mul3A_303 : vector<16xf32>
      %get3A_305 = arith.index_cast %scan3A_156 : i32 to index
      %get3A_306 = arith.constant 128 : index
      %get3A_307 = tpu.vector_load %arg18[%get3A_305, %get3A_306] {strides = array<i32>} : memref<32x256xf32, #tpu.memory_space<vmem>>, vector<16xf32>,
      %mul3A_308 = arith.mulf %gather3A_161, %get3A_307 : vector<16xf32>
      %add3A_309 = arith.addf %add3A_304, %mul3A_308 : vector<16xf32>
      %swap3A_310 = arith.index_cast %scan3A_156 : i32 to index
      %swap3A_311 = arith.constant 128 : index
      %swap3A_312 = tpu.vector_load %arg22[%swap3A_310, %swap3A_311] {strides = array<i32>} : memref<32x256xf32, #tpu.memory_space<vmem>>, vector<16xf32>,
      tpu.vector_store %arg22[%swap3A_310, %swap3A_311], %add3A_309 {strides = array<i32>} : memref<32x256xf32, #tpu.memory_space<vmem>>, vector<16xf32>,
      %get3A_313 = arith.index_cast %scan3A_156 : i32 to index
      %get3A_314 = arith.constant 144 : index
      %get3A_315 = tpu.vector_load %arg16[%get3A_313, %get3A_314] {strides = array<i32>} : memref<32x256xf32, #tpu.memory_space<vmem>>, vector<16xf32>,
      %mul3A_316 = arith.mulf %gather3A, %get3A_315 : vector<16xf32>
      %get3A_317 = arith.index_cast %scan3A_156 : i32 to index
      %get3A_318 = arith.constant 144 : index
      %get3A_319 = tpu.vector_load %arg17[%get3A_317, %get3A_318] {strides = array<i32>} : memref<32x256xf32, #tpu.memory_space<vmem>>, vector<16xf32>,
      %mul3A_320 = arith.mulf %gather3A_160, %get3A_319 : vector<16xf32>
      %add3A_321 = arith.addf %mul3A_316, %mul3A_320 : vector<16xf32>
      %get3A_322 = arith.index_cast %scan3A_156 : i32 to index
      %get3A_323 = arith.constant 144 : index
      %get3A_324 = tpu.vector_load %arg18[%get3A_322, %get3A_323] {strides = array<i32>} : memref<32x256xf32, #tpu.memory_space<vmem>>, vector<16xf32>,
      %mul3A_325 = arith.mulf %gather3A_161, %get3A_324 : vector<16xf32>
      %add3A_326 = arith.addf %add3A_321, %mul3A_325 : vector<16xf32>
      %swap3A_327 = arith.index_cast %scan3A_156 : i32 to index
      %swap3A_328 = arith.constant 144 : index
      %swap3A_329 = tpu.vector_load %arg22[%swap3A_327, %swap3A_328] {strides = array<i32>} : memref<32x256xf32, #tpu.memory_space<vmem>>, vector<16xf32>,
      tpu.vector_store %arg22[%swap3A_327, %swap3A_328], %add3A_326 {strides = array<i32>} : memref<32x256xf32, #tpu.memory_space<vmem>>, vector<16xf32>,
      %get3A_330 = arith.index_cast %scan3A_156 : i32 to index
      %get3A_331 = arith.constant 160 : index
      %get3A_332 = tpu.vector_load %arg16[%get3A_330, %get3A_331] {strides = array<i32>} : memref<32x256xf32, #tpu.memory_space<vmem>>, vector<16xf32>,
      %mul3A_333 = arith.mulf %gather3A, %get3A_332 : vector<16xf32>
      %get3A_334 = arith.index_cast %scan3A_156 : i32 to index
      %get3A_335 = arith.constant 160 : index
      %get3A_336 = tpu.vector_load %arg17[%get3A_334, %get3A_335] {strides = array<i32>} : memref<32x256xf32, #tpu.memory_space<vmem>>, vector<16xf32>,
      %mul3A_337 = arith.mulf %gather3A_160, %get3A_336 : vector<16xf32>
      %add3A_338 = arith.addf %mul3A_333, %mul3A_337 : vector<16xf32>
      %get3A_339 = arith.index_cast %scan3A_156 : i32 to index
      %get3A_340 = arith.constant 160 : index
      %get3A_341 = tpu.vector_load %arg18[%get3A_339, %get3A_340] {strides = array<i32>} : memref<32x256xf32, #tpu.memory_space<vmem>>, vector<16xf32>,
      %mul3A_342 = arith.mulf %gather3A_161, %get3A_341 : vector<16xf32>
      %add3A_343 = arith.addf %add3A_338, %mul3A_342 : vector<16xf32>
      %swap3A_344 = arith.index_cast %scan3A_156 : i32 to index
      %swap3A_345 = arith.constant 160 : index
      %swap3A_346 = tpu.vector_load %arg22[%swap3A_344, %swap3A_345] {strides = array<i32>} : memref<32x256xf32, #tpu.memory_space<vmem>>, vector<16xf32>,
      tpu.vector_store %arg22[%swap3A_344, %swap3A_345], %add3A_343 {strides = array<i32>} : memref<32x256xf32, #tpu.memory_space<vmem>>, vector<16xf32>,
      %get3A_347 = arith.index_cast %scan3A_156 : i32 to index
      %get3A_348 = arith.constant 176 : index
      %get3A_349 = tpu.vector_load %arg16[%get3A_347, %get3A_348] {strides = array<i32>} : memref<32x256xf32, #tpu.memory_space<vmem>>, vector<16xf32>,
      %mul3A_350 = arith.mulf %gather3A, %get3A_349 : vector<16xf32>
      %get3A_351 = arith.index_cast %scan3A_156 : i32 to index
      %get3A_352 = arith.constant 176 : index
      %get3A_353 = tpu.vector_load %arg17[%get3A_351, %get3A_352] {strides = array<i32>} : memref<32x256xf32, #tpu.memory_space<vmem>>, vector<16xf32>,
      %mul3A_354 = arith.mulf %gather3A_160, %get3A_353 : vector<16xf32>
      %add3A_355 = arith.addf %mul3A_350, %mul3A_354 : vector<16xf32>
      %get3A_356 = arith.index_cast %scan3A_156 : i32 to index
      %get3A_357 = arith.constant 176 : index
      %get3A_358 = tpu.vector_load %arg18[%get3A_356, %get3A_357] {strides = array<i32>} : memref<32x256xf32, #tpu.memory_space<vmem>>, vector<16xf32>,
      %mul3A_359 = arith.mulf %gather3A_161, %get3A_358 : vector<16xf32>
      %add3A_360 = arith.addf %add3A_355, %mul3A_359 : vector<16xf32>
      %swap3A_361 = arith.index_cast %scan3A_156 : i32 to index
      %swap3A_362 = arith.constant 176 : index
      %swap3A_363 = tpu.vector_load %arg22[%swap3A_361, %swap3A_362] {strides = array<i32>} : memref<32x256xf32, #tpu.memory_space<vmem>>, vector<16xf32>,
      tpu.vector_store %arg22[%swap3A_361, %swap3A_362], %add3A_360 {strides = array<i32>} : memref<32x256xf32, #tpu.memory_space<vmem>>, vector<16xf32>,
      %get3A_364 = arith.index_cast %scan3A_156 : i32 to index
      %get3A_365 = arith.constant 192 : index
      %get3A_366 = tpu.vector_load %arg16[%get3A_364, %get3A_365] {strides = array<i32>} : memref<32x256xf32, #tpu.memory_space<vmem>>, vector<16xf32>,
      %mul3A_367 = arith.mulf %gather3A, %get3A_366 : vector<16xf32>
      %get3A_368 = arith.index_cast %scan3A_156 : i32 to index
      %get3A_369 = arith.constant 192 : index
      %get3A_370 = tpu.vector_load %arg17[%get3A_368, %get3A_369] {strides = array<i32>} : memref<32x256xf32, #tpu.memory_space<vmem>>, vector<16xf32>,
      %mul3A_371 = arith.mulf %gather3A_160, %get3A_370 : vector<16xf32>
      %add3A_372 = arith.addf %mul3A_367, %mul3A_371 : vector<16xf32>
      %get3A_373 = arith.index_cast %scan3A_156 : i32 to index
      %get3A_374 = arith.constant 192 : index
      %get3A_375 = tpu.vector_load %arg18[%get3A_373, %get3A_374] {strides = array<i32>} : memref<32x256xf32, #tpu.memory_space<vmem>>, vector<16xf32>,
      %mul3A_376 = arith.mulf %gather3A_161, %get3A_375 : vector<16xf32>
      %add3A_377 = arith.addf %add3A_372, %mul3A_376 : vector<16xf32>
      %swap3A_378 = arith.index_cast %scan3A_156 : i32 to index
      %swap3A_379 = arith.constant 192 : index
      %swap3A_380 = tpu.vector_load %arg22[%swap3A_378, %swap3A_379] {strides = array<i32>} : memref<32x256xf32, #tpu.memory_space<vmem>>, vector<16xf32>,
      tpu.vector_store %arg22[%swap3A_378, %swap3A_379], %add3A_377 {strides = array<i32>} : memref<32x256xf32, #tpu.memory_space<vmem>>, vector<16xf32>,
      %get3A_381 = arith.index_cast %scan3A_156 : i32 to index
      %get3A_382 = arith.constant 208 : index
      %get3A_383 = tpu.vector_load %arg16[%get3A_381, %get3A_382] {strides = array<i32>} : memref<32x256xf32, #tpu.memory_space<vmem>>, vector<16xf32>,
      %mul3A_384 = arith.mulf %gather3A, %get3A_383 : vector<16xf32>
      %get3A_385 = arith.index_cast %scan3A_156 : i32 to index
      %get3A_386 = arith.constant 208 : index
      %get3A_387 = tpu.vector_load %arg17[%get3A_385, %get3A_386] {strides = array<i32>} : memref<32x256xf32, #tpu.memory_space<vmem>>, vector<16xf32>,
      %mul3A_388 = arith.mulf %gather3A_160, %get3A_387 : vector<16xf32>
      %add3A_389 = arith.addf %mul3A_384, %mul3A_388 : vector<16xf32>
      %get3A_390 = arith.index_cast %scan3A_156 : i32 to index
      %get3A_391 = arith.constant 208 : index
      %get3A_392 = tpu.vector_load %arg18[%get3A_390, %get3A_391] {strides = array<i32>} : memref<32x256xf32, #tpu.memory_space<vmem>>, vector<16xf32>,
      %mul3A_393 = arith.mulf %gather3A_161, %get3A_392 : vector<16xf32>
      %add3A_394 = arith.addf %add3A_389, %mul3A_393 : vector<16xf32>
      %swap3A_395 = arith.index_cast %scan3A_156 : i32 to index
      %swap3A_396 = arith.constant 208 : index
      %swap3A_397 = tpu.vector_load %arg22[%swap3A_395, %swap3A_396] {strides = array<i32>} : memref<32x256xf32, #tpu.memory_space<vmem>>, vector<16xf32>,
      tpu.vector_store %arg22[%swap3A_395, %swap3A_396], %add3A_394 {strides = array<i32>} : memref<32x256xf32, #tpu.memory_space<vmem>>, vector<16xf32>,
      %get3A_398 = arith.index_cast %scan3A_156 : i32 to index
      %get3A_399 = arith.constant 224 : index
      %get3A_400 = tpu.vector_load %arg16[%get3A_398, %get3A_399] {strides = array<i32>} : memref<32x256xf32, #tpu.memory_space<vmem>>, vector<16xf32>,
      %mul3A_401 = arith.mulf %gather3A, %get3A_400 : vector<16xf32>
      %get3A_402 = arith.index_cast %scan3A_156 : i32 to index
      %get3A_403 = arith.constant 224 : index
      %get3A_404 = tpu.vector_load %arg17[%get3A_402, %get3A_403] {strides = array<i32>} : memref<32x256xf32, #tpu.memory_space<vmem>>, vector<16xf32>,
      %mul3A_405 = arith.mulf %gather3A_160, %get3A_404 : vector<16xf32>
      %add3A_406 = arith.addf %mul3A_401, %mul3A_405 : vector<16xf32>
      %get3A_407 = arith.index_cast %scan3A_156 : i32 to index
      %get3A_408 = arith.constant 224 : index
      %get3A_409 = tpu.vector_load %arg18[%get3A_407, %get3A_408] {strides = array<i32>} : memref<32x256xf32, #tpu.memory_space<vmem>>, vector<16xf32>,
      %mul3A_410 = arith.mulf %gather3A_161, %get3A_409 : vector<16xf32>
      %add3A_411 = arith.addf %add3A_406, %mul3A_410 : vector<16xf32>
      %swap3A_412 = arith.index_cast %scan3A_156 : i32 to index
      %swap3A_413 = arith.constant 224 : index
      %swap3A_414 = tpu.vector_load %arg22[%swap3A_412, %swap3A_413] {strides = array<i32>} : memref<32x256xf32, #tpu.memory_space<vmem>>, vector<16xf32>,
      tpu.vector_store %arg22[%swap3A_412, %swap3A_413], %add3A_411 {strides = array<i32>} : memref<32x256xf32, #tpu.memory_space<vmem>>, vector<16xf32>,
      %get3A_415 = arith.index_cast %scan3A_156 : i32 to index
      %get3A_416 = arith.constant 240 : index
      %get3A_417 = tpu.vector_load %arg16[%get3A_415, %get3A_416] {strides = array<i32>} : memref<32x256xf32, #tpu.memory_space<vmem>>, vector<16xf32>,
      %mul3A_418 = arith.mulf %gather3A, %get3A_417 : vector<16xf32>
      %get3A_419 = arith.index_cast %scan3A_156 : i32 to index
      %get3A_420 = arith.constant 240 : index
      %get3A_421 = tpu.vector_load %arg17[%get3A_419, %get3A_420] {strides = array<i32>} : memref<32x256xf32, #tpu.memory_space<vmem>>, vector<16xf32>,
      %mul3A_422 = arith.mulf %gather3A_160, %get3A_421 : vector<16xf32>
      %add3A_423 = arith.addf %mul3A_418, %mul3A_422 : vector<16xf32>
      %get3A_424 = arith.index_cast %scan3A_156 : i32 to index
      %get3A_425 = arith.constant 240 : index
      %get3A_426 = tpu.vector_load %arg18[%get3A_424, %get3A_425] {strides = array<i32>} : memref<32x256xf32, #tpu.memory_space<vmem>>, vector<16xf32>,
      %mul3A_427 = arith.mulf %gather3A_161, %get3A_426 : vector<16xf32>
      %add3A_428 = arith.addf %add3A_423, %mul3A_427 : vector<16xf32>
      %swap3A_429 = arith.index_cast %scan3A_156 : i32 to index
      %swap3A_430 = arith.constant 240 : index
      %swap3A_431 = tpu.vector_load %arg22[%swap3A_429, %swap3A_430] {strides = array<i32>} : memref<32x256xf32, #tpu.memory_space<vmem>>, vector<16xf32>,
      tpu.vector_store %arg22[%swap3A_429, %swap3A_430], %add3A_428 {strides = array<i32>} : memref<32x256xf32, #tpu.memory_space<vmem>>, vector<16xf32>,
      %scan3A_432 = arith.constant 0 : i32
      scf.yield %scan3A_432 : i32
    }
    %scan3A_51 = arith.constant 32 : i32
    %add3A_52 = arith.constant 0 : i32
    %add3A_53 = arith.addi %mul3A_2, %add3A_52 : i32
    "tpu.region"() ({
      %run_scoped3A = tpu.sem_alloc : memref<!tpu.dma_semaphore, #tpu.memory_space<semaphore_mem>>
      %dma_start3A_156 = arith.constant 0 : i32
      %dma_start3A_157 = tpu.memref_slice %arg9[%add3A_53, %dma_start3A_156] : memref<4096x256xf32, #tpu.memory_space<hbm>> -> memref<32x256xf32, #tpu.memory_space<hbm>>
      %dma_start3A_158 = arith.constant 0 : i32
      %dma_start3A_159 = tpu.memref_slice %arg9[%add3A_53, %dma_start3A_158] : memref<4096x256xf32, #tpu.memory_space<hbm>> -> memref<32x256xf32, #tpu.memory_space<hbm>>
      tpu.enqueue_dma source(%arg22 : memref<32x256xf32, #tpu.memory_space<vmem>>) target(%dma_start3A_159 : memref<32x256xf32, #tpu.memory_space<hbm>>) target_semaphore(%run_scoped3A : memref<!tpu.dma_semaphore, #tpu.memory_space<semaphore_mem>>)
      %dma_wait3A_160 = arith.constant 0 : i32
      %dma_wait3A_161 = tpu.memref_slice %arg9[%add3A_53, %dma_wait3A_160] : memref<4096x256xf32, #tpu.memory_space<hbm>> -> memref<32x256xf32, #tpu.memory_space<hbm>>
      %dma_wait3A_162 = arith.constant 0 : i32
      %dma_wait3A_163 = tpu.memref_slice %arg9[%add3A_53, %dma_wait3A_162] : memref<4096x256xf32, #tpu.memory_space<hbm>> -> memref<32x256xf32, #tpu.memory_space<hbm>>
      tpu.wait_dma2 semaphore(%run_scoped3A : memref<!tpu.dma_semaphore, #tpu.memory_space<semaphore_mem>>) src(%arg22 : memref<32x256xf32, #tpu.memory_space<vmem>>) dst(%dma_wait3A_163 : memref<32x256xf32, #tpu.memory_space<hbm>>)
      tpu.yield
    }) : () -> ()
    %dma_wait3A_54 = arith.constant 32 : i32
    %dma_wait3A_55 = tpu.memref_slice %arg10[%dma_wait3A_54] : memref<128xi32, #tpu.memory_space<vmem>> -> memref<32xi32, #tpu.memory_space<vmem>>
    %dma_wait3A_56 = arith.constant 0 : i32
    %dma_wait3A_57 = arith.constant 0 : i32
    %dma_wait3A_58 = tpu.memref_slice %arg8[%dma_wait3A_56, %dma_wait3A_57] : memref<2048x256xf32, #tpu.memory_space<hbm>> -> memref<2048x256xf32, #tpu.memory_space<hbm>>
    tpu.wait_indirect_dma semaphore(%arg23 : memref<!tpu.dma_semaphore, #tpu.memory_space<semaphore_mem>>) src(%dma_wait3A_58 : memref<2048x256xf32, #tpu.memory_space<hbm>>) dst(%arg19 : memref<32x256xf32, #tpu.memory_space<vmem>>)
    %dma_wait3A_59 = arith.constant 32 : i32
    %dma_wait3A_60 = tpu.memref_slice %arg11[%dma_wait3A_59] : memref<128xi32, #tpu.memory_space<vmem>> -> memref<32xi32, #tpu.memory_space<vmem>>
    %dma_wait3A_61 = arith.constant 0 : i32
    %dma_wait3A_62 = arith.constant 0 : i32
    %dma_wait3A_63 = tpu.memref_slice %arg8[%dma_wait3A_61, %dma_wait3A_62] : memref<2048x256xf32, #tpu.memory_space<hbm>> -> memref<2048x256xf32, #tpu.memory_space<hbm>>
    tpu.wait_indirect_dma semaphore(%arg23 : memref<!tpu.dma_semaphore, #tpu.memory_space<semaphore_mem>>) src(%dma_wait3A_63 : memref<2048x256xf32, #tpu.memory_space<hbm>>) dst(%arg20 : memref<32x256xf32, #tpu.memory_space<vmem>>)
    %dma_wait3A_64 = arith.constant 32 : i32
    %dma_wait3A_65 = tpu.memref_slice %arg12[%dma_wait3A_64] : memref<128xi32, #tpu.memory_space<vmem>> -> memref<32xi32, #tpu.memory_space<vmem>>
    %dma_wait3A_66 = arith.constant 0 : i32
    %dma_wait3A_67 = arith.constant 0 : i32
    %dma_wait3A_68 = tpu.memref_slice %arg8[%dma_wait3A_66, %dma_wait3A_67] : memref<2048x256xf32, #tpu.memory_space<hbm>> -> memref<2048x256xf32, #tpu.memory_space<hbm>>
    tpu.wait_indirect_dma semaphore(%arg23 : memref<!tpu.dma_semaphore, #tpu.memory_space<semaphore_mem>>) src(%dma_wait3A_68 : memref<2048x256xf32, #tpu.memory_space<hbm>>) dst(%arg21 : memref<32x256xf32, #tpu.memory_space<vmem>>)
    %dma_start3A_69 = arith.constant 64 : i32
    %dma_start3A_70 = tpu.memref_slice %arg10[%dma_start3A_69] : memref<128xi32, #tpu.memory_space<vmem>> -> memref<32xi32, #tpu.memory_space<vmem>>
    %dma_start3A_71 = arith.constant 0 : i32
    %dma_start3A_72 = arith.constant 0 : i32
    %dma_start3A_73 = tpu.memref_slice %arg8[%dma_start3A_71, %dma_start3A_72] : memref<2048x256xf32, #tpu.memory_space<hbm>> -> memref<2048x256xf32, #tpu.memory_space<hbm>>
    tpu.enqueue_indirect_dma source(%dma_start3A_73 : memref<2048x256xf32, #tpu.memory_space<hbm>>) target(%arg16 : memref<32x256xf32, #tpu.memory_space<vmem>>) offsets(%dma_start3A_70 : memref<32xi32, #tpu.memory_space<vmem>>) semaphore(%arg23 : memref<!tpu.dma_semaphore, #tpu.memory_space<semaphore_mem>>)
    %dma_start3A_74 = arith.constant 64 : i32
    %dma_start3A_75 = tpu.memref_slice %arg11[%dma_start3A_74] : memref<128xi32, #tpu.memory_space<vmem>> -> memref<32xi32, #tpu.memory_space<vmem>>
    %dma_start3A_76 = arith.constant 0 : i32
    %dma_start3A_77 = arith.constant 0 : i32
    %dma_start3A_78 = tpu.memref_slice %arg8[%dma_start3A_76, %dma_start3A_77] : memref<2048x256xf32, #tpu.memory_space<hbm>> -> memref<2048x256xf32, #tpu.memory_space<hbm>>
    tpu.enqueue_indirect_dma source(%dma_start3A_78 : memref<2048x256xf32, #tpu.memory_space<hbm>>) target(%arg17 : memref<32x256xf32, #tpu.memory_space<vmem>>) offsets(%dma_start3A_75 : memref<32xi32, #tpu.memory_space<vmem>>) semaphore(%arg23 : memref<!tpu.dma_semaphore, #tpu.memory_space<semaphore_mem>>)
    %dma_start3A_79 = arith.constant 64 : i32
    %dma_start3A_80 = tpu.memref_slice %arg12[%dma_start3A_79] : memref<128xi32, #tpu.memory_space<vmem>> -> memref<32xi32, #tpu.memory_space<vmem>>
    %dma_start3A_81 = arith.constant 0 : i32
    %dma_start3A_82 = arith.constant 0 : i32
    %dma_start3A_83 = tpu.memref_slice %arg8[%dma_start3A_81, %dma_start3A_82] : memref<2048x256xf32, #tpu.memory_space<hbm>> -> memref<2048x256xf32, #tpu.memory_space<hbm>>
    tpu.enqueue_indirect_dma source(%dma_start3A_83 : memref<2048x256xf32, #tpu.memory_space<hbm>>) target(%arg18 : memref<32x256xf32, #tpu.memory_space<vmem>>) offsets(%dma_start3A_80 : memref<32xi32, #tpu.memory_space<vmem>>) semaphore(%arg23 : memref<!tpu.dma_semaphore, #tpu.memory_space<semaphore_mem>>)
    %scan3A_84 = arith.constant 0 : i32
    %scan3A_85 = arith.constant 0 : i32
    %scan3A_86 = arith.constant 32 : i32
    %scan3A_87 = arith.addi %scan3A_85, %scan3A_86 : i32
    %scan3A_88 = arith.constant 1 : i32
    %scan3A_89 = scf.for %scan3A_156 = %scan3A_85 to %scan3A_87 step %scan3A_88 iter_args(%scan3A_157 = %scan3A_84) -> (i32)  : i32 {
      %add3A_158 = arith.constant 32 : i32
      %add3A_159 = arith.addi %add3A_158, %scan3A_156 : i32
      %broadcast_in_dim3A = vector.broadcast %add3A_159 : i32 to vector<16xi32>
      %gather3A = tpu.vector_load_idx %arg13[%broadcast_in_dim3A] : memref<128xf32, #tpu.memory_space<vmem>>[vector<16xi32>], vector<16xf32>,
      %gather3A_160 = tpu.vector_load_idx %arg14[%broadcast_in_dim3A] : memref<128xf32, #tpu.memory_space<vmem>>[vector<16xi32>], vector<16xf32>,
      %gather3A_161 = tpu.vector_load_idx %arg15[%broadcast_in_dim3A] : memref<128xf32, #tpu.memory_space<vmem>>[vector<16xi32>], vector<16xf32>,
      %get3A = arith.index_cast %scan3A_156 : i32 to index
      %get3A_162 = arith.constant 0 : index
      %get3A_163 = tpu.vector_load %arg19[%get3A, %get3A_162] {strides = array<i32>} : memref<32x256xf32, #tpu.memory_space<vmem>>, vector<16xf32>,
      %mul3A_164 = arith.mulf %gather3A, %get3A_163 : vector<16xf32>
      %get3A_165 = arith.index_cast %scan3A_156 : i32 to index
      %get3A_166 = arith.constant 0 : index
      %get3A_167 = tpu.vector_load %arg20[%get3A_165, %get3A_166] {strides = array<i32>} : memref<32x256xf32, #tpu.memory_space<vmem>>, vector<16xf32>,
      %mul3A_168 = arith.mulf %gather3A_160, %get3A_167 : vector<16xf32>
      %add3A_169 = arith.addf %mul3A_164, %mul3A_168 : vector<16xf32>
      %get3A_170 = arith.index_cast %scan3A_156 : i32 to index
      %get3A_171 = arith.constant 0 : index
      %get3A_172 = tpu.vector_load %arg21[%get3A_170, %get3A_171] {strides = array<i32>} : memref<32x256xf32, #tpu.memory_space<vmem>>, vector<16xf32>,
      %mul3A_173 = arith.mulf %gather3A_161, %get3A_172 : vector<16xf32>
      %add3A_174 = arith.addf %add3A_169, %mul3A_173 : vector<16xf32>
      %swap3A = arith.index_cast %scan3A_156 : i32 to index
      %swap3A_175 = arith.constant 0 : index
      %swap3A_176 = tpu.vector_load %arg22[%swap3A, %swap3A_175] {strides = array<i32>} : memref<32x256xf32, #tpu.memory_space<vmem>>, vector<16xf32>,
      tpu.vector_store %arg22[%swap3A, %swap3A_175], %add3A_174 {strides = array<i32>} : memref<32x256xf32, #tpu.memory_space<vmem>>, vector<16xf32>,
      %get3A_177 = arith.index_cast %scan3A_156 : i32 to index
      %get3A_178 = arith.constant 16 : index
      %get3A_179 = tpu.vector_load %arg19[%get3A_177, %get3A_178] {strides = array<i32>} : memref<32x256xf32, #tpu.memory_space<vmem>>, vector<16xf32>,
      %mul3A_180 = arith.mulf %gather3A, %get3A_179 : vector<16xf32>
      %get3A_181 = arith.index_cast %scan3A_156 : i32 to index
      %get3A_182 = arith.constant 16 : index
      %get3A_183 = tpu.vector_load %arg20[%get3A_181, %get3A_182] {strides = array<i32>} : memref<32x256xf32, #tpu.memory_space<vmem>>, vector<16xf32>,
      %mul3A_184 = arith.mulf %gather3A_160, %get3A_183 : vector<16xf32>
      %add3A_185 = arith.addf %mul3A_180, %mul3A_184 : vector<16xf32>
      %get3A_186 = arith.index_cast %scan3A_156 : i32 to index
      %get3A_187 = arith.constant 16 : index
      %get3A_188 = tpu.vector_load %arg21[%get3A_186, %get3A_187] {strides = array<i32>} : memref<32x256xf32, #tpu.memory_space<vmem>>, vector<16xf32>,
      %mul3A_189 = arith.mulf %gather3A_161, %get3A_188 : vector<16xf32>
      %add3A_190 = arith.addf %add3A_185, %mul3A_189 : vector<16xf32>
      %swap3A_191 = arith.index_cast %scan3A_156 : i32 to index
      %swap3A_192 = arith.constant 16 : index
      %swap3A_193 = tpu.vector_load %arg22[%swap3A_191, %swap3A_192] {strides = array<i32>} : memref<32x256xf32, #tpu.memory_space<vmem>>, vector<16xf32>,
      tpu.vector_store %arg22[%swap3A_191, %swap3A_192], %add3A_190 {strides = array<i32>} : memref<32x256xf32, #tpu.memory_space<vmem>>, vector<16xf32>,
      %get3A_194 = arith.index_cast %scan3A_156 : i32 to index
      %get3A_195 = arith.constant 32 : index
      %get3A_196 = tpu.vector_load %arg19[%get3A_194, %get3A_195] {strides = array<i32>} : memref<32x256xf32, #tpu.memory_space<vmem>>, vector<16xf32>,
      %mul3A_197 = arith.mulf %gather3A, %get3A_196 : vector<16xf32>
      %get3A_198 = arith.index_cast %scan3A_156 : i32 to index
      %get3A_199 = arith.constant 32 : index
      %get3A_200 = tpu.vector_load %arg20[%get3A_198, %get3A_199] {strides = array<i32>} : memref<32x256xf32, #tpu.memory_space<vmem>>, vector<16xf32>,
      %mul3A_201 = arith.mulf %gather3A_160, %get3A_200 : vector<16xf32>
      %add3A_202 = arith.addf %mul3A_197, %mul3A_201 : vector<16xf32>
      %get3A_203 = arith.index_cast %scan3A_156 : i32 to index
      %get3A_204 = arith.constant 32 : index
      %get3A_205 = tpu.vector_load %arg21[%get3A_203, %get3A_204] {strides = array<i32>} : memref<32x256xf32, #tpu.memory_space<vmem>>, vector<16xf32>,
      %mul3A_206 = arith.mulf %gather3A_161, %get3A_205 : vector<16xf32>
      %add3A_207 = arith.addf %add3A_202, %mul3A_206 : vector<16xf32>
      %swap3A_208 = arith.index_cast %scan3A_156 : i32 to index
      %swap3A_209 = arith.constant 32 : index
      %swap3A_210 = tpu.vector_load %arg22[%swap3A_208, %swap3A_209] {strides = array<i32>} : memref<32x256xf32, #tpu.memory_space<vmem>>, vector<16xf32>,
      tpu.vector_store %arg22[%swap3A_208, %swap3A_209], %add3A_207 {strides = array<i32>} : memref<32x256xf32, #tpu.memory_space<vmem>>, vector<16xf32>,
      %get3A_211 = arith.index_cast %scan3A_156 : i32 to index
      %get3A_212 = arith.constant 48 : index
      %get3A_213 = tpu.vector_load %arg19[%get3A_211, %get3A_212] {strides = array<i32>} : memref<32x256xf32, #tpu.memory_space<vmem>>, vector<16xf32>,
      %mul3A_214 = arith.mulf %gather3A, %get3A_213 : vector<16xf32>
      %get3A_215 = arith.index_cast %scan3A_156 : i32 to index
      %get3A_216 = arith.constant 48 : index
      %get3A_217 = tpu.vector_load %arg20[%get3A_215, %get3A_216] {strides = array<i32>} : memref<32x256xf32, #tpu.memory_space<vmem>>, vector<16xf32>,
      %mul3A_218 = arith.mulf %gather3A_160, %get3A_217 : vector<16xf32>
      %add3A_219 = arith.addf %mul3A_214, %mul3A_218 : vector<16xf32>
      %get3A_220 = arith.index_cast %scan3A_156 : i32 to index
      %get3A_221 = arith.constant 48 : index
      %get3A_222 = tpu.vector_load %arg21[%get3A_220, %get3A_221] {strides = array<i32>} : memref<32x256xf32, #tpu.memory_space<vmem>>, vector<16xf32>,
      %mul3A_223 = arith.mulf %gather3A_161, %get3A_222 : vector<16xf32>
      %add3A_224 = arith.addf %add3A_219, %mul3A_223 : vector<16xf32>
      %swap3A_225 = arith.index_cast %scan3A_156 : i32 to index
      %swap3A_226 = arith.constant 48 : index
      %swap3A_227 = tpu.vector_load %arg22[%swap3A_225, %swap3A_226] {strides = array<i32>} : memref<32x256xf32, #tpu.memory_space<vmem>>, vector<16xf32>,
      tpu.vector_store %arg22[%swap3A_225, %swap3A_226], %add3A_224 {strides = array<i32>} : memref<32x256xf32, #tpu.memory_space<vmem>>, vector<16xf32>,
      %get3A_228 = arith.index_cast %scan3A_156 : i32 to index
      %get3A_229 = arith.constant 64 : index
      %get3A_230 = tpu.vector_load %arg19[%get3A_228, %get3A_229] {strides = array<i32>} : memref<32x256xf32, #tpu.memory_space<vmem>>, vector<16xf32>,
      %mul3A_231 = arith.mulf %gather3A, %get3A_230 : vector<16xf32>
      %get3A_232 = arith.index_cast %scan3A_156 : i32 to index
      %get3A_233 = arith.constant 64 : index
      %get3A_234 = tpu.vector_load %arg20[%get3A_232, %get3A_233] {strides = array<i32>} : memref<32x256xf32, #tpu.memory_space<vmem>>, vector<16xf32>,
      %mul3A_235 = arith.mulf %gather3A_160, %get3A_234 : vector<16xf32>
      %add3A_236 = arith.addf %mul3A_231, %mul3A_235 : vector<16xf32>
      %get3A_237 = arith.index_cast %scan3A_156 : i32 to index
      %get3A_238 = arith.constant 64 : index
      %get3A_239 = tpu.vector_load %arg21[%get3A_237, %get3A_238] {strides = array<i32>} : memref<32x256xf32, #tpu.memory_space<vmem>>, vector<16xf32>,
      %mul3A_240 = arith.mulf %gather3A_161, %get3A_239 : vector<16xf32>
      %add3A_241 = arith.addf %add3A_236, %mul3A_240 : vector<16xf32>
      %swap3A_242 = arith.index_cast %scan3A_156 : i32 to index
      %swap3A_243 = arith.constant 64 : index
      %swap3A_244 = tpu.vector_load %arg22[%swap3A_242, %swap3A_243] {strides = array<i32>} : memref<32x256xf32, #tpu.memory_space<vmem>>, vector<16xf32>,
      tpu.vector_store %arg22[%swap3A_242, %swap3A_243], %add3A_241 {strides = array<i32>} : memref<32x256xf32, #tpu.memory_space<vmem>>, vector<16xf32>,
      %get3A_245 = arith.index_cast %scan3A_156 : i32 to index
      %get3A_246 = arith.constant 80 : index
      %get3A_247 = tpu.vector_load %arg19[%get3A_245, %get3A_246] {strides = array<i32>} : memref<32x256xf32, #tpu.memory_space<vmem>>, vector<16xf32>,
      %mul3A_248 = arith.mulf %gather3A, %get3A_247 : vector<16xf32>
      %get3A_249 = arith.index_cast %scan3A_156 : i32 to index
      %get3A_250 = arith.constant 80 : index
      %get3A_251 = tpu.vector_load %arg20[%get3A_249, %get3A_250] {strides = array<i32>} : memref<32x256xf32, #tpu.memory_space<vmem>>, vector<16xf32>,
      %mul3A_252 = arith.mulf %gather3A_160, %get3A_251 : vector<16xf32>
      %add3A_253 = arith.addf %mul3A_248, %mul3A_252 : vector<16xf32>
      %get3A_254 = arith.index_cast %scan3A_156 : i32 to index
      %get3A_255 = arith.constant 80 : index
      %get3A_256 = tpu.vector_load %arg21[%get3A_254, %get3A_255] {strides = array<i32>} : memref<32x256xf32, #tpu.memory_space<vmem>>, vector<16xf32>,
      %mul3A_257 = arith.mulf %gather3A_161, %get3A_256 : vector<16xf32>
      %add3A_258 = arith.addf %add3A_253, %mul3A_257 : vector<16xf32>
      %swap3A_259 = arith.index_cast %scan3A_156 : i32 to index
      %swap3A_260 = arith.constant 80 : index
      %swap3A_261 = tpu.vector_load %arg22[%swap3A_259, %swap3A_260] {strides = array<i32>} : memref<32x256xf32, #tpu.memory_space<vmem>>, vector<16xf32>,
      tpu.vector_store %arg22[%swap3A_259, %swap3A_260], %add3A_258 {strides = array<i32>} : memref<32x256xf32, #tpu.memory_space<vmem>>, vector<16xf32>,
      %get3A_262 = arith.index_cast %scan3A_156 : i32 to index
      %get3A_263 = arith.constant 96 : index
      %get3A_264 = tpu.vector_load %arg19[%get3A_262, %get3A_263] {strides = array<i32>} : memref<32x256xf32, #tpu.memory_space<vmem>>, vector<16xf32>,
      %mul3A_265 = arith.mulf %gather3A, %get3A_264 : vector<16xf32>
      %get3A_266 = arith.index_cast %scan3A_156 : i32 to index
      %get3A_267 = arith.constant 96 : index
      %get3A_268 = tpu.vector_load %arg20[%get3A_266, %get3A_267] {strides = array<i32>} : memref<32x256xf32, #tpu.memory_space<vmem>>, vector<16xf32>,
      %mul3A_269 = arith.mulf %gather3A_160, %get3A_268 : vector<16xf32>
      %add3A_270 = arith.addf %mul3A_265, %mul3A_269 : vector<16xf32>
      %get3A_271 = arith.index_cast %scan3A_156 : i32 to index
      %get3A_272 = arith.constant 96 : index
      %get3A_273 = tpu.vector_load %arg21[%get3A_271, %get3A_272] {strides = array<i32>} : memref<32x256xf32, #tpu.memory_space<vmem>>, vector<16xf32>,
      %mul3A_274 = arith.mulf %gather3A_161, %get3A_273 : vector<16xf32>
      %add3A_275 = arith.addf %add3A_270, %mul3A_274 : vector<16xf32>
      %swap3A_276 = arith.index_cast %scan3A_156 : i32 to index
      %swap3A_277 = arith.constant 96 : index
      %swap3A_278 = tpu.vector_load %arg22[%swap3A_276, %swap3A_277] {strides = array<i32>} : memref<32x256xf32, #tpu.memory_space<vmem>>, vector<16xf32>,
      tpu.vector_store %arg22[%swap3A_276, %swap3A_277], %add3A_275 {strides = array<i32>} : memref<32x256xf32, #tpu.memory_space<vmem>>, vector<16xf32>,
      %get3A_279 = arith.index_cast %scan3A_156 : i32 to index
      %get3A_280 = arith.constant 112 : index
      %get3A_281 = tpu.vector_load %arg19[%get3A_279, %get3A_280] {strides = array<i32>} : memref<32x256xf32, #tpu.memory_space<vmem>>, vector<16xf32>,
      %mul3A_282 = arith.mulf %gather3A, %get3A_281 : vector<16xf32>
      %get3A_283 = arith.index_cast %scan3A_156 : i32 to index
      %get3A_284 = arith.constant 112 : index
      %get3A_285 = tpu.vector_load %arg20[%get3A_283, %get3A_284] {strides = array<i32>} : memref<32x256xf32, #tpu.memory_space<vmem>>, vector<16xf32>,
      %mul3A_286 = arith.mulf %gather3A_160, %get3A_285 : vector<16xf32>
      %add3A_287 = arith.addf %mul3A_282, %mul3A_286 : vector<16xf32>
      %get3A_288 = arith.index_cast %scan3A_156 : i32 to index
      %get3A_289 = arith.constant 112 : index
      %get3A_290 = tpu.vector_load %arg21[%get3A_288, %get3A_289] {strides = array<i32>} : memref<32x256xf32, #tpu.memory_space<vmem>>, vector<16xf32>,
      %mul3A_291 = arith.mulf %gather3A_161, %get3A_290 : vector<16xf32>
      %add3A_292 = arith.addf %add3A_287, %mul3A_291 : vector<16xf32>
      %swap3A_293 = arith.index_cast %scan3A_156 : i32 to index
      %swap3A_294 = arith.constant 112 : index
      %swap3A_295 = tpu.vector_load %arg22[%swap3A_293, %swap3A_294] {strides = array<i32>} : memref<32x256xf32, #tpu.memory_space<vmem>>, vector<16xf32>,
      tpu.vector_store %arg22[%swap3A_293, %swap3A_294], %add3A_292 {strides = array<i32>} : memref<32x256xf32, #tpu.memory_space<vmem>>, vector<16xf32>,
      %get3A_296 = arith.index_cast %scan3A_156 : i32 to index
      %get3A_297 = arith.constant 128 : index
      %get3A_298 = tpu.vector_load %arg19[%get3A_296, %get3A_297] {strides = array<i32>} : memref<32x256xf32, #tpu.memory_space<vmem>>, vector<16xf32>,
      %mul3A_299 = arith.mulf %gather3A, %get3A_298 : vector<16xf32>
      %get3A_300 = arith.index_cast %scan3A_156 : i32 to index
      %get3A_301 = arith.constant 128 : index
      %get3A_302 = tpu.vector_load %arg20[%get3A_300, %get3A_301] {strides = array<i32>} : memref<32x256xf32, #tpu.memory_space<vmem>>, vector<16xf32>,
      %mul3A_303 = arith.mulf %gather3A_160, %get3A_302 : vector<16xf32>
      %add3A_304 = arith.addf %mul3A_299, %mul3A_303 : vector<16xf32>
      %get3A_305 = arith.index_cast %scan3A_156 : i32 to index
      %get3A_306 = arith.constant 128 : index
      %get3A_307 = tpu.vector_load %arg21[%get3A_305, %get3A_306] {strides = array<i32>} : memref<32x256xf32, #tpu.memory_space<vmem>>, vector<16xf32>,
      %mul3A_308 = arith.mulf %gather3A_161, %get3A_307 : vector<16xf32>
      %add3A_309 = arith.addf %add3A_304, %mul3A_308 : vector<16xf32>
      %swap3A_310 = arith.index_cast %scan3A_156 : i32 to index
      %swap3A_311 = arith.constant 128 : index
      %swap3A_312 = tpu.vector_load %arg22[%swap3A_310, %swap3A_311] {strides = array<i32>} : memref<32x256xf32, #tpu.memory_space<vmem>>, vector<16xf32>,
      tpu.vector_store %arg22[%swap3A_310, %swap3A_311], %add3A_309 {strides = array<i32>} : memref<32x256xf32, #tpu.memory_space<vmem>>, vector<16xf32>,
      %get3A_313 = arith.index_cast %scan3A_156 : i32 to index
      %get3A_314 = arith.constant 144 : index
      %get3A_315 = tpu.vector_load %arg19[%get3A_313, %get3A_314] {strides = array<i32>} : memref<32x256xf32, #tpu.memory_space<vmem>>, vector<16xf32>,
      %mul3A_316 = arith.mulf %gather3A, %get3A_315 : vector<16xf32>
      %get3A_317 = arith.index_cast %scan3A_156 : i32 to index
      %get3A_318 = arith.constant 144 : index
      %get3A_319 = tpu.vector_load %arg20[%get3A_317, %get3A_318] {strides = array<i32>} : memref<32x256xf32, #tpu.memory_space<vmem>>, vector<16xf32>,
      %mul3A_320 = arith.mulf %gather3A_160, %get3A_319 : vector<16xf32>
      %add3A_321 = arith.addf %mul3A_316, %mul3A_320 : vector<16xf32>
      %get3A_322 = arith.index_cast %scan3A_156 : i32 to index
      %get3A_323 = arith.constant 144 : index
      %get3A_324 = tpu.vector_load %arg21[%get3A_322, %get3A_323] {strides = array<i32>} : memref<32x256xf32, #tpu.memory_space<vmem>>, vector<16xf32>,
      %mul3A_325 = arith.mulf %gather3A_161, %get3A_324 : vector<16xf32>
      %add3A_326 = arith.addf %add3A_321, %mul3A_325 : vector<16xf32>
      %swap3A_327 = arith.index_cast %scan3A_156 : i32 to index
      %swap3A_328 = arith.constant 144 : index
      %swap3A_329 = tpu.vector_load %arg22[%swap3A_327, %swap3A_328] {strides = array<i32>} : memref<32x256xf32, #tpu.memory_space<vmem>>, vector<16xf32>,
      tpu.vector_store %arg22[%swap3A_327, %swap3A_328], %add3A_326 {strides = array<i32>} : memref<32x256xf32, #tpu.memory_space<vmem>>, vector<16xf32>,
      %get3A_330 = arith.index_cast %scan3A_156 : i32 to index
      %get3A_331 = arith.constant 160 : index
      %get3A_332 = tpu.vector_load %arg19[%get3A_330, %get3A_331] {strides = array<i32>} : memref<32x256xf32, #tpu.memory_space<vmem>>, vector<16xf32>,
      %mul3A_333 = arith.mulf %gather3A, %get3A_332 : vector<16xf32>
      %get3A_334 = arith.index_cast %scan3A_156 : i32 to index
      %get3A_335 = arith.constant 160 : index
      %get3A_336 = tpu.vector_load %arg20[%get3A_334, %get3A_335] {strides = array<i32>} : memref<32x256xf32, #tpu.memory_space<vmem>>, vector<16xf32>,
      %mul3A_337 = arith.mulf %gather3A_160, %get3A_336 : vector<16xf32>
      %add3A_338 = arith.addf %mul3A_333, %mul3A_337 : vector<16xf32>
      %get3A_339 = arith.index_cast %scan3A_156 : i32 to index
      %get3A_340 = arith.constant 160 : index
      %get3A_341 = tpu.vector_load %arg21[%get3A_339, %get3A_340] {strides = array<i32>} : memref<32x256xf32, #tpu.memory_space<vmem>>, vector<16xf32>,
      %mul3A_342 = arith.mulf %gather3A_161, %get3A_341 : vector<16xf32>
      %add3A_343 = arith.addf %add3A_338, %mul3A_342 : vector<16xf32>
      %swap3A_344 = arith.index_cast %scan3A_156 : i32 to index
      %swap3A_345 = arith.constant 160 : index
      %swap3A_346 = tpu.vector_load %arg22[%swap3A_344, %swap3A_345] {strides = array<i32>} : memref<32x256xf32, #tpu.memory_space<vmem>>, vector<16xf32>,
      tpu.vector_store %arg22[%swap3A_344, %swap3A_345], %add3A_343 {strides = array<i32>} : memref<32x256xf32, #tpu.memory_space<vmem>>, vector<16xf32>,
      %get3A_347 = arith.index_cast %scan3A_156 : i32 to index
      %get3A_348 = arith.constant 176 : index
      %get3A_349 = tpu.vector_load %arg19[%get3A_347, %get3A_348] {strides = array<i32>} : memref<32x256xf32, #tpu.memory_space<vmem>>, vector<16xf32>,
      %mul3A_350 = arith.mulf %gather3A, %get3A_349 : vector<16xf32>
      %get3A_351 = arith.index_cast %scan3A_156 : i32 to index
      %get3A_352 = arith.constant 176 : index
      %get3A_353 = tpu.vector_load %arg20[%get3A_351, %get3A_352] {strides = array<i32>} : memref<32x256xf32, #tpu.memory_space<vmem>>, vector<16xf32>,
      %mul3A_354 = arith.mulf %gather3A_160, %get3A_353 : vector<16xf32>
      %add3A_355 = arith.addf %mul3A_350, %mul3A_354 : vector<16xf32>
      %get3A_356 = arith.index_cast %scan3A_156 : i32 to index
      %get3A_357 = arith.constant 176 : index
      %get3A_358 = tpu.vector_load %arg21[%get3A_356, %get3A_357] {strides = array<i32>} : memref<32x256xf32, #tpu.memory_space<vmem>>, vector<16xf32>,
      %mul3A_359 = arith.mulf %gather3A_161, %get3A_358 : vector<16xf32>
      %add3A_360 = arith.addf %add3A_355, %mul3A_359 : vector<16xf32>
      %swap3A_361 = arith.index_cast %scan3A_156 : i32 to index
      %swap3A_362 = arith.constant 176 : index
      %swap3A_363 = tpu.vector_load %arg22[%swap3A_361, %swap3A_362] {strides = array<i32>} : memref<32x256xf32, #tpu.memory_space<vmem>>, vector<16xf32>,
      tpu.vector_store %arg22[%swap3A_361, %swap3A_362], %add3A_360 {strides = array<i32>} : memref<32x256xf32, #tpu.memory_space<vmem>>, vector<16xf32>,
      %get3A_364 = arith.index_cast %scan3A_156 : i32 to index
      %get3A_365 = arith.constant 192 : index
      %get3A_366 = tpu.vector_load %arg19[%get3A_364, %get3A_365] {strides = array<i32>} : memref<32x256xf32, #tpu.memory_space<vmem>>, vector<16xf32>,
      %mul3A_367 = arith.mulf %gather3A, %get3A_366 : vector<16xf32>
      %get3A_368 = arith.index_cast %scan3A_156 : i32 to index
      %get3A_369 = arith.constant 192 : index
      %get3A_370 = tpu.vector_load %arg20[%get3A_368, %get3A_369] {strides = array<i32>} : memref<32x256xf32, #tpu.memory_space<vmem>>, vector<16xf32>,
      %mul3A_371 = arith.mulf %gather3A_160, %get3A_370 : vector<16xf32>
      %add3A_372 = arith.addf %mul3A_367, %mul3A_371 : vector<16xf32>
      %get3A_373 = arith.index_cast %scan3A_156 : i32 to index
      %get3A_374 = arith.constant 192 : index
      %get3A_375 = tpu.vector_load %arg21[%get3A_373, %get3A_374] {strides = array<i32>} : memref<32x256xf32, #tpu.memory_space<vmem>>, vector<16xf32>,
      %mul3A_376 = arith.mulf %gather3A_161, %get3A_375 : vector<16xf32>
      %add3A_377 = arith.addf %add3A_372, %mul3A_376 : vector<16xf32>
      %swap3A_378 = arith.index_cast %scan3A_156 : i32 to index
      %swap3A_379 = arith.constant 192 : index
      %swap3A_380 = tpu.vector_load %arg22[%swap3A_378, %swap3A_379] {strides = array<i32>} : memref<32x256xf32, #tpu.memory_space<vmem>>, vector<16xf32>,
      tpu.vector_store %arg22[%swap3A_378, %swap3A_379], %add3A_377 {strides = array<i32>} : memref<32x256xf32, #tpu.memory_space<vmem>>, vector<16xf32>,
      %get3A_381 = arith.index_cast %scan3A_156 : i32 to index
      %get3A_382 = arith.constant 208 : index
      %get3A_383 = tpu.vector_load %arg19[%get3A_381, %get3A_382] {strides = array<i32>} : memref<32x256xf32, #tpu.memory_space<vmem>>, vector<16xf32>,
      %mul3A_384 = arith.mulf %gather3A, %get3A_383 : vector<16xf32>
      %get3A_385 = arith.index_cast %scan3A_156 : i32 to index
      %get3A_386 = arith.constant 208 : index
      %get3A_387 = tpu.vector_load %arg20[%get3A_385, %get3A_386] {strides = array<i32>} : memref<32x256xf32, #tpu.memory_space<vmem>>, vector<16xf32>,
      %mul3A_388 = arith.mulf %gather3A_160, %get3A_387 : vector<16xf32>
      %add3A_389 = arith.addf %mul3A_384, %mul3A_388 : vector<16xf32>
      %get3A_390 = arith.index_cast %scan3A_156 : i32 to index
      %get3A_391 = arith.constant 208 : index
      %get3A_392 = tpu.vector_load %arg21[%get3A_390, %get3A_391] {strides = array<i32>} : memref<32x256xf32, #tpu.memory_space<vmem>>, vector<16xf32>,
      %mul3A_393 = arith.mulf %gather3A_161, %get3A_392 : vector<16xf32>
      %add3A_394 = arith.addf %add3A_389, %mul3A_393 : vector<16xf32>
      %swap3A_395 = arith.index_cast %scan3A_156 : i32 to index
      %swap3A_396 = arith.constant 208 : index
      %swap3A_397 = tpu.vector_load %arg22[%swap3A_395, %swap3A_396] {strides = array<i32>} : memref<32x256xf32, #tpu.memory_space<vmem>>, vector<16xf32>,
      tpu.vector_store %arg22[%swap3A_395, %swap3A_396], %add3A_394 {strides = array<i32>} : memref<32x256xf32, #tpu.memory_space<vmem>>, vector<16xf32>,
      %get3A_398 = arith.index_cast %scan3A_156 : i32 to index
      %get3A_399 = arith.constant 224 : index
      %get3A_400 = tpu.vector_load %arg19[%get3A_398, %get3A_399] {strides = array<i32>} : memref<32x256xf32, #tpu.memory_space<vmem>>, vector<16xf32>,
      %mul3A_401 = arith.mulf %gather3A, %get3A_400 : vector<16xf32>
      %get3A_402 = arith.index_cast %scan3A_156 : i32 to index
      %get3A_403 = arith.constant 224 : index
      %get3A_404 = tpu.vector_load %arg20[%get3A_402, %get3A_403] {strides = array<i32>} : memref<32x256xf32, #tpu.memory_space<vmem>>, vector<16xf32>,
      %mul3A_405 = arith.mulf %gather3A_160, %get3A_404 : vector<16xf32>
      %add3A_406 = arith.addf %mul3A_401, %mul3A_405 : vector<16xf32>
      %get3A_407 = arith.index_cast %scan3A_156 : i32 to index
      %get3A_408 = arith.constant 224 : index
      %get3A_409 = tpu.vector_load %arg21[%get3A_407, %get3A_408] {strides = array<i32>} : memref<32x256xf32, #tpu.memory_space<vmem>>, vector<16xf32>,
      %mul3A_410 = arith.mulf %gather3A_161, %get3A_409 : vector<16xf32>
      %add3A_411 = arith.addf %add3A_406, %mul3A_410 : vector<16xf32>
      %swap3A_412 = arith.index_cast %scan3A_156 : i32 to index
      %swap3A_413 = arith.constant 224 : index
      %swap3A_414 = tpu.vector_load %arg22[%swap3A_412, %swap3A_413] {strides = array<i32>} : memref<32x256xf32, #tpu.memory_space<vmem>>, vector<16xf32>,
      tpu.vector_store %arg22[%swap3A_412, %swap3A_413], %add3A_411 {strides = array<i32>} : memref<32x256xf32, #tpu.memory_space<vmem>>, vector<16xf32>,
      %get3A_415 = arith.index_cast %scan3A_156 : i32 to index
      %get3A_416 = arith.constant 240 : index
      %get3A_417 = tpu.vector_load %arg19[%get3A_415, %get3A_416] {strides = array<i32>} : memref<32x256xf32, #tpu.memory_space<vmem>>, vector<16xf32>,
      %mul3A_418 = arith.mulf %gather3A, %get3A_417 : vector<16xf32>
      %get3A_419 = arith.index_cast %scan3A_156 : i32 to index
      %get3A_420 = arith.constant 240 : index
      %get3A_421 = tpu.vector_load %arg20[%get3A_419, %get3A_420] {strides = array<i32>} : memref<32x256xf32, #tpu.memory_space<vmem>>, vector<16xf32>,
      %mul3A_422 = arith.mulf %gather3A_160, %get3A_421 : vector<16xf32>
      %add3A_423 = arith.addf %mul3A_418, %mul3A_422 : vector<16xf32>
      %get3A_424 = arith.index_cast %scan3A_156 : i32 to index
      %get3A_425 = arith.constant 240 : index
      %get3A_426 = tpu.vector_load %arg21[%get3A_424, %get3A_425] {strides = array<i32>} : memref<32x256xf32, #tpu.memory_space<vmem>>, vector<16xf32>,
      %mul3A_427 = arith.mulf %gather3A_161, %get3A_426 : vector<16xf32>
      %add3A_428 = arith.addf %add3A_423, %mul3A_427 : vector<16xf32>
      %swap3A_429 = arith.index_cast %scan3A_156 : i32 to index
      %swap3A_430 = arith.constant 240 : index
      %swap3A_431 = tpu.vector_load %arg22[%swap3A_429, %swap3A_430] {strides = array<i32>} : memref<32x256xf32, #tpu.memory_space<vmem>>, vector<16xf32>,
      tpu.vector_store %arg22[%swap3A_429, %swap3A_430], %add3A_428 {strides = array<i32>} : memref<32x256xf32, #tpu.memory_space<vmem>>, vector<16xf32>,
      %scan3A_432 = arith.constant 0 : i32
      scf.yield %scan3A_432 : i32
    }
    %scan3A_90 = arith.constant 32 : i32
    %add3A_91 = arith.constant 32 : i32
    %add3A_92 = arith.addi %mul3A_2, %add3A_91 : i32
    "tpu.region"() ({
      %run_scoped3A = tpu.sem_alloc : memref<!tpu.dma_semaphore, #tpu.memory_space<semaphore_mem>>
      %dma_start3A_156 = arith.constant 0 : i32
      %dma_start3A_157 = tpu.memref_slice %arg9[%add3A_92, %dma_start3A_156] : memref<4096x256xf32, #tpu.memory_space<hbm>> -> memref<32x256xf32, #tpu.memory_space<hbm>>
      %dma_start3A_158 = arith.constant 0 : i32
      %dma_start3A_159 = tpu.memref_slice %arg9[%add3A_92, %dma_start3A_158] : memref<4096x256xf32, #tpu.memory_space<hbm>> -> memref<32x256xf32, #tpu.memory_space<hbm>>
      tpu.enqueue_dma source(%arg22 : memref<32x256xf32, #tpu.memory_space<vmem>>) target(%dma_start3A_159 : memref<32x256xf32, #tpu.memory_space<hbm>>) target_semaphore(%run_scoped3A : memref<!tpu.dma_semaphore, #tpu.memory_space<semaphore_mem>>)
      %dma_wait3A_160 = arith.constant 0 : i32
      %dma_wait3A_161 = tpu.memref_slice %arg9[%add3A_92, %dma_wait3A_160] : memref<4096x256xf32, #tpu.memory_space<hbm>> -> memref<32x256xf32, #tpu.memory_space<hbm>>
      %dma_wait3A_162 = arith.constant 0 : i32
      %dma_wait3A_163 = tpu.memref_slice %arg9[%add3A_92, %dma_wait3A_162] : memref<4096x256xf32, #tpu.memory_space<hbm>> -> memref<32x256xf32, #tpu.memory_space<hbm>>
      tpu.wait_dma2 semaphore(%run_scoped3A : memref<!tpu.dma_semaphore, #tpu.memory_space<semaphore_mem>>) src(%arg22 : memref<32x256xf32, #tpu.memory_space<vmem>>) dst(%dma_wait3A_163 : memref<32x256xf32, #tpu.memory_space<hbm>>)
      tpu.yield
    }) : () -> ()
    %dma_wait3A_93 = arith.constant 64 : i32
    %dma_wait3A_94 = tpu.memref_slice %arg10[%dma_wait3A_93] : memref<128xi32, #tpu.memory_space<vmem>> -> memref<32xi32, #tpu.memory_space<vmem>>
    %dma_wait3A_95 = arith.constant 0 : i32
    %dma_wait3A_96 = arith.constant 0 : i32
    %dma_wait3A_97 = tpu.memref_slice %arg8[%dma_wait3A_95, %dma_wait3A_96] : memref<2048x256xf32, #tpu.memory_space<hbm>> -> memref<2048x256xf32, #tpu.memory_space<hbm>>
    tpu.wait_indirect_dma semaphore(%arg23 : memref<!tpu.dma_semaphore, #tpu.memory_space<semaphore_mem>>) src(%dma_wait3A_97 : memref<2048x256xf32, #tpu.memory_space<hbm>>) dst(%arg16 : memref<32x256xf32, #tpu.memory_space<vmem>>)
    %dma_wait3A_98 = arith.constant 64 : i32
    %dma_wait3A_99 = tpu.memref_slice %arg11[%dma_wait3A_98] : memref<128xi32, #tpu.memory_space<vmem>> -> memref<32xi32, #tpu.memory_space<vmem>>
    %dma_wait3A_100 = arith.constant 0 : i32
    %dma_wait3A_101 = arith.constant 0 : i32
    %dma_wait3A_102 = tpu.memref_slice %arg8[%dma_wait3A_100, %dma_wait3A_101] : memref<2048x256xf32, #tpu.memory_space<hbm>> -> memref<2048x256xf32, #tpu.memory_space<hbm>>
    tpu.wait_indirect_dma semaphore(%arg23 : memref<!tpu.dma_semaphore, #tpu.memory_space<semaphore_mem>>) src(%dma_wait3A_102 : memref<2048x256xf32, #tpu.memory_space<hbm>>) dst(%arg17 : memref<32x256xf32, #tpu.memory_space<vmem>>)
    %dma_wait3A_103 = arith.constant 64 : i32
    %dma_wait3A_104 = tpu.memref_slice %arg12[%dma_wait3A_103] : memref<128xi32, #tpu.memory_space<vmem>> -> memref<32xi32, #tpu.memory_space<vmem>>
    %dma_wait3A_105 = arith.constant 0 : i32
    %dma_wait3A_106 = arith.constant 0 : i32
    %dma_wait3A_107 = tpu.memref_slice %arg8[%dma_wait3A_105, %dma_wait3A_106] : memref<2048x256xf32, #tpu.memory_space<hbm>> -> memref<2048x256xf32, #tpu.memory_space<hbm>>
    tpu.wait_indirect_dma semaphore(%arg23 : memref<!tpu.dma_semaphore, #tpu.memory_space<semaphore_mem>>) src(%dma_wait3A_107 : memref<2048x256xf32, #tpu.memory_space<hbm>>) dst(%arg18 : memref<32x256xf32, #tpu.memory_space<vmem>>)
    %dma_start3A_108 = arith.constant 96 : i32
    %dma_start3A_109 = tpu.memref_slice %arg10[%dma_start3A_108] : memref<128xi32, #tpu.memory_space<vmem>> -> memref<32xi32, #tpu.memory_space<vmem>>
    %dma_start3A_110 = arith.constant 0 : i32
    %dma_start3A_111 = arith.constant 0 : i32
    %dma_start3A_112 = tpu.memref_slice %arg8[%dma_start3A_110, %dma_start3A_111] : memref<2048x256xf32, #tpu.memory_space<hbm>> -> memref<2048x256xf32, #tpu.memory_space<hbm>>
    tpu.enqueue_indirect_dma source(%dma_start3A_112 : memref<2048x256xf32, #tpu.memory_space<hbm>>) target(%arg19 : memref<32x256xf32, #tpu.memory_space<vmem>>) offsets(%dma_start3A_109 : memref<32xi32, #tpu.memory_space<vmem>>) semaphore(%arg23 : memref<!tpu.dma_semaphore, #tpu.memory_space<semaphore_mem>>)
    %dma_start3A_113 = arith.constant 96 : i32
    %dma_start3A_114 = tpu.memref_slice %arg11[%dma_start3A_113] : memref<128xi32, #tpu.memory_space<vmem>> -> memref<32xi32, #tpu.memory_space<vmem>>
    %dma_start3A_115 = arith.constant 0 : i32
    %dma_start3A_116 = arith.constant 0 : i32
    %dma_start3A_117 = tpu.memref_slice %arg8[%dma_start3A_115, %dma_start3A_116] : memref<2048x256xf32, #tpu.memory_space<hbm>> -> memref<2048x256xf32, #tpu.memory_space<hbm>>
    tpu.enqueue_indirect_dma source(%dma_start3A_117 : memref<2048x256xf32, #tpu.memory_space<hbm>>) target(%arg20 : memref<32x256xf32, #tpu.memory_space<vmem>>) offsets(%dma_start3A_114 : memref<32xi32, #tpu.memory_space<vmem>>) semaphore(%arg23 : memref<!tpu.dma_semaphore, #tpu.memory_space<semaphore_mem>>)
    %dma_start3A_118 = arith.constant 96 : i32
    %dma_start3A_119 = tpu.memref_slice %arg12[%dma_start3A_118] : memref<128xi32, #tpu.memory_space<vmem>> -> memref<32xi32, #tpu.memory_space<vmem>>
    %dma_start3A_120 = arith.constant 0 : i32
    %dma_start3A_121 = arith.constant 0 : i32
    %dma_start3A_122 = tpu.memref_slice %arg8[%dma_start3A_120, %dma_start3A_121] : memref<2048x256xf32, #tpu.memory_space<hbm>> -> memref<2048x256xf32, #tpu.memory_space<hbm>>
    tpu.enqueue_indirect_dma source(%dma_start3A_122 : memref<2048x256xf32, #tpu.memory_space<hbm>>) target(%arg21 : memref<32x256xf32, #tpu.memory_space<vmem>>) offsets(%dma_start3A_119 : memref<32xi32, #tpu.memory_space<vmem>>) semaphore(%arg23 : memref<!tpu.dma_semaphore, #tpu.memory_space<semaphore_mem>>)
    %scan3A_123 = arith.constant 0 : i32
    %scan3A_124 = arith.constant 0 : i32
    %scan3A_125 = arith.constant 32 : i32
    %scan3A_126 = arith.addi %scan3A_124, %scan3A_125 : i32
    %scan3A_127 = arith.constant 1 : i32
    %scan3A_128 = scf.for %scan3A_156 = %scan3A_124 to %scan3A_126 step %scan3A_127 iter_args(%scan3A_157 = %scan3A_123) -> (i32)  : i32 {
      %add3A_158 = arith.constant 64 : i32
      %add3A_159 = arith.addi %add3A_158, %scan3A_156 : i32
      %broadcast_in_dim3A = vector.broadcast %add3A_159 : i32 to vector<16xi32>
      %gather3A = tpu.vector_load_idx %arg13[%broadcast_in_dim3A] : memref<128xf32, #tpu.memory_space<vmem>>[vector<16xi32>], vector<16xf32>,
      %gather3A_160 = tpu.vector_load_idx %arg14[%broadcast_in_dim3A] : memref<128xf32, #tpu.memory_space<vmem>>[vector<16xi32>], vector<16xf32>,
      %gather3A_161 = tpu.vector_load_idx %arg15[%broadcast_in_dim3A] : memref<128xf32, #tpu.memory_space<vmem>>[vector<16xi32>], vector<16xf32>,
      %get3A = arith.index_cast %scan3A_156 : i32 to index
      %get3A_162 = arith.constant 0 : index
      %get3A_163 = tpu.vector_load %arg16[%get3A, %get3A_162] {strides = array<i32>} : memref<32x256xf32, #tpu.memory_space<vmem>>, vector<16xf32>,
      %mul3A_164 = arith.mulf %gather3A, %get3A_163 : vector<16xf32>
      %get3A_165 = arith.index_cast %scan3A_156 : i32 to index
      %get3A_166 = arith.constant 0 : index
      %get3A_167 = tpu.vector_load %arg17[%get3A_165, %get3A_166] {strides = array<i32>} : memref<32x256xf32, #tpu.memory_space<vmem>>, vector<16xf32>,
      %mul3A_168 = arith.mulf %gather3A_160, %get3A_167 : vector<16xf32>
      %add3A_169 = arith.addf %mul3A_164, %mul3A_168 : vector<16xf32>
      %get3A_170 = arith.index_cast %scan3A_156 : i32 to index
      %get3A_171 = arith.constant 0 : index
      %get3A_172 = tpu.vector_load %arg18[%get3A_170, %get3A_171] {strides = array<i32>} : memref<32x256xf32, #tpu.memory_space<vmem>>, vector<16xf32>,
      %mul3A_173 = arith.mulf %gather3A_161, %get3A_172 : vector<16xf32>
      %add3A_174 = arith.addf %add3A_169, %mul3A_173 : vector<16xf32>
      %swap3A = arith.index_cast %scan3A_156 : i32 to index
      %swap3A_175 = arith.constant 0 : index
      %swap3A_176 = tpu.vector_load %arg22[%swap3A, %swap3A_175] {strides = array<i32>} : memref<32x256xf32, #tpu.memory_space<vmem>>, vector<16xf32>,
      tpu.vector_store %arg22[%swap3A, %swap3A_175], %add3A_174 {strides = array<i32>} : memref<32x256xf32, #tpu.memory_space<vmem>>, vector<16xf32>,
      %get3A_177 = arith.index_cast %scan3A_156 : i32 to index
      %get3A_178 = arith.constant 16 : index
      %get3A_179 = tpu.vector_load %arg16[%get3A_177, %get3A_178] {strides = array<i32>} : memref<32x256xf32, #tpu.memory_space<vmem>>, vector<16xf32>,
      %mul3A_180 = arith.mulf %gather3A, %get3A_179 : vector<16xf32>
      %get3A_181 = arith.index_cast %scan3A_156 : i32 to index
      %get3A_182 = arith.constant 16 : index
      %get3A_183 = tpu.vector_load %arg17[%get3A_181, %get3A_182] {strides = array<i32>} : memref<32x256xf32, #tpu.memory_space<vmem>>, vector<16xf32>,
      %mul3A_184 = arith.mulf %gather3A_160, %get3A_183 : vector<16xf32>
      %add3A_185 = arith.addf %mul3A_180, %mul3A_184 : vector<16xf32>
      %get3A_186 = arith.index_cast %scan3A_156 : i32 to index
      %get3A_187 = arith.constant 16 : index
      %get3A_188 = tpu.vector_load %arg18[%get3A_186, %get3A_187] {strides = array<i32>} : memref<32x256xf32, #tpu.memory_space<vmem>>, vector<16xf32>,
      %mul3A_189 = arith.mulf %gather3A_161, %get3A_188 : vector<16xf32>
      %add3A_190 = arith.addf %add3A_185, %mul3A_189 : vector<16xf32>
      %swap3A_191 = arith.index_cast %scan3A_156 : i32 to index
      %swap3A_192 = arith.constant 16 : index
      %swap3A_193 = tpu.vector_load %arg22[%swap3A_191, %swap3A_192] {strides = array<i32>} : memref<32x256xf32, #tpu.memory_space<vmem>>, vector<16xf32>,
      tpu.vector_store %arg22[%swap3A_191, %swap3A_192], %add3A_190 {strides = array<i32>} : memref<32x256xf32, #tpu.memory_space<vmem>>, vector<16xf32>,
      %get3A_194 = arith.index_cast %scan3A_156 : i32 to index
      %get3A_195 = arith.constant 32 : index
      %get3A_196 = tpu.vector_load %arg16[%get3A_194, %get3A_195] {strides = array<i32>} : memref<32x256xf32, #tpu.memory_space<vmem>>, vector<16xf32>,
      %mul3A_197 = arith.mulf %gather3A, %get3A_196 : vector<16xf32>
      %get3A_198 = arith.index_cast %scan3A_156 : i32 to index
      %get3A_199 = arith.constant 32 : index
      %get3A_200 = tpu.vector_load %arg17[%get3A_198, %get3A_199] {strides = array<i32>} : memref<32x256xf32, #tpu.memory_space<vmem>>, vector<16xf32>,
      %mul3A_201 = arith.mulf %gather3A_160, %get3A_200 : vector<16xf32>
      %add3A_202 = arith.addf %mul3A_197, %mul3A_201 : vector<16xf32>
      %get3A_203 = arith.index_cast %scan3A_156 : i32 to index
      %get3A_204 = arith.constant 32 : index
      %get3A_205 = tpu.vector_load %arg18[%get3A_203, %get3A_204] {strides = array<i32>} : memref<32x256xf32, #tpu.memory_space<vmem>>, vector<16xf32>,
      %mul3A_206 = arith.mulf %gather3A_161, %get3A_205 : vector<16xf32>
      %add3A_207 = arith.addf %add3A_202, %mul3A_206 : vector<16xf32>
      %swap3A_208 = arith.index_cast %scan3A_156 : i32 to index
      %swap3A_209 = arith.constant 32 : index
      %swap3A_210 = tpu.vector_load %arg22[%swap3A_208, %swap3A_209] {strides = array<i32>} : memref<32x256xf32, #tpu.memory_space<vmem>>, vector<16xf32>,
      tpu.vector_store %arg22[%swap3A_208, %swap3A_209], %add3A_207 {strides = array<i32>} : memref<32x256xf32, #tpu.memory_space<vmem>>, vector<16xf32>,
      %get3A_211 = arith.index_cast %scan3A_156 : i32 to index
      %get3A_212 = arith.constant 48 : index
      %get3A_213 = tpu.vector_load %arg16[%get3A_211, %get3A_212] {strides = array<i32>} : memref<32x256xf32, #tpu.memory_space<vmem>>, vector<16xf32>,
      %mul3A_214 = arith.mulf %gather3A, %get3A_213 : vector<16xf32>
      %get3A_215 = arith.index_cast %scan3A_156 : i32 to index
      %get3A_216 = arith.constant 48 : index
      %get3A_217 = tpu.vector_load %arg17[%get3A_215, %get3A_216] {strides = array<i32>} : memref<32x256xf32, #tpu.memory_space<vmem>>, vector<16xf32>,
      %mul3A_218 = arith.mulf %gather3A_160, %get3A_217 : vector<16xf32>
      %add3A_219 = arith.addf %mul3A_214, %mul3A_218 : vector<16xf32>
      %get3A_220 = arith.index_cast %scan3A_156 : i32 to index
      %get3A_221 = arith.constant 48 : index
      %get3A_222 = tpu.vector_load %arg18[%get3A_220, %get3A_221] {strides = array<i32>} : memref<32x256xf32, #tpu.memory_space<vmem>>, vector<16xf32>,
      %mul3A_223 = arith.mulf %gather3A_161, %get3A_222 : vector<16xf32>
      %add3A_224 = arith.addf %add3A_219, %mul3A_223 : vector<16xf32>
      %swap3A_225 = arith.index_cast %scan3A_156 : i32 to index
      %swap3A_226 = arith.constant 48 : index
      %swap3A_227 = tpu.vector_load %arg22[%swap3A_225, %swap3A_226] {strides = array<i32>} : memref<32x256xf32, #tpu.memory_space<vmem>>, vector<16xf32>,
      tpu.vector_store %arg22[%swap3A_225, %swap3A_226], %add3A_224 {strides = array<i32>} : memref<32x256xf32, #tpu.memory_space<vmem>>, vector<16xf32>,
      %get3A_228 = arith.index_cast %scan3A_156 : i32 to index
      %get3A_229 = arith.constant 64 : index
      %get3A_230 = tpu.vector_load %arg16[%get3A_228, %get3A_229] {strides = array<i32>} : memref<32x256xf32, #tpu.memory_space<vmem>>, vector<16xf32>,
      %mul3A_231 = arith.mulf %gather3A, %get3A_230 : vector<16xf32>
      %get3A_232 = arith.index_cast %scan3A_156 : i32 to index
      %get3A_233 = arith.constant 64 : index
      %get3A_234 = tpu.vector_load %arg17[%get3A_232, %get3A_233] {strides = array<i32>} : memref<32x256xf32, #tpu.memory_space<vmem>>, vector<16xf32>,
      %mul3A_235 = arith.mulf %gather3A_160, %get3A_234 : vector<16xf32>
      %add3A_236 = arith.addf %mul3A_231, %mul3A_235 : vector<16xf32>
      %get3A_237 = arith.index_cast %scan3A_156 : i32 to index
      %get3A_238 = arith.constant 64 : index
      %get3A_239 = tpu.vector_load %arg18[%get3A_237, %get3A_238] {strides = array<i32>} : memref<32x256xf32, #tpu.memory_space<vmem>>, vector<16xf32>,
      %mul3A_240 = arith.mulf %gather3A_161, %get3A_239 : vector<16xf32>
      %add3A_241 = arith.addf %add3A_236, %mul3A_240 : vector<16xf32>
      %swap3A_242 = arith.index_cast %scan3A_156 : i32 to index
      %swap3A_243 = arith.constant 64 : index
      %swap3A_244 = tpu.vector_load %arg22[%swap3A_242, %swap3A_243] {strides = array<i32>} : memref<32x256xf32, #tpu.memory_space<vmem>>, vector<16xf32>,
      tpu.vector_store %arg22[%swap3A_242, %swap3A_243], %add3A_241 {strides = array<i32>} : memref<32x256xf32, #tpu.memory_space<vmem>>, vector<16xf32>,
      %get3A_245 = arith.index_cast %scan3A_156 : i32 to index
      %get3A_246 = arith.constant 80 : index
      %get3A_247 = tpu.vector_load %arg16[%get3A_245, %get3A_246] {strides = array<i32>} : memref<32x256xf32, #tpu.memory_space<vmem>>, vector<16xf32>,
      %mul3A_248 = arith.mulf %gather3A, %get3A_247 : vector<16xf32>
      %get3A_249 = arith.index_cast %scan3A_156 : i32 to index
      %get3A_250 = arith.constant 80 : index
      %get3A_251 = tpu.vector_load %arg17[%get3A_249, %get3A_250] {strides = array<i32>} : memref<32x256xf32, #tpu.memory_space<vmem>>, vector<16xf32>,
      %mul3A_252 = arith.mulf %gather3A_160, %get3A_251 : vector<16xf32>
      %add3A_253 = arith.addf %mul3A_248, %mul3A_252 : vector<16xf32>
      %get3A_254 = arith.index_cast %scan3A_156 : i32 to index
      %get3A_255 = arith.constant 80 : index
      %get3A_256 = tpu.vector_load %arg18[%get3A_254, %get3A_255] {strides = array<i32>} : memref<32x256xf32, #tpu.memory_space<vmem>>, vector<16xf32>,
      %mul3A_257 = arith.mulf %gather3A_161, %get3A_256 : vector<16xf32>
      %add3A_258 = arith.addf %add3A_253, %mul3A_257 : vector<16xf32>
      %swap3A_259 = arith.index_cast %scan3A_156 : i32 to index
      %swap3A_260 = arith.constant 80 : index
      %swap3A_261 = tpu.vector_load %arg22[%swap3A_259, %swap3A_260] {strides = array<i32>} : memref<32x256xf32, #tpu.memory_space<vmem>>, vector<16xf32>,
      tpu.vector_store %arg22[%swap3A_259, %swap3A_260], %add3A_258 {strides = array<i32>} : memref<32x256xf32, #tpu.memory_space<vmem>>, vector<16xf32>,
      %get3A_262 = arith.index_cast %scan3A_156 : i32 to index
      %get3A_263 = arith.constant 96 : index
      %get3A_264 = tpu.vector_load %arg16[%get3A_262, %get3A_263] {strides = array<i32>} : memref<32x256xf32, #tpu.memory_space<vmem>>, vector<16xf32>,
      %mul3A_265 = arith.mulf %gather3A, %get3A_264 : vector<16xf32>
      %get3A_266 = arith.index_cast %scan3A_156 : i32 to index
      %get3A_267 = arith.constant 96 : index
      %get3A_268 = tpu.vector_load %arg17[%get3A_266, %get3A_267] {strides = array<i32>} : memref<32x256xf32, #tpu.memory_space<vmem>>, vector<16xf32>,
      %mul3A_269 = arith.mulf %gather3A_160, %get3A_268 : vector<16xf32>
      %add3A_270 = arith.addf %mul3A_265, %mul3A_269 : vector<16xf32>
      %get3A_271 = arith.index_cast %scan3A_156 : i32 to index
      %get3A_272 = arith.constant 96 : index
      %get3A_273 = tpu.vector_load %arg18[%get3A_271, %get3A_272] {strides = array<i32>} : memref<32x256xf32, #tpu.memory_space<vmem>>, vector<16xf32>,
      %mul3A_274 = arith.mulf %gather3A_161, %get3A_273 : vector<16xf32>
      %add3A_275 = arith.addf %add3A_270, %mul3A_274 : vector<16xf32>
      %swap3A_276 = arith.index_cast %scan3A_156 : i32 to index
      %swap3A_277 = arith.constant 96 : index
      %swap3A_278 = tpu.vector_load %arg22[%swap3A_276, %swap3A_277] {strides = array<i32>} : memref<32x256xf32, #tpu.memory_space<vmem>>, vector<16xf32>,
      tpu.vector_store %arg22[%swap3A_276, %swap3A_277], %add3A_275 {strides = array<i32>} : memref<32x256xf32, #tpu.memory_space<vmem>>, vector<16xf32>,
      %get3A_279 = arith.index_cast %scan3A_156 : i32 to index
      %get3A_280 = arith.constant 112 : index
      %get3A_281 = tpu.vector_load %arg16[%get3A_279, %get3A_280] {strides = array<i32>} : memref<32x256xf32, #tpu.memory_space<vmem>>, vector<16xf32>,
      %mul3A_282 = arith.mulf %gather3A, %get3A_281 : vector<16xf32>
      %get3A_283 = arith.index_cast %scan3A_156 : i32 to index
      %get3A_284 = arith.constant 112 : index
      %get3A_285 = tpu.vector_load %arg17[%get3A_283, %get3A_284] {strides = array<i32>} : memref<32x256xf32, #tpu.memory_space<vmem>>, vector<16xf32>,
      %mul3A_286 = arith.mulf %gather3A_160, %get3A_285 : vector<16xf32>
      %add3A_287 = arith.addf %mul3A_282, %mul3A_286 : vector<16xf32>
      %get3A_288 = arith.index_cast %scan3A_156 : i32 to index
      %get3A_289 = arith.constant 112 : index
      %get3A_290 = tpu.vector_load %arg18[%get3A_288, %get3A_289] {strides = array<i32>} : memref<32x256xf32, #tpu.memory_space<vmem>>, vector<16xf32>,
      %mul3A_291 = arith.mulf %gather3A_161, %get3A_290 : vector<16xf32>
      %add3A_292 = arith.addf %add3A_287, %mul3A_291 : vector<16xf32>
      %swap3A_293 = arith.index_cast %scan3A_156 : i32 to index
      %swap3A_294 = arith.constant 112 : index
      %swap3A_295 = tpu.vector_load %arg22[%swap3A_293, %swap3A_294] {strides = array<i32>} : memref<32x256xf32, #tpu.memory_space<vmem>>, vector<16xf32>,
      tpu.vector_store %arg22[%swap3A_293, %swap3A_294], %add3A_292 {strides = array<i32>} : memref<32x256xf32, #tpu.memory_space<vmem>>, vector<16xf32>,
      %get3A_296 = arith.index_cast %scan3A_156 : i32 to index
      %get3A_297 = arith.constant 128 : index
      %get3A_298 = tpu.vector_load %arg16[%get3A_296, %get3A_297] {strides = array<i32>} : memref<32x256xf32, #tpu.memory_space<vmem>>, vector<16xf32>,
      %mul3A_299 = arith.mulf %gather3A, %get3A_298 : vector<16xf32>
      %get3A_300 = arith.index_cast %scan3A_156 : i32 to index
      %get3A_301 = arith.constant 128 : index
      %get3A_302 = tpu.vector_load %arg17[%get3A_300, %get3A_301] {strides = array<i32>} : memref<32x256xf32, #tpu.memory_space<vmem>>, vector<16xf32>,
      %mul3A_303 = arith.mulf %gather3A_160, %get3A_302 : vector<16xf32>
      %add3A_304 = arith.addf %mul3A_299, %mul3A_303 : vector<16xf32>
      %get3A_305 = arith.index_cast %scan3A_156 : i32 to index
      %get3A_306 = arith.constant 128 : index
      %get3A_307 = tpu.vector_load %arg18[%get3A_305, %get3A_306] {strides = array<i32>} : memref<32x256xf32, #tpu.memory_space<vmem>>, vector<16xf32>,
      %mul3A_308 = arith.mulf %gather3A_161, %get3A_307 : vector<16xf32>
      %add3A_309 = arith.addf %add3A_304, %mul3A_308 : vector<16xf32>
      %swap3A_310 = arith.index_cast %scan3A_156 : i32 to index
      %swap3A_311 = arith.constant 128 : index
      %swap3A_312 = tpu.vector_load %arg22[%swap3A_310, %swap3A_311] {strides = array<i32>} : memref<32x256xf32, #tpu.memory_space<vmem>>, vector<16xf32>,
      tpu.vector_store %arg22[%swap3A_310, %swap3A_311], %add3A_309 {strides = array<i32>} : memref<32x256xf32, #tpu.memory_space<vmem>>, vector<16xf32>,
      %get3A_313 = arith.index_cast %scan3A_156 : i32 to index
      %get3A_314 = arith.constant 144 : index
      %get3A_315 = tpu.vector_load %arg16[%get3A_313, %get3A_314] {strides = array<i32>} : memref<32x256xf32, #tpu.memory_space<vmem>>, vector<16xf32>,
      %mul3A_316 = arith.mulf %gather3A, %get3A_315 : vector<16xf32>
      %get3A_317 = arith.index_cast %scan3A_156 : i32 to index
      %get3A_318 = arith.constant 144 : index
      %get3A_319 = tpu.vector_load %arg17[%get3A_317, %get3A_318] {strides = array<i32>} : memref<32x256xf32, #tpu.memory_space<vmem>>, vector<16xf32>,
      %mul3A_320 = arith.mulf %gather3A_160, %get3A_319 : vector<16xf32>
      %add3A_321 = arith.addf %mul3A_316, %mul3A_320 : vector<16xf32>
      %get3A_322 = arith.index_cast %scan3A_156 : i32 to index
      %get3A_323 = arith.constant 144 : index
      %get3A_324 = tpu.vector_load %arg18[%get3A_322, %get3A_323] {strides = array<i32>} : memref<32x256xf32, #tpu.memory_space<vmem>>, vector<16xf32>,
      %mul3A_325 = arith.mulf %gather3A_161, %get3A_324 : vector<16xf32>
      %add3A_326 = arith.addf %add3A_321, %mul3A_325 : vector<16xf32>
      %swap3A_327 = arith.index_cast %scan3A_156 : i32 to index
      %swap3A_328 = arith.constant 144 : index
      %swap3A_329 = tpu.vector_load %arg22[%swap3A_327, %swap3A_328] {strides = array<i32>} : memref<32x256xf32, #tpu.memory_space<vmem>>, vector<16xf32>,
      tpu.vector_store %arg22[%swap3A_327, %swap3A_328], %add3A_326 {strides = array<i32>} : memref<32x256xf32, #tpu.memory_space<vmem>>, vector<16xf32>,
      %get3A_330 = arith.index_cast %scan3A_156 : i32 to index
      %get3A_331 = arith.constant 160 : index
      %get3A_332 = tpu.vector_load %arg16[%get3A_330, %get3A_331] {strides = array<i32>} : memref<32x256xf32, #tpu.memory_space<vmem>>, vector<16xf32>,
      %mul3A_333 = arith.mulf %gather3A, %get3A_332 : vector<16xf32>
      %get3A_334 = arith.index_cast %scan3A_156 : i32 to index
      %get3A_335 = arith.constant 160 : index
      %get3A_336 = tpu.vector_load %arg17[%get3A_334, %get3A_335] {strides = array<i32>} : memref<32x256xf32, #tpu.memory_space<vmem>>, vector<16xf32>,
      %mul3A_337 = arith.mulf %gather3A_160, %get3A_336 : vector<16xf32>
      %add3A_338 = arith.addf %mul3A_333, %mul3A_337 : vector<16xf32>
      %get3A_339 = arith.index_cast %scan3A_156 : i32 to index
      %get3A_340 = arith.constant 160 : index
      %get3A_341 = tpu.vector_load %arg18[%get3A_339, %get3A_340] {strides = array<i32>} : memref<32x256xf32, #tpu.memory_space<vmem>>, vector<16xf32>,
      %mul3A_342 = arith.mulf %gather3A_161, %get3A_341 : vector<16xf32>
      %add3A_343 = arith.addf %add3A_338, %mul3A_342 : vector<16xf32>
      %swap3A_344 = arith.index_cast %scan3A_156 : i32 to index
      %swap3A_345 = arith.constant 160 : index
      %swap3A_346 = tpu.vector_load %arg22[%swap3A_344, %swap3A_345] {strides = array<i32>} : memref<32x256xf32, #tpu.memory_space<vmem>>, vector<16xf32>,
      tpu.vector_store %arg22[%swap3A_344, %swap3A_345], %add3A_343 {strides = array<i32>} : memref<32x256xf32, #tpu.memory_space<vmem>>, vector<16xf32>,
      %get3A_347 = arith.index_cast %scan3A_156 : i32 to index
      %get3A_348 = arith.constant 176 : index
      %get3A_349 = tpu.vector_load %arg16[%get3A_347, %get3A_348] {strides = array<i32>} : memref<32x256xf32, #tpu.memory_space<vmem>>, vector<16xf32>,
      %mul3A_350 = arith.mulf %gather3A, %get3A_349 : vector<16xf32>
      %get3A_351 = arith.index_cast %scan3A_156 : i32 to index
      %get3A_352 = arith.constant 176 : index
      %get3A_353 = tpu.vector_load %arg17[%get3A_351, %get3A_352] {strides = array<i32>} : memref<32x256xf32, #tpu.memory_space<vmem>>, vector<16xf32>,
      %mul3A_354 = arith.mulf %gather3A_160, %get3A_353 : vector<16xf32>
      %add3A_355 = arith.addf %mul3A_350, %mul3A_354 : vector<16xf32>
      %get3A_356 = arith.index_cast %scan3A_156 : i32 to index
      %get3A_357 = arith.constant 176 : index
      %get3A_358 = tpu.vector_load %arg18[%get3A_356, %get3A_357] {strides = array<i32>} : memref<32x256xf32, #tpu.memory_space<vmem>>, vector<16xf32>,
      %mul3A_359 = arith.mulf %gather3A_161, %get3A_358 : vector<16xf32>
      %add3A_360 = arith.addf %add3A_355, %mul3A_359 : vector<16xf32>
      %swap3A_361 = arith.index_cast %scan3A_156 : i32 to index
      %swap3A_362 = arith.constant 176 : index
      %swap3A_363 = tpu.vector_load %arg22[%swap3A_361, %swap3A_362] {strides = array<i32>} : memref<32x256xf32, #tpu.memory_space<vmem>>, vector<16xf32>,
      tpu.vector_store %arg22[%swap3A_361, %swap3A_362], %add3A_360 {strides = array<i32>} : memref<32x256xf32, #tpu.memory_space<vmem>>, vector<16xf32>,
      %get3A_364 = arith.index_cast %scan3A_156 : i32 to index
      %get3A_365 = arith.constant 192 : index
      %get3A_366 = tpu.vector_load %arg16[%get3A_364, %get3A_365] {strides = array<i32>} : memref<32x256xf32, #tpu.memory_space<vmem>>, vector<16xf32>,
      %mul3A_367 = arith.mulf %gather3A, %get3A_366 : vector<16xf32>
      %get3A_368 = arith.index_cast %scan3A_156 : i32 to index
      %get3A_369 = arith.constant 192 : index
      %get3A_370 = tpu.vector_load %arg17[%get3A_368, %get3A_369] {strides = array<i32>} : memref<32x256xf32, #tpu.memory_space<vmem>>, vector<16xf32>,
      %mul3A_371 = arith.mulf %gather3A_160, %get3A_370 : vector<16xf32>
      %add3A_372 = arith.addf %mul3A_367, %mul3A_371 : vector<16xf32>
      %get3A_373 = arith.index_cast %scan3A_156 : i32 to index
      %get3A_374 = arith.constant 192 : index
      %get3A_375 = tpu.vector_load %arg18[%get3A_373, %get3A_374] {strides = array<i32>} : memref<32x256xf32, #tpu.memory_space<vmem>>, vector<16xf32>,
      %mul3A_376 = arith.mulf %gather3A_161, %get3A_375 : vector<16xf32>
      %add3A_377 = arith.addf %add3A_372, %mul3A_376 : vector<16xf32>
      %swap3A_378 = arith.index_cast %scan3A_156 : i32 to index
      %swap3A_379 = arith.constant 192 : index
      %swap3A_380 = tpu.vector_load %arg22[%swap3A_378, %swap3A_379] {strides = array<i32>} : memref<32x256xf32, #tpu.memory_space<vmem>>, vector<16xf32>,
      tpu.vector_store %arg22[%swap3A_378, %swap3A_379], %add3A_377 {strides = array<i32>} : memref<32x256xf32, #tpu.memory_space<vmem>>, vector<16xf32>,
      %get3A_381 = arith.index_cast %scan3A_156 : i32 to index
      %get3A_382 = arith.constant 208 : index
      %get3A_383 = tpu.vector_load %arg16[%get3A_381, %get3A_382] {strides = array<i32>} : memref<32x256xf32, #tpu.memory_space<vmem>>, vector<16xf32>,
      %mul3A_384 = arith.mulf %gather3A, %get3A_383 : vector<16xf32>
      %get3A_385 = arith.index_cast %scan3A_156 : i32 to index
      %get3A_386 = arith.constant 208 : index
      %get3A_387 = tpu.vector_load %arg17[%get3A_385, %get3A_386] {strides = array<i32>} : memref<32x256xf32, #tpu.memory_space<vmem>>, vector<16xf32>,
      %mul3A_388 = arith.mulf %gather3A_160, %get3A_387 : vector<16xf32>
      %add3A_389 = arith.addf %mul3A_384, %mul3A_388 : vector<16xf32>
      %get3A_390 = arith.index_cast %scan3A_156 : i32 to index
      %get3A_391 = arith.constant 208 : index
      %get3A_392 = tpu.vector_load %arg18[%get3A_390, %get3A_391] {strides = array<i32>} : memref<32x256xf32, #tpu.memory_space<vmem>>, vector<16xf32>,
      %mul3A_393 = arith.mulf %gather3A_161, %get3A_392 : vector<16xf32>
      %add3A_394 = arith.addf %add3A_389, %mul3A_393 : vector<16xf32>
      %swap3A_395 = arith.index_cast %scan3A_156 : i32 to index
      %swap3A_396 = arith.constant 208 : index
      %swap3A_397 = tpu.vector_load %arg22[%swap3A_395, %swap3A_396] {strides = array<i32>} : memref<32x256xf32, #tpu.memory_space<vmem>>, vector<16xf32>,
      tpu.vector_store %arg22[%swap3A_395, %swap3A_396], %add3A_394 {strides = array<i32>} : memref<32x256xf32, #tpu.memory_space<vmem>>, vector<16xf32>,
      %get3A_398 = arith.index_cast %scan3A_156 : i32 to index
      %get3A_399 = arith.constant 224 : index
      %get3A_400 = tpu.vector_load %arg16[%get3A_398, %get3A_399] {strides = array<i32>} : memref<32x256xf32, #tpu.memory_space<vmem>>, vector<16xf32>,
      %mul3A_401 = arith.mulf %gather3A, %get3A_400 : vector<16xf32>
      %get3A_402 = arith.index_cast %scan3A_156 : i32 to index
      %get3A_403 = arith.constant 224 : index
      %get3A_404 = tpu.vector_load %arg17[%get3A_402, %get3A_403] {strides = array<i32>} : memref<32x256xf32, #tpu.memory_space<vmem>>, vector<16xf32>,
      %mul3A_405 = arith.mulf %gather3A_160, %get3A_404 : vector<16xf32>
      %add3A_406 = arith.addf %mul3A_401, %mul3A_405 : vector<16xf32>
      %get3A_407 = arith.index_cast %scan3A_156 : i32 to index
      %get3A_408 = arith.constant 224 : index
      %get3A_409 = tpu.vector_load %arg18[%get3A_407, %get3A_408] {strides = array<i32>} : memref<32x256xf32, #tpu.memory_space<vmem>>, vector<16xf32>,
      %mul3A_410 = arith.mulf %gather3A_161, %get3A_409 : vector<16xf32>
      %add3A_411 = arith.addf %add3A_406, %mul3A_410 : vector<16xf32>
      %swap3A_412 = arith.index_cast %scan3A_156 : i32 to index
      %swap3A_413 = arith.constant 224 : index
      %swap3A_414 = tpu.vector_load %arg22[%swap3A_412, %swap3A_413] {strides = array<i32>} : memref<32x256xf32, #tpu.memory_space<vmem>>, vector<16xf32>,
      tpu.vector_store %arg22[%swap3A_412, %swap3A_413], %add3A_411 {strides = array<i32>} : memref<32x256xf32, #tpu.memory_space<vmem>>, vector<16xf32>,
      %get3A_415 = arith.index_cast %scan3A_156 : i32 to index
      %get3A_416 = arith.constant 240 : index
      %get3A_417 = tpu.vector_load %arg16[%get3A_415, %get3A_416] {strides = array<i32>} : memref<32x256xf32, #tpu.memory_space<vmem>>, vector<16xf32>,
      %mul3A_418 = arith.mulf %gather3A, %get3A_417 : vector<16xf32>
      %get3A_419 = arith.index_cast %scan3A_156 : i32 to index
      %get3A_420 = arith.constant 240 : index
      %get3A_421 = tpu.vector_load %arg17[%get3A_419, %get3A_420] {strides = array<i32>} : memref<32x256xf32, #tpu.memory_space<vmem>>, vector<16xf32>,
      %mul3A_422 = arith.mulf %gather3A_160, %get3A_421 : vector<16xf32>
      %add3A_423 = arith.addf %mul3A_418, %mul3A_422 : vector<16xf32>
      %get3A_424 = arith.index_cast %scan3A_156 : i32 to index
      %get3A_425 = arith.constant 240 : index
      %get3A_426 = tpu.vector_load %arg18[%get3A_424, %get3A_425] {strides = array<i32>} : memref<32x256xf32, #tpu.memory_space<vmem>>, vector<16xf32>,
      %mul3A_427 = arith.mulf %gather3A_161, %get3A_426 : vector<16xf32>
      %add3A_428 = arith.addf %add3A_423, %mul3A_427 : vector<16xf32>
      %swap3A_429 = arith.index_cast %scan3A_156 : i32 to index
      %swap3A_430 = arith.constant 240 : index
      %swap3A_431 = tpu.vector_load %arg22[%swap3A_429, %swap3A_430] {strides = array<i32>} : memref<32x256xf32, #tpu.memory_space<vmem>>, vector<16xf32>,
      tpu.vector_store %arg22[%swap3A_429, %swap3A_430], %add3A_428 {strides = array<i32>} : memref<32x256xf32, #tpu.memory_space<vmem>>, vector<16xf32>,
      %scan3A_432 = arith.constant 0 : i32
      scf.yield %scan3A_432 : i32
    }
    %scan3A_129 = arith.constant 32 : i32
    %add3A_130 = arith.constant 64 : i32
    %add3A_131 = arith.addi %mul3A_2, %add3A_130 : i32
    "tpu.region"() ({
      %run_scoped3A = tpu.sem_alloc : memref<!tpu.dma_semaphore, #tpu.memory_space<semaphore_mem>>
      %dma_start3A_156 = arith.constant 0 : i32
      %dma_start3A_157 = tpu.memref_slice %arg9[%add3A_131, %dma_start3A_156] : memref<4096x256xf32, #tpu.memory_space<hbm>> -> memref<32x256xf32, #tpu.memory_space<hbm>>
      %dma_start3A_158 = arith.constant 0 : i32
      %dma_start3A_159 = tpu.memref_slice %arg9[%add3A_131, %dma_start3A_158] : memref<4096x256xf32, #tpu.memory_space<hbm>> -> memref<32x256xf32, #tpu.memory_space<hbm>>
      tpu.enqueue_dma source(%arg22 : memref<32x256xf32, #tpu.memory_space<vmem>>) target(%dma_start3A_159 : memref<32x256xf32, #tpu.memory_space<hbm>>) target_semaphore(%run_scoped3A : memref<!tpu.dma_semaphore, #tpu.memory_space<semaphore_mem>>)
      %dma_wait3A_160 = arith.constant 0 : i32
      %dma_wait3A_161 = tpu.memref_slice %arg9[%add3A_131, %dma_wait3A_160] : memref<4096x256xf32, #tpu.memory_space<hbm>> -> memref<32x256xf32, #tpu.memory_space<hbm>>
      %dma_wait3A_162 = arith.constant 0 : i32
      %dma_wait3A_163 = tpu.memref_slice %arg9[%add3A_131, %dma_wait3A_162] : memref<4096x256xf32, #tpu.memory_space<hbm>> -> memref<32x256xf32, #tpu.memory_space<hbm>>
      tpu.wait_dma2 semaphore(%run_scoped3A : memref<!tpu.dma_semaphore, #tpu.memory_space<semaphore_mem>>) src(%arg22 : memref<32x256xf32, #tpu.memory_space<vmem>>) dst(%dma_wait3A_163 : memref<32x256xf32, #tpu.memory_space<hbm>>)
      tpu.yield
    }) : () -> ()
    %dma_wait3A_132 = arith.constant 96 : i32
    %dma_wait3A_133 = tpu.memref_slice %arg10[%dma_wait3A_132] : memref<128xi32, #tpu.memory_space<vmem>> -> memref<32xi32, #tpu.memory_space<vmem>>
    %dma_wait3A_134 = arith.constant 0 : i32
    %dma_wait3A_135 = arith.constant 0 : i32
    %dma_wait3A_136 = tpu.memref_slice %arg8[%dma_wait3A_134, %dma_wait3A_135] : memref<2048x256xf32, #tpu.memory_space<hbm>> -> memref<2048x256xf32, #tpu.memory_space<hbm>>
    tpu.wait_indirect_dma semaphore(%arg23 : memref<!tpu.dma_semaphore, #tpu.memory_space<semaphore_mem>>) src(%dma_wait3A_136 : memref<2048x256xf32, #tpu.memory_space<hbm>>) dst(%arg19 : memref<32x256xf32, #tpu.memory_space<vmem>>)
    %dma_wait3A_137 = arith.constant 96 : i32
    %dma_wait3A_138 = tpu.memref_slice %arg11[%dma_wait3A_137] : memref<128xi32, #tpu.memory_space<vmem>> -> memref<32xi32, #tpu.memory_space<vmem>>
    %dma_wait3A_139 = arith.constant 0 : i32
    %dma_wait3A_140 = arith.constant 0 : i32
    %dma_wait3A_141 = tpu.memref_slice %arg8[%dma_wait3A_139, %dma_wait3A_140] : memref<2048x256xf32, #tpu.memory_space<hbm>> -> memref<2048x256xf32, #tpu.memory_space<hbm>>
    tpu.wait_indirect_dma semaphore(%arg23 : memref<!tpu.dma_semaphore, #tpu.memory_space<semaphore_mem>>) src(%dma_wait3A_141 : memref<2048x256xf32, #tpu.memory_space<hbm>>) dst(%arg20 : memref<32x256xf32, #tpu.memory_space<vmem>>)
    %dma_wait3A_142 = arith.constant 96 : i32
    %dma_wait3A_143 = tpu.memref_slice %arg12[%dma_wait3A_142] : memref<128xi32, #tpu.memory_space<vmem>> -> memref<32xi32, #tpu.memory_space<vmem>>
    %dma_wait3A_144 = arith.constant 0 : i32
    %dma_wait3A_145 = arith.constant 0 : i32
    %dma_wait3A_146 = tpu.memref_slice %arg8[%dma_wait3A_144, %dma_wait3A_145] : memref<2048x256xf32, #tpu.memory_space<hbm>> -> memref<2048x256xf32, #tpu.memory_space<hbm>>
    tpu.wait_indirect_dma semaphore(%arg23 : memref<!tpu.dma_semaphore, #tpu.memory_space<semaphore_mem>>) src(%dma_wait3A_146 : memref<2048x256xf32, #tpu.memory_space<hbm>>) dst(%arg21 : memref<32x256xf32, #tpu.memory_space<vmem>>)
    %scan3A_147 = arith.constant 0 : i32
    %scan3A_148 = arith.constant 0 : i32
    %scan3A_149 = arith.constant 32 : i32
    %scan3A_150 = arith.addi %scan3A_148, %scan3A_149 : i32
    %scan3A_151 = arith.constant 1 : i32
    %scan3A_152 = scf.for %scan3A_156 = %scan3A_148 to %scan3A_150 step %scan3A_151 iter_args(%scan3A_157 = %scan3A_147) -> (i32)  : i32 {
      %add3A_158 = arith.constant 96 : i32
      %add3A_159 = arith.addi %add3A_158, %scan3A_156 : i32
      %broadcast_in_dim3A = vector.broadcast %add3A_159 : i32 to vector<16xi32>
      %gather3A = tpu.vector_load_idx %arg13[%broadcast_in_dim3A] : memref<128xf32, #tpu.memory_space<vmem>>[vector<16xi32>], vector<16xf32>,
      %gather3A_160 = tpu.vector_load_idx %arg14[%broadcast_in_dim3A] : memref<128xf32, #tpu.memory_space<vmem>>[vector<16xi32>], vector<16xf32>,
      %gather3A_161 = tpu.vector_load_idx %arg15[%broadcast_in_dim3A] : memref<128xf32, #tpu.memory_space<vmem>>[vector<16xi32>], vector<16xf32>,
      %get3A = arith.index_cast %scan3A_156 : i32 to index
      %get3A_162 = arith.constant 0 : index
      %get3A_163 = tpu.vector_load %arg19[%get3A, %get3A_162] {strides = array<i32>} : memref<32x256xf32, #tpu.memory_space<vmem>>, vector<16xf32>,
      %mul3A_164 = arith.mulf %gather3A, %get3A_163 : vector<16xf32>
      %get3A_165 = arith.index_cast %scan3A_156 : i32 to index
      %get3A_166 = arith.constant 0 : index
      %get3A_167 = tpu.vector_load %arg20[%get3A_165, %get3A_166] {strides = array<i32>} : memref<32x256xf32, #tpu.memory_space<vmem>>, vector<16xf32>,
      %mul3A_168 = arith.mulf %gather3A_160, %get3A_167 : vector<16xf32>
      %add3A_169 = arith.addf %mul3A_164, %mul3A_168 : vector<16xf32>
      %get3A_170 = arith.index_cast %scan3A_156 : i32 to index
      %get3A_171 = arith.constant 0 : index
      %get3A_172 = tpu.vector_load %arg21[%get3A_170, %get3A_171] {strides = array<i32>} : memref<32x256xf32, #tpu.memory_space<vmem>>, vector<16xf32>,
      %mul3A_173 = arith.mulf %gather3A_161, %get3A_172 : vector<16xf32>
      %add3A_174 = arith.addf %add3A_169, %mul3A_173 : vector<16xf32>
      %swap3A = arith.index_cast %scan3A_156 : i32 to index
      %swap3A_175 = arith.constant 0 : index
      %swap3A_176 = tpu.vector_load %arg22[%swap3A, %swap3A_175] {strides = array<i32>} : memref<32x256xf32, #tpu.memory_space<vmem>>, vector<16xf32>,
      tpu.vector_store %arg22[%swap3A, %swap3A_175], %add3A_174 {strides = array<i32>} : memref<32x256xf32, #tpu.memory_space<vmem>>, vector<16xf32>,
      %get3A_177 = arith.index_cast %scan3A_156 : i32 to index
      %get3A_178 = arith.constant 16 : index
      %get3A_179 = tpu.vector_load %arg19[%get3A_177, %get3A_178] {strides = array<i32>} : memref<32x256xf32, #tpu.memory_space<vmem>>, vector<16xf32>,
      %mul3A_180 = arith.mulf %gather3A, %get3A_179 : vector<16xf32>
      %get3A_181 = arith.index_cast %scan3A_156 : i32 to index
      %get3A_182 = arith.constant 16 : index
      %get3A_183 = tpu.vector_load %arg20[%get3A_181, %get3A_182] {strides = array<i32>} : memref<32x256xf32, #tpu.memory_space<vmem>>, vector<16xf32>,
      %mul3A_184 = arith.mulf %gather3A_160, %get3A_183 : vector<16xf32>
      %add3A_185 = arith.addf %mul3A_180, %mul3A_184 : vector<16xf32>
      %get3A_186 = arith.index_cast %scan3A_156 : i32 to index
      %get3A_187 = arith.constant 16 : index
      %get3A_188 = tpu.vector_load %arg21[%get3A_186, %get3A_187] {strides = array<i32>} : memref<32x256xf32, #tpu.memory_space<vmem>>, vector<16xf32>,
      %mul3A_189 = arith.mulf %gather3A_161, %get3A_188 : vector<16xf32>
      %add3A_190 = arith.addf %add3A_185, %mul3A_189 : vector<16xf32>
      %swap3A_191 = arith.index_cast %scan3A_156 : i32 to index
      %swap3A_192 = arith.constant 16 : index
      %swap3A_193 = tpu.vector_load %arg22[%swap3A_191, %swap3A_192] {strides = array<i32>} : memref<32x256xf32, #tpu.memory_space<vmem>>, vector<16xf32>,
      tpu.vector_store %arg22[%swap3A_191, %swap3A_192], %add3A_190 {strides = array<i32>} : memref<32x256xf32, #tpu.memory_space<vmem>>, vector<16xf32>,
      %get3A_194 = arith.index_cast %scan3A_156 : i32 to index
      %get3A_195 = arith.constant 32 : index
      %get3A_196 = tpu.vector_load %arg19[%get3A_194, %get3A_195] {strides = array<i32>} : memref<32x256xf32, #tpu.memory_space<vmem>>, vector<16xf32>,
      %mul3A_197 = arith.mulf %gather3A, %get3A_196 : vector<16xf32>
      %get3A_198 = arith.index_cast %scan3A_156 : i32 to index
      %get3A_199 = arith.constant 32 : index
      %get3A_200 = tpu.vector_load %arg20[%get3A_198, %get3A_199] {strides = array<i32>} : memref<32x256xf32, #tpu.memory_space<vmem>>, vector<16xf32>,
      %mul3A_201 = arith.mulf %gather3A_160, %get3A_200 : vector<16xf32>
      %add3A_202 = arith.addf %mul3A_197, %mul3A_201 : vector<16xf32>
      %get3A_203 = arith.index_cast %scan3A_156 : i32 to index
      %get3A_204 = arith.constant 32 : index
      %get3A_205 = tpu.vector_load %arg21[%get3A_203, %get3A_204] {strides = array<i32>} : memref<32x256xf32, #tpu.memory_space<vmem>>, vector<16xf32>,
      %mul3A_206 = arith.mulf %gather3A_161, %get3A_205 : vector<16xf32>
      %add3A_207 = arith.addf %add3A_202, %mul3A_206 : vector<16xf32>
      %swap3A_208 = arith.index_cast %scan3A_156 : i32 to index
      %swap3A_209 = arith.constant 32 : index
      %swap3A_210 = tpu.vector_load %arg22[%swap3A_208, %swap3A_209] {strides = array<i32>} : memref<32x256xf32, #tpu.memory_space<vmem>>, vector<16xf32>,
      tpu.vector_store %arg22[%swap3A_208, %swap3A_209], %add3A_207 {strides = array<i32>} : memref<32x256xf32, #tpu.memory_space<vmem>>, vector<16xf32>,
      %get3A_211 = arith.index_cast %scan3A_156 : i32 to index
      %get3A_212 = arith.constant 48 : index
      %get3A_213 = tpu.vector_load %arg19[%get3A_211, %get3A_212] {strides = array<i32>} : memref<32x256xf32, #tpu.memory_space<vmem>>, vector<16xf32>,
      %mul3A_214 = arith.mulf %gather3A, %get3A_213 : vector<16xf32>
      %get3A_215 = arith.index_cast %scan3A_156 : i32 to index
      %get3A_216 = arith.constant 48 : index
      %get3A_217 = tpu.vector_load %arg20[%get3A_215, %get3A_216] {strides = array<i32>} : memref<32x256xf32, #tpu.memory_space<vmem>>, vector<16xf32>,
      %mul3A_218 = arith.mulf %gather3A_160, %get3A_217 : vector<16xf32>
      %add3A_219 = arith.addf %mul3A_214, %mul3A_218 : vector<16xf32>
      %get3A_220 = arith.index_cast %scan3A_156 : i32 to index
      %get3A_221 = arith.constant 48 : index
      %get3A_222 = tpu.vector_load %arg21[%get3A_220, %get3A_221] {strides = array<i32>} : memref<32x256xf32, #tpu.memory_space<vmem>>, vector<16xf32>,
      %mul3A_223 = arith.mulf %gather3A_161, %get3A_222 : vector<16xf32>
      %add3A_224 = arith.addf %add3A_219, %mul3A_223 : vector<16xf32>
      %swap3A_225 = arith.index_cast %scan3A_156 : i32 to index
      %swap3A_226 = arith.constant 48 : index
      %swap3A_227 = tpu.vector_load %arg22[%swap3A_225, %swap3A_226] {strides = array<i32>} : memref<32x256xf32, #tpu.memory_space<vmem>>, vector<16xf32>,
      tpu.vector_store %arg22[%swap3A_225, %swap3A_226], %add3A_224 {strides = array<i32>} : memref<32x256xf32, #tpu.memory_space<vmem>>, vector<16xf32>,
      %get3A_228 = arith.index_cast %scan3A_156 : i32 to index
      %get3A_229 = arith.constant 64 : index
      %get3A_230 = tpu.vector_load %arg19[%get3A_228, %get3A_229] {strides = array<i32>} : memref<32x256xf32, #tpu.memory_space<vmem>>, vector<16xf32>,
      %mul3A_231 = arith.mulf %gather3A, %get3A_230 : vector<16xf32>
      %get3A_232 = arith.index_cast %scan3A_156 : i32 to index
      %get3A_233 = arith.constant 64 : index
      %get3A_234 = tpu.vector_load %arg20[%get3A_232, %get3A_233] {strides = array<i32>} : memref<32x256xf32, #tpu.memory_space<vmem>>, vector<16xf32>,
      %mul3A_235 = arith.mulf %gather3A_160, %get3A_234 : vector<16xf32>
      %add3A_236 = arith.addf %mul3A_231, %mul3A_235 : vector<16xf32>
      %get3A_237 = arith.index_cast %scan3A_156 : i32 to index
      %get3A_238 = arith.constant 64 : index
      %get3A_239 = tpu.vector_load %arg21[%get3A_237, %get3A_238] {strides = array<i32>} : memref<32x256xf32, #tpu.memory_space<vmem>>, vector<16xf32>,
      %mul3A_240 = arith.mulf %gather3A_161, %get3A_239 : vector<16xf32>
      %add3A_241 = arith.addf %add3A_236, %mul3A_240 : vector<16xf32>
      %swap3A_242 = arith.index_cast %scan3A_156 : i32 to index
      %swap3A_243 = arith.constant 64 : index
      %swap3A_244 = tpu.vector_load %arg22[%swap3A_242, %swap3A_243] {strides = array<i32>} : memref<32x256xf32, #tpu.memory_space<vmem>>, vector<16xf32>,
      tpu.vector_store %arg22[%swap3A_242, %swap3A_243], %add3A_241 {strides = array<i32>} : memref<32x256xf32, #tpu.memory_space<vmem>>, vector<16xf32>,
      %get3A_245 = arith.index_cast %scan3A_156 : i32 to index
      %get3A_246 = arith.constant 80 : index
      %get3A_247 = tpu.vector_load %arg19[%get3A_245, %get3A_246] {strides = array<i32>} : memref<32x256xf32, #tpu.memory_space<vmem>>, vector<16xf32>,
      %mul3A_248 = arith.mulf %gather3A, %get3A_247 : vector<16xf32>
      %get3A_249 = arith.index_cast %scan3A_156 : i32 to index
      %get3A_250 = arith.constant 80 : index
      %get3A_251 = tpu.vector_load %arg20[%get3A_249, %get3A_250] {strides = array<i32>} : memref<32x256xf32, #tpu.memory_space<vmem>>, vector<16xf32>,
      %mul3A_252 = arith.mulf %gather3A_160, %get3A_251 : vector<16xf32>
      %add3A_253 = arith.addf %mul3A_248, %mul3A_252 : vector<16xf32>
      %get3A_254 = arith.index_cast %scan3A_156 : i32 to index
      %get3A_255 = arith.constant 80 : index
      %get3A_256 = tpu.vector_load %arg21[%get3A_254, %get3A_255] {strides = array<i32>} : memref<32x256xf32, #tpu.memory_space<vmem>>, vector<16xf32>,
      %mul3A_257 = arith.mulf %gather3A_161, %get3A_256 : vector<16xf32>
      %add3A_258 = arith.addf %add3A_253, %mul3A_257 : vector<16xf32>
      %swap3A_259 = arith.index_cast %scan3A_156 : i32 to index
      %swap3A_260 = arith.constant 80 : index
      %swap3A_261 = tpu.vector_load %arg22[%swap3A_259, %swap3A_260] {strides = array<i32>} : memref<32x256xf32, #tpu.memory_space<vmem>>, vector<16xf32>,
      tpu.vector_store %arg22[%swap3A_259, %swap3A_260], %add3A_258 {strides = array<i32>} : memref<32x256xf32, #tpu.memory_space<vmem>>, vector<16xf32>,
      %get3A_262 = arith.index_cast %scan3A_156 : i32 to index
      %get3A_263 = arith.constant 96 : index
      %get3A_264 = tpu.vector_load %arg19[%get3A_262, %get3A_263] {strides = array<i32>} : memref<32x256xf32, #tpu.memory_space<vmem>>, vector<16xf32>,
      %mul3A_265 = arith.mulf %gather3A, %get3A_264 : vector<16xf32>
      %get3A_266 = arith.index_cast %scan3A_156 : i32 to index
      %get3A_267 = arith.constant 96 : index
      %get3A_268 = tpu.vector_load %arg20[%get3A_266, %get3A_267] {strides = array<i32>} : memref<32x256xf32, #tpu.memory_space<vmem>>, vector<16xf32>,
      %mul3A_269 = arith.mulf %gather3A_160, %get3A_268 : vector<16xf32>
      %add3A_270 = arith.addf %mul3A_265, %mul3A_269 : vector<16xf32>
      %get3A_271 = arith.index_cast %scan3A_156 : i32 to index
      %get3A_272 = arith.constant 96 : index
      %get3A_273 = tpu.vector_load %arg21[%get3A_271, %get3A_272] {strides = array<i32>} : memref<32x256xf32, #tpu.memory_space<vmem>>, vector<16xf32>,
      %mul3A_274 = arith.mulf %gather3A_161, %get3A_273 : vector<16xf32>
      %add3A_275 = arith.addf %add3A_270, %mul3A_274 : vector<16xf32>
      %swap3A_276 = arith.index_cast %scan3A_156 : i32 to index
      %swap3A_277 = arith.constant 96 : index
      %swap3A_278 = tpu.vector_load %arg22[%swap3A_276, %swap3A_277] {strides = array<i32>} : memref<32x256xf32, #tpu.memory_space<vmem>>, vector<16xf32>,
      tpu.vector_store %arg22[%swap3A_276, %swap3A_277], %add3A_275 {strides = array<i32>} : memref<32x256xf32, #tpu.memory_space<vmem>>, vector<16xf32>,
      %get3A_279 = arith.index_cast %scan3A_156 : i32 to index
      %get3A_280 = arith.constant 112 : index
      %get3A_281 = tpu.vector_load %arg19[%get3A_279, %get3A_280] {strides = array<i32>} : memref<32x256xf32, #tpu.memory_space<vmem>>, vector<16xf32>,
      %mul3A_282 = arith.mulf %gather3A, %get3A_281 : vector<16xf32>
      %get3A_283 = arith.index_cast %scan3A_156 : i32 to index
      %get3A_284 = arith.constant 112 : index
      %get3A_285 = tpu.vector_load %arg20[%get3A_283, %get3A_284] {strides = array<i32>} : memref<32x256xf32, #tpu.memory_space<vmem>>, vector<16xf32>,
      %mul3A_286 = arith.mulf %gather3A_160, %get3A_285 : vector<16xf32>
      %add3A_287 = arith.addf %mul3A_282, %mul3A_286 : vector<16xf32>
      %get3A_288 = arith.index_cast %scan3A_156 : i32 to index
      %get3A_289 = arith.constant 112 : index
      %get3A_290 = tpu.vector_load %arg21[%get3A_288, %get3A_289] {strides = array<i32>} : memref<32x256xf32, #tpu.memory_space<vmem>>, vector<16xf32>,
      %mul3A_291 = arith.mulf %gather3A_161, %get3A_290 : vector<16xf32>
      %add3A_292 = arith.addf %add3A_287, %mul3A_291 : vector<16xf32>
      %swap3A_293 = arith.index_cast %scan3A_156 : i32 to index
      %swap3A_294 = arith.constant 112 : index
      %swap3A_295 = tpu.vector_load %arg22[%swap3A_293, %swap3A_294] {strides = array<i32>} : memref<32x256xf32, #tpu.memory_space<vmem>>, vector<16xf32>,
      tpu.vector_store %arg22[%swap3A_293, %swap3A_294], %add3A_292 {strides = array<i32>} : memref<32x256xf32, #tpu.memory_space<vmem>>, vector<16xf32>,
      %get3A_296 = arith.index_cast %scan3A_156 : i32 to index
      %get3A_297 = arith.constant 128 : index
      %get3A_298 = tpu.vector_load %arg19[%get3A_296, %get3A_297] {strides = array<i32>} : memref<32x256xf32, #tpu.memory_space<vmem>>, vector<16xf32>,
      %mul3A_299 = arith.mulf %gather3A, %get3A_298 : vector<16xf32>
      %get3A_300 = arith.index_cast %scan3A_156 : i32 to index
      %get3A_301 = arith.constant 128 : index
      %get3A_302 = tpu.vector_load %arg20[%get3A_300, %get3A_301] {strides = array<i32>} : memref<32x256xf32, #tpu.memory_space<vmem>>, vector<16xf32>,
      %mul3A_303 = arith.mulf %gather3A_160, %get3A_302 : vector<16xf32>
      %add3A_304 = arith.addf %mul3A_299, %mul3A_303 : vector<16xf32>
      %get3A_305 = arith.index_cast %scan3A_156 : i32 to index
      %get3A_306 = arith.constant 128 : index
      %get3A_307 = tpu.vector_load %arg21[%get3A_305, %get3A_306] {strides = array<i32>} : memref<32x256xf32, #tpu.memory_space<vmem>>, vector<16xf32>,
      %mul3A_308 = arith.mulf %gather3A_161, %get3A_307 : vector<16xf32>
      %add3A_309 = arith.addf %add3A_304, %mul3A_308 : vector<16xf32>
      %swap3A_310 = arith.index_cast %scan3A_156 : i32 to index
      %swap3A_311 = arith.constant 128 : index
      %swap3A_312 = tpu.vector_load %arg22[%swap3A_310, %swap3A_311] {strides = array<i32>} : memref<32x256xf32, #tpu.memory_space<vmem>>, vector<16xf32>,
      tpu.vector_store %arg22[%swap3A_310, %swap3A_311], %add3A_309 {strides = array<i32>} : memref<32x256xf32, #tpu.memory_space<vmem>>, vector<16xf32>,
      %get3A_313 = arith.index_cast %scan3A_156 : i32 to index
      %get3A_314 = arith.constant 144 : index
      %get3A_315 = tpu.vector_load %arg19[%get3A_313, %get3A_314] {strides = array<i32>} : memref<32x256xf32, #tpu.memory_space<vmem>>, vector<16xf32>,
      %mul3A_316 = arith.mulf %gather3A, %get3A_315 : vector<16xf32>
      %get3A_317 = arith.index_cast %scan3A_156 : i32 to index
      %get3A_318 = arith.constant 144 : index
      %get3A_319 = tpu.vector_load %arg20[%get3A_317, %get3A_318] {strides = array<i32>} : memref<32x256xf32, #tpu.memory_space<vmem>>, vector<16xf32>,
      %mul3A_320 = arith.mulf %gather3A_160, %get3A_319 : vector<16xf32>
      %add3A_321 = arith.addf %mul3A_316, %mul3A_320 : vector<16xf32>
      %get3A_322 = arith.index_cast %scan3A_156 : i32 to index
      %get3A_323 = arith.constant 144 : index
      %get3A_324 = tpu.vector_load %arg21[%get3A_322, %get3A_323] {strides = array<i32>} : memref<32x256xf32, #tpu.memory_space<vmem>>, vector<16xf32>,
      %mul3A_325 = arith.mulf %gather3A_161, %get3A_324 : vector<16xf32>
      %add3A_326 = arith.addf %add3A_321, %mul3A_325 : vector<16xf32>
      %swap3A_327 = arith.index_cast %scan3A_156 : i32 to index
      %swap3A_328 = arith.constant 144 : index
      %swap3A_329 = tpu.vector_load %arg22[%swap3A_327, %swap3A_328] {strides = array<i32>} : memref<32x256xf32, #tpu.memory_space<vmem>>, vector<16xf32>,
      tpu.vector_store %arg22[%swap3A_327, %swap3A_328], %add3A_326 {strides = array<i32>} : memref<32x256xf32, #tpu.memory_space<vmem>>, vector<16xf32>,
      %get3A_330 = arith.index_cast %scan3A_156 : i32 to index
      %get3A_331 = arith.constant 160 : index
      %get3A_332 = tpu.vector_load %arg19[%get3A_330, %get3A_331] {strides = array<i32>} : memref<32x256xf32, #tpu.memory_space<vmem>>, vector<16xf32>,
      %mul3A_333 = arith.mulf %gather3A, %get3A_332 : vector<16xf32>
      %get3A_334 = arith.index_cast %scan3A_156 : i32 to index
      %get3A_335 = arith.constant 160 : index
      %get3A_336 = tpu.vector_load %arg20[%get3A_334, %get3A_335] {strides = array<i32>} : memref<32x256xf32, #tpu.memory_space<vmem>>, vector<16xf32>,
      %mul3A_337 = arith.mulf %gather3A_160, %get3A_336 : vector<16xf32>
      %add3A_338 = arith.addf %mul3A_333, %mul3A_337 : vector<16xf32>
      %get3A_339 = arith.index_cast %scan3A_156 : i32 to index
      %get3A_340 = arith.constant 160 : index
      %get3A_341 = tpu.vector_load %arg21[%get3A_339, %get3A_340] {strides = array<i32>} : memref<32x256xf32, #tpu.memory_space<vmem>>, vector<16xf32>,
      %mul3A_342 = arith.mulf %gather3A_161, %get3A_341 : vector<16xf32>
      %add3A_343 = arith.addf %add3A_338, %mul3A_342 : vector<16xf32>
      %swap3A_344 = arith.index_cast %scan3A_156 : i32 to index
      %swap3A_345 = arith.constant 160 : index
      %swap3A_346 = tpu.vector_load %arg22[%swap3A_344, %swap3A_345] {strides = array<i32>} : memref<32x256xf32, #tpu.memory_space<vmem>>, vector<16xf32>,
      tpu.vector_store %arg22[%swap3A_344, %swap3A_345], %add3A_343 {strides = array<i32>} : memref<32x256xf32, #tpu.memory_space<vmem>>, vector<16xf32>,
      %get3A_347 = arith.index_cast %scan3A_156 : i32 to index
      %get3A_348 = arith.constant 176 : index
      %get3A_349 = tpu.vector_load %arg19[%get3A_347, %get3A_348] {strides = array<i32>} : memref<32x256xf32, #tpu.memory_space<vmem>>, vector<16xf32>,
      %mul3A_350 = arith.mulf %gather3A, %get3A_349 : vector<16xf32>
      %get3A_351 = arith.index_cast %scan3A_156 : i32 to index
      %get3A_352 = arith.constant 176 : index
      %get3A_353 = tpu.vector_load %arg20[%get3A_351, %get3A_352] {strides = array<i32>} : memref<32x256xf32, #tpu.memory_space<vmem>>, vector<16xf32>,
      %mul3A_354 = arith.mulf %gather3A_160, %get3A_353 : vector<16xf32>
      %add3A_355 = arith.addf %mul3A_350, %mul3A_354 : vector<16xf32>
      %get3A_356 = arith.index_cast %scan3A_156 : i32 to index
      %get3A_357 = arith.constant 176 : index
      %get3A_358 = tpu.vector_load %arg21[%get3A_356, %get3A_357] {strides = array<i32>} : memref<32x256xf32, #tpu.memory_space<vmem>>, vector<16xf32>,
      %mul3A_359 = arith.mulf %gather3A_161, %get3A_358 : vector<16xf32>
      %add3A_360 = arith.addf %add3A_355, %mul3A_359 : vector<16xf32>
      %swap3A_361 = arith.index_cast %scan3A_156 : i32 to index
      %swap3A_362 = arith.constant 176 : index
      %swap3A_363 = tpu.vector_load %arg22[%swap3A_361, %swap3A_362] {strides = array<i32>} : memref<32x256xf32, #tpu.memory_space<vmem>>, vector<16xf32>,
      tpu.vector_store %arg22[%swap3A_361, %swap3A_362], %add3A_360 {strides = array<i32>} : memref<32x256xf32, #tpu.memory_space<vmem>>, vector<16xf32>,
      %get3A_364 = arith.index_cast %scan3A_156 : i32 to index
      %get3A_365 = arith.constant 192 : index
      %get3A_366 = tpu.vector_load %arg19[%get3A_364, %get3A_365] {strides = array<i32>} : memref<32x256xf32, #tpu.memory_space<vmem>>, vector<16xf32>,
      %mul3A_367 = arith.mulf %gather3A, %get3A_366 : vector<16xf32>
      %get3A_368 = arith.index_cast %scan3A_156 : i32 to index
      %get3A_369 = arith.constant 192 : index
      %get3A_370 = tpu.vector_load %arg20[%get3A_368, %get3A_369] {strides = array<i32>} : memref<32x256xf32, #tpu.memory_space<vmem>>, vector<16xf32>,
      %mul3A_371 = arith.mulf %gather3A_160, %get3A_370 : vector<16xf32>
      %add3A_372 = arith.addf %mul3A_367, %mul3A_371 : vector<16xf32>
      %get3A_373 = arith.index_cast %scan3A_156 : i32 to index
      %get3A_374 = arith.constant 192 : index
      %get3A_375 = tpu.vector_load %arg21[%get3A_373, %get3A_374] {strides = array<i32>} : memref<32x256xf32, #tpu.memory_space<vmem>>, vector<16xf32>,
      %mul3A_376 = arith.mulf %gather3A_161, %get3A_375 : vector<16xf32>
      %add3A_377 = arith.addf %add3A_372, %mul3A_376 : vector<16xf32>
      %swap3A_378 = arith.index_cast %scan3A_156 : i32 to index
      %swap3A_379 = arith.constant 192 : index
      %swap3A_380 = tpu.vector_load %arg22[%swap3A_378, %swap3A_379] {strides = array<i32>} : memref<32x256xf32, #tpu.memory_space<vmem>>, vector<16xf32>,
      tpu.vector_store %arg22[%swap3A_378, %swap3A_379], %add3A_377 {strides = array<i32>} : memref<32x256xf32, #tpu.memory_space<vmem>>, vector<16xf32>,
      %get3A_381 = arith.index_cast %scan3A_156 : i32 to index
      %get3A_382 = arith.constant 208 : index
      %get3A_383 = tpu.vector_load %arg19[%get3A_381, %get3A_382] {strides = array<i32>} : memref<32x256xf32, #tpu.memory_space<vmem>>, vector<16xf32>,
      %mul3A_384 = arith.mulf %gather3A, %get3A_383 : vector<16xf32>
      %get3A_385 = arith.index_cast %scan3A_156 : i32 to index
      %get3A_386 = arith.constant 208 : index
      %get3A_387 = tpu.vector_load %arg20[%get3A_385, %get3A_386] {strides = array<i32>} : memref<32x256xf32, #tpu.memory_space<vmem>>, vector<16xf32>,
      %mul3A_388 = arith.mulf %gather3A_160, %get3A_387 : vector<16xf32>
      %add3A_389 = arith.addf %mul3A_384, %mul3A_388 : vector<16xf32>
      %get3A_390 = arith.index_cast %scan3A_156 : i32 to index
      %get3A_391 = arith.constant 208 : index
      %get3A_392 = tpu.vector_load %arg21[%get3A_390, %get3A_391] {strides = array<i32>} : memref<32x256xf32, #tpu.memory_space<vmem>>, vector<16xf32>,
      %mul3A_393 = arith.mulf %gather3A_161, %get3A_392 : vector<16xf32>
      %add3A_394 = arith.addf %add3A_389, %mul3A_393 : vector<16xf32>
      %swap3A_395 = arith.index_cast %scan3A_156 : i32 to index
      %swap3A_396 = arith.constant 208 : index
      %swap3A_397 = tpu.vector_load %arg22[%swap3A_395, %swap3A_396] {strides = array<i32>} : memref<32x256xf32, #tpu.memory_space<vmem>>, vector<16xf32>,
      tpu.vector_store %arg22[%swap3A_395, %swap3A_396], %add3A_394 {strides = array<i32>} : memref<32x256xf32, #tpu.memory_space<vmem>>, vector<16xf32>,
      %get3A_398 = arith.index_cast %scan3A_156 : i32 to index
      %get3A_399 = arith.constant 224 : index
      %get3A_400 = tpu.vector_load %arg19[%get3A_398, %get3A_399] {strides = array<i32>} : memref<32x256xf32, #tpu.memory_space<vmem>>, vector<16xf32>,
      %mul3A_401 = arith.mulf %gather3A, %get3A_400 : vector<16xf32>
      %get3A_402 = arith.index_cast %scan3A_156 : i32 to index
      %get3A_403 = arith.constant 224 : index
      %get3A_404 = tpu.vector_load %arg20[%get3A_402, %get3A_403] {strides = array<i32>} : memref<32x256xf32, #tpu.memory_space<vmem>>, vector<16xf32>,
      %mul3A_405 = arith.mulf %gather3A_160, %get3A_404 : vector<16xf32>
      %add3A_406 = arith.addf %mul3A_401, %mul3A_405 : vector<16xf32>
      %get3A_407 = arith.index_cast %scan3A_156 : i32 to index
      %get3A_408 = arith.constant 224 : index
      %get3A_409 = tpu.vector_load %arg21[%get3A_407, %get3A_408] {strides = array<i32>} : memref<32x256xf32, #tpu.memory_space<vmem>>, vector<16xf32>,
      %mul3A_410 = arith.mulf %gather3A_161, %get3A_409 : vector<16xf32>
      %add3A_411 = arith.addf %add3A_406, %mul3A_410 : vector<16xf32>
      %swap3A_412 = arith.index_cast %scan3A_156 : i32 to index
      %swap3A_413 = arith.constant 224 : index
      %swap3A_414 = tpu.vector_load %arg22[%swap3A_412, %swap3A_413] {strides = array<i32>} : memref<32x256xf32, #tpu.memory_space<vmem>>, vector<16xf32>,
      tpu.vector_store %arg22[%swap3A_412, %swap3A_413], %add3A_411 {strides = array<i32>} : memref<32x256xf32, #tpu.memory_space<vmem>>, vector<16xf32>,
      %get3A_415 = arith.index_cast %scan3A_156 : i32 to index
      %get3A_416 = arith.constant 240 : index
      %get3A_417 = tpu.vector_load %arg19[%get3A_415, %get3A_416] {strides = array<i32>} : memref<32x256xf32, #tpu.memory_space<vmem>>, vector<16xf32>,
      %mul3A_418 = arith.mulf %gather3A, %get3A_417 : vector<16xf32>
      %get3A_419 = arith.index_cast %scan3A_156 : i32 to index
      %get3A_420 = arith.constant 240 : index
      %get3A_421 = tpu.vector_load %arg20[%get3A_419, %get3A_420] {strides = array<i32>} : memref<32x256xf32, #tpu.memory_space<vmem>>, vector<16xf32>,
      %mul3A_422 = arith.mulf %gather3A_160, %get3A_421 : vector<16xf32>
      %add3A_423 = arith.addf %mul3A_418, %mul3A_422 : vector<16xf32>
      %get3A_424 = arith.index_cast %scan3A_156 : i32 to index
      %get3A_425 = arith.constant 240 : index
      %get3A_426 = tpu.vector_load %arg21[%get3A_424, %get3A_425] {strides = array<i32>} : memref<32x256xf32, #tpu.memory_space<vmem>>, vector<16xf32>,
      %mul3A_427 = arith.mulf %gather3A_161, %get3A_426 : vector<16xf32>
      %add3A_428 = arith.addf %add3A_423, %mul3A_427 : vector<16xf32>
      %swap3A_429 = arith.index_cast %scan3A_156 : i32 to index
      %swap3A_430 = arith.constant 240 : index
      %swap3A_431 = tpu.vector_load %arg22[%swap3A_429, %swap3A_430] {strides = array<i32>} : memref<32x256xf32, #tpu.memory_space<vmem>>, vector<16xf32>,
      tpu.vector_store %arg22[%swap3A_429, %swap3A_430], %add3A_428 {strides = array<i32>} : memref<32x256xf32, #tpu.memory_space<vmem>>, vector<16xf32>,
      %scan3A_432 = arith.constant 0 : i32
      scf.yield %scan3A_432 : i32
    }
    %scan3A_153 = arith.constant 32 : i32
    %add3A_154 = arith.constant 96 : i32
    %add3A_155 = arith.addi %mul3A_2, %add3A_154 : i32
    "tpu.region"() ({
      %run_scoped3A = tpu.sem_alloc : memref<!tpu.dma_semaphore, #tpu.memory_space<semaphore_mem>>
      %dma_start3A_156 = arith.constant 0 : i32
      %dma_start3A_157 = tpu.memref_slice %arg9[%add3A_155, %dma_start3A_156] : memref<4096x256xf32, #tpu.memory_space<hbm>> -> memref<32x256xf32, #tpu.memory_space<hbm>>
      %dma_start3A_158 = arith.constant 0 : i32
      %dma_start3A_159 = tpu.memref_slice %arg9[%add3A_155, %dma_start3A_158] : memref<4096x256xf32, #tpu.memory_space<hbm>> -> memref<32x256xf32, #tpu.memory_space<hbm>>
      tpu.enqueue_dma source(%arg22 : memref<32x256xf32, #tpu.memory_space<vmem>>) target(%dma_start3A_159 : memref<32x256xf32, #tpu.memory_space<hbm>>) target_semaphore(%run_scoped3A : memref<!tpu.dma_semaphore, #tpu.memory_space<semaphore_mem>>)
      %dma_wait3A_160 = arith.constant 0 : i32
      %dma_wait3A_161 = tpu.memref_slice %arg9[%add3A_155, %dma_wait3A_160] : memref<4096x256xf32, #tpu.memory_space<hbm>> -> memref<32x256xf32, #tpu.memory_space<hbm>>
      %dma_wait3A_162 = arith.constant 0 : i32
      %dma_wait3A_163 = tpu.memref_slice %arg9[%add3A_155, %dma_wait3A_162] : memref<4096x256xf32, #tpu.memory_space<hbm>> -> memref<32x256xf32, #tpu.memory_space<hbm>>
      tpu.wait_dma2 semaphore(%run_scoped3A : memref<!tpu.dma_semaphore, #tpu.memory_space<semaphore_mem>>) src(%arg22 : memref<32x256xf32, #tpu.memory_space<vmem>>) dst(%dma_wait3A_163 : memref<32x256xf32, #tpu.memory_space<hbm>>)
      tpu.yield
    }) : () -> ()
    return
  }
}

module attributes {stable_mosaic.version = 14 : i64} {
  func.func @_knn_body(%arg0: i32, %arg1: memref<2048x3xf32, #tpu.memory_space<vmem>>, %arg2: memref<8x512xf32, #tpu.memory_space<vmem>>, %arg3: memref<512xi32, #tpu.memory_space<vmem>>, %arg4: memref<512xi32, #tpu.memory_space<vmem>>, %arg5: memref<512xi32, #tpu.memory_space<vmem>>, %arg6: memref<512xf32, #tpu.memory_space<vmem>>, %arg7: memref<512xf32, #tpu.memory_space<vmem>>, %arg8: memref<512xf32, #tpu.memory_space<vmem>>) attributes {dimension_semantics = [#tpu.dimension_semantics<arbitrary>], iteration_bounds = array<i64: 8>, scalar_prefetch = 0 : i64, scratch_operands = 0 : i64, tpu.core_type = #tpu.core_type<tc>, window_params = [{pipeline_mode = #tpu.pipeline_mode<synchronous>, transform_indices = @transform_0, window_bounds = array<i64: 2048, 3>}, {transform_indices = @transform_1, window_bounds = array<i64: 8, 512>}, {transform_indices = @transform_2, window_bounds = array<i64: 512>}, {transform_indices = @transform_3, window_bounds = array<i64: 512>}, {transform_indices = @transform_4, window_bounds = array<i64: 512>}, {transform_indices = @transform_5, window_bounds = array<i64: 512>}, {transform_indices = @transform_6, window_bounds = array<i64: 512>}, {transform_indices = @transform_7, window_bounds = array<i64: 512>}]} {
    %get3A = arith.constant 0 : index
    %get3A_0 = arith.constant 0 : index
    %get3A_1 = vector.load %arg1[%get3A, %get3A_0] : memref<2048x3xf32, #tpu.memory_space<vmem>>, vector<2048x3xf32>
    %get3A_2 = arith.constant 0 : index
    %get3A_3 = arith.constant 0 : index
    %get3A_4 = vector.load %arg2[%get3A_2, %get3A_3] : memref<8x512xf32, #tpu.memory_space<vmem>>, vector<8x512xf32>
    %broadcast_in_dim3A = arith.constant 0.000000e+00 : f32
    %broadcast_in_dim3A_5 = vector.broadcast %broadcast_in_dim3A : f32 to vector<2048x512xf32>
    %slice3A = vector.extract_strided_slice %get3A_1 {offsets = [0, 0], sizes = [2048, 1], strides = [1, 1]} : vector<2048x3xf32> to vector<2048x1xf32>
    %slice3A_6 = vector.extract_strided_slice %get3A_4 {offsets = [0, 0], sizes = [1, 512], strides = [1, 1]} : vector<8x512xf32> to vector<1x512xf32>
    %sub3A = vector.broadcast %slice3A : vector<2048x1xf32> to vector<2048x512xf32>
    %sub3A_7 = vector.broadcast %slice3A_6 : vector<1x512xf32> to vector<2048x512xf32>
    %sub3A_8 = arith.subf %sub3A, %sub3A_7 : vector<2048x512xf32>
    %mul3A = arith.mulf %sub3A_8, %sub3A_8 : vector<2048x512xf32>
    %add3A = arith.addf %broadcast_in_dim3A_5, %mul3A : vector<2048x512xf32>
    %slice3A_9 = vector.extract_strided_slice %get3A_1 {offsets = [0, 1], sizes = [2048, 1], strides = [1, 1]} : vector<2048x3xf32> to vector<2048x1xf32>
    %slice3A_10 = vector.extract_strided_slice %get3A_4 {offsets = [1, 0], sizes = [1, 512], strides = [1, 1]} : vector<8x512xf32> to vector<1x512xf32>
    %sub3A_11 = vector.broadcast %slice3A_9 : vector<2048x1xf32> to vector<2048x512xf32>
    %sub3A_12 = vector.broadcast %slice3A_10 : vector<1x512xf32> to vector<2048x512xf32>
    %sub3A_13 = arith.subf %sub3A_11, %sub3A_12 : vector<2048x512xf32>
    %mul3A_14 = arith.mulf %sub3A_13, %sub3A_13 : vector<2048x512xf32>
    %add3A_15 = arith.addf %add3A, %mul3A_14 : vector<2048x512xf32>
    %slice3A_16 = vector.extract_strided_slice %get3A_1 {offsets = [0, 2], sizes = [2048, 1], strides = [1, 1]} : vector<2048x3xf32> to vector<2048x1xf32>
    %slice3A_17 = vector.extract_strided_slice %get3A_4 {offsets = [2, 0], sizes = [1, 512], strides = [1, 1]} : vector<8x512xf32> to vector<1x512xf32>
    %sub3A_18 = vector.broadcast %slice3A_16 : vector<2048x1xf32> to vector<2048x512xf32>
    %sub3A_19 = vector.broadcast %slice3A_17 : vector<1x512xf32> to vector<2048x512xf32>
    %sub3A_20 = arith.subf %sub3A_18, %sub3A_19 : vector<2048x512xf32>
    %mul3A_21 = arith.mulf %sub3A_20, %sub3A_20 : vector<2048x512xf32>
    %add3A_22 = arith.addf %add3A_15, %mul3A_21 : vector<2048x512xf32>
    %iota3A = tpu.iota {dimensions = array<i32: 0>} : vector<2048x512xi32>
    %convert_element_type3A = arith.sitofp %iota3A : vector<2048x512xi32> to vector<2048x512xf32>
    %reduce_min3A = arith.constant dense<0x7F800000> : vector<512xf32>
    %reduce_min3A_23 = vector.multi_reduction <minimumf>, %add3A_22, %reduce_min3A [0] : vector<2048x512xf32> to vector<512xf32>
    %broadcast_in_dim3A_24 = vector.shape_cast %reduce_min3A_23 : vector<512xf32> to vector<1x512xf32>
    %le3A = vector.broadcast %broadcast_in_dim3A_24 : vector<1x512xf32> to vector<2048x512xf32>
    %le3A_25 = arith.cmpf ole, %add3A_22, %le3A : vector<2048x512xf32>
    %jit3A = arith.constant 2.048000e+03 : f32
    %broadcast_in_dim3A_26 = vector.broadcast %jit3A : f32 to vector<2048x512xf32>
    %select_n3A = arith.select %le3A_25, %convert_element_type3A, %broadcast_in_dim3A_26 : vector<2048x512xi1>, vector<2048x512xf32>
    %reduce_min3A_27 = arith.constant dense<0x7F800000> : vector<512xf32>
    %reduce_min3A_28 = vector.multi_reduction <minimumf>, %select_n3A, %reduce_min3A_27 [0] : vector<2048x512xf32> to vector<512xf32>
    %broadcast_in_dim3A_29 = vector.shape_cast %reduce_min3A_28 : vector<512xf32> to vector<1x512xf32>
    %convert_element_type3A_30 = arith.fptosi %broadcast_in_dim3A_29 : vector<1x512xf32> to vector<1x512xi32>
    %eq3A = vector.broadcast %broadcast_in_dim3A_29 : vector<1x512xf32> to vector<2048x512xf32>
    %eq3A_31 = arith.cmpf oeq, %convert_element_type3A, %eq3A : vector<2048x512xf32>
    %jit3A_32 = arith.constant 1.000000e+30 : f32
    %broadcast_in_dim3A_33 = vector.broadcast %jit3A_32 : f32 to vector<2048x512xf32>
    %select_n3A_34 = arith.select %eq3A_31, %broadcast_in_dim3A_33, %add3A_22 : vector<2048x512xi1>, vector<2048x512xf32>
    %reduce_min3A_35 = arith.constant dense<0x7F800000> : vector<512xf32>
    %reduce_min3A_36 = vector.multi_reduction <minimumf>, %select_n3A_34, %reduce_min3A_35 [0] : vector<2048x512xf32> to vector<512xf32>
    %broadcast_in_dim3A_37 = vector.shape_cast %reduce_min3A_36 : vector<512xf32> to vector<1x512xf32>
    %le3A_38 = vector.broadcast %broadcast_in_dim3A_37 : vector<1x512xf32> to vector<2048x512xf32>
    %le3A_39 = arith.cmpf ole, %select_n3A_34, %le3A_38 : vector<2048x512xf32>
    %jit3A_40 = arith.constant 2.048000e+03 : f32
    %broadcast_in_dim3A_41 = vector.broadcast %jit3A_40 : f32 to vector<2048x512xf32>
    %select_n3A_42 = arith.select %le3A_39, %convert_element_type3A, %broadcast_in_dim3A_41 : vector<2048x512xi1>, vector<2048x512xf32>
    %reduce_min3A_43 = arith.constant dense<0x7F800000> : vector<512xf32>
    %reduce_min3A_44 = vector.multi_reduction <minimumf>, %select_n3A_42, %reduce_min3A_43 [0] : vector<2048x512xf32> to vector<512xf32>
    %broadcast_in_dim3A_45 = vector.shape_cast %reduce_min3A_44 : vector<512xf32> to vector<1x512xf32>
    %convert_element_type3A_46 = arith.fptosi %broadcast_in_dim3A_45 : vector<1x512xf32> to vector<1x512xi32>
    %eq3A_47 = vector.broadcast %broadcast_in_dim3A_45 : vector<1x512xf32> to vector<2048x512xf32>
    %eq3A_48 = arith.cmpf oeq, %convert_element_type3A, %eq3A_47 : vector<2048x512xf32>
    %jit3A_49 = arith.constant 1.000000e+30 : f32
    %broadcast_in_dim3A_50 = vector.broadcast %jit3A_49 : f32 to vector<2048x512xf32>
    %select_n3A_51 = arith.select %eq3A_48, %broadcast_in_dim3A_50, %select_n3A_34 : vector<2048x512xi1>, vector<2048x512xf32>
    %reduce_min3A_52 = arith.constant dense<0x7F800000> : vector<512xf32>
    %reduce_min3A_53 = vector.multi_reduction <minimumf>, %select_n3A_51, %reduce_min3A_52 [0] : vector<2048x512xf32> to vector<512xf32>
    %broadcast_in_dim3A_54 = vector.shape_cast %reduce_min3A_53 : vector<512xf32> to vector<1x512xf32>
    %le3A_55 = vector.broadcast %broadcast_in_dim3A_54 : vector<1x512xf32> to vector<2048x512xf32>
    %le3A_56 = arith.cmpf ole, %select_n3A_51, %le3A_55 : vector<2048x512xf32>
    %jit3A_57 = arith.constant 2.048000e+03 : f32
    %broadcast_in_dim3A_58 = vector.broadcast %jit3A_57 : f32 to vector<2048x512xf32>
    %select_n3A_59 = arith.select %le3A_56, %convert_element_type3A, %broadcast_in_dim3A_58 : vector<2048x512xi1>, vector<2048x512xf32>
    %reduce_min3A_60 = arith.constant dense<0x7F800000> : vector<512xf32>
    %reduce_min3A_61 = vector.multi_reduction <minimumf>, %select_n3A_59, %reduce_min3A_60 [0] : vector<2048x512xf32> to vector<512xf32>
    %broadcast_in_dim3A_62 = vector.shape_cast %reduce_min3A_61 : vector<512xf32> to vector<1x512xf32>
    %convert_element_type3A_63 = arith.fptosi %broadcast_in_dim3A_62 : vector<1x512xf32> to vector<1x512xi32>
    %max3A = arith.constant 9.99999996E-13 : f32
    %max3A_64 = vector.broadcast %max3A : f32 to vector<1x512xf32>
    %max3A_65 = arith.maximumf %broadcast_in_dim3A_24, %max3A_64 : vector<1x512xf32>
    %sqrt3A = math.sqrt %max3A_65 : vector<1x512xf32>
    %add3A_66 = arith.constant 9.99999993E-9 : f32
    %add3A_67 = vector.broadcast %add3A_66 : f32 to vector<1x512xf32>
    %add3A_68 = arith.addf %sqrt3A, %add3A_67 : vector<1x512xf32>
    %div3A = arith.constant 1.000000e+00 : f32
    %div3A_69 = vector.broadcast %div3A : f32 to vector<1x512xf32>
    %div3A_70 = arith.divf %div3A_69, %add3A_68 : vector<1x512xf32>
    %max3A_71 = arith.constant 9.99999996E-13 : f32
    %max3A_72 = vector.broadcast %max3A_71 : f32 to vector<1x512xf32>
    %max3A_73 = arith.maximumf %broadcast_in_dim3A_37, %max3A_72 : vector<1x512xf32>
    %sqrt3A_74 = math.sqrt %max3A_73 : vector<1x512xf32>
    %add3A_75 = arith.constant 9.99999993E-9 : f32
    %add3A_76 = vector.broadcast %add3A_75 : f32 to vector<1x512xf32>
    %add3A_77 = arith.addf %sqrt3A_74, %add3A_76 : vector<1x512xf32>
    %div3A_78 = arith.constant 1.000000e+00 : f32
    %div3A_79 = vector.broadcast %div3A_78 : f32 to vector<1x512xf32>
    %div3A_80 = arith.divf %div3A_79, %add3A_77 : vector<1x512xf32>
    %max3A_81 = arith.constant 9.99999996E-13 : f32
    %max3A_82 = vector.broadcast %max3A_81 : f32 to vector<1x512xf32>
    %max3A_83 = arith.maximumf %broadcast_in_dim3A_54, %max3A_82 : vector<1x512xf32>
    %sqrt3A_84 = math.sqrt %max3A_83 : vector<1x512xf32>
    %add3A_85 = arith.constant 9.99999993E-9 : f32
    %add3A_86 = vector.broadcast %add3A_85 : f32 to vector<1x512xf32>
    %add3A_87 = arith.addf %sqrt3A_84, %add3A_86 : vector<1x512xf32>
    %div3A_88 = arith.constant 1.000000e+00 : f32
    %div3A_89 = vector.broadcast %div3A_88 : f32 to vector<1x512xf32>
    %div3A_90 = arith.divf %div3A_89, %add3A_87 : vector<1x512xf32>
    %add3A_91 = arith.addf %div3A_70, %div3A_80 : vector<1x512xf32>
    %add3A_92 = arith.addf %add3A_91, %div3A_90 : vector<1x512xf32>
    %reshape3A = vector.shape_cast %convert_element_type3A_30 : vector<1x512xi32> to vector<512xi32>
    %swap3A = arith.constant 0 : index
    %swap3A_93 = vector.load %arg3[%swap3A] : memref<512xi32, #tpu.memory_space<vmem>>, vector<512xi32>
    tpu.vector_store %arg3[%swap3A], %reshape3A {strides = array<i32>} : memref<512xi32, #tpu.memory_space<vmem>>, vector<512xi32>,
    %reshape3A_94 = vector.shape_cast %convert_element_type3A_46 : vector<1x512xi32> to vector<512xi32>
    %swap3A_95 = arith.constant 0 : index
    %swap3A_96 = vector.load %arg4[%swap3A_95] : memref<512xi32, #tpu.memory_space<vmem>>, vector<512xi32>
    tpu.vector_store %arg4[%swap3A_95], %reshape3A_94 {strides = array<i32>} : memref<512xi32, #tpu.memory_space<vmem>>, vector<512xi32>,
    %reshape3A_97 = vector.shape_cast %convert_element_type3A_63 : vector<1x512xi32> to vector<512xi32>
    %swap3A_98 = arith.constant 0 : index
    %swap3A_99 = vector.load %arg5[%swap3A_98] : memref<512xi32, #tpu.memory_space<vmem>>, vector<512xi32>
    tpu.vector_store %arg5[%swap3A_98], %reshape3A_97 {strides = array<i32>} : memref<512xi32, #tpu.memory_space<vmem>>, vector<512xi32>,
    %div3A_100 = arith.divf %div3A_70, %add3A_92 : vector<1x512xf32>
    %reshape3A_101 = vector.shape_cast %div3A_100 : vector<1x512xf32> to vector<512xf32>
    %swap3A_102 = arith.constant 0 : index
    %swap3A_103 = vector.load %arg6[%swap3A_102] : memref<512xf32, #tpu.memory_space<vmem>>, vector<512xf32>
    tpu.vector_store %arg6[%swap3A_102], %reshape3A_101 {strides = array<i32>} : memref<512xf32, #tpu.memory_space<vmem>>, vector<512xf32>,
    %div3A_104 = arith.divf %div3A_80, %add3A_92 : vector<1x512xf32>
    %reshape3A_105 = vector.shape_cast %div3A_104 : vector<1x512xf32> to vector<512xf32>
    %swap3A_106 = arith.constant 0 : index
    %swap3A_107 = vector.load %arg7[%swap3A_106] : memref<512xf32, #tpu.memory_space<vmem>>, vector<512xf32>
    tpu.vector_store %arg7[%swap3A_106], %reshape3A_105 {strides = array<i32>} : memref<512xf32, #tpu.memory_space<vmem>>, vector<512xf32>,
    %div3A_108 = arith.divf %div3A_90, %add3A_92 : vector<1x512xf32>
    %reshape3A_109 = vector.shape_cast %div3A_108 : vector<1x512xf32> to vector<512xf32>
    %swap3A_110 = arith.constant 0 : index
    %swap3A_111 = vector.load %arg8[%swap3A_110] : memref<512xf32, #tpu.memory_space<vmem>>, vector<512xf32>
    tpu.vector_store %arg8[%swap3A_110], %reshape3A_109 {strides = array<i32>} : memref<512xf32, #tpu.memory_space<vmem>>, vector<512xf32>,
    return
  }
  func.func @transform_0(%arg0: i32) -> (i32, i32) {
    %c0_i32 = arith.constant 0 : i32
    %c0_i32_0 = arith.constant 0 : i32
    %c0_i32_1 = arith.constant 0 : i32
    return %c0_i32, %c0_i32_0 : i32, i32
  }
  func.func @transform_1(%arg0: i32) -> (i32, i32) {
    %add3A = arith.constant 0 : i32
    %add3A_0 = arith.addi %add3A, %arg0 : i32
    %c0_i32 = arith.constant 0 : i32
    %c0_i32_1 = arith.constant 0 : i32
    return %c0_i32, %add3A_0 : i32, i32
  }
  func.func @transform_2(%arg0: i32) -> i32 {
    %c0_i32 = arith.constant 0 : i32
    return %arg0 : i32
  }
  func.func @transform_3(%arg0: i32) -> i32 {
    %c0_i32 = arith.constant 0 : i32
    return %arg0 : i32
  }
  func.func @transform_4(%arg0: i32) -> i32 {
    %c0_i32 = arith.constant 0 : i32
    return %arg0 : i32
  }
  func.func @transform_5(%arg0: i32) -> i32 {
    %c0_i32 = arith.constant 0 : i32
    return %arg0 : i32
  }
  func.func @transform_6(%arg0: i32) -> i32 {
    %c0_i32 = arith.constant 0 : i32
    return %arg0 : i32
  }
  func.func @transform_7(%arg0: i32) -> i32 {
    %c0_i32 = arith.constant 0 : i32
    return %arg0 : i32
  }
}

module attributes {stable_mosaic.version = 14 : i64} {
  func.func @_mlp_body(%arg0: i32, %arg1: memref<512x128xf32, #tpu.memory_space<vmem>>, %arg2: memref<512x256xf32, #tpu.memory_space<vmem>>, %arg3: memref<128x256xbf16, #tpu.memory_space<vmem>>, %arg4: memref<256x256xbf16, #tpu.memory_space<vmem>>, %arg5: memref<1x256xf32, #tpu.memory_space<vmem>>, %arg6: memref<512x256xbf16, #tpu.memory_space<vmem>>, %arg7: memref<1x256xf32, #tpu.memory_space<vmem>>, %arg8: memref<1x256xf32, #tpu.memory_space<vmem>>) attributes {dimension_semantics = [#tpu.dimension_semantics<arbitrary>], iteration_bounds = array<i64: 8>, scalar_prefetch = 0 : i64, scratch_operands = 0 : i64, tpu.core_type = #tpu.core_type<tc>, window_params = [{transform_indices = @transform_0, window_bounds = array<i64: 512, 128>}, {transform_indices = @transform_1, window_bounds = array<i64: 512, 256>}, {pipeline_mode = #tpu.pipeline_mode<synchronous>, transform_indices = @transform_2, window_bounds = array<i64: 128, 256>}, {pipeline_mode = #tpu.pipeline_mode<synchronous>, transform_indices = @transform_3, window_bounds = array<i64: 256, 256>}, {pipeline_mode = #tpu.pipeline_mode<synchronous>, transform_indices = @transform_4, window_bounds = array<i64: 1, 256>}, {transform_indices = @transform_5, window_bounds = array<i64: 512, 256>}, {pipeline_mode = #tpu.pipeline_mode<synchronous>, transform_indices = @transform_6, window_bounds = array<i64: 1, 256>}, {pipeline_mode = #tpu.pipeline_mode<synchronous>, transform_indices = @transform_7, window_bounds = array<i64: 1, 256>}]} {
    %get3A = arith.constant 0 : index
    %get3A_0 = arith.constant 0 : index
    %get3A_1 = vector.load %arg1[%get3A, %get3A_0] : memref<512x128xf32, #tpu.memory_space<vmem>>, vector<512x128xf32>
    %convert_element_type3A = arith.truncf %get3A_1 : vector<512x128xf32> to vector<512x128xbf16>
    %get3A_2 = arith.constant 0 : index
    %get3A_3 = arith.constant 0 : index
    %get3A_4 = vector.load %arg3[%get3A_2, %get3A_3] : memref<128x256xbf16, #tpu.memory_space<vmem>>, vector<128x256xbf16>
    %dot_general3A = arith.constant dense<0.000000e+00> : vector<512x256xf32>
    %dot_general3A_5 = tpu.matmul %convert_element_type3A, %get3A_4, %dot_general3A {dimension_numbers = #tpu.dot_dimension_numbers<[1], [0], [0], [1], [0, 0, 1, 1], [], []>, transpose_lhs_hint = false} : vector<512x128xbf16>, vector<128x256xbf16>, vector<512x256xf32> -> vector<512x256xf32>
    %get3A_6 = arith.constant 0 : index
    %get3A_7 = arith.constant 0 : index
    %get3A_8 = vector.load %arg2[%get3A_6, %get3A_7] : memref<512x256xf32, #tpu.memory_space<vmem>>, vector<512x256xf32>
    %convert_element_type3A_9 = arith.truncf %get3A_8 : vector<512x256xf32> to vector<512x256xbf16>
    %get3A_10 = arith.constant 0 : index
    %get3A_11 = arith.constant 0 : index
    %get3A_12 = vector.load %arg4[%get3A_10, %get3A_11] : memref<256x256xbf16, #tpu.memory_space<vmem>>, vector<256x256xbf16>
    %dot_general3A_13 = arith.constant dense<0.000000e+00> : vector<512x256xf32>
    %dot_general3A_14 = tpu.matmul %convert_element_type3A_9, %get3A_12, %dot_general3A_13 {dimension_numbers = #tpu.dot_dimension_numbers<[1], [0], [0], [1], [0, 0, 1, 1], [], []>, transpose_lhs_hint = false} : vector<512x256xbf16>, vector<256x256xbf16>, vector<512x256xf32> -> vector<512x256xf32>
    %add3A = arith.addf %dot_general3A_5, %dot_general3A_14 : vector<512x256xf32>
    %get3A_15 = arith.constant 0 : index
    %get3A_16 = arith.constant 0 : index
    %get3A_17 = vector.load %arg5[%get3A_15, %get3A_16] : memref<1x256xf32, #tpu.memory_space<vmem>>, vector<1x256xf32>
    %add3A_18 = vector.broadcast %get3A_17 : vector<1x256xf32> to vector<512x256xf32>
    %add3A_19 = arith.addf %add3A, %add3A_18 : vector<512x256xf32>
    %convert_element_type3A_20 = arith.truncf %add3A_19 : vector<512x256xf32> to vector<512x256xbf16>
    %swap3A = arith.constant 0 : index
    %swap3A_21 = arith.constant 0 : index
    %swap3A_22 = vector.load %arg6[%swap3A, %swap3A_21] : memref<512x256xbf16, #tpu.memory_space<vmem>>, vector<512x256xbf16>
    tpu.vector_store %arg6[%swap3A, %swap3A_21], %convert_element_type3A_20 {strides = array<i32>} : memref<512x256xbf16, #tpu.memory_space<vmem>>, vector<512x256xbf16>,
    %eq3A = arith.constant 0 : i32
    %eq3A_23 = arith.cmpi eq, %arg0, %eq3A : i32
    %convert_element_type3A_24 = arith.extui %eq3A_23 : i1 to i32
    %cond3A = arith.constant 0 : i32
    %cond3A_25 = arith.cmpi ne, %convert_element_type3A_24, %cond3A : i32
    scf.if %cond3A_25 {
      %broadcast_in_dim3A_44 = arith.constant 0.000000e+00 : f32
      %broadcast_in_dim3A_45 = vector.broadcast %broadcast_in_dim3A_44 : f32 to vector<1x256xf32>
      %swap3A_46 = arith.constant 0 : index
      %swap3A_47 = arith.constant 0 : index
      %swap3A_48 = vector.load %arg7[%swap3A_46, %swap3A_47] : memref<1x256xf32, #tpu.memory_space<vmem>>, vector<1x256xf32>
      tpu.vector_store %arg7[%swap3A_46, %swap3A_47], %broadcast_in_dim3A_45 {strides = array<i32>} : memref<1x256xf32, #tpu.memory_space<vmem>>, vector<1x256xf32>,
      %broadcast_in_dim3A_49 = arith.constant 0.000000e+00 : f32
      %broadcast_in_dim3A_50 = vector.broadcast %broadcast_in_dim3A_49 : f32 to vector<1x256xf32>
      %swap3A_51 = arith.constant 0 : index
      %swap3A_52 = arith.constant 0 : index
      %swap3A_53 = vector.load %arg8[%swap3A_51, %swap3A_52] : memref<1x256xf32, #tpu.memory_space<vmem>>, vector<1x256xf32>
      tpu.vector_store %arg8[%swap3A_51, %swap3A_52], %broadcast_in_dim3A_50 {strides = array<i32>} : memref<1x256xf32, #tpu.memory_space<vmem>>, vector<1x256xf32>,
    } else {
    }
    %get3A_26 = arith.constant 0 : index
    %get3A_27 = arith.constant 0 : index
    %get3A_28 = vector.load %arg7[%get3A_26, %get3A_27] : memref<1x256xf32, #tpu.memory_space<vmem>>, vector<1x256xf32>
    %reduce_sum3A = arith.constant dense<0.000000e+00> : vector<256xf32>
    %reduce_sum3A_29 = vector.multi_reduction <add>, %add3A_19, %reduce_sum3A [0] : vector<512x256xf32> to vector<256xf32>
    %broadcast_in_dim3A = vector.shape_cast %reduce_sum3A_29 : vector<256xf32> to vector<1x256xf32>
    %add3A_30 = arith.addf %get3A_28, %broadcast_in_dim3A : vector<1x256xf32>
    %swap3A_31 = arith.constant 0 : index
    %swap3A_32 = arith.constant 0 : index
    %swap3A_33 = vector.load %arg7[%swap3A_31, %swap3A_32] : memref<1x256xf32, #tpu.memory_space<vmem>>, vector<1x256xf32>
    tpu.vector_store %arg7[%swap3A_31, %swap3A_32], %add3A_30 {strides = array<i32>} : memref<1x256xf32, #tpu.memory_space<vmem>>, vector<1x256xf32>,
    %get3A_34 = arith.constant 0 : index
    %get3A_35 = arith.constant 0 : index
    %get3A_36 = vector.load %arg8[%get3A_34, %get3A_35] : memref<1x256xf32, #tpu.memory_space<vmem>>, vector<1x256xf32>
    %mul3A = arith.mulf %add3A_19, %add3A_19 : vector<512x256xf32>
    %reduce_sum3A_37 = arith.constant dense<0.000000e+00> : vector<256xf32>
    %reduce_sum3A_38 = vector.multi_reduction <add>, %mul3A, %reduce_sum3A_37 [0] : vector<512x256xf32> to vector<256xf32>
    %broadcast_in_dim3A_39 = vector.shape_cast %reduce_sum3A_38 : vector<256xf32> to vector<1x256xf32>
    %add3A_40 = arith.addf %get3A_36, %broadcast_in_dim3A_39 : vector<1x256xf32>
    %swap3A_41 = arith.constant 0 : index
    %swap3A_42 = arith.constant 0 : index
    %swap3A_43 = vector.load %arg8[%swap3A_41, %swap3A_42] : memref<1x256xf32, #tpu.memory_space<vmem>>, vector<1x256xf32>
    tpu.vector_store %arg8[%swap3A_41, %swap3A_42], %add3A_40 {strides = array<i32>} : memref<1x256xf32, #tpu.memory_space<vmem>>, vector<1x256xf32>,
    return
  }
  func.func @transform_0(%arg0: i32) -> (i32, i32) {
    %add3A = arith.constant 0 : i32
    %add3A_0 = arith.addi %add3A, %arg0 : i32
    %c0_i32 = arith.constant 0 : i32
    %c0_i32_1 = arith.constant 0 : i32
    return %add3A_0, %c0_i32 : i32, i32
  }
  func.func @transform_1(%arg0: i32) -> (i32, i32) {
    %c0_i32 = arith.constant 0 : i32
    %c0_i32_0 = arith.constant 0 : i32
    return %arg0, %c0_i32 : i32, i32
  }
  func.func @transform_2(%arg0: i32) -> (i32, i32) {
    %c0_i32 = arith.constant 0 : i32
    %c0_i32_0 = arith.constant 0 : i32
    %c0_i32_1 = arith.constant 0 : i32
    return %c0_i32, %c0_i32_0 : i32, i32
  }
  func.func @transform_3(%arg0: i32) -> (i32, i32) {
    %c0_i32 = arith.constant 0 : i32
    %c0_i32_0 = arith.constant 0 : i32
    %c0_i32_1 = arith.constant 0 : i32
    return %c0_i32, %c0_i32_0 : i32, i32
  }
  func.func @transform_4(%arg0: i32) -> (i32, i32) {
    %c0_i32 = arith.constant 0 : i32
    %c0_i32_0 = arith.constant 0 : i32
    %c0_i32_1 = arith.constant 0 : i32
    return %c0_i32, %c0_i32_0 : i32, i32
  }
  func.func @transform_5(%arg0: i32) -> (i32, i32) {
    %c0_i32 = arith.constant 0 : i32
    %c0_i32_0 = arith.constant 0 : i32
    return %arg0, %c0_i32 : i32, i32
  }
  func.func @transform_6(%arg0: i32) -> (i32, i32) {
    %c0_i32 = arith.constant 0 : i32
    %c0_i32_0 = arith.constant 0 : i32
    %c0_i32_1 = arith.constant 0 : i32
    return %c0_i32, %c0_i32_0 : i32, i32
  }
  func.func @transform_7(%arg0: i32) -> (i32, i32) {
    %c0_i32 = arith.constant 0 : i32
    %c0_i32_0 = arith.constant 0 : i32
    %c0_i32_1 = arith.constant 0 : i32
    return %c0_i32, %c0_i32_0 : i32, i32
  }
}

module attributes {stable_mosaic.version = 14 : i64} {
  func.func @_knn_body(%arg0: i32, %arg1: memref<2048x3xf32, #tpu.memory_space<vmem>>, %arg2: memref<8x512xf32, #tpu.memory_space<vmem>>, %arg3: memref<512xi32, #tpu.memory_space<vmem>>, %arg4: memref<512xi32, #tpu.memory_space<vmem>>, %arg5: memref<512xi32, #tpu.memory_space<vmem>>, %arg6: memref<512xf32, #tpu.memory_space<vmem>>, %arg7: memref<512xf32, #tpu.memory_space<vmem>>, %arg8: memref<512xf32, #tpu.memory_space<vmem>>) attributes {dimension_semantics = [#tpu.dimension_semantics<arbitrary>], iteration_bounds = array<i64: 8>, scalar_prefetch = 0 : i64, scratch_operands = 0 : i64, tpu.core_type = #tpu.core_type<tc>, window_params = [{pipeline_mode = #tpu.pipeline_mode<synchronous>, transform_indices = @transform_0, window_bounds = array<i64: 2048, 3>}, {transform_indices = @transform_1, window_bounds = array<i64: 8, 512>}, {transform_indices = @transform_2, window_bounds = array<i64: 512>}, {transform_indices = @transform_3, window_bounds = array<i64: 512>}, {transform_indices = @transform_4, window_bounds = array<i64: 512>}, {transform_indices = @transform_5, window_bounds = array<i64: 512>}, {transform_indices = @transform_6, window_bounds = array<i64: 512>}, {transform_indices = @transform_7, window_bounds = array<i64: 512>}]} {
    %get3A = arith.constant 0 : index
    %get3A_0 = arith.constant 0 : index
    %get3A_1 = vector.load %arg1[%get3A, %get3A_0] : memref<2048x3xf32, #tpu.memory_space<vmem>>, vector<2048x3xf32>
    %get3A_2 = arith.constant 0 : index
    %get3A_3 = arith.constant 0 : index
    %get3A_4 = vector.load %arg2[%get3A_2, %get3A_3] : memref<8x512xf32, #tpu.memory_space<vmem>>, vector<8x512xf32>
    %broadcast_in_dim3A = arith.constant 0.000000e+00 : f32
    %broadcast_in_dim3A_5 = vector.broadcast %broadcast_in_dim3A : f32 to vector<2048x512xf32>
    %slice3A = vector.extract_strided_slice %get3A_1 {offsets = [0, 0], sizes = [2048, 1], strides = [1, 1]} : vector<2048x3xf32> to vector<2048x1xf32>
    %slice3A_6 = vector.extract_strided_slice %get3A_4 {offsets = [0, 0], sizes = [1, 512], strides = [1, 1]} : vector<8x512xf32> to vector<1x512xf32>
    %sub3A = vector.broadcast %slice3A : vector<2048x1xf32> to vector<2048x512xf32>
    %sub3A_7 = vector.broadcast %slice3A_6 : vector<1x512xf32> to vector<2048x512xf32>
    %sub3A_8 = arith.subf %sub3A, %sub3A_7 : vector<2048x512xf32>
    %mul3A = arith.mulf %sub3A_8, %sub3A_8 : vector<2048x512xf32>
    %add3A = arith.addf %broadcast_in_dim3A_5, %mul3A : vector<2048x512xf32>
    %slice3A_9 = vector.extract_strided_slice %get3A_1 {offsets = [0, 1], sizes = [2048, 1], strides = [1, 1]} : vector<2048x3xf32> to vector<2048x1xf32>
    %slice3A_10 = vector.extract_strided_slice %get3A_4 {offsets = [1, 0], sizes = [1, 512], strides = [1, 1]} : vector<8x512xf32> to vector<1x512xf32>
    %sub3A_11 = vector.broadcast %slice3A_9 : vector<2048x1xf32> to vector<2048x512xf32>
    %sub3A_12 = vector.broadcast %slice3A_10 : vector<1x512xf32> to vector<2048x512xf32>
    %sub3A_13 = arith.subf %sub3A_11, %sub3A_12 : vector<2048x512xf32>
    %mul3A_14 = arith.mulf %sub3A_13, %sub3A_13 : vector<2048x512xf32>
    %add3A_15 = arith.addf %add3A, %mul3A_14 : vector<2048x512xf32>
    %slice3A_16 = vector.extract_strided_slice %get3A_1 {offsets = [0, 2], sizes = [2048, 1], strides = [1, 1]} : vector<2048x3xf32> to vector<2048x1xf32>
    %slice3A_17 = vector.extract_strided_slice %get3A_4 {offsets = [2, 0], sizes = [1, 512], strides = [1, 1]} : vector<8x512xf32> to vector<1x512xf32>
    %sub3A_18 = vector.broadcast %slice3A_16 : vector<2048x1xf32> to vector<2048x512xf32>
    %sub3A_19 = vector.broadcast %slice3A_17 : vector<1x512xf32> to vector<2048x512xf32>
    %sub3A_20 = arith.subf %sub3A_18, %sub3A_19 : vector<2048x512xf32>
    %mul3A_21 = arith.mulf %sub3A_20, %sub3A_20 : vector<2048x512xf32>
    %add3A_22 = arith.addf %add3A_15, %mul3A_21 : vector<2048x512xf32>
    %iota3A = tpu.iota {dimensions = array<i32: 0>} : vector<2048x512xi32>
    %convert_element_type3A = arith.sitofp %iota3A : vector<2048x512xi32> to vector<2048x512xf32>
    %reduce_min3A = arith.constant dense<0x7F800000> : vector<512xf32>
    %reduce_min3A_23 = vector.multi_reduction <minimumf>, %add3A_22, %reduce_min3A [0] : vector<2048x512xf32> to vector<512xf32>
    %broadcast_in_dim3A_24 = vector.shape_cast %reduce_min3A_23 : vector<512xf32> to vector<1x512xf32>
    %le3A = vector.broadcast %broadcast_in_dim3A_24 : vector<1x512xf32> to vector<2048x512xf32>
    %le3A_25 = arith.cmpf ole, %add3A_22, %le3A : vector<2048x512xf32>
    %jit3A = arith.constant 2.048000e+03 : f32
    %broadcast_in_dim3A_26 = vector.broadcast %jit3A : f32 to vector<2048x512xf32>
    %select_n3A = arith.select %le3A_25, %convert_element_type3A, %broadcast_in_dim3A_26 : vector<2048x512xi1>, vector<2048x512xf32>
    %reduce_min3A_27 = arith.constant dense<0x7F800000> : vector<512xf32>
    %reduce_min3A_28 = vector.multi_reduction <minimumf>, %select_n3A, %reduce_min3A_27 [0] : vector<2048x512xf32> to vector<512xf32>
    %broadcast_in_dim3A_29 = vector.shape_cast %reduce_min3A_28 : vector<512xf32> to vector<1x512xf32>
    %convert_element_type3A_30 = arith.fptosi %broadcast_in_dim3A_29 : vector<1x512xf32> to vector<1x512xi32>
    %eq3A = vector.broadcast %broadcast_in_dim3A_29 : vector<1x512xf32> to vector<2048x512xf32>
    %eq3A_31 = arith.cmpf oeq, %convert_element_type3A, %eq3A : vector<2048x512xf32>
    %jit3A_32 = arith.constant 1.000000e+30 : f32
    %broadcast_in_dim3A_33 = vector.broadcast %jit3A_32 : f32 to vector<2048x512xf32>
    %select_n3A_34 = arith.select %eq3A_31, %broadcast_in_dim3A_33, %add3A_22 : vector<2048x512xi1>, vector<2048x512xf32>
    %reduce_min3A_35 = arith.constant dense<0x7F800000> : vector<512xf32>
    %reduce_min3A_36 = vector.multi_reduction <minimumf>, %select_n3A_34, %reduce_min3A_35 [0] : vector<2048x512xf32> to vector<512xf32>
    %broadcast_in_dim3A_37 = vector.shape_cast %reduce_min3A_36 : vector<512xf32> to vector<1x512xf32>
    %le3A_38 = vector.broadcast %broadcast_in_dim3A_37 : vector<1x512xf32> to vector<2048x512xf32>
    %le3A_39 = arith.cmpf ole, %select_n3A_34, %le3A_38 : vector<2048x512xf32>
    %jit3A_40 = arith.constant 2.048000e+03 : f32
    %broadcast_in_dim3A_41 = vector.broadcast %jit3A_40 : f32 to vector<2048x512xf32>
    %select_n3A_42 = arith.select %le3A_39, %convert_element_type3A, %broadcast_in_dim3A_41 : vector<2048x512xi1>, vector<2048x512xf32>
    %reduce_min3A_43 = arith.constant dense<0x7F800000> : vector<512xf32>
    %reduce_min3A_44 = vector.multi_reduction <minimumf>, %select_n3A_42, %reduce_min3A_43 [0] : vector<2048x512xf32> to vector<512xf32>
    %broadcast_in_dim3A_45 = vector.shape_cast %reduce_min3A_44 : vector<512xf32> to vector<1x512xf32>
    %convert_element_type3A_46 = arith.fptosi %broadcast_in_dim3A_45 : vector<1x512xf32> to vector<1x512xi32>
    %eq3A_47 = vector.broadcast %broadcast_in_dim3A_45 : vector<1x512xf32> to vector<2048x512xf32>
    %eq3A_48 = arith.cmpf oeq, %convert_element_type3A, %eq3A_47 : vector<2048x512xf32>
    %jit3A_49 = arith.constant 1.000000e+30 : f32
    %broadcast_in_dim3A_50 = vector.broadcast %jit3A_49 : f32 to vector<2048x512xf32>
    %select_n3A_51 = arith.select %eq3A_48, %broadcast_in_dim3A_50, %select_n3A_34 : vector<2048x512xi1>, vector<2048x512xf32>
    %reduce_min3A_52 = arith.constant dense<0x7F800000> : vector<512xf32>
    %reduce_min3A_53 = vector.multi_reduction <minimumf>, %select_n3A_51, %reduce_min3A_52 [0] : vector<2048x512xf32> to vector<512xf32>
    %broadcast_in_dim3A_54 = vector.shape_cast %reduce_min3A_53 : vector<512xf32> to vector<1x512xf32>
    %le3A_55 = vector.broadcast %broadcast_in_dim3A_54 : vector<1x512xf32> to vector<2048x512xf32>
    %le3A_56 = arith.cmpf ole, %select_n3A_51, %le3A_55 : vector<2048x512xf32>
    %jit3A_57 = arith.constant 2.048000e+03 : f32
    %broadcast_in_dim3A_58 = vector.broadcast %jit3A_57 : f32 to vector<2048x512xf32>
    %select_n3A_59 = arith.select %le3A_56, %convert_element_type3A, %broadcast_in_dim3A_58 : vector<2048x512xi1>, vector<2048x512xf32>
    %reduce_min3A_60 = arith.constant dense<0x7F800000> : vector<512xf32>
    %reduce_min3A_61 = vector.multi_reduction <minimumf>, %select_n3A_59, %reduce_min3A_60 [0] : vector<2048x512xf32> to vector<512xf32>
    %broadcast_in_dim3A_62 = vector.shape_cast %reduce_min3A_61 : vector<512xf32> to vector<1x512xf32>
    %convert_element_type3A_63 = arith.fptosi %broadcast_in_dim3A_62 : vector<1x512xf32> to vector<1x512xi32>
    %max3A = arith.constant 9.99999996E-13 : f32
    %max3A_64 = vector.broadcast %max3A : f32 to vector<1x512xf32>
    %max3A_65 = arith.maximumf %broadcast_in_dim3A_24, %max3A_64 : vector<1x512xf32>
    %sqrt3A = math.sqrt %max3A_65 : vector<1x512xf32>
    %add3A_66 = arith.constant 9.99999993E-9 : f32
    %add3A_67 = vector.broadcast %add3A_66 : f32 to vector<1x512xf32>
    %add3A_68 = arith.addf %sqrt3A, %add3A_67 : vector<1x512xf32>
    %div3A = arith.constant 1.000000e+00 : f32
    %div3A_69 = vector.broadcast %div3A : f32 to vector<1x512xf32>
    %div3A_70 = arith.divf %div3A_69, %add3A_68 : vector<1x512xf32>
    %max3A_71 = arith.constant 9.99999996E-13 : f32
    %max3A_72 = vector.broadcast %max3A_71 : f32 to vector<1x512xf32>
    %max3A_73 = arith.maximumf %broadcast_in_dim3A_37, %max3A_72 : vector<1x512xf32>
    %sqrt3A_74 = math.sqrt %max3A_73 : vector<1x512xf32>
    %add3A_75 = arith.constant 9.99999993E-9 : f32
    %add3A_76 = vector.broadcast %add3A_75 : f32 to vector<1x512xf32>
    %add3A_77 = arith.addf %sqrt3A_74, %add3A_76 : vector<1x512xf32>
    %div3A_78 = arith.constant 1.000000e+00 : f32
    %div3A_79 = vector.broadcast %div3A_78 : f32 to vector<1x512xf32>
    %div3A_80 = arith.divf %div3A_79, %add3A_77 : vector<1x512xf32>
    %max3A_81 = arith.constant 9.99999996E-13 : f32
    %max3A_82 = vector.broadcast %max3A_81 : f32 to vector<1x512xf32>
    %max3A_83 = arith.maximumf %broadcast_in_dim3A_54, %max3A_82 : vector<1x512xf32>
    %sqrt3A_84 = math.sqrt %max3A_83 : vector<1x512xf32>
    %add3A_85 = arith.constant 9.99999993E-9 : f32
    %add3A_86 = vector.broadcast %add3A_85 : f32 to vector<1x512xf32>
    %add3A_87 = arith.addf %sqrt3A_84, %add3A_86 : vector<1x512xf32>
    %div3A_88 = arith.constant 1.000000e+00 : f32
    %div3A_89 = vector.broadcast %div3A_88 : f32 to vector<1x512xf32>
    %div3A_90 = arith.divf %div3A_89, %add3A_87 : vector<1x512xf32>
    %add3A_91 = arith.addf %div3A_70, %div3A_80 : vector<1x512xf32>
    %add3A_92 = arith.addf %add3A_91, %div3A_90 : vector<1x512xf32>
    %reshape3A = vector.shape_cast %convert_element_type3A_30 : vector<1x512xi32> to vector<512xi32>
    %swap3A = arith.constant 0 : index
    %swap3A_93 = vector.load %arg3[%swap3A] : memref<512xi32, #tpu.memory_space<vmem>>, vector<512xi32>
    tpu.vector_store %arg3[%swap3A], %reshape3A {strides = array<i32>} : memref<512xi32, #tpu.memory_space<vmem>>, vector<512xi32>,
    %reshape3A_94 = vector.shape_cast %convert_element_type3A_46 : vector<1x512xi32> to vector<512xi32>
    %swap3A_95 = arith.constant 0 : index
    %swap3A_96 = vector.load %arg4[%swap3A_95] : memref<512xi32, #tpu.memory_space<vmem>>, vector<512xi32>
    tpu.vector_store %arg4[%swap3A_95], %reshape3A_94 {strides = array<i32>} : memref<512xi32, #tpu.memory_space<vmem>>, vector<512xi32>,
    %reshape3A_97 = vector.shape_cast %convert_element_type3A_63 : vector<1x512xi32> to vector<512xi32>
    %swap3A_98 = arith.constant 0 : index
    %swap3A_99 = vector.load %arg5[%swap3A_98] : memref<512xi32, #tpu.memory_space<vmem>>, vector<512xi32>
    tpu.vector_store %arg5[%swap3A_98], %reshape3A_97 {strides = array<i32>} : memref<512xi32, #tpu.memory_space<vmem>>, vector<512xi32>,
    %div3A_100 = arith.divf %div3A_70, %add3A_92 : vector<1x512xf32>
    %reshape3A_101 = vector.shape_cast %div3A_100 : vector<1x512xf32> to vector<512xf32>
    %swap3A_102 = arith.constant 0 : index
    %swap3A_103 = vector.load %arg6[%swap3A_102] : memref<512xf32, #tpu.memory_space<vmem>>, vector<512xf32>
    tpu.vector_store %arg6[%swap3A_102], %reshape3A_101 {strides = array<i32>} : memref<512xf32, #tpu.memory_space<vmem>>, vector<512xf32>,
    %div3A_104 = arith.divf %div3A_80, %add3A_92 : vector<1x512xf32>
    %reshape3A_105 = vector.shape_cast %div3A_104 : vector<1x512xf32> to vector<512xf32>
    %swap3A_106 = arith.constant 0 : index
    %swap3A_107 = vector.load %arg7[%swap3A_106] : memref<512xf32, #tpu.memory_space<vmem>>, vector<512xf32>
    tpu.vector_store %arg7[%swap3A_106], %reshape3A_105 {strides = array<i32>} : memref<512xf32, #tpu.memory_space<vmem>>, vector<512xf32>,
    %div3A_108 = arith.divf %div3A_90, %add3A_92 : vector<1x512xf32>
    %reshape3A_109 = vector.shape_cast %div3A_108 : vector<1x512xf32> to vector<512xf32>
    %swap3A_110 = arith.constant 0 : index
    %swap3A_111 = vector.load %arg8[%swap3A_110] : memref<512xf32, #tpu.memory_space<vmem>>, vector<512xf32>
    tpu.vector_store %arg8[%swap3A_110], %reshape3A_109 {strides = array<i32>} : memref<512xf32, #tpu.memory_space<vmem>>, vector<512xf32>,
    return
  }
  func.func @transform_0(%arg0: i32) -> (i32, i32) {
    %c0_i32 = arith.constant 0 : i32
    %c0_i32_0 = arith.constant 0 : i32
    %c0_i32_1 = arith.constant 0 : i32
    return %c0_i32, %c0_i32_0 : i32, i32
  }
  func.func @transform_1(%arg0: i32) -> (i32, i32) {
    %add3A = arith.constant 8 : i32
    %add3A_0 = arith.addi %add3A, %arg0 : i32
    %c0_i32 = arith.constant 0 : i32
    %c0_i32_1 = arith.constant 0 : i32
    return %c0_i32, %add3A_0 : i32, i32
  }
  func.func @transform_2(%arg0: i32) -> i32 {
    %c0_i32 = arith.constant 0 : i32
    return %arg0 : i32
  }
  func.func @transform_3(%arg0: i32) -> i32 {
    %c0_i32 = arith.constant 0 : i32
    return %arg0 : i32
  }
  func.func @transform_4(%arg0: i32) -> i32 {
    %c0_i32 = arith.constant 0 : i32
    return %arg0 : i32
  }
  func.func @transform_5(%arg0: i32) -> i32 {
    %c0_i32 = arith.constant 0 : i32
    return %arg0 : i32
  }
  func.func @transform_6(%arg0: i32) -> i32 {
    %c0_i32 = arith.constant 0 : i32
    return %arg0 : i32
  }
  func.func @transform_7(%arg0: i32) -> i32 {
    %c0_i32 = arith.constant 0 : i32
    return %arg0 : i32
  }
}

module attributes {stable_mosaic.version = 14 : i64} {
  func.func @_mlp_body(%arg0: i32, %arg1: memref<512x128xf32, #tpu.memory_space<vmem>>, %arg2: memref<512x256xf32, #tpu.memory_space<vmem>>, %arg3: memref<128x256xbf16, #tpu.memory_space<vmem>>, %arg4: memref<256x256xbf16, #tpu.memory_space<vmem>>, %arg5: memref<1x256xf32, #tpu.memory_space<vmem>>, %arg6: memref<512x256xbf16, #tpu.memory_space<vmem>>, %arg7: memref<1x256xf32, #tpu.memory_space<vmem>>, %arg8: memref<1x256xf32, #tpu.memory_space<vmem>>) attributes {dimension_semantics = [#tpu.dimension_semantics<arbitrary>], iteration_bounds = array<i64: 8>, scalar_prefetch = 0 : i64, scratch_operands = 0 : i64, tpu.core_type = #tpu.core_type<tc>, window_params = [{transform_indices = @transform_0, window_bounds = array<i64: 512, 128>}, {transform_indices = @transform_1, window_bounds = array<i64: 512, 256>}, {pipeline_mode = #tpu.pipeline_mode<synchronous>, transform_indices = @transform_2, window_bounds = array<i64: 128, 256>}, {pipeline_mode = #tpu.pipeline_mode<synchronous>, transform_indices = @transform_3, window_bounds = array<i64: 256, 256>}, {pipeline_mode = #tpu.pipeline_mode<synchronous>, transform_indices = @transform_4, window_bounds = array<i64: 1, 256>}, {transform_indices = @transform_5, window_bounds = array<i64: 512, 256>}, {pipeline_mode = #tpu.pipeline_mode<synchronous>, transform_indices = @transform_6, window_bounds = array<i64: 1, 256>}, {pipeline_mode = #tpu.pipeline_mode<synchronous>, transform_indices = @transform_7, window_bounds = array<i64: 1, 256>}]} {
    %get3A = arith.constant 0 : index
    %get3A_0 = arith.constant 0 : index
    %get3A_1 = vector.load %arg1[%get3A, %get3A_0] : memref<512x128xf32, #tpu.memory_space<vmem>>, vector<512x128xf32>
    %convert_element_type3A = arith.truncf %get3A_1 : vector<512x128xf32> to vector<512x128xbf16>
    %get3A_2 = arith.constant 0 : index
    %get3A_3 = arith.constant 0 : index
    %get3A_4 = vector.load %arg3[%get3A_2, %get3A_3] : memref<128x256xbf16, #tpu.memory_space<vmem>>, vector<128x256xbf16>
    %dot_general3A = arith.constant dense<0.000000e+00> : vector<512x256xf32>
    %dot_general3A_5 = tpu.matmul %convert_element_type3A, %get3A_4, %dot_general3A {dimension_numbers = #tpu.dot_dimension_numbers<[1], [0], [0], [1], [0, 0, 1, 1], [], []>, transpose_lhs_hint = false} : vector<512x128xbf16>, vector<128x256xbf16>, vector<512x256xf32> -> vector<512x256xf32>
    %get3A_6 = arith.constant 0 : index
    %get3A_7 = arith.constant 0 : index
    %get3A_8 = vector.load %arg2[%get3A_6, %get3A_7] : memref<512x256xf32, #tpu.memory_space<vmem>>, vector<512x256xf32>
    %convert_element_type3A_9 = arith.truncf %get3A_8 : vector<512x256xf32> to vector<512x256xbf16>
    %get3A_10 = arith.constant 0 : index
    %get3A_11 = arith.constant 0 : index
    %get3A_12 = vector.load %arg4[%get3A_10, %get3A_11] : memref<256x256xbf16, #tpu.memory_space<vmem>>, vector<256x256xbf16>
    %dot_general3A_13 = arith.constant dense<0.000000e+00> : vector<512x256xf32>
    %dot_general3A_14 = tpu.matmul %convert_element_type3A_9, %get3A_12, %dot_general3A_13 {dimension_numbers = #tpu.dot_dimension_numbers<[1], [0], [0], [1], [0, 0, 1, 1], [], []>, transpose_lhs_hint = false} : vector<512x256xbf16>, vector<256x256xbf16>, vector<512x256xf32> -> vector<512x256xf32>
    %add3A = arith.addf %dot_general3A_5, %dot_general3A_14 : vector<512x256xf32>
    %get3A_15 = arith.constant 0 : index
    %get3A_16 = arith.constant 0 : index
    %get3A_17 = vector.load %arg5[%get3A_15, %get3A_16] : memref<1x256xf32, #tpu.memory_space<vmem>>, vector<1x256xf32>
    %add3A_18 = vector.broadcast %get3A_17 : vector<1x256xf32> to vector<512x256xf32>
    %add3A_19 = arith.addf %add3A, %add3A_18 : vector<512x256xf32>
    %convert_element_type3A_20 = arith.truncf %add3A_19 : vector<512x256xf32> to vector<512x256xbf16>
    %swap3A = arith.constant 0 : index
    %swap3A_21 = arith.constant 0 : index
    %swap3A_22 = vector.load %arg6[%swap3A, %swap3A_21] : memref<512x256xbf16, #tpu.memory_space<vmem>>, vector<512x256xbf16>
    tpu.vector_store %arg6[%swap3A, %swap3A_21], %convert_element_type3A_20 {strides = array<i32>} : memref<512x256xbf16, #tpu.memory_space<vmem>>, vector<512x256xbf16>,
    %eq3A = arith.constant 0 : i32
    %eq3A_23 = arith.cmpi eq, %arg0, %eq3A : i32
    %convert_element_type3A_24 = arith.extui %eq3A_23 : i1 to i32
    %cond3A = arith.constant 0 : i32
    %cond3A_25 = arith.cmpi ne, %convert_element_type3A_24, %cond3A : i32
    scf.if %cond3A_25 {
      %broadcast_in_dim3A_44 = arith.constant 0.000000e+00 : f32
      %broadcast_in_dim3A_45 = vector.broadcast %broadcast_in_dim3A_44 : f32 to vector<1x256xf32>
      %swap3A_46 = arith.constant 0 : index
      %swap3A_47 = arith.constant 0 : index
      %swap3A_48 = vector.load %arg7[%swap3A_46, %swap3A_47] : memref<1x256xf32, #tpu.memory_space<vmem>>, vector<1x256xf32>
      tpu.vector_store %arg7[%swap3A_46, %swap3A_47], %broadcast_in_dim3A_45 {strides = array<i32>} : memref<1x256xf32, #tpu.memory_space<vmem>>, vector<1x256xf32>,
      %broadcast_in_dim3A_49 = arith.constant 0.000000e+00 : f32
      %broadcast_in_dim3A_50 = vector.broadcast %broadcast_in_dim3A_49 : f32 to vector<1x256xf32>
      %swap3A_51 = arith.constant 0 : index
      %swap3A_52 = arith.constant 0 : index
      %swap3A_53 = vector.load %arg8[%swap3A_51, %swap3A_52] : memref<1x256xf32, #tpu.memory_space<vmem>>, vector<1x256xf32>
      tpu.vector_store %arg8[%swap3A_51, %swap3A_52], %broadcast_in_dim3A_50 {strides = array<i32>} : memref<1x256xf32, #tpu.memory_space<vmem>>, vector<1x256xf32>,
    } else {
    }
    %get3A_26 = arith.constant 0 : index
    %get3A_27 = arith.constant 0 : index
    %get3A_28 = vector.load %arg7[%get3A_26, %get3A_27] : memref<1x256xf32, #tpu.memory_space<vmem>>, vector<1x256xf32>
    %reduce_sum3A = arith.constant dense<0.000000e+00> : vector<256xf32>
    %reduce_sum3A_29 = vector.multi_reduction <add>, %add3A_19, %reduce_sum3A [0] : vector<512x256xf32> to vector<256xf32>
    %broadcast_in_dim3A = vector.shape_cast %reduce_sum3A_29 : vector<256xf32> to vector<1x256xf32>
    %add3A_30 = arith.addf %get3A_28, %broadcast_in_dim3A : vector<1x256xf32>
    %swap3A_31 = arith.constant 0 : index
    %swap3A_32 = arith.constant 0 : index
    %swap3A_33 = vector.load %arg7[%swap3A_31, %swap3A_32] : memref<1x256xf32, #tpu.memory_space<vmem>>, vector<1x256xf32>
    tpu.vector_store %arg7[%swap3A_31, %swap3A_32], %add3A_30 {strides = array<i32>} : memref<1x256xf32, #tpu.memory_space<vmem>>, vector<1x256xf32>,
    %get3A_34 = arith.constant 0 : index
    %get3A_35 = arith.constant 0 : index
    %get3A_36 = vector.load %arg8[%get3A_34, %get3A_35] : memref<1x256xf32, #tpu.memory_space<vmem>>, vector<1x256xf32>
    %mul3A = arith.mulf %add3A_19, %add3A_19 : vector<512x256xf32>
    %reduce_sum3A_37 = arith.constant dense<0.000000e+00> : vector<256xf32>
    %reduce_sum3A_38 = vector.multi_reduction <add>, %mul3A, %reduce_sum3A_37 [0] : vector<512x256xf32> to vector<256xf32>
    %broadcast_in_dim3A_39 = vector.shape_cast %reduce_sum3A_38 : vector<256xf32> to vector<1x256xf32>
    %add3A_40 = arith.addf %get3A_36, %broadcast_in_dim3A_39 : vector<1x256xf32>
    %swap3A_41 = arith.constant 0 : index
    %swap3A_42 = arith.constant 0 : index
    %swap3A_43 = vector.load %arg8[%swap3A_41, %swap3A_42] : memref<1x256xf32, #tpu.memory_space<vmem>>, vector<1x256xf32>
    tpu.vector_store %arg8[%swap3A_41, %swap3A_42], %add3A_40 {strides = array<i32>} : memref<1x256xf32, #tpu.memory_space<vmem>>, vector<1x256xf32>,
    return
  }
  func.func @transform_0(%arg0: i32) -> (i32, i32) {
    %add3A = arith.constant 8 : i32
    %add3A_0 = arith.addi %add3A, %arg0 : i32
    %c0_i32 = arith.constant 0 : i32
    %c0_i32_1 = arith.constant 0 : i32
    return %add3A_0, %c0_i32 : i32, i32
  }
  func.func @transform_1(%arg0: i32) -> (i32, i32) {
    %c0_i32 = arith.constant 0 : i32
    %c0_i32_0 = arith.constant 0 : i32
    return %arg0, %c0_i32 : i32, i32
  }
  func.func @transform_2(%arg0: i32) -> (i32, i32) {
    %c0_i32 = arith.constant 0 : i32
    %c0_i32_0 = arith.constant 0 : i32
    %c0_i32_1 = arith.constant 0 : i32
    return %c0_i32, %c0_i32_0 : i32, i32
  }
  func.func @transform_3(%arg0: i32) -> (i32, i32) {
    %c0_i32 = arith.constant 0 : i32
    %c0_i32_0 = arith.constant 0 : i32
    %c0_i32_1 = arith.constant 0 : i32
    return %c0_i32, %c0_i32_0 : i32, i32
  }
  func.func @transform_4(%arg0: i32) -> (i32, i32) {
    %c0_i32 = arith.constant 0 : i32
    %c0_i32_0 = arith.constant 0 : i32
    %c0_i32_1 = arith.constant 0 : i32
    return %c0_i32, %c0_i32_0 : i32, i32
  }
  func.func @transform_5(%arg0: i32) -> (i32, i32) {
    %c0_i32 = arith.constant 0 : i32
    %c0_i32_0 = arith.constant 0 : i32
    return %arg0, %c0_i32 : i32, i32
  }
  func.func @transform_6(%arg0: i32) -> (i32, i32) {
    %c0_i32 = arith.constant 0 : i32
    %c0_i32_0 = arith.constant 0 : i32
    %c0_i32_1 = arith.constant 0 : i32
    return %c0_i32, %c0_i32_0 : i32, i32
  }
  func.func @transform_7(%arg0: i32) -> (i32, i32) {
    %c0_i32 = arith.constant 0 : i32
    %c0_i32_0 = arith.constant 0 : i32
    %c0_i32_1 = arith.constant 0 : i32
    return %c0_i32, %c0_i32_0 : i32, i32
  }
}

module attributes {stable_mosaic.version = 14 : i64} {
  func.func @_bn_body(%arg0: i32, %arg1: memref<512x256xbf16, #tpu.memory_space<vmem>>, %arg2: memref<512x256xbf16, #tpu.memory_space<vmem>>, %arg3: memref<1x256xf32, #tpu.memory_space<vmem>>, %arg4: memref<1x256xf32, #tpu.memory_space<vmem>>, %arg5: memref<1x256xf32, #tpu.memory_space<vmem>>, %arg6: memref<1x256xf32, #tpu.memory_space<vmem>>, %arg7: memref<1x256xf32, #tpu.memory_space<vmem>>, %arg8: memref<1x256xf32, #tpu.memory_space<vmem>>, %arg9: memref<512x256xf32, #tpu.memory_space<vmem>>) attributes {dimension_semantics = [#tpu.dimension_semantics<arbitrary>], iteration_bounds = array<i64: 16>, scalar_prefetch = 0 : i64, scratch_operands = 0 : i64, tpu.core_type = #tpu.core_type<tc>, window_params = [{transform_indices = @transform_0, window_bounds = array<i64: 512, 256>}, {transform_indices = @transform_1, window_bounds = array<i64: 512, 256>}, {pipeline_mode = #tpu.pipeline_mode<synchronous>, transform_indices = @transform_2, window_bounds = array<i64: 1, 256>}, {pipeline_mode = #tpu.pipeline_mode<synchronous>, transform_indices = @transform_3, window_bounds = array<i64: 1, 256>}, {pipeline_mode = #tpu.pipeline_mode<synchronous>, transform_indices = @transform_4, window_bounds = array<i64: 1, 256>}, {pipeline_mode = #tpu.pipeline_mode<synchronous>, transform_indices = @transform_5, window_bounds = array<i64: 1, 256>}, {pipeline_mode = #tpu.pipeline_mode<synchronous>, transform_indices = @transform_6, window_bounds = array<i64: 1, 256>}, {pipeline_mode = #tpu.pipeline_mode<synchronous>, transform_indices = @transform_7, window_bounds = array<i64: 1, 256>}, {transform_indices = @transform_8, window_bounds = array<i64: 512, 256>}]} {
    %get3A = arith.constant 0 : index
    %get3A_0 = arith.constant 0 : index
    %get3A_1 = vector.load %arg1[%get3A, %get3A_0] : memref<512x256xbf16, #tpu.memory_space<vmem>>, vector<512x256xbf16>
    %lt3A = arith.constant 8 : i32
    %lt3A_2 = arith.cmpi slt, %arg0, %lt3A : i32
    %get3A_3 = arith.constant 0 : index
    %get3A_4 = arith.constant 0 : index
    %get3A_5 = vector.load %arg2[%get3A_3, %get3A_4] : memref<512x256xbf16, #tpu.memory_space<vmem>>, vector<512x256xbf16>
    %select_n3A = arith.select %lt3A_2, %get3A_1, %get3A_5 : vector<512x256xbf16>
    %convert_element_type3A = arith.extf %select_n3A : vector<512x256xbf16> to vector<512x256xf32>
    %get3A_6 = arith.constant 0 : index
    %get3A_7 = arith.constant 0 : index
    %get3A_8 = vector.load %arg3[%get3A_6, %get3A_7] : memref<1x256xf32, #tpu.memory_space<vmem>>, vector<1x256xf32>
    %get3A_9 = arith.constant 0 : index
    %get3A_10 = arith.constant 0 : index
    %get3A_11 = vector.load %arg5[%get3A_9, %get3A_10] : memref<1x256xf32, #tpu.memory_space<vmem>>, vector<1x256xf32>
    %get3A_12 = arith.constant 0 : index
    %get3A_13 = arith.constant 0 : index
    %get3A_14 = vector.load %arg4[%get3A_12, %get3A_13] : memref<1x256xf32, #tpu.memory_space<vmem>>, vector<1x256xf32>
    %add3A = arith.addf %get3A_8, %get3A_14 : vector<1x256xf32>
    %get3A_15 = arith.constant 0 : index
    %get3A_16 = arith.constant 0 : index
    %get3A_17 = vector.load %arg6[%get3A_15, %get3A_16] : memref<1x256xf32, #tpu.memory_space<vmem>>, vector<1x256xf32>
    %add3A_18 = arith.addf %get3A_11, %get3A_17 : vector<1x256xf32>
    %mul3A = arith.constant 1.22070313E-4 : f32
    %mul3A_19 = vector.broadcast %mul3A : f32 to vector<1x256xf32>
    %mul3A_20 = arith.mulf %add3A, %mul3A_19 : vector<1x256xf32>
    %mul3A_21 = arith.constant 1.22070313E-4 : f32
    %mul3A_22 = vector.broadcast %mul3A_21 : f32 to vector<1x256xf32>
    %mul3A_23 = arith.mulf %add3A_18, %mul3A_22 : vector<1x256xf32>
    %mul3A_24 = arith.mulf %mul3A_20, %mul3A_20 : vector<1x256xf32>
    %sub3A = arith.subf %mul3A_23, %mul3A_24 : vector<1x256xf32>
    %add3A_25 = arith.constant 9.99999974E-6 : f32
    %add3A_26 = vector.broadcast %add3A_25 : f32 to vector<1x256xf32>
    %add3A_27 = arith.addf %sub3A, %add3A_26 : vector<1x256xf32>
    %rsqrt3A = math.rsqrt %add3A_27 : vector<1x256xf32>
    %get3A_28 = arith.constant 0 : index
    %get3A_29 = arith.constant 0 : index
    %get3A_30 = vector.load %arg7[%get3A_28, %get3A_29] : memref<1x256xf32, #tpu.memory_space<vmem>>, vector<1x256xf32>
    %mul3A_31 = arith.mulf %rsqrt3A, %get3A_30 : vector<1x256xf32>
    %sub3A_32 = vector.broadcast %mul3A_20 : vector<1x256xf32> to vector<512x256xf32>
    %sub3A_33 = arith.subf %convert_element_type3A, %sub3A_32 : vector<512x256xf32>
    %mul3A_34 = vector.broadcast %mul3A_31 : vector<1x256xf32> to vector<512x256xf32>
    %mul3A_35 = arith.mulf %sub3A_33, %mul3A_34 : vector<512x256xf32>
    %get3A_36 = arith.constant 0 : index
    %get3A_37 = arith.constant 0 : index
    %get3A_38 = vector.load %arg8[%get3A_36, %get3A_37] : memref<1x256xf32, #tpu.memory_space<vmem>>, vector<1x256xf32>
    %add3A_39 = vector.broadcast %get3A_38 : vector<1x256xf32> to vector<512x256xf32>
    %add3A_40 = arith.addf %mul3A_35, %add3A_39 : vector<512x256xf32>
    %max3A = arith.constant 0.000000e+00 : f32
    %max3A_41 = vector.broadcast %max3A : f32 to vector<512x256xf32>
    %max3A_42 = arith.maximumf %add3A_40, %max3A_41 : vector<512x256xf32>
    %swap3A = arith.constant 0 : index
    %swap3A_43 = arith.constant 0 : index
    %swap3A_44 = vector.load %arg9[%swap3A, %swap3A_43] : memref<512x256xf32, #tpu.memory_space<vmem>>, vector<512x256xf32>
    tpu.vector_store %arg9[%swap3A, %swap3A_43], %max3A_42 {strides = array<i32>} : memref<512x256xf32, #tpu.memory_space<vmem>>, vector<512x256xf32>,
    return
  }
  func.func @transform_0(%arg0: i32) -> (i32, i32) {
    %sub3A = arith.constant 0 : i32
    %sub3A_0 = arith.subi %arg0, %sub3A : i32
    %jit3A = arith.constant 0 : i32
    %jit3A_1 = arith.constant 7 : i32
    %max3A = arith.maxsi %jit3A, %sub3A_0 : i32
    %min3A = arith.minsi %jit3A_1, %max3A : i32
    %c0_i32 = arith.constant 0 : i32
    %c0_i32_2 = arith.constant 0 : i32
    return %min3A, %c0_i32 : i32, i32
  }
  func.func @transform_1(%arg0: i32) -> (i32, i32) {
    %sub3A = arith.constant 8 : i32
    %sub3A_0 = arith.subi %arg0, %sub3A : i32
    %jit3A = arith.constant 0 : i32
    %jit3A_1 = arith.constant 7 : i32
    %max3A = arith.maxsi %jit3A, %sub3A_0 : i32
    %min3A = arith.minsi %jit3A_1, %max3A : i32
    %c0_i32 = arith.constant 0 : i32
    %c0_i32_2 = arith.constant 0 : i32
    return %min3A, %c0_i32 : i32, i32
  }
  func.func @transform_2(%arg0: i32) -> (i32, i32) {
    %c0_i32 = arith.constant 0 : i32
    %c0_i32_0 = arith.constant 0 : i32
    %c0_i32_1 = arith.constant 0 : i32
    return %c0_i32, %c0_i32_0 : i32, i32
  }
  func.func @transform_3(%arg0: i32) -> (i32, i32) {
    %c0_i32 = arith.constant 0 : i32
    %c0_i32_0 = arith.constant 0 : i32
    %c0_i32_1 = arith.constant 0 : i32
    return %c0_i32, %c0_i32_0 : i32, i32
  }
  func.func @transform_4(%arg0: i32) -> (i32, i32) {
    %c0_i32 = arith.constant 0 : i32
    %c0_i32_0 = arith.constant 0 : i32
    %c0_i32_1 = arith.constant 0 : i32
    return %c0_i32, %c0_i32_0 : i32, i32
  }
  func.func @transform_5(%arg0: i32) -> (i32, i32) {
    %c0_i32 = arith.constant 0 : i32
    %c0_i32_0 = arith.constant 0 : i32
    %c0_i32_1 = arith.constant 0 : i32
    return %c0_i32, %c0_i32_0 : i32, i32
  }
  func.func @transform_6(%arg0: i32) -> (i32, i32) {
    %c0_i32 = arith.constant 0 : i32
    %c0_i32_0 = arith.constant 0 : i32
    %c0_i32_1 = arith.constant 0 : i32
    return %c0_i32, %c0_i32_0 : i32, i32
  }
  func.func @transform_7(%arg0: i32) -> (i32, i32) {
    %c0_i32 = arith.constant 0 : i32
    %c0_i32_0 = arith.constant 0 : i32
    %c0_i32_1 = arith.constant 0 : i32
    return %c0_i32, %c0_i32_0 : i32, i32
  }
  func.func @transform_8(%arg0: i32) -> (i32, i32) {
    %c0_i32 = arith.constant 0 : i32
    %c0_i32_0 = arith.constant 0 : i32
    return %arg0, %c0_i32 : i32, i32
  }
}

</mosaic_0001>

<sc_bundles>
// kernel: kernel.12.cloned.1.call-start
scs
__scs_entry_jumppad:
0x0: {  	(pc) =	sbr.rel $0x88, $3  }
0x1: {  	(tag) =	ssettag $0x0;
	lr =	simm.s32 $0x1  }
0x2: {  	[smem:$0x3F98] =	sst lr;
	_ =	strace $0xD0000000  }
0x3: {  	_ = 	snop  }
0x4: {  	_ = 	snop  }
0x5: {  	_ = 	snop  }
0x6: {  	_ = 	snop  }
0x7: {  	_ = 	snop  }
__scs_overlays_trampoline_lowered:
0x8: {  	[smem:$0x3FA7] =	sst s0  }
0x9: {  	[smem:$0x3FA8] =	sst s1  }
0xa: {  	[smem:$0x3FA9] =	sst s2  }
0xb: {  	[smem:$0x3FAA] =	sst s3  }
0xc: {  	[smem:$0x3FAB] =	sst s4  }
0xd: {  	[smem:$0x3FAC] =	sst s5  }
0xe: {  	[smem:$0x3FAD] =	sst s6  }
0xf: {  	[smem:$0x3FAE] =	sst s7  }
0x10: {  	[smem:$0x3FAF] =	sst s8  }
0x11: {  	[smem:$0x3FB0] =	sst s9;
	s0 =	simm.s32 @!p0 $0x0  }
0x12: {  	s1 =	sld [smem:$0x3F96];
	s0 =	simm.s32 @p0 $0x1  }
0x13: {  	[smem:$0x3FB1] =	sst s0;
	s0 =	simm.s32 @!p1 $0x0  }
0x14: {  	s2 =	sld [smem:$0x3F95];
	s0 =	simm.s32 @p1 $0x1  }
0x15: {  	[smem:$0x3FB2] =	sst s0;
	s0 =	simm.s32 @!p2 $0x0  }
0x16: {  	s3 =	sld [smem:$0x3FDB];
	s0 =	simm.s32 @p2 $0x1  }
0x17: {  	s4 =	simm.s32 $0x1BF5;
	[smem:$0x3FB4] =	sst s0  }
0x18: {  	s0 =	sld [smem:$0x3F97];
	_ =	swait.ge [sflag:s4], $0x0  }
0x19: {  	s7 =	sld [smem:$0x3F98]  }
0x1a: {  	s8 =	sadd.s32 $0xFFFFE003, lr  }
0x1b: {  	s9 =	sadd.s32 $0xFFFFFEF7, lr;
	s5 =	simm.s32 $0xFFFFFFFF;
	p2 =	slt.u32 s8, $0xFFFFF086  }
0x1c: {  	p1 =	slt.u32 s9, $0xF7A;
	s5 =	simm.s32 @!p2 $0x0  }
0x1d: {  	s5 =	simm.s32 @p1 $0x1;
	p0 =	seq.s32 s7, s2  }
0x1e: {  	s7 =	smul.u32 @!p0 $0xF7A, s2;
	p2 =	seq.s32 @!p0 s5, $0x0  }
0x1f: {  	s9 =	smul.u32 $0xF7A, s1;
	s8 =	simm.s32 @!p0 $0x1BF5;
	p2 =	por !p2, p0  }
0x20: {  	[sflag:s8] =	ssyncset.s32 @!p0 $0xFFFFF086;
	s6 =	sadd.s32 @!p0 s3, s7;
	s7 =	simm.s32 @!p0 $0x108  }
0x21: {  	s3 =	sadd.s32 s3, s9;
	s6 =	sadd.s32 @!p0 $0x88, s6;
	s7 =	simm.s32 @p2 $0x1082  }
0x22: {  	[simem:s7], [sflag:s8] =	dma.local @!p0 [hbm:s6], $0xF7A  }
0x23: {  	s9 =	sor.u32 $0xD0000000, s2;
	s6 =	simm.s32 $0x108;
	_ =	swait.ge @!p0 [sflag:s8], $0x0  }
0x24: {  	s3 =	sadd.s32 $0x88, s3;
	s6 =	simm.s32 @!p1 $0x1082;
	[sflag:s4] =	ssyncset.s32 $0xFFFFF086  }
0x25: {  	[simem:s6], [sflag:s4] =	dma.local [hbm:s3], $0xF7A  }
0x26: {  	[smem:$0x3F98] =	sst s1;
	(tag) =	ssettag s2;
	_ =	strace s9  }
0x27: {  	s1 =	sld [smem:$0x3FA8]  }
0x28: {  	s2 =	sld [smem:$0x3FA9]  }
0x29: {  	s4 =	sld [smem:$0x3FAB]  }
0x2a: {  	p0 =	seq.s32 s5, $0x0;
	s5 =	sld [smem:$0x3FAC]  }
0x2b: {  	s6 =	sld [smem:$0x3FAD]  }
0x2c: {  	s7 =	sld [smem:$0x3FAE]  }
0x2d: {  	s3 =	simm.s32 $0x108;
	s8 =	sld [smem:$0x3FAF]  }
0x2e: {  	s3 =	simm.s32 @!p0 $0x1082;
	s9 =	sld [smem:$0x3FB0]  }
0x2f: {  	lr =	sadd.s32 s0, s3;
	s0 =	sld [smem:$0x3FA7]  }
0x30: {  	s3 =	sld [smem:$0x3FAA]  }
0x31: {  	[smem:$0x3FB3] =	sst s10  }
0x32: {  	s10 =	sld [smem:$0x3FB1];
	_ =	sdelay $0x3  }
0x33: {  	p0 =	seq.s32 s10, $0x1;
	s10 =	sld [smem:$0x3FB3];
	_ =	sdelay $0x3  }
0x34: {  	[smem:$0x3FB3] =	sst s10  }
0x35: {  	s10 =	sld [smem:$0x3FB2];
	_ =	sdelay $0x3  }
0x36: {  	p1 =	seq.s32 s10, $0x1;
	s10 =	sld [smem:$0x3FB3];
	_ =	sdelay $0x3  }
0x37: {  	[smem:$0x3FB3] =	sst s10  }
0x38: {  	s10 =	sld [smem:$0x3FB4]  }
0x39: {  	_ = 	snop;
	(pc) =	sbr.ind lr, $3  }
0x3a: {  	_ = 	snop  }
0x3b: {  	_ = 	snop  }
0x3c: {  	p2 =	seq.s32 s10, $0x1;
	s10 =	sld [smem:$0x3FB3]  }
0x3d: {  	_ =	shalt  }
0x3e: {  	_ =	shalt  }
0x3f: {  	_ =	shalt  }
0x40: {  	_ =	shalt  }
0x41: {  	_ =	shalt  }
0x42: {  	_ =	shalt  }
0x43: {  	_ =	shalt  }
0x44: {  	_ =	shalt  }
0x45: {  	_ =	shalt  }
0x46: {  	_ =	shalt  }
0x47: {  	_ =	shalt  }
0x48: {  	_ =	shalt  }
0x49: {  	_ =	shalt  }
0x4a: {  	_ =	shalt  }
0x4b: {  	_ =	shalt  }
0x4c: {  	_ =	shalt  }
0x4d: {  	_ =	shalt  }
0x4e: {  	_ =	shalt  }
0x4f: {  	_ =	shalt  }
0x50: {  	_ =	shalt  }
0x51: {  	_ =	shalt  }
0x52: {  	_ =	shalt  }
0x53: {  	_ =	shalt  }
0x54: {  	_ =	shalt  }
0x55: {  	_ =	shalt  }
0x56: {  	_ =	shalt  }
0x57: {  	_ =	shalt  }
0x58: {  	_ =	shalt  }
0x59: {  	_ =	shalt  }
0x5a: {  	_ =	shalt  }
0x5b: {  	_ =	shalt  }
0x5c: {  	_ =	shalt  }
0x5d: {  	_ =	shalt  }
0x5e: {  	_ =	shalt  }
0x5f: {  	_ =	shalt  }
0x60: {  	_ =	shalt  }
0x61: {  	_ =	shalt  }
0x62: {  	_ =	shalt  }
0x63: {  	_ =	shalt  }
0x64: {  	_ =	shalt  }
0x65: {  	_ =	shalt  }
0x66: {  	_ =	shalt  }
0x67: {  	_ =	shalt  }
0x68: {  	_ =	shalt  }
0x69: {  	_ =	shalt  }
0x6a: {  	_ =	shalt  }
0x6b: {  	_ =	shalt  }
0x6c: {  	_ =	shalt  }
0x6d: {  	_ =	shalt  }
0x6e: {  	_ =	shalt  }
0x6f: {  	_ =	shalt  }
0x70: {  	_ =	shalt  }
0x71: {  	_ =	shalt  }
0x72: {  	_ =	shalt  }
0x73: {  	_ =	shalt  }
0x74: {  	_ =	shalt  }
0x75: {  	_ =	shalt  }
0x76: {  	_ =	shalt  }
0x77: {  	_ =	shalt  }
0x78: {  	_ =	shalt  }
0x79: {  	_ =	shalt  }
0x7a: {  	_ =	shalt  }
0x7b: {  	_ =	shalt  }
0x7c: {  	_ =	shalt  }
0x7d: {  	_ =	shalt  }
0x7e: {  	_ =	shalt  }
0x7f: {  	_ =	shalt  }
0x80: {  	_ =	shalt  }
0x81: {  	_ =	shalt  }
0x82: {  	_ =	shalt  }
0x83: {  	_ =	shalt  }
0x84: {  	_ =	shalt  }
0x85: {  	_ =	shalt  }
0x86: {  	_ =	shalt  }
0x87: {  	_ =	shalt  }
.Lfunc_end0:
.L_simem_size_0:
called_computation.1_lowered:
.L_overlay_start_0:
0x88: {  	s2 =	sld [smem:$0x3FD9]  }
0x89: {  	s3 =	sld [smem:$0x3FFE];
	_ =	sdelay $0x1  }
0x8a: {  	s1 =	srdreg.scid  }
0x8b: {  	s0 =	sand.u32 $0x1, s1  }
0x8c: {  	s17 =	sshll.u32 s0, $0xA;
	s2 =	sadd.s32 s3, s2  }
0x8d: {  	s2 =	sadd.s32 s2, s17  }
0x8e: {  	[smem:$0x3FBF] =	sst s2  }
0x8f: {  	_ = 	snop  }
0x90: {  	s2 =	sld [smem:$0x3FC5];
	(tm) =	ssettm $0x1  }
0x91: {  	s18 =	sld [smem:$0x3FFB];
	_ =	sdelay $0x3  }
0x92: {  	_ =	strace s18  }
0x93: {  	s3 =	sld [smem:$0x3FFC];
	_ =	sdelay $0x3  }
0x94: {  	_ =	strace s3  }
0x95: {  	s3 =	sld [smem:$0x3FFD];
	_ =	sdelay $0x3  }
0x96: {  	_ =	strace s3  }
0x97: {  	_ =	strace $0x8FFFFFFF  }
0x98: {  	s19 =	sld [smem:$0x3FDB];
	_ =	sdelay $0x1  }
0x99: {  	s4 =	simm.s32 $_scs_section_size  }
0x9a: {  	s5 =	simm.s32 $_size__tile_overlayer_lowered;
	s6 =	simm.s32 $_tile_overlayer_lowered  }
0x9b: {  	s22 =	simm.s32 $0x1BFF;
	s21 =	sshll.u32 s6, $0x1;
	s3 =	sadd.s32 s4, s19  }
0x9c: {  	s7 =	simm.s32 $0x0;
	s20 =	sshll.u32 s5, $0x1;
	s5 =	sadd.s32 s21, s3  }
0x9d: {  	[timem:s7], [sflag:s22] =	dma.local [hbm:s5], s20  }
0x9e: {  	_ =	swait.ge [sflag:s22], s20  }
0x9f: {  	s4 =	ssub.s32 $0x0, s20;
	[sflag:s22] =	ssyncset.done $0x0  }
0xa0: {  	[sflag:s22] =	ssyncadd.s32 s4;
	_ =	sdelay $0x1  }
0xa1: {  	s23 =	simm.s32 $0x1B8B  }
0xa2: {  	_ =	swait.ge [sflag:s23], $0x1  }
0xa3: {  	[sflag:s23] =	ssyncset.done $0x0  }
0xa4: {  	s25 =	simm.s32 $0x1B8E;
	s24 =	sld [smem:$0x3FFE];
	[sflag:s23] =	ssyncadd.s32 $0xFFFFFFFF  }
0xa5: {  	s26 =	simm.s32 $execute0_lowered;
	[smem:$0x3FD2] =	sst s25  }
0xa6: {  	s5 =	sshll.u32 s26, $0x1;
	_ =	strace $0x80000046;
	[dreg:$0x1] =	wrdreg $0xFFFFFFFF  }
0xa7: {  	s28 =	simm.s32 $_size_execute0_lowered;
	s3 =	sadd.s32 s3, s5;
	[dreg:$0x0] =	wrdreg $0x0  }
0xa8: {  	s5 =	sshll.u32 s28, $0x1;
	[dreg:$0x2] =	wrdreg s3  }
0xa9: {  	[dreg:$0x3] =	wrdreg s5  }
0xaa: {  	[dreg:$0x4] =	wrdreg $0xC0  }
0xab: {  	_ =	task [dreg:s7], $0x5FFFF  }
0xac: {  	[dreg:$0x1] =	wrdreg $0xFFFFFFFF  }
0xad: {  	[dreg:$0x0] =	wrdreg $0x60  }
0xae: {  	[dreg:$0x2] =	wrdreg s24  }
0xaf: {  	[dreg:$0x3] =	wrdreg s2  }
0xb0: {  	[dreg:$0x4] =	wrdreg $0xA  }
0xb1: {  	_ =	task.clear_ibuf [dreg:s7], $0x5FFFF;
	_ =	strace $0x90000046  }
0xb2: {  	s29 =	simm.s32 $0xA;
	_ =	strace $0x80000048  }
0xb3: {  	_ =	swait.ge [sflag:s29], $0x1  }
0xb4: {  	[sflag:s29] =	ssyncadd.s32 $0xFFFFFFFF  }
0xb5: {  	_ =	strace $0x90000048  }
0xb6: {  	_ =	sfence  }
0xb7: {  	s30 =	sld [smem:$0x0];
	_ =	sdelay $0x2  }
0xb8: {  	s31 =	sshll.u32 s1, $0xD;
	s1 =	sshrl.u32 s1, $0x2  }
0xb9: {  	s3 =	sand.u32 $0x4000, s31;
	s1 =	sadd.s32 s1, s30  }
0xba: {  	s0 =	sor.u32 s3, s0;
	s1 =	sshll.u32 s1, $0x11  }
0xbb: {  	s0 =	sor.u32 s1, s0  }
0xbc: {  	s0 =	sadd.s32 $0x8F2B, s0  }
0xbd: {  	[sflag:s0] =	ssyncadd.remote.s32 $0x1  }
0xbe: {  	_ =	sfence.sel $0xFFFF  }
0xbf: {  	[dreg:$0x0] =	wrdreg $0xFFFFFFFF;
	(pc) =	sbr.abs _section_cstart, $3  }
0xc0: {  	[dreg:$0x1] =	wrdreg $0xFFFFFFFF  }
0xc1: {  	_ =	task.clear_ibuf [dreg:s7], $0x2FFFF;
	_ =	strace $0x9FFFFFFF  }
0xc2: {  	(tm) =	ssettm $0x7FFFFFFF  }
0xc3: {  	_ =	shalt  }
tec
execute0_lowered:
.L_overlay_start_1:
0x0: {  	(tag) =	ssettag $0x1  }
0x1: {  	s0 =	rddreg [dreg:$0x0]  }
0x2: {  	s2 =	rddreg [dreg:$0x1]  }
0x3: {  	s1 =	srdreg.scid;
	s3 =	simm.s32 $0x0;
	s4 =	stileid.u32  }
0x4: {  	s15 =	simm.s32 $0x2;
	s18 =	simm.s32 $0x180;
	s19 =	simm.s32 $0x200  }
0x5: {  	s20 =	simm.s32 $0x280;
	s16 =	simm.s32 $0x1;
	s28 =	simm.s32 $0x9B00  }
0x6: {  	s29 =	simm.s32 $0xA300;
	s30 =	simm.s32 $0xAB00;
	s1 =	sand.u32 $0x1, s1  }
0x7: {  	s31 =	simm.s32 $0xB300;
	s4 =	sshll.u32 s4, $0x8;
	s5 =	sshll.u32 s1, $0x7  }
0x8: {  	[smem:$0x7FF] =	sst s3;
	s1 =	ssub.s32 $0x2, s1;
	s4 =	sor.u32 s5, s4  }
0x9: {  	_ =	strace $0x80000047;
	s21 =	sshrl.u32 s1, $0x1;
	s5 =	sshrl.u32 s4, $0x3  }
0xa: {  	s4 =	sshll.u32 s4, $0x5;
	s1 =	ssub.s32 s1, s21;
	s5 =	sadd.s32 s5, s0  }
0xb: {  	s0 =	sadd.s32 s4, s0;
	s14 =	smax.u32 s1, $0x1;
	s1 =	simm.s32 $0xC300  }
0xc: {  	s4 =	simm.s32 $0x0;
	s22 =	sadd.s32 $0x3800, s5;
	s23 =	sadd.s32 $0x3A00, s5  }
0xd: {  	s24 =	sadd.s32 $0x3C00, s5;
	s25 =	sadd.s32 $0x3E00, s5;
	[dreg:$0x3] =	wrdreg s22  }
0xe: {  	s26 =	sadd.s32 $0x4000, s5;
	s9 =	sadd.s32 $0x4200, s5;
	[dreg:$0x4] =	wrdreg s23  }
0xf: {  	s10 =	sadd.s32 $0x4400, s0;
	s11 =	sadd.s32 $0x4800, s0;
	[dreg:$0x5] =	wrdreg s24  }
0x10: {  	v2 =	vlaneseq.u32;
	s12 =	sadd.s32 $0x4C00, s0;
	s13 =	sadd.s32 $0x5000, s0;
	[dreg:$0x6] =	wrdreg s25  }
0x11: {  	vm0 =	vmmov $0xffff;
	v1 =	vshrl.u32 v2, $0x3;
	s0 =	simm.s32 $0xBB00;
	[dreg:$0x7] =	wrdreg s26;
	s23 =	simm.s32 $0x7B00  }
0x12: {  	v0 =	vand.u32 $0x7, v2;
	v2 =	vor.u32 $0x8, v2;
	v1 =	vmul.u32 $0x8, v1;
	s24 =	simm.s32 $0x8300;
	s25 =	simm.s32 $0x8B00;
	s26 =	simm.s32 $0x9300  }
.LBB2_1:
0x13: {  	s5 =	rddreg [dreg:$0x3]  }
0x14: {  	[tilespmem:s3], [sflag:$0x2] =	stream.linear.gather [hbm4b:s5+s3], $0x80, $0x38;
	[tilespmem:$0xE300] =	vst v63  }
0x15: {  	_ =	swait.ge [sflag:s15], $0x80  }
0x16: {  	[sflag:s15] =	ssyncset.done $0x0  }
0x17: {  	s6 =	simm.s32 $0x80;
	s8 =	rddreg [dreg:$0x4];
	[sflag:s15] =	ssyncadd.s32 $0xFFFFFF80  }
0x18: {  	[tilespmem:s6], [sflag:$0x2] =	stream.linear.gather [hbm4b:s8+s3], $0x80, $0x38;
	[tilespmem:$0xE300] =	vst v63  }
0x19: {  	_ =	swait.ge [sflag:s15], $0x80  }
0x1a: {  	[sflag:s15] =	ssyncset.done $0x0  }
0x1b: {  	s21 =	simm.s32 $0x100;
	s17 =	rddreg [dreg:$0x5];
	[sflag:s15] =	ssyncadd.s32 $0xFFFFFF80  }
0x1c: {  	[tilespmem:s21], [sflag:$0x2] =	stream.linear.gather [hbm4b:s17+s3], $0x80, $0x38;
	[tilespmem:$0xE300] =	vst v63  }
0x1d: {  	_ =	swait.ge [sflag:s15], $0x80  }
0x1e: {  	[sflag:s15] =	ssyncset.done $0x0  }
0x1f: {  	s22 =	rddreg [dreg:$0x6];
	[sflag:s15] =	ssyncadd.s32 $0xFFFFFF80  }
0x20: {  	[tilespmem:s18], [sflag:$0x2] =	stream.linear.gather [hbm4b:s22+s3], $0x80, $0x38;
	[tilespmem:$0xE300] =	vst v63  }
0x21: {  	_ =	swait.ge [sflag:s15], $0x80  }
0x22: {  	[sflag:s15] =	ssyncset.done $0x0  }
0x23: {  	s6 =	rddreg [dreg:$0x7];
	[sflag:s15] =	ssyncadd.s32 $0xFFFFFF80  }
0x24: {  	[tilespmem:s19], [sflag:$0x2] =	stream.linear.gather [hbm4b:s6+s3], $0x80, $0x38;
	[tilespmem:$0xE300] =	vst v63  }
0x25: {  	_ =	swait.ge [sflag:s15], $0x80  }
0x26: {  	[sflag:s15] =	ssyncset.done $0x0  }
0x27: {  	[sflag:s15] =	ssyncadd.s32 $0xFFFFFF80  }
0x28: {  	[tilespmem:s20], [sflag:$0x2] =	stream.linear.gather [hbm4b:s9+s3], $0x80, $0x38;
	[tilespmem:$0xE300] =	vst v63  }
0x29: {  	_ =	swait.ge [sflag:s15], $0x80  }
0x2a: {  	[sflag:s15] =	ssyncset.done $0x0  }
0x2b: {  	[sflag:s15] =	ssyncadd.s32 $0xFFFFFF80  }
0x2c: {  	v3 =	vld [tilespmem:$0x0];
	_ =	sdelay $0x4  }
0x2d: {  	v4 =	vshll.u32 v3, $0x1  }
0x2e: {  	v3 =	vand.u32 $0x7, v3;
	v4 =	vand.u32 $0xFFFFFFF0, v4  }
0x2f: {  	v3 =	vor.u32 v3, v4  }
0x30: {  	v4 =	vperm.xlane v3, v0;
	_ =	sdelay $0x1  }
0x31: {  	v3 =	vperm.xlane v3, v2;
	v4 =	vadd.s32 v1, v4;
	_ =	sdelay $0x1  }
0x32: {  	v3 =	vadd.s32 v1, v3;
	_ =	sdelay $0x1  }
0x33: {  	s7 =	simm.s32 $0x300  }
0x34: {  	[tilespmem:s7], [sflag:$0x1] =	stream.indirect_vreg.gather [hbm4b:s2+s3], $0x80, v4, vm0, $0xb8;
	[tilespmem:$0xE300] =	vst v63  }
0x35: {  	s8 =	simm.s32 $0xB00  }
0x36: {  	[tilespmem:s8], [sflag:$0x1] =	stream.indirect_vreg.gather [hbm4b:s2+s3], $0x80, v3, vm0, $0xb8;
	[tilespmem:$0xE300] =	vst v63  }
0x37: {  	v3 =	vld [tilespmem:$0x10];
	_ =	sdelay $0x4  }
0x38: {  	v4 =	vshll.u32 v3, $0x1  }
0x39: {  	v3 =	vand.u32 $0x7, v3;
	v4 =	vand.u32 $0xFFFFFFF0, v4  }
0x3a: {  	v3 =	vor.u32 v3, v4  }
0x3b: {  	v4 =	vperm.xlane v3, v0;
	_ =	sdelay $0x1  }
0x3c: {  	v3 =	vperm.xlane v3, v2;
	v4 =	vadd.s32 v1, v4;
	_ =	sdelay $0x1  }
0x3d: {  	v3 =	vadd.s32 v1, v3;
	_ =	sdelay $0x1  }
0x3e: {  	s17 =	simm.s32 $0x1300  }
0x3f: {  	[tilespmem:s17], [sflag:$0x1] =	stream.indirect_vreg.gather [hbm4b:s2+s3], $0x80, v4, vm0, $0xb8;
	[tilespmem:$0xE300] =	vst v63  }
0x40: {  	s21 =	simm.s32 $0x1B00  }
0x41: {  	[tilespmem:s21], [sflag:$0x1] =	stream.indirect_vreg.gather [hbm4b:s2+s3], $0x80, v3, vm0, $0xb8;
	[tilespmem:$0xE300] =	vst v63  }
0x42: {  	v3 =	vld [tilespmem:$0x80];
	_ =	sdelay $0x4  }
0x43: {  	v4 =	vshll.u32 v3, $0x1  }
0x44: {  	v3 =	vand.u32 $0x7, v3;
	v4 =	vand.u32 $0xFFFFFFF0, v4  }
0x45: {  	v3 =	vor.u32 v3, v4  }
0x46: {  	v4 =	vperm.xlane v3, v0;
	_ =	sdelay $0x1  }
0x47: {  	v3 =	vperm.xlane v3, v2;
	v4 =	vadd.s32 v1, v4;
	_ =	sdelay $0x1  }
0x48: {  	v3 =	vadd.s32 v1, v3;
	_ =	sdelay $0x1  }
0x49: {  	s22 =	simm.s32 $0x2300  }
0x4a: {  	[tilespmem:s22], [sflag:$0x1] =	stream.indirect_vreg.gather [hbm4b:s2+s3], $0x80, v4, vm0, $0xb8;
	[tilespmem:$0xE300] =	vst v63  }
0x4b: {  	s6 =	simm.s32 $0x2B00  }
0x4c: {  	[tilespmem:s6], [sflag:$0x1] =	stream.indirect_vreg.gather [hbm4b:s2+s3], $0x80, v3, vm0, $0xb8;
	[tilespmem:$0xE300] =	vst v63  }
0x4d: {  	v3 =	vld [tilespmem:$0x90];
	_ =	sdelay $0x4  }
0x4e: {  	v4 =	vshll.u32 v3, $0x1  }
0x4f: {  	v3 =	vand.u32 $0x7, v3;
	v4 =	vand.u32 $0xFFFFFFF0, v4  }
0x50: {  	v3 =	vor.u32 v3, v4  }
0x51: {  	v4 =	vperm.xlane v3, v0;
	_ =	sdelay $0x1  }
0x52: {  	v3 =	vperm.xlane v3, v2;
	v4 =	vadd.s32 v1, v4;
	_ =	sdelay $0x1  }
0x53: {  	v3 =	vadd.s32 v1, v3;
	_ =	sdelay $0x1  }
0x54: {  	s7 =	simm.s32 $0x3300  }
0x55: {  	[tilespmem:s7], [sflag:$0x1] =	stream.indirect_vreg.gather [hbm4b:s2+s3], $0x80, v4, vm0, $0xb8;
	[tilespmem:$0xE300] =	vst v63  }
0x56: {  	s8 =	simm.s32 $0x3B00  }
0x57: {  	[tilespmem:s8], [sflag:$0x1] =	stream.indirect_vreg.gather [hbm4b:s2+s3], $0x80, v3, vm0, $0xb8;
	[tilespmem:$0xE300] =	vst v63  }
0x58: {  	v3 =	vld [tilespmem:$0x100];
	_ =	sdelay $0x4  }
0x59: {  	v4 =	vshll.u32 v3, $0x1  }
0x5a: {  	v3 =	vand.u32 $0x7, v3;
	v4 =	vand.u32 $0xFFFFFFF0, v4  }
0x5b: {  	v3 =	vor.u32 v3, v4  }
0x5c: {  	v4 =	vperm.xlane v3, v0;
	_ =	sdelay $0x1  }
0x5d: {  	v3 =	vperm.xlane v3, v2;
	v4 =	vadd.s32 v1, v4;
	_ =	sdelay $0x1  }
0x5e: {  	v3 =	vadd.s32 v1, v3;
	_ =	sdelay $0x1  }
0x5f: {  	s17 =	simm.s32 $0x4300  }
0x60: {  	[tilespmem:s17], [sflag:$0x1] =	stream.indirect_vreg.gather [hbm4b:s2+s3], $0x80, v4, vm0, $0xb8;
	[tilespmem:$0xE300] =	vst v63  }
0x61: {  	s21 =	simm.s32 $0x4B00  }
0x62: {  	[tilespmem:s21], [sflag:$0x1] =	stream.indirect_vreg.gather [hbm4b:s2+s3], $0x80, v3, vm0, $0xb8;
	[tilespmem:$0xE300] =	vst v63  }
0x63: {  	v3 =	vld [tilespmem:$0x110];
	_ =	sdelay $0x4  }
0x64: {  	v4 =	vshll.u32 v3, $0x1  }
0x65: {  	v3 =	vand.u32 $0x7, v3;
	v4 =	vand.u32 $0xFFFFFFF0, v4  }
0x66: {  	v3 =	vor.u32 v3, v4  }
0x67: {  	v4 =	vperm.xlane v3, v0;
	_ =	sdelay $0x1  }
0x68: {  	v3 =	vperm.xlane v3, v2;
	v4 =	vadd.s32 v1, v4;
	_ =	sdelay $0x1  }
0x69: {  	v3 =	vadd.s32 v1, v3;
	_ =	sdelay $0x1  }
0x6a: {  	s22 =	simm.s32 $0x5300  }
0x6b: {  	[tilespmem:s22], [sflag:$0x1] =	stream.indirect_vreg.gather [hbm4b:s2+s3], $0x80, v4, vm0, $0xb8;
	[tilespmem:$0xE300] =	vst v63  }
0x6c: {  	s6 =	simm.s32 $0x5B00  }
0x6d: {  	[tilespmem:s6], [sflag:$0x1] =	stream.indirect_vreg.gather [hbm4b:s2+s3], $0x80, v3, vm0, $0xb8;
	[tilespmem:$0xE300] =	vst v63  }
0x6e: {  	_ =	swait.ge [sflag:s16], $0x2000  }
0x6f: {  	[sflag:s16] =	ssyncset.done $0x0  }
0x70: {  	[sflag:s16] =	ssyncadd.s32 $0xFFFFE000  }
0x71: {  	_ =	swait.ge [sflag:s16], $0x2000  }
0x72: {  	[sflag:s16] =	ssyncset.done $0x0  }
0x73: {  	[sflag:s16] =	ssyncadd.s32 $0xFFFFE000  }
0x74: {  	_ =	swait.ge [sflag:s16], $0x2000  }
0x75: {  	[sflag:s16] =	ssyncset.done $0x0  }
0x76: {  	[sflag:s16] =	ssyncadd.s32 $0xFFFFE000  }
0x77: {  	v3 =	vld [tilespmem:$0x20];
	_ =	sdelay $0x4  }
0x78: {  	v4 =	vshll.u32 v3, $0x1  }
0x79: {  	v3 =	vand.u32 $0x7, v3;
	v4 =	vand.u32 $0xFFFFFFF0, v4  }
0x7a: {  	v3 =	vor.u32 v3, v4  }
0x7b: {  	v4 =	vperm.xlane v3, v0;
	_ =	sdelay $0x1  }
0x7c: {  	v3 =	vperm.xlane v3, v2;
	v4 =	vadd.s32 v1, v4;
	_ =	sdelay $0x1  }
0x7d: {  	v3 =	vadd.s32 v1, v3;
	_ =	sdelay $0x1  }
0x7e: {  	s7 =	simm.s32 $0x6300  }
0x7f: {  	[tilespmem:s7], [sflag:$0x1] =	stream.indirect_vreg.gather [hbm4b:s2+s3], $0x80, v4, vm0, $0xb8;
	[tilespmem:$0xE300] =	vst v63  }
0x80: {  	s8 =	simm.s32 $0x6B00  }
0x81: {  	[tilespmem:s8], [sflag:$0x1] =	stream.indirect_vreg.gather [hbm4b:s2+s3], $0x80, v3, vm0, $0xb8;
	[tilespmem:$0xE300] =	vst v63  }
0x82: {  	v3 =	vld [tilespmem:$0x30];
	_ =	sdelay $0x4  }
0x83: {  	v4 =	vshll.u32 v3, $0x1  }
0x84: {  	v3 =	vand.u32 $0x7, v3;
	v4 =	vand.u32 $0xFFFFFFF0, v4  }
0x85: {  	v3 =	vor.u32 v3, v4  }
0x86: {  	v4 =	vperm.xlane v3, v0;
	_ =	sdelay $0x1  }
0x87: {  	v3 =	vperm.xlane v3, v2;
	v4 =	vadd.s32 v1, v4;
	_ =	sdelay $0x1  }
0x88: {  	v3 =	vadd.s32 v1, v3;
	_ =	sdelay $0x1  }
0x89: {  	s17 =	simm.s32 $0x7300  }
0x8a: {  	[tilespmem:s17], [sflag:$0x1] =	stream.indirect_vreg.gather [hbm4b:s2+s3], $0x80, v4, vm0, $0xb8;
	[tilespmem:$0xE300] =	vst v63  }
0x8b: {  	_ = 	snop  }
0x8c: {  	[tilespmem:s23], [sflag:$0x1] =	stream.indirect_vreg.gather [hbm4b:s2+s3], $0x80, v3, vm0, $0xb8;
	[tilespmem:$0xE300] =	vst v63  }
0x8d: {  	v3 =	vld [tilespmem:$0xA0];
	_ =	sdelay $0x4  }
0x8e: {  	v4 =	vshll.u32 v3, $0x1  }
0x8f: {  	v3 =	vand.u32 $0x7, v3;
	v4 =	vand.u32 $0xFFFFFFF0, v4  }
0x90: {  	v3 =	vor.u32 v3, v4  }
0x91: {  	v4 =	vperm.xlane v3, v0;
	_ =	sdelay $0x1  }
0x92: {  	v3 =	vperm.xlane v3, v2;
	v4 =	vadd.s32 v1, v4;
	_ =	sdelay $0x1  }
0x93: {  	v3 =	vadd.s32 v1, v3;
	_ =	sdelay $0x2  }
0x94: {  	[tilespmem:s24], [sflag:$0x1] =	stream.indirect_vreg.gather [hbm4b:s2+s3], $0x80, v4, vm0, $0xb8;
	[tilespmem:$0xE300] =	vst v63  }
0x95: {  	_ = 	snop  }
0x96: {  	[tilespmem:s25], [sflag:$0x1] =	stream.indirect_vreg.gather [hbm4b:s2+s3], $0x80, v3, vm0, $0xb8;
	[tilespmem:$0xE300] =	vst v63  }
0x97: {  	v3 =	vld [tilespmem:$0xB0];
	_ =	sdelay $0x4  }
0x98: {  	v4 =	vshll.u32 v3, $0x1  }
0x99: {  	v3 =	vand.u32 $0x7, v3;
	v4 =	vand.u32 $0xFFFFFFF0, v4  }
0x9a: {  	v3 =	vor.u32 v3, v4  }
0x9b: {  	v4 =	vperm.xlane v3, v0;
	_ =	sdelay $0x1  }
0x9c: {  	v3 =	vperm.xlane v3, v2;
	v4 =	vadd.s32 v1, v4;
	_ =	sdelay $0x1  }
0x9d: {  	v3 =	vadd.s32 v1, v3;
	_ =	sdelay $0x2  }
0x9e: {  	[tilespmem:s26], [sflag:$0x1] =	stream.indirect_vreg.gather [hbm4b:s2+s3], $0x80, v4, vm0, $0xb8;
	[tilespmem:$0xE300] =	vst v63  }
0x9f: {  	_ = 	snop  }
0xa0: {  	[tilespmem:s28], [sflag:$0x1] =	stream.indirect_vreg.gather [hbm4b:s2+s3], $0x80, v3, vm0, $0xb8;
	[tilespmem:$0xE300] =	vst v63  }
0xa1: {  	v3 =	vld [tilespmem:$0x120];
	_ =	sdelay $0x4  }
0xa2: {  	v4 =	vshll.u32 v3, $0x1  }
0xa3: {  	v3 =	vand.u32 $0x7, v3;
	v4 =	vand.u32 $0xFFFFFFF0, v4  }
0xa4: {  	v3 =	vor.u32 v3, v4  }
0xa5: {  	v4 =	vperm.xlane v3, v0;
	_ =	sdelay $0x1  }
0xa6: {  	v3 =	vperm.xlane v3, v2;
	v4 =	vadd.s32 v1, v4;
	_ =	sdelay $0x1  }
0xa7: {  	v3 =	vadd.s32 v1, v3;
	_ =	sdelay $0x2  }
0xa8: {  	[tilespmem:s29], [sflag:$0x1] =	stream.indirect_vreg.gather [hbm4b:s2+s3], $0x80, v4, vm0, $0xb8;
	[tilespmem:$0xE300] =	vst v63  }
0xa9: {  	_ = 	snop  }
0xaa: {  	[tilespmem:s30], [sflag:$0x1] =	stream.indirect_vreg.gather [hbm4b:s2+s3], $0x80, v3, vm0, $0xb8;
	[tilespmem:$0xE300] =	vst v63  }
0xab: {  	v3 =	vld [tilespmem:$0x130];
	_ =	sdelay $0x4  }
0xac: {  	v4 =	vshll.u32 v3, $0x1  }
0xad: {  	v3 =	vand.u32 $0x7, v3;
	v4 =	vand.u32 $0xFFFFFFF0, v4  }
0xae: {  	v3 =	vor.u32 v3, v4  }
0xaf: {  	v4 =	vperm.xlane v3, v0;
	_ =	sdelay $0x1  }
0xb0: {  	v3 =	vperm.xlane v3, v2;
	v4 =	vadd.s32 v1, v4;
	_ =	sdelay $0x1  }
0xb1: {  	v3 =	vadd.s32 v1, v3;
	_ =	sdelay $0x1  }
0xb2: {  	s21 =	sand.u32 $0x1800, s3;
	s22 =	sand.u32 $0x380, s3  }
0xb3: {  	[tilespmem:s31], [sflag:$0x1] =	stream.indirect_vreg.gather [hbm4b:s2+s3], $0x80, v4, vm0, $0xb8;
	[tilespmem:$0xE300] =	vst v63  }
0xb4: {  	s5 =	sor.u32 s22, s21  }
0xb5: {  	[tilespmem:s0], [sflag:$0x1] =	stream.indirect_vreg.gather [hbm4b:s2+s3], $0x80, v3, vm0, $0xb8;
	[tilespmem:$0xE300] =	vst v63  }
0xb6: {  	v3 =	vld [tilespmem:s5+$0x2720]  }
0xb7: {  	v8 =	vld [tilespmem:s5+$0x4350]  }
0xb8: {  	v11 =	vld [tilespmem:s5+$0x2700]  }
0xb9: {  	v5 =	vld [tilespmem:s5+$0x720]  }
0xba: {  	v12 =	vld [tilespmem:s5+$0x2360]  }
0xbb: {  	v16 =	vld [tilespmem:s5+$0x370]  }
0xbc: {  	v15 =	vld [tilespmem:s5+$0x4700]  }
0xbd: {  	v23 =	vld [tilespmem:s5+$0x360]  }
0xbe: {  	v13 =	vld [tilespmem:s5+$0x2350]  }
0xbf: {  	v14 =	vld [tilespmem:s5+$0x2340]  }
0xc0: {  	v17 =	vld [tilespmem:s5+$0x2330]  }
0xc1: {  	v18 =	vld [tilespmem:s5+$0x340]  }
0xc2: {  	v19 =	vld [tilespmem:s5+$0x4770]  }
0xc3: {  	v20 =	vld [tilespmem:s5+$0x4760]  }
0xc4: {  	v21 =	vld [tilespmem:s5+$0x2320]  }
0xc5: {  	v22 =	vld [tilespmem:s5+$0x320]  }
0xc6: {  	v24 =	vld [tilespmem:s5+$0x2310]  }
0xc7: {  	v7 =	vmov s3;
	v25 =	vld [tilespmem:s5+$0x310]  }
0xc8: {  	v26 =	vld [tilespmem:s5+$0x2300]  }
0xc9: {  	v27 =	vld [tilespmem:s5+$0x300]  }
0xca: {  	v28 =	vld [tilespmem:s5+$0x4750]  }
0xcb: {  	v6 =	vld [tilespmem:s5+$0x4730]  }
0xcc: {  	v4 =	vld.idx.msk [tilespmem:v7+s20+$0x0], $0xffff  }
0xcd: {  	v9 =	vld.idx.msk [tilespmem:v7+s19+$0x0], $0xffff  }
0xce: {  	v7 =	vld.idx.msk [tilespmem:v7+s18+$0x0], $0xffff  }
0xcf: {  	v34 =	vld [tilespmem:s5+$0x760]  }
0xd0: {  	v35 =	vld [tilespmem:s5+$0x2760]  }
0xd1: {  	v10 =	vld [tilespmem:s5+$0x4720]  }
0xd2: {  	v30 =	vld [tilespmem:s5+$0x740];
	v38 =	vmul.f32 v8, v4;
	v28 =	vmul.f32 v28, v4  }
0xd3: {  	v39 =	vld [tilespmem:s5+$0x4300];
	v40 =	vmul.f32 v13, v9;
	v8 =	vmul.f32 v12, v9  }
0xd4: {  	v31 =	vld [tilespmem:s5+$0x2740];
	v13 =	vmul.f32 v26, v9;
	v26 =	vmul.f32 v27, v7  }
0xd5: {  	v32 =	vld [tilespmem:s5+$0x750];
	v34 =	vmul.f32 v34, v7;
	v35 =	vmul.f32 v35, v9  }
0xd6: {  	v33 =	vld [tilespmem:s5+$0x2750];
	v24 =	vmul.f32 v24, v9;
	v25 =	vmul.f32 v25, v7  }
0xd7: {  	v12 =	vld [tilespmem:s5+$0x4310];
	v21 =	vmul.f32 v21, v9;
	v60 =	vmul.f32 v18, v7  }
0xd8: {  	v36 =	vld [tilespmem:s5+$0x770];
	v18 =	vmul.f32 v39, v4;
	v61 =	vmul.f32 v14, v9  }
0xd9: {  	v27 =	vld [tilespmem:s5+$0x4320];
	v26 =	vadd.f32 v13, v26;
	v13 =	vmul.f32 v20, v4;
	v20 =	vadd.f32 v35, v34  }
0xda: {  	v37 =	vld [tilespmem:s5+$0x2770];
	v14 =	vmul.f32 v22, v7;
	v19 =	vmul.f32 v19, v4  }
0xdb: {  	v17 =	vmul.f32 v17, v9;
	v24 =	vadd.f32 v24, v25;
	v25 =	vld [tilespmem:s5+$0x4340];
	v20 =	vadd.f32 v13, v20  }
0xdc: {  	v41 =	vld [tilespmem:s5+$0x330];
	v13 =	vmul.f32 v11, v9;
	v11 =	vmul.f32 v12, v4;
	v12 =	vadd.f32 v18, v26  }
0xdd: {  	v42 =	vld [tilespmem:s5+$0x350];
	v15 =	vmul.f32 v15, v4;
	v18 =	vadd.f32 v21, v14;
	v21 =	vmul.f32 v33, v9;
	[tilespmem:s5+$0xC760] =	vst v20  }
0xde: {  	v59 =	vld [tilespmem:s5+$0x4330];
	v20 =	vmul.f32 v27, v4;
	v22 =	vadd.f32 v11, v24;
	[tilespmem:s5+$0xC300] =	vst v12;
	v12 =	vmul.f32 v36, v7  }
0xdf: {  	v29 =	vld [tilespmem:s5+$0x2730];
	v62 =	vadd.f32 v61, v60;
	v24 =	vmul.f32 v37, v9;
	v11 =	vmul.f32 v31, v9  }
0xe0: {  	v26 =	vld [tilespmem:s5+$0x700];
	v25 =	vmul.f32 v25, v4;
	v27 =	vadd.f32 v20, v18;
	[tilespmem:s5+$0xC310] =	vst v22;
	v22 =	vmul.f32 v32, v7  }
0xe1: {  	v43 =	vld [tilespmem:s5+$0x710];
	v18 =	vmul.f32 v16, v7;
	v16 =	vadd.f32 v24, v12;
	v24 =	vmul.f32 v41, v7  }
0xe2: {  	v14 =	vld [tilespmem:s5+$0x4740];
	v12 =	vmul.f32 v30, v7;
	[tilespmem:s5+$0xC320] =	vst v27;
	v27 =	vmul.f32 v42, v7;
	v63 =	vadd.f32 v21, v22  }
0xe3: {  	v20 =	vld [tilespmem:s5+$0x2370];
	v16 =	vadd.f32 v19, v16;
	v17 =	vadd.f32 v17, v24;
	v24 =	vmul.f32 v59, v4  }
0xe4: {  	v22 =	vld [tilespmem:s5+$0x2710];
	v19 =	vmul.f32 v29, v9;
	v29 =	vadd.f32 v40, v27;
	v28 =	vadd.f32 v28, v63  }
0xe5: {  	v26 =	vmul.f32 v26, v7;
	v21 =	vld [tilespmem:s5+$0x4370];
	v27 =	vadd.f32 v25, v62;
	[tilespmem:s5+$0xC770] =	vst v16;
	v17 =	vadd.f32 v24, v17  }
0xe6: {  	s21 =	simm.s32 $0x1;
	s6 =	simm.s32 $0x100;
	s17 =	simm.s32 $0x80;
	v16 =	vmul.f32 v23, v7;
	v23 =	vmul.f32 v43, v7;
	v24 =	vld [tilespmem:s5+$0x4710];
	v25 =	vadd.f32 v38, v29;
	[tilespmem:s5+$0xC750] =	vst v28  }
.LBB2_2:
0xe7: {  	s22 =	smov.u32 s21  }
0xe8: {  	v28 =	vmov s21;
	s7 =	sand.u32 $0x1800, s6;
	s8 =	sand.u32 $0x380, s17;
	v5 =	vmul.f32 v5, v7;
	v29 =	vmul.f32 v3, v9;
	v30 =	vld [tilespmem:s5+$0x730];
	s22 =	sadd.s32 $0x1, s21  }
0xe9: {  	p0 =	sne.s32 s21, $0x1F;
	v10 =	vmul.f32 v10, v4;
	s7 =	sor.u32 s8, s7;
	v20 =	vmul.f32 v20, v9;
	v13 =	vadd.f32 v13, v26;
	[tilespmem:s5+$0xC340] =	vst v27;
	v27 =	vld [tilespmem:s5+$0x4360]  }
0xea: {  	v6 =	vmul.f32 v6, v4;
	v9 =	vmul.f32 v22, v9;
	v5 =	vadd.f32 v29, v5;
	v3 =	vld [tilespmem:s7+$0x2720];
	[tilespmem:s5+$0xC350] =	vst v25  }
0xeb: {  	v18 =	vadd.f32 v20, v18;
	v20 =	vmul.f32 v21, v4;
	v13 =	vadd.f32 v15, v13;
	v22 =	vld [tilespmem:s7+$0x4350]  }
0xec: {  	v9 =	vadd.f32 v9, v23;
	v21 =	vmul.f32 v24, v4;
	v10 =	vadd.f32 v10, v5;
	v15 =	vld [tilespmem:s7+$0x2700]  }
0xed: {  	v18 =	vadd.f32 v20, v18;
	v7 =	vmul.f32 v30, v7;
	v5 =	vld [tilespmem:s7+$0x720];
	[tilespmem:s5+$0xC700] =	vst v13  }
0xee: {  	v8 =	vadd.f32 v8, v16;
	v9 =	vadd.f32 v21, v9;
	v13 =	vld [tilespmem:s7+$0x2360];
	v16 =	vmul.f32 v27, v4;
	[tilespmem:s5+$0xC720] =	vst v10  }
0xef: {  	v7 =	vadd.f32 v19, v7;
	v20 =	vld [tilespmem:s7+$0x370];
	[tilespmem:s5+$0xC370] =	vst v18  }
0xf0: {  	v18 =	vld [tilespmem:s7+$0x4700];
	v8 =	vadd.f32 v16, v8;
	[tilespmem:s5+$0xC710] =	vst v9  }
0xf1: {  	v6 =	vadd.f32 v6, v7;
	v16 =	vld [tilespmem:s7+$0x360]  }
0xf2: {  	v4 =	vmul.f32 v14, v4;
	v7 =	vadd.f32 v11, v12;
	v19 =	vld [tilespmem:s7+$0x2350];
	[tilespmem:s5+$0xC360] =	vst v8  }
0xf3: {  	v11 =	vld [tilespmem:s7+$0x2340];
	[tilespmem:s5+$0xC730] =	vst v6  }
0xf4: {  	v4 =	vadd.f32 v4, v7;
	v12 =	vld [tilespmem:s7+$0x2330]  }
0xf5: {  	v14 =	vld [tilespmem:s7+$0x340]  }
0xf6: {  	v21 =	vld [tilespmem:s7+$0x4770];
	[tilespmem:s5+$0xC740] =	vst v4  }
0xf7: {  	v23 =	vld [tilespmem:s7+$0x4760];
	[tilespmem:s5+$0xC330] =	vst v17;
	s5 =	smov.u32 s7  }
0xf8: {  	v17 =	vld [tilespmem:s5+$0x2320]  }
0xf9: {  	v24 =	vld [tilespmem:s5+$0x320]  }
0xfa: {  	v25 =	vld [tilespmem:s5+$0x2310]  }
0xfb: {  	v26 =	vld [tilespmem:s5+$0x310]  }
0xfc: {  	v27 =	vld [tilespmem:s5+$0x2300]  }
0xfd: {  	v29 =	vld [tilespmem:s5+$0x300]  }
0xfe: {  	v8 =	vld [tilespmem:s5+$0x4750]  }
0xff: {  	v6 =	vld [tilespmem:s5+$0x4730]  }
0x100: {  	v4 =	vld.idx.msk [tilespmem:v28+s20+$0x0], $0xffff  }
0x101: {  	v9 =	vld.idx.msk [tilespmem:v28+s19+$0x0], $0xffff  }
0x102: {  	v10 =	vld [tilespmem:s5+$0x4720]  }
0x103: {  	v7 =	vld.idx.msk [tilespmem:v28+s18+$0x0], $0xffff  }
0x104: {  	v28 =	vld [tilespmem:s5+$0x2730]  }
0x105: {  	v30 =	vld [tilespmem:s5+$0x740]  }
0x106: {  	v31 =	vmul.f32 v22, v4;
	v32 =	vmul.f32 v8, v4;
	v22 =	vld [tilespmem:s5+$0x2740]  }
0x107: {  	v33 =	vmul.f32 v19, v9;
	v8 =	vmul.f32 v13, v9;
	v19 =	vld [tilespmem:s5+$0x750]  }
0x108: {  	v27 =	vmul.f32 v27, v9;
	v17 =	vmul.f32 v17, v9;
	v34 =	vld [tilespmem:s5+$0x2750]  }
0x109: {  	v11 =	vmul.f32 v11, v9;
	v14 =	vmul.f32 v14, v7;
	v35 =	vld [tilespmem:s5+$0x760]  }
0x10a: {  	v25 =	vmul.f32 v25, v9;
	v13 =	vmul.f32 v15, v9;
	v36 =	vld [tilespmem:s5+$0x2760]  }
0x10b: {  	v21 =	vmul.f32 v21, v4;
	v37 =	vadd.f32 v11, v14;
	v14 =	vmul.f32 v23, v4;
	v23 =	vld [tilespmem:s5+$0x770]  }
0x10c: {  	v38 =	vmul.f32 v12, v9;
	v26 =	vmul.f32 v26, v7;
	v12 =	vld [tilespmem:s5+$0x2770]  }
0x10d: {  	v24 =	vmul.f32 v24, v7;
	v11 =	vmul.f32 v29, v7;
	v29 =	vld [tilespmem:s5+$0x4300]  }
0x10e: {  	v34 =	vmul.f32 v34, v9;
	v39 =	vld [tilespmem:s5+$0x4310];
	v35 =	vmul.f32 v35, v7  }
0x10f: {  	v15 =	vmul.f32 v18, v4;
	v27 =	vadd.f32 v27, v11;
	v40 =	vld [tilespmem:s5+$0x4320];
	v36 =	vmul.f32 v36, v9  }
0x110: {  	v17 =	vadd.f32 v17, v24;
	v11 =	vmul.f32 v22, v9;
	v24 =	vld [tilespmem:s5+$0x330];
	v22 =	vmul.f32 v23, v7  }
0x111: {  	v18 =	vmul.f32 v20, v7;
	v23 =	vld [tilespmem:s5+$0x350];
	v20 =	vadd.f32 v36, v35;
	v35 =	vmul.f32 v12, v9  }
0x112: {  	v25 =	vadd.f32 v25, v26;
	v12 =	vmul.f32 v30, v7;
	v29 =	vmul.f32 v29, v4;
	v26 =	vld [tilespmem:s5+$0x4330]  }
0x113: {  	v30 =	vmul.f32 v39, v4;
	v36 =	vld [tilespmem:s5+$0x4340];
	v14 =	vadd.f32 v14, v20;
	v20 =	vadd.f32 v35, v22  }
0x114: {  	v19 =	vmul.f32 v19, v7;
	v22 =	vadd.f32 v29, v27;
	v27 =	vmul.f32 v40, v4;
	v29 =	vld [tilespmem:s5+$0x710]  }
0x115: {  	v25 =	vadd.f32 v30, v25;
	v24 =	vmul.f32 v24, v7;
	v30 =	vld [tilespmem:s5+$0x700];
	[tilespmem:s5+$0xC760] =	vst v14;
	v35 =	vadd.f32 v21, v20  }
.Ltmp0:
0x116: {  	[tilespmem:s5+$0xC300] =	vst v22;
	v17 =	vadd.f32 v27, v17;
	v21 =	vmul.f32 v23, v7;
	v14 =	vld [tilespmem:s5+$0x4740];
	v23 =	vadd.f32 v34, v19;
	(pc) =	sbr.rel @p0 .LBB2_2-.Ltmp0, $4  }
0x117: {  	v19 =	vmul.f32 v28, v9;
	[tilespmem:s5+$0xC310] =	vst v25;
	v24 =	vadd.f32 v38, v24;
	v25 =	vmul.f32 v26, v4;
	v20 =	vld [tilespmem:s5+$0x2370]  }
0x118: {  	[tilespmem:s5+$0xC320] =	vst v17;
	v26 =	vmul.f32 v36, v4;
	v28 =	vadd.f32 v33, v21;
	v22 =	vld [tilespmem:s5+$0x2710];
	v32 =	vadd.f32 v32, v23  }
0x119: {  	v16 =	vmul.f32 v16, v7;
	v17 =	vadd.f32 v25, v24;
	v21 =	vld [tilespmem:s5+$0x4370];
	v23 =	vmul.f32 v29, v7;
	[tilespmem:s5+$0xC770] =	vst v35  }
0x11a: {  	s17 =	sadd.s32 $0x80, s17;
	s6 =	sadd.s32 $0x100, s6;
	s21 =	smov.u32 s22;
	v27 =	vadd.f32 v26, v37;
	v25 =	vadd.f32 v31, v28;
	v26 =	vmul.f32 v30, v7;
	v24 =	vld [tilespmem:s5+$0x4710];
	[tilespmem:s5+$0xC750] =	vst v32  }
0x11b: {  	v28 =	vld [tilespmem:s5+$0x730];
	v5 =	vmul.f32 v5, v7  }
0x11c: {  	v3 =	vmul.f32 v3, v9;
	[tilespmem:s5+$0xC340] =	vst v27;
	v27 =	vld [tilespmem:s5+$0x4360];
	v20 =	vmul.f32 v20, v9  }
0x11d: {  	v13 =	vadd.f32 v13, v26;
	v9 =	vmul.f32 v22, v9  }
0x11e: {  	v10 =	vmul.f32 v10, v4;
	v3 =	vadd.f32 v3, v5;
	v5 =	vadd.f32 v20, v18  }
0x11f: {  	[tilespmem:s5+$0xC330] =	vst v17;
	v18 =	vmul.f32 v21, v4;
	v13 =	vadd.f32 v15, v13;
	v9 =	vadd.f32 v9, v23  }
0x120: {  	[tilespmem:s5+$0xC350] =	vst v25;
	v15 =	vmul.f32 v24, v4;
	v3 =	vadd.f32 v10, v3;
	v7 =	vmul.f32 v28, v7  }
0x121: {  	v8 =	vadd.f32 v8, v16;
	v5 =	vadd.f32 v18, v5;
	[tilespmem:s5+$0xC700] =	vst v13;
	v10 =	vmul.f32 v27, v4  }
0x122: {  	v6 =	vmul.f32 v6, v4;
	v9 =	vadd.f32 v15, v9;
	[tilespmem:s5+$0xC720] =	vst v3;
	v3 =	vadd.f32 v19, v7  }
0x123: {  	v4 =	vmul.f32 v14, v4;
	[tilespmem:s5+$0xC370] =	vst v5;
	v7 =	vadd.f32 v11, v12;
	v5 =	vadd.f32 v10, v8  }
0x124: {  	[tilespmem:s5+$0xC710] =	vst v9;
	v3 =	vadd.f32 v6, v3  }
0x125: {  	v4 =	vadd.f32 v4, v7;
	[tilespmem:s5+$0xC360] =	vst v5  }
0x126: {  	[tilespmem:s5+$0xC730] =	vst v3  }
0x127: {  	[tilespmem:s5+$0xC740] =	vst v4;
	s5 =	simm.s32 $0x0  }
0x128: {  	[hbm4b:s10+s5] =	stream.linear.scatter [tilespmem:s1], [sflag:$0x2], $0x2000, $0x38;
	[tilespmem:$0xE300] =	vst v63  }
0x129: {  	_ =	swait.ge [sflag:s15], $0x2000  }
0x12a: {  	[sflag:s15] =	ssyncset.done $0x0  }
0x12b: {  	[sflag:s15] =	ssyncadd.s32 $0xFFFFE000  }
0x12c: {  	_ =	swait.ge [sflag:s16], $0x2000  }
0x12d: {  	[sflag:s16] =	ssyncset.done $0x0  }
0x12e: {  	[sflag:s16] =	ssyncadd.s32 $0xFFFFE000  }
0x12f: {  	_ =	swait.ge [sflag:s16], $0x2000  }
0x130: {  	[sflag:s16] =	ssyncset.done $0x0  }
0x131: {  	[sflag:s16] =	ssyncadd.s32 $0xFFFFE000  }
0x132: {  	_ =	swait.ge [sflag:s16], $0x2000  }
0x133: {  	[sflag:s16] =	ssyncset.done $0x0  }
0x134: {  	[sflag:s16] =	ssyncadd.s32 $0xFFFFE000  }
0x135: {  	v3 =	vld [tilespmem:$0x40];
	_ =	sdelay $0x4  }
0x136: {  	v4 =	vshll.u32 v3, $0x1  }
0x137: {  	v3 =	vand.u32 $0x7, v3;
	v4 =	vand.u32 $0xFFFFFFF0, v4  }
0x138: {  	v3 =	vor.u32 v3, v4  }
0x139: {  	v4 =	vperm.xlane v3, v0;
	_ =	sdelay $0x1  }
0x13a: {  	v3 =	vperm.xlane v3, v2;
	v4 =	vadd.s32 v1, v4;
	_ =	sdelay $0x1  }
0x13b: {  	v3 =	vadd.s32 v1, v3;
	_ =	sdelay $0x1  }
0x13c: {  	s6 =	simm.s32 $0x300  }
0x13d: {  	[tilespmem:s6], [sflag:$0x1] =	stream.indirect_vreg.gather [hbm4b:s2+s5], $0x80, v4, vm0, $0xb8;
	[tilespmem:$0xE300] =	vst v63  }
0x13e: {  	s17 =	simm.s32 $0xB00  }
0x13f: {  	[tilespmem:s17], [sflag:$0x1] =	stream.indirect_vreg.gather [hbm4b:s2+s5], $0x80, v3, vm0, $0xb8;
	[tilespmem:$0xE300] =	vst v63  }
0x140: {  	v3 =	vld [tilespmem:$0x50];
	_ =	sdelay $0x4  }
0x141: {  	v4 =	vshll.u32 v3, $0x1  }
0x142: {  	v3 =	vand.u32 $0x7, v3;
	v4 =	vand.u32 $0xFFFFFFF0, v4  }
0x143: {  	v3 =	vor.u32 v3, v4  }
0x144: {  	v4 =	vperm.xlane v3, v0;
	_ =	sdelay $0x1  }
0x145: {  	v3 =	vperm.xlane v3, v2;
	v4 =	vadd.s32 v1, v4;
	_ =	sdelay $0x1  }
0x146: {  	v3 =	vadd.s32 v1, v3;
	_ =	sdelay $0x1  }
0x147: {  	s21 =	simm.s32 $0x1300  }
0x148: {  	[tilespmem:s21], [sflag:$0x1] =	stream.indirect_vreg.gather [hbm4b:s2+s5], $0x80, v4, vm0, $0xb8;
	[tilespmem:$0xE300] =	vst v63  }
0x149: {  	s22 =	simm.s32 $0x1B00  }
0x14a: {  	[tilespmem:s22], [sflag:$0x1] =	stream.indirect_vreg.gather [hbm4b:s2+s5], $0x80, v3, vm0, $0xb8;
	[tilespmem:$0xE300] =	vst v63  }
0x14b: {  	v3 =	vld [tilespmem:$0xC0];
	_ =	sdelay $0x4  }
0x14c: {  	v4 =	vshll.u32 v3, $0x1  }
0x14d: {  	v3 =	vand.u32 $0x7, v3;
	v4 =	vand.u32 $0xFFFFFFF0, v4  }
0x14e: {  	v3 =	vor.u32 v3, v4  }
0x14f: {  	v4 =	vperm.xlane v3, v0;
	_ =	sdelay $0x1  }
0x150: {  	v3 =	vperm.xlane v3, v2;
	v4 =	vadd.s32 v1, v4;
	_ =	sdelay $0x1  }
0x151: {  	v3 =	vadd.s32 v1, v3;
	_ =	sdelay $0x1  }
0x152: {  	s7 =	simm.s32 $0x2300  }
0x153: {  	[tilespmem:s7], [sflag:$0x1] =	stream.indirect_vreg.gather [hbm4b:s2+s5], $0x80, v4, vm0, $0xb8;
	[tilespmem:$0xE300] =	vst v63  }
0x154: {  	s8 =	simm.s32 $0x2B00  }
0x155: {  	[tilespmem:s8], [sflag:$0x1] =	stream.indirect_vreg.gather [hbm4b:s2+s5], $0x80, v3, vm0, $0xb8;
	[tilespmem:$0xE300] =	vst v63  }
0x156: {  	v3 =	vld [tilespmem:$0xD0];
	_ =	sdelay $0x4  }
0x157: {  	v4 =	vshll.u32 v3, $0x1  }
0x158: {  	v3 =	vand.u32 $0x7, v3;
	v4 =	vand.u32 $0xFFFFFFF0, v4  }
0x159: {  	v3 =	vor.u32 v3, v4  }
0x15a: {  	v4 =	vperm.xlane v3, v0;
	_ =	sdelay $0x1  }
0x15b: {  	v3 =	vperm.xlane v3, v2;
	v4 =	vadd.s32 v1, v4;
	_ =	sdelay $0x1  }
0x15c: {  	v3 =	vadd.s32 v1, v3;
	_ =	sdelay $0x1  }
0x15d: {  	s17 =	simm.s32 $0x3300  }
0x15e: {  	[tilespmem:s17], [sflag:$0x1] =	stream.indirect_vreg.gather [hbm4b:s2+s5], $0x80, v4, vm0, $0xb8;
	[tilespmem:$0xE300] =	vst v63  }
0x15f: {  	s21 =	simm.s32 $0x3B00  }
0x160: {  	[tilespmem:s21], [sflag:$0x1] =	stream.indirect_vreg.gather [hbm4b:s2+s5], $0x80, v3, vm0, $0xb8;
	[tilespmem:$0xE300] =	vst v63  }
0x161: {  	v3 =	vld [tilespmem:$0x140];
	_ =	sdelay $0x4  }
0x162: {  	v4 =	vshll.u32 v3, $0x1  }
0x163: {  	v3 =	vand.u32 $0x7, v3;
	v4 =	vand.u32 $0xFFFFFFF0, v4  }
0x164: {  	v3 =	vor.u32 v3, v4  }
0x165: {  	v4 =	vperm.xlane v3, v0;
	_ =	sdelay $0x1  }
0x166: {  	v3 =	vperm.xlane v3, v2;
	v4 =	vadd.s32 v1, v4;
	_ =	sdelay $0x1  }
0x167: {  	v3 =	vadd.s32 v1, v3;
	_ =	sdelay $0x1  }
0x168: {  	s22 =	simm.s32 $0x4300  }
0x169: {  	[tilespmem:s22], [sflag:$0x1] =	stream.indirect_vreg.gather [hbm4b:s2+s5], $0x80, v4, vm0, $0xb8;
	[tilespmem:$0xE300] =	vst v63  }
0x16a: {  	s7 =	simm.s32 $0x4B00  }
0x16b: {  	[tilespmem:s7], [sflag:$0x1] =	stream.indirect_vreg.gather [hbm4b:s2+s5], $0x80, v3, vm0, $0xb8;
	[tilespmem:$0xE300] =	vst v63  }
0x16c: {  	v3 =	vld [tilespmem:$0x150];
	_ =	sdelay $0x4  }
0x16d: {  	v4 =	vshll.u32 v3, $0x1  }
0x16e: {  	v3 =	vand.u32 $0x7, v3;
	v4 =	vand.u32 $0xFFFFFFF0, v4  }
0x16f: {  	v3 =	vor.u32 v3, v4  }
0x170: {  	v4 =	vperm.xlane v3, v0;
	_ =	sdelay $0x1  }
0x171: {  	v3 =	vperm.xlane v3, v2;
	v4 =	vadd.s32 v1, v4;
	_ =	sdelay $0x1  }
0x172: {  	s22 =	simm.s32 $0x20;
	v3 =	vadd.s32 v1, v3  }
0x173: {  	v7 =	vmov s22  }
0x174: {  	s8 =	simm.s32 $0x5300  }
0x175: {  	[tilespmem:s8], [sflag:$0x1] =	stream.indirect_vreg.gather [hbm4b:s2+s5], $0x80, v4, vm0, $0xb8;
	[tilespmem:$0xE300] =	vst v63  }
0x176: {  	s17 =	simm.s32 $0x5B00  }
0x177: {  	[tilespmem:s17], [sflag:$0x1] =	stream.indirect_vreg.gather [hbm4b:s2+s5], $0x80, v3, vm0, $0xb8;
	[tilespmem:$0xE300] =	vst v63  }
0x178: {  	v4 =	vld.idx.msk [tilespmem:v7+s20+$0x0], $0xffff  }
0x179: {  	s21 =	sand.u32 $0x1800, s5;
	s5 =	sand.u32 $0x380, s5;
	v9 =	vld.idx.msk [tilespmem:v7+s19+$0x0], $0xffff  }
0x17a: {  	s5 =	sor.u32 s5, s21;
	v7 =	vld.idx.msk [tilespmem:v7+s18+$0x0], $0xffff  }
0x17b: {  	v3 =	vld [tilespmem:s5+$0x8720]  }
0x17c: {  	v8 =	vld [tilespmem:s5+$0xA350]  }
0x17d: {  	v11 =	vld [tilespmem:s5+$0x8700]  }
0x17e: {  	v5 =	vld [tilespmem:s5+$0x6720]  }
0x17f: {  	v12 =	vld [tilespmem:s5+$0x8360]  }
0x180: {  	v16 =	vld [tilespmem:s5+$0x6370]  }
0x181: {  	v15 =	vld [tilespmem:s5+$0xA700]  }
0x182: {  	v23 =	vld [tilespmem:s5+$0x6360]  }
0x183: {  	v13 =	vld [tilespmem:s5+$0x8350]  }
0x184: {  	v14 =	vld [tilespmem:s5+$0x8340]  }
0x185: {  	v17 =	vld [tilespmem:s5+$0x8330]  }
0x186: {  	v18 =	vld [tilespmem:s5+$0x6340]  }
0x187: {  	v19 =	vld [tilespmem:s5+$0xA770]  }
0x188: {  	v20 =	vld [tilespmem:s5+$0xA760]  }
0x189: {  	v21 =	vld [tilespmem:s5+$0x8320]  }
0x18a: {  	v22 =	vld [tilespmem:s5+$0x6320]  }
0x18b: {  	v24 =	vld [tilespmem:s5+$0x8310]  }
0x18c: {  	v25 =	vld [tilespmem:s5+$0x6310]  }
0x18d: {  	v26 =	vld [tilespmem:s5+$0x8300]  }
0x18e: {  	v27 =	vld [tilespmem:s5+$0x6300]  }
0x18f: {  	v28 =	vld [tilespmem:s5+$0xA750]  }
0x190: {  	v6 =	vld [tilespmem:s5+$0xA730]  }
0x191: {  	v34 =	vld [tilespmem:s5+$0x6760]  }
0x192: {  	v35 =	vld [tilespmem:s5+$0x8760]  }
0x193: {  	v10 =	vld [tilespmem:s5+$0xA720]  }
0x194: {  	v30 =	vld [tilespmem:s5+$0x6740];
	v38 =	vmul.f32 v8, v4;
	v28 =	vmul.f32 v28, v4  }
0x195: {  	v39 =	vld [tilespmem:s5+$0xA300];
	v40 =	vmul.f32 v13, v9;
	v8 =	vmul.f32 v12, v9  }
0x196: {  	v31 =	vld [tilespmem:s5+$0x8740];
	v13 =	vmul.f32 v26, v9;
	v26 =	vmul.f32 v27, v7  }
0x197: {  	v32 =	vld [tilespmem:s5+$0x6750];
	v34 =	vmul.f32 v34, v7;
	v35 =	vmul.f32 v35, v9  }
0x198: {  	v33 =	vld [tilespmem:s5+$0x8750];
	v24 =	vmul.f32 v24, v9;
	v25 =	vmul.f32 v25, v7  }
0x199: {  	v12 =	vld [tilespmem:s5+$0xA310];
	v21 =	vmul.f32 v21, v9;
	v60 =	vmul.f32 v18, v7  }
0x19a: {  	v36 =	vld [tilespmem:s5+$0x6770];
	v18 =	vmul.f32 v39, v4;
	v61 =	vmul.f32 v14, v9  }
0x19b: {  	v27 =	vld [tilespmem:s5+$0xA320];
	v26 =	vadd.f32 v13, v26;
	v13 =	vmul.f32 v20, v4;
	v20 =	vadd.f32 v35, v34  }
0x19c: {  	v37 =	vld [tilespmem:s5+$0x8770];
	v14 =	vmul.f32 v22, v7;
	v19 =	vmul.f32 v19, v4  }
0x19d: {  	v17 =	vmul.f32 v17, v9;
	v24 =	vadd.f32 v24, v25;
	v25 =	vld [tilespmem:s5+$0xA340];
	v20 =	vadd.f32 v13, v20  }
0x19e: {  	v41 =	vld [tilespmem:s5+$0x6330];
	v13 =	vmul.f32 v11, v9;
	v11 =	vmul.f32 v12, v4;
	v12 =	vadd.f32 v18, v26  }
0x19f: {  	v42 =	vld [tilespmem:s5+$0x6350];
	v15 =	vmul.f32 v15, v4;
	v18 =	vadd.f32 v21, v14;
	v21 =	vmul.f32 v33, v9;
	[tilespmem:s5+$0xC760] =	vst v20  }
0x1a0: {  	v59 =	vld [tilespmem:s5+$0xA330];
	v20 =	vmul.f32 v27, v4;
	v22 =	vadd.f32 v11, v24;
	[tilespmem:s5+$0xC300] =	vst v12;
	v12 =	vmul.f32 v36, v7  }
0x1a1: {  	v29 =	vld [tilespmem:s5+$0x8730];
	v62 =	vadd.f32 v61, v60;
	v24 =	vmul.f32 v37, v9;
	v11 =	vmul.f32 v31, v9  }
0x1a2: {  	v26 =	vld [tilespmem:s5+$0x6700];
	v25 =	vmul.f32 v25, v4;
	v27 =	vadd.f32 v20, v18;
	[tilespmem:s5+$0xC310] =	vst v22;
	v22 =	vmul.f32 v32, v7  }
0x1a3: {  	v43 =	vld [tilespmem:s5+$0x6710];
	v18 =	vmul.f32 v16, v7;
	v16 =	vadd.f32 v24, v12;
	v24 =	vmul.f32 v41, v7  }
0x1a4: {  	v14 =	vld [tilespmem:s5+$0xA740];
	v12 =	vmul.f32 v30, v7;
	[tilespmem:s5+$0xC320] =	vst v27;
	v27 =	vmul.f32 v42, v7;
	v63 =	vadd.f32 v21, v22  }
0x1a5: {  	v20 =	vld [tilespmem:s5+$0x8370];
	v16 =	vadd.f32 v19, v16;
	v17 =	vadd.f32 v17, v24;
	v24 =	vmul.f32 v59, v4  }
0x1a6: {  	v22 =	vld [tilespmem:s5+$0x8710];
	v19 =	vmul.f32 v29, v9;
	v29 =	vadd.f32 v40, v27;
	v28 =	vadd.f32 v28, v63  }
0x1a7: {  	v26 =	vmul.f32 v26, v7;
	v21 =	vld [tilespmem:s5+$0xA370];
	v27 =	vadd.f32 v25, v62;
	[tilespmem:s5+$0xC770] =	vst v16;
	v17 =	vadd.f32 v24, v17  }
0x1a8: {  	s6 =	simm.s32 $0x100;
	s22 =	simm.s32 $0x21;
	s17 =	simm.s32 $0x80;
	v16 =	vmul.f32 v23, v7;
	v23 =	vmul.f32 v43, v7;
	v24 =	vld [tilespmem:s5+$0xA710];
	v25 =	vadd.f32 v38, v29;
	[tilespmem:s5+$0xC750] =	vst v28  }
.LBB2_4:
0x1a9: {  	s21 =	smov.u32 s22  }
0x1aa: {  	v28 =	vmov s22;
	s7 =	sand.u32 $0x1800, s6;
	s8 =	sand.u32 $0x380, s17;
	v5 =	vmul.f32 v5, v7;
	v29 =	vmul.f32 v3, v9;
	v30 =	vld [tilespmem:s5+$0x6730];
	s21 =	sadd.s32 $0x1, s22  }
0x1ab: {  	p0 =	sne.s32 s22, $0x3F;
	v10 =	vmul.f32 v10, v4;
	s7 =	sor.u32 s8, s7;
	v20 =	vmul.f32 v20, v9;
	v13 =	vadd.f32 v13, v26;
	[tilespmem:s5+$0xC340] =	vst v27;
	v27 =	vld [tilespmem:s5+$0xA360]  }
0x1ac: {  	v6 =	vmul.f32 v6, v4;
	v9 =	vmul.f32 v22, v9;
	v5 =	vadd.f32 v29, v5;
	v3 =	vld [tilespmem:s7+$0x8720];
	[tilespmem:s5+$0xC350] =	vst v25  }
0x1ad: {  	v18 =	vadd.f32 v20, v18;
	v20 =	vmul.f32 v21, v4;
	v13 =	vadd.f32 v15, v13;
	v22 =	vld [tilespmem:s7+$0xA350]  }
0x1ae: {  	v9 =	vadd.f32 v9, v23;
	v21 =	vmul.f32 v24, v4;
	v10 =	vadd.f32 v10, v5;
	v15 =	vld [tilespmem:s7+$0x8700]  }
0x1af: {  	v18 =	vadd.f32 v20, v18;
	v7 =	vmul.f32 v30, v7;
	v5 =	vld [tilespmem:s7+$0x6720];
	[tilespmem:s5+$0xC700] =	vst v13  }
0x1b0: {  	v8 =	vadd.f32 v8, v16;
	v9 =	vadd.f32 v21, v9;
	v13 =	vld [tilespmem:s7+$0x8360];
	v16 =	vmul.f32 v27, v4;
	[tilespmem:s5+$0xC720] =	vst v10  }
0x1b1: {  	v7 =	vadd.f32 v19, v7;
	v20 =	vld [tilespmem:s7+$0x6370];
	[tilespmem:s5+$0xC370] =	vst v18  }
0x1b2: {  	v18 =	vld [tilespmem:s7+$0xA700];
	v8 =	vadd.f32 v16, v8;
	[tilespmem:s5+$0xC710] =	vst v9  }
0x1b3: {  	v6 =	vadd.f32 v6, v7;
	v16 =	vld [tilespmem:s7+$0x6360]  }
0x1b4: {  	v4 =	vmul.f32 v14, v4;
	v7 =	vadd.f32 v11, v12;
	v19 =	vld [tilespmem:s7+$0x8350];
	[tilespmem:s5+$0xC360] =	vst v8  }
0x1b5: {  	v11 =	vld [tilespmem:s7+$0x8340];
	[tilespmem:s5+$0xC730] =	vst v6  }
0x1b6: {  	v4 =	vadd.f32 v4, v7;
	v12 =	vld [tilespmem:s7+$0x8330]  }
0x1b7: {  	v14 =	vld [tilespmem:s7+$0x6340]  }
0x1b8: {  	v21 =	vld [tilespmem:s7+$0xA770];
	[tilespmem:s5+$0xC740] =	vst v4  }
0x1b9: {  	v23 =	vld [tilespmem:s7+$0xA760];
	[tilespmem:s5+$0xC330] =	vst v17;
	s5 =	smov.u32 s7  }
0x1ba: {  	v17 =	vld [tilespmem:s5+$0x8320]  }
0x1bb: {  	v24 =	vld [tilespmem:s5+$0x6320]  }
0x1bc: {  	v25 =	vld [tilespmem:s5+$0x8310]  }
0x1bd: {  	v26 =	vld [tilespmem:s5+$0x6310]  }
0x1be: {  	v27 =	vld [tilespmem:s5+$0x8300]  }
0x1bf: {  	v29 =	vld [tilespmem:s5+$0x6300]  }
0x1c0: {  	v8 =	vld [tilespmem:s5+$0xA750]  }
0x1c1: {  	v6 =	vld [tilespmem:s5+$0xA730]  }
0x1c2: {  	v4 =	vld.idx.msk [tilespmem:v28+s20+$0x0], $0xffff  }
0x1c3: {  	v9 =	vld.idx.msk [tilespmem:v28+s19+$0x0], $0xffff  }
0x1c4: {  	v10 =	vld [tilespmem:s5+$0xA720]  }
0x1c5: {  	v7 =	vld.idx.msk [tilespmem:v28+s18+$0x0], $0xffff  }
0x1c6: {  	v28 =	vld [tilespmem:s5+$0x8730]  }
0x1c7: {  	v30 =	vld [tilespmem:s5+$0x6740]  }
0x1c8: {  	v31 =	vmul.f32 v22, v4;
	v32 =	vmul.f32 v8, v4;
	v22 =	vld [tilespmem:s5+$0x8740]  }
0x1c9: {  	v33 =	vmul.f32 v19, v9;
	v8 =	vmul.f32 v13, v9;
	v19 =	vld [tilespmem:s5+$0x6750]  }
0x1ca: {  	v27 =	vmul.f32 v27, v9;
	v17 =	vmul.f32 v17, v9;
	v34 =	vld [tilespmem:s5+$0x8750]  }
0x1cb: {  	v11 =	vmul.f32 v11, v9;
	v14 =	vmul.f32 v14, v7;
	v35 =	vld [tilespmem:s5+$0x6760]  }
0x1cc: {  	v25 =	vmul.f32 v25, v9;
	v13 =	vmul.f32 v15, v9;
	v36 =	vld [tilespmem:s5+$0x8760]  }
0x1cd: {  	v21 =	vmul.f32 v21, v4;
	v37 =	vadd.f32 v11, v14;
	v14 =	vmul.f32 v23, v4;
	v23 =	vld [tilespmem:s5+$0x6770]  }
0x1ce: {  	v38 =	vmul.f32 v12, v9;
	v26 =	vmul.f32 v26, v7;
	v12 =	vld [tilespmem:s5+$0x8770]  }
0x1cf: {  	v24 =	vmul.f32 v24, v7;
	v11 =	vmul.f32 v29, v7;
	v29 =	vld [tilespmem:s5+$0xA300]  }
0x1d0: {  	v34 =	vmul.f32 v34, v9;
	v39 =	vld [tilespmem:s5+$0xA310];
	v35 =	vmul.f32 v35, v7  }
0x1d1: {  	v15 =	vmul.f32 v18, v4;
	v27 =	vadd.f32 v27, v11;
	v40 =	vld [tilespmem:s5+$0xA320];
	v36 =	vmul.f32 v36, v9  }
0x1d2: {  	v17 =	vadd.f32 v17, v24;
	v11 =	vmul.f32 v22, v9;
	v24 =	vld [tilespmem:s5+$0x6330];
	v22 =	vmul.f32 v23, v7  }
0x1d3: {  	v18 =	vmul.f32 v20, v7;
	v23 =	vld [tilespmem:s5+$0x6350];
	v20 =	vadd.f32 v36, v35;
	v35 =	vmul.f32 v12, v9  }
0x1d4: {  	v25 =	vadd.f32 v25, v26;
	v12 =	vmul.f32 v30, v7;
	v29 =	vmul.f32 v29, v4;
	v26 =	vld [tilespmem:s5+$0xA330]  }
0x1d5: {  	v30 =	vmul.f32 v39, v4;
	v36 =	vld [tilespmem:s5+$0xA340];
	v14 =	vadd.f32 v14, v20;
	v20 =	vadd.f32 v35, v22  }
0x1d6: {  	v19 =	vmul.f32 v19, v7;
	v22 =	vadd.f32 v29, v27;
	v27 =	vmul.f32 v40, v4;
	v29 =	vld [tilespmem:s5+$0x6710]  }
0x1d7: {  	v25 =	vadd.f32 v30, v25;
	v24 =	vmul.f32 v24, v7;
	v30 =	vld [tilespmem:s5+$0x6700];
	[tilespmem:s5+$0xC760] =	vst v14;
	v35 =	vadd.f32 v21, v20  }
.Ltmp1:
0x1d8: {  	[tilespmem:s5+$0xC300] =	vst v22;
	v17 =	vadd.f32 v27, v17;
	v21 =	vmul.f32 v23, v7;
	v14 =	vld [tilespmem:s5+$0xA740];
	v23 =	vadd.f32 v34, v19;
	(pc) =	sbr.rel @p0 .LBB2_4-.Ltmp1, $4  }
0x1d9: {  	v19 =	vmul.f32 v28, v9;
	[tilespmem:s5+$0xC310] =	vst v25;
	v24 =	vadd.f32 v38, v24;
	v25 =	vmul.f32 v26, v4;
	v20 =	vld [tilespmem:s5+$0x8370]  }
0x1da: {  	[tilespmem:s5+$0xC320] =	vst v17;
	v26 =	vmul.f32 v36, v4;
	v28 =	vadd.f32 v33, v21;
	v22 =	vld [tilespmem:s5+$0x8710];
	v32 =	vadd.f32 v32, v23  }
0x1db: {  	v16 =	vmul.f32 v16, v7;
	v17 =	vadd.f32 v25, v24;
	v21 =	vld [tilespmem:s5+$0xA370];
	v23 =	vmul.f32 v29, v7;
	[tilespmem:s5+$0xC770] =	vst v35  }
0x1dc: {  	s17 =	sadd.s32 $0x80, s17;
	s6 =	sadd.s32 $0x100, s6;
	s22 =	smov.u32 s21;
	v27 =	vadd.f32 v26, v37;
	v25 =	vadd.f32 v31, v28;
	v26 =	vmul.f32 v30, v7;
	v24 =	vld [tilespmem:s5+$0xA710];
	[tilespmem:s5+$0xC750] =	vst v32  }
0x1dd: {  	v28 =	vld [tilespmem:s5+$0x6730];
	v5 =	vmul.f32 v5, v7  }
0x1de: {  	v3 =	vmul.f32 v3, v9;
	[tilespmem:s5+$0xC340] =	vst v27;
	v27 =	vld [tilespmem:s5+$0xA360];
	v20 =	vmul.f32 v20, v9  }
0x1df: {  	v13 =	vadd.f32 v13, v26;
	v9 =	vmul.f32 v22, v9  }
0x1e0: {  	v10 =	vmul.f32 v10, v4;
	v3 =	vadd.f32 v3, v5;
	v5 =	vadd.f32 v20, v18  }
0x1e1: {  	[tilespmem:s5+$0xC330] =	vst v17;
	v18 =	vmul.f32 v21, v4;
	v13 =	vadd.f32 v15, v13;
	v9 =	vadd.f32 v9, v23  }
0x1e2: {  	[tilespmem:s5+$0xC350] =	vst v25;
	v15 =	vmul.f32 v24, v4;
	v3 =	vadd.f32 v10, v3;
	v7 =	vmul.f32 v28, v7  }
0x1e3: {  	v8 =	vadd.f32 v8, v16;
	v5 =	vadd.f32 v18, v5;
	[tilespmem:s5+$0xC700] =	vst v13;
	v10 =	vmul.f32 v27, v4  }
0x1e4: {  	v6 =	vmul.f32 v6, v4;
	v9 =	vadd.f32 v15, v9;
	[tilespmem:s5+$0xC720] =	vst v3;
	v3 =	vadd.f32 v19, v7  }
0x1e5: {  	v4 =	vmul.f32 v14, v4;
	[tilespmem:s5+$0xC370] =	vst v5;
	v7 =	vadd.f32 v11, v12;
	v5 =	vadd.f32 v10, v8  }
0x1e6: {  	[tilespmem:s5+$0xC710] =	vst v9;
	v3 =	vadd.f32 v6, v3  }
0x1e7: {  	v4 =	vadd.f32 v4, v7;
	[tilespmem:s5+$0xC360] =	vst v5  }
0x1e8: {  	[tilespmem:s5+$0xC730] =	vst v3  }
0x1e9: {  	s7 =	simm.s32 $0x0;
	[tilespmem:s5+$0xC740] =	vst v4  }
0x1ea: {  	[hbm4b:s11+s7] =	stream.linear.scatter [tilespmem:s1], [sflag:$0x2], $0x2000, $0x38;
	[tilespmem:$0xE300] =	vst v63  }
0x1eb: {  	_ =	swait.ge [sflag:s15], $0x2000  }
0x1ec: {  	[sflag:s15] =	ssyncset.done $0x0  }
0x1ed: {  	[sflag:s15] =	ssyncadd.s32 $0xFFFFE000  }
0x1ee: {  	_ =	swait.ge [sflag:s16], $0x2000  }
0x1ef: {  	[sflag:s16] =	ssyncset.done $0x0  }
0x1f0: {  	[sflag:s16] =	ssyncadd.s32 $0xFFFFE000  }
0x1f1: {  	_ =	swait.ge [sflag:s16], $0x2000  }
0x1f2: {  	[sflag:s16] =	ssyncset.done $0x0  }
0x1f3: {  	[sflag:s16] =	ssyncadd.s32 $0xFFFFE000  }
0x1f4: {  	_ =	swait.ge [sflag:s16], $0x2000  }
0x1f5: {  	[sflag:s16] =	ssyncset.done $0x0  }
0x1f6: {  	[sflag:s16] =	ssyncadd.s32 $0xFFFFE000  }
0x1f7: {  	v3 =	vld [tilespmem:$0x60];
	_ =	sdelay $0x4  }
0x1f8: {  	v4 =	vshll.u32 v3, $0x1  }
0x1f9: {  	v3 =	vand.u32 $0x7, v3;
	v4 =	vand.u32 $0xFFFFFFF0, v4  }
0x1fa: {  	v3 =	vor.u32 v3, v4  }
0x1fb: {  	v4 =	vperm.xlane v3, v0;
	_ =	sdelay $0x1  }
0x1fc: {  	v3 =	vperm.xlane v3, v2;
	v4 =	vadd.s32 v1, v4;
	_ =	sdelay $0x1  }
0x1fd: {  	v3 =	vadd.s32 v1, v3;
	_ =	sdelay $0x1  }
0x1fe: {  	s6 =	simm.s32 $0x6300  }
0x1ff: {  	[tilespmem:s6], [sflag:$0x1] =	stream.indirect_vreg.gather [hbm4b:s2+s7], $0x80, v4, vm0, $0xb8;
	[tilespmem:$0xE300] =	vst v63  }
0x200: {  	s8 =	simm.s32 $0x6B00  }
0x201: {  	[tilespmem:s8], [sflag:$0x1] =	stream.indirect_vreg.gather [hbm4b:s2+s7], $0x80, v3, vm0, $0xb8;
	[tilespmem:$0xE300] =	vst v63  }
0x202: {  	v3 =	vld [tilespmem:$0x70];
	_ =	sdelay $0x4  }
0x203: {  	v4 =	vshll.u32 v3, $0x1  }
0x204: {  	v3 =	vand.u32 $0x7, v3;
	v4 =	vand.u32 $0xFFFFFFF0, v4  }
0x205: {  	v3 =	vor.u32 v3, v4  }
0x206: {  	v4 =	vperm.xlane v3, v0;
	_ =	sdelay $0x1  }
0x207: {  	v3 =	vperm.xlane v3, v2;
	v4 =	vadd.s32 v1, v4;
	_ =	sdelay $0x1  }
0x208: {  	v3 =	vadd.s32 v1, v3;
	_ =	sdelay $0x1  }
0x209: {  	s17 =	simm.s32 $0x7300  }
0x20a: {  	[tilespmem:s17], [sflag:$0x1] =	stream.indirect_vreg.gather [hbm4b:s2+s7], $0x80, v4, vm0, $0xb8;
	[tilespmem:$0xE300] =	vst v63  }
0x20b: {  	_ = 	snop  }
0x20c: {  	[tilespmem:s23], [sflag:$0x1] =	stream.indirect_vreg.gather [hbm4b:s2+s7], $0x80, v3, vm0, $0xb8;
	[tilespmem:$0xE300] =	vst v63  }
0x20d: {  	v3 =	vld [tilespmem:$0xE0];
	_ =	sdelay $0x4  }
0x20e: {  	v4 =	vshll.u32 v3, $0x1  }
0x20f: {  	v3 =	vand.u32 $0x7, v3;
	v4 =	vand.u32 $0xFFFFFFF0, v4  }
0x210: {  	v3 =	vor.u32 v3, v4  }
0x211: {  	v4 =	vperm.xlane v3, v0;
	_ =	sdelay $0x1  }
0x212: {  	v3 =	vperm.xlane v3, v2;
	v4 =	vadd.s32 v1, v4;
	_ =	sdelay $0x1  }
0x213: {  	v3 =	vadd.s32 v1, v3;
	_ =	sdelay $0x2  }
0x214: {  	[tilespmem:s24], [sflag:$0x1] =	stream.indirect_vreg.gather [hbm4b:s2+s7], $0x80, v4, vm0, $0xb8;
	[tilespmem:$0xE300] =	vst v63  }
0x215: {  	_ = 	snop  }
0x216: {  	[tilespmem:s25], [sflag:$0x1] =	stream.indirect_vreg.gather [hbm4b:s2+s7], $0x80, v3, vm0, $0xb8;
	[tilespmem:$0xE300] =	vst v63  }
0x217: {  	v3 =	vld [tilespmem:$0xF0];
	_ =	sdelay $0x4  }
0x218: {  	v4 =	vshll.u32 v3, $0x1  }
0x219: {  	v3 =	vand.u32 $0x7, v3;
	v4 =	vand.u32 $0xFFFFFFF0, v4  }
0x21a: {  	v3 =	vor.u32 v3, v4  }
0x21b: {  	v4 =	vperm.xlane v3, v0;
	_ =	sdelay $0x1  }
0x21c: {  	v3 =	vperm.xlane v3, v2;
	v4 =	vadd.s32 v1, v4;
	_ =	sdelay $0x1  }
0x21d: {  	v3 =	vadd.s32 v1, v3;
	_ =	sdelay $0x2  }
0x21e: {  	[tilespmem:s26], [sflag:$0x1] =	stream.indirect_vreg.gather [hbm4b:s2+s7], $0x80, v4, vm0, $0xb8;
	[tilespmem:$0xE300] =	vst v63  }
0x21f: {  	_ = 	snop  }
0x220: {  	[tilespmem:s28], [sflag:$0x1] =	stream.indirect_vreg.gather [hbm4b:s2+s7], $0x80, v3, vm0, $0xb8;
	[tilespmem:$0xE300] =	vst v63  }
0x221: {  	v3 =	vld [tilespmem:$0x160];
	_ =	sdelay $0x4  }
0x222: {  	v4 =	vshll.u32 v3, $0x1  }
0x223: {  	v3 =	vand.u32 $0x7, v3;
	v4 =	vand.u32 $0xFFFFFFF0, v4  }
0x224: {  	v3 =	vor.u32 v3, v4  }
0x225: {  	v4 =	vperm.xlane v3, v0;
	_ =	sdelay $0x1  }
0x226: {  	v3 =	vperm.xlane v3, v2;
	v4 =	vadd.s32 v1, v4;
	_ =	sdelay $0x1  }
0x227: {  	v3 =	vadd.s32 v1, v3;
	_ =	sdelay $0x2  }
0x228: {  	[tilespmem:s29], [sflag:$0x1] =	stream.indirect_vreg.gather [hbm4b:s2+s7], $0x80, v4, vm0, $0xb8;
	[tilespmem:$0xE300] =	vst v63  }
0x229: {  	_ = 	snop  }
0x22a: {  	[tilespmem:s30], [sflag:$0x1] =	stream.indirect_vreg.gather [hbm4b:s2+s7], $0x80, v3, vm0, $0xb8;
	[tilespmem:$0xE300] =	vst v63  }
0x22b: {  	v3 =	vld [tilespmem:$0x170];
	_ =	sdelay $0x4  }
0x22c: {  	v4 =	vshll.u32 v3, $0x1  }
0x22d: {  	v3 =	vand.u32 $0x7, v3;
	v4 =	vand.u32 $0xFFFFFFF0, v4  }
0x22e: {  	v3 =	vor.u32 v3, v4  }
0x22f: {  	v4 =	vperm.xlane v3, v0;
	_ =	sdelay $0x1  }
0x230: {  	v3 =	vperm.xlane v3, v2;
	v4 =	vadd.s32 v1, v4;
	_ =	sdelay $0x1  }
0x231: {  	v3 =	vadd.s32 v1, v3;
	_ =	sdelay $0x1  }
0x232: {  	s21 =	sand.u32 $0x1800, s7;
	s5 =	sand.u32 $0x380, s7  }
0x233: {  	[tilespmem:s31], [sflag:$0x1] =	stream.indirect_vreg.gather [hbm4b:s2+s7], $0x80, v4, vm0, $0xb8;
	[tilespmem:$0xE300] =	vst v63  }
0x234: {  	s5 =	sor.u32 s5, s21  }
0x235: {  	[tilespmem:s0], [sflag:$0x1] =	stream.indirect_vreg.gather [hbm4b:s2+s7], $0x80, v3, vm0, $0xb8;
	[tilespmem:$0xE300] =	vst v63  }
0x236: {  	v3 =	vld [tilespmem:s5+$0x2720]  }
0x237: {  	v8 =	vld [tilespmem:s5+$0x4350]  }
0x238: {  	v11 =	vld [tilespmem:s5+$0x2700]  }
0x239: {  	v5 =	vld [tilespmem:s5+$0x720]  }
0x23a: {  	v12 =	vld [tilespmem:s5+$0x2360]  }
0x23b: {  	v16 =	vld [tilespmem:s5+$0x370]  }
0x23c: {  	v15 =	vld [tilespmem:s5+$0x4700]  }
0x23d: {  	v23 =	vld [tilespmem:s5+$0x360]  }
0x23e: {  	v13 =	vld [tilespmem:s5+$0x2350]  }
0x23f: {  	v14 =	vld [tilespmem:s5+$0x2340]  }
0x240: {  	v17 =	vld [tilespmem:s5+$0x2330]  }
0x241: {  	v18 =	vld [tilespmem:s5+$0x340]  }
0x242: {  	v19 =	vld [tilespmem:s5+$0x4770]  }
0x243: {  	v20 =	vld [tilespmem:s5+$0x4760]  }
0x244: {  	v21 =	vld [tilespmem:s5+$0x2320]  }
0x245: {  	v22 =	vld [tilespmem:s5+$0x320]  }
0x246: {  	s22 =	simm.s32 $0x40;
	v24 =	vld [tilespmem:s5+$0x2310]  }
0x247: {  	v7 =	vmov s22;
	v25 =	vld [tilespmem:s5+$0x310]  }
0x248: {  	v26 =	vld [tilespmem:s5+$0x2300]  }
0x249: {  	v27 =	vld [tilespmem:s5+$0x300]  }
0x24a: {  	v28 =	vld [tilespmem:s5+$0x4750]  }
0x24b: {  	v6 =	vld [tilespmem:s5+$0x4730]  }
0x24c: {  	v4 =	vld.idx.msk [tilespmem:v7+s20+$0x0], $0xffff  }
0x24d: {  	v9 =	vld.idx.msk [tilespmem:v7+s19+$0x0], $0xffff  }
0x24e: {  	v7 =	vld.idx.msk [tilespmem:v7+s18+$0x0], $0xffff  }
0x24f: {  	v34 =	vld [tilespmem:s5+$0x760]  }
0x250: {  	v35 =	vld [tilespmem:s5+$0x2760]  }
0x251: {  	v10 =	vld [tilespmem:s5+$0x4720]  }
0x252: {  	v30 =	vld [tilespmem:s5+$0x740];
	v38 =	vmul.f32 v8, v4;
	v28 =	vmul.f32 v28, v4  }
0x253: {  	v39 =	vld [tilespmem:s5+$0x4300];
	v40 =	vmul.f32 v13, v9;
	v8 =	vmul.f32 v12, v9  }
0x254: {  	v31 =	vld [tilespmem:s5+$0x2740];
	v13 =	vmul.f32 v26, v9;
	v26 =	vmul.f32 v27, v7  }
0x255: {  	v32 =	vld [tilespmem:s5+$0x750];
	v34 =	vmul.f32 v34, v7;
	v35 =	vmul.f32 v35, v9  }
0x256: {  	v33 =	vld [tilespmem:s5+$0x2750];
	v24 =	vmul.f32 v24, v9;
	v25 =	vmul.f32 v25, v7  }
0x257: {  	v12 =	vld [tilespmem:s5+$0x4310];
	v21 =	vmul.f32 v21, v9;
	v60 =	vmul.f32 v18, v7  }
0x258: {  	v36 =	vld [tilespmem:s5+$0x770];
	v18 =	vmul.f32 v39, v4;
	v61 =	vmul.f32 v14, v9  }
0x259: {  	v27 =	vld [tilespmem:s5+$0x4320];
	v26 =	vadd.f32 v13, v26;
	v13 =	vmul.f32 v20, v4;
	v20 =	vadd.f32 v35, v34  }
0x25a: {  	v37 =	vld [tilespmem:s5+$0x2770];
	v14 =	vmul.f32 v22, v7;
	v19 =	vmul.f32 v19, v4  }
0x25b: {  	v17 =	vmul.f32 v17, v9;
	v24 =	vadd.f32 v24, v25;
	v25 =	vld [tilespmem:s5+$0x4340];
	v20 =	vadd.f32 v13, v20  }
0x25c: {  	v41 =	vld [tilespmem:s5+$0x330];
	v13 =	vmul.f32 v11, v9;
	v11 =	vmul.f32 v12, v4;
	v12 =	vadd.f32 v18, v26  }
0x25d: {  	v42 =	vld [tilespmem:s5+$0x350];
	v15 =	vmul.f32 v15, v4;
	v18 =	vadd.f32 v21, v14;
	v21 =	vmul.f32 v33, v9;
	[tilespmem:s5+$0xC760] =	vst v20  }
0x25e: {  	v59 =	vld [tilespmem:s5+$0x4330];
	v20 =	vmul.f32 v27, v4;
	v22 =	vadd.f32 v11, v24;
	[tilespmem:s5+$0xC300] =	vst v12;
	v12 =	vmul.f32 v36, v7  }
0x25f: {  	v29 =	vld [tilespmem:s5+$0x2730];
	v62 =	vadd.f32 v61, v60;
	v24 =	vmul.f32 v37, v9;
	v11 =	vmul.f32 v31, v9  }
0x260: {  	v26 =	vld [tilespmem:s5+$0x700];
	v25 =	vmul.f32 v25, v4;
	v27 =	vadd.f32 v20, v18;
	[tilespmem:s5+$0xC310] =	vst v22;
	v22 =	vmul.f32 v32, v7  }
0x261: {  	v43 =	vld [tilespmem:s5+$0x710];
	v18 =	vmul.f32 v16, v7;
	v16 =	vadd.f32 v24, v12;
	v24 =	vmul.f32 v41, v7  }
0x262: {  	v14 =	vld [tilespmem:s5+$0x4740];
	v12 =	vmul.f32 v30, v7;
	[tilespmem:s5+$0xC320] =	vst v27;
	v27 =	vmul.f32 v42, v7;
	v63 =	vadd.f32 v21, v22  }
0x263: {  	v20 =	vld [tilespmem:s5+$0x2370];
	v16 =	vadd.f32 v19, v16;
	v17 =	vadd.f32 v17, v24;
	v24 =	vmul.f32 v59, v4  }
0x264: {  	v22 =	vld [tilespmem:s5+$0x2710];
	v19 =	vmul.f32 v29, v9;
	v29 =	vadd.f32 v40, v27;
	v28 =	vadd.f32 v28, v63  }
0x265: {  	v26 =	vmul.f32 v26, v7;
	v21 =	vld [tilespmem:s5+$0x4370];
	v27 =	vadd.f32 v25, v62;
	[tilespmem:s5+$0xC770] =	vst v16;
	v17 =	vadd.f32 v24, v17  }
0x266: {  	s22 =	simm.s32 $0x41;
	s6 =	simm.s32 $0x100;
	s17 =	simm.s32 $0x80;
	v16 =	vmul.f32 v23, v7;
	v23 =	vmul.f32 v43, v7;
	v24 =	vld [tilespmem:s5+$0x4710];
	v25 =	vadd.f32 v38, v29;
	[tilespmem:s5+$0xC750] =	vst v28  }
.LBB2_6:
0x267: {  	s21 =	smov.u32 s22  }
0x268: {  	v28 =	vmov s22;
	s7 =	sand.u32 $0x1800, s6;
	s8 =	sand.u32 $0x380, s17;
	v5 =	vmul.f32 v5, v7;
	v29 =	vmul.f32 v3, v9;
	v30 =	vld [tilespmem:s5+$0x730];
	s21 =	sadd.s32 $0x1, s22  }
0x269: {  	p0 =	sne.s32 s22, $0x5F;
	v10 =	vmul.f32 v10, v4;
	s7 =	sor.u32 s8, s7;
	v20 =	vmul.f32 v20, v9;
	v13 =	vadd.f32 v13, v26;
	[tilespmem:s5+$0xC340] =	vst v27;
	v27 =	vld [tilespmem:s5+$0x4360]  }
0x26a: {  	v6 =	vmul.f32 v6, v4;
	v9 =	vmul.f32 v22, v9;
	v5 =	vadd.f32 v29, v5;
	v3 =	vld [tilespmem:s7+$0x2720];
	[tilespmem:s5+$0xC350] =	vst v25  }
0x26b: {  	v18 =	vadd.f32 v20, v18;
	v20 =	vmul.f32 v21, v4;
	v13 =	vadd.f32 v15, v13;
	v22 =	vld [tilespmem:s7+$0x4350]  }
0x26c: {  	v9 =	vadd.f32 v9, v23;
	v21 =	vmul.f32 v24, v4;
	v10 =	vadd.f32 v10, v5;
	v15 =	vld [tilespmem:s7+$0x2700]  }
0x26d: {  	v18 =	vadd.f32 v20, v18;
	v7 =	vmul.f32 v30, v7;
	v5 =	vld [tilespmem:s7+$0x720];
	[tilespmem:s5+$0xC700] =	vst v13  }
0x26e: {  	v8 =	vadd.f32 v8, v16;
	v9 =	vadd.f32 v21, v9;
	v13 =	vld [tilespmem:s7+$0x2360];
	v16 =	vmul.f32 v27, v4;
	[tilespmem:s5+$0xC720] =	vst v10  }
0x26f: {  	v7 =	vadd.f32 v19, v7;
	v20 =	vld [tilespmem:s7+$0x370];
	[tilespmem:s5+$0xC370] =	vst v18  }
0x270: {  	v18 =	vld [tilespmem:s7+$0x4700];
	v8 =	vadd.f32 v16, v8;
	[tilespmem:s5+$0xC710] =	vst v9  }
0x271: {  	v6 =	vadd.f32 v6, v7;
	v16 =	vld [tilespmem:s7+$0x360]  }
0x272: {  	v4 =	vmul.f32 v14, v4;
	v7 =	vadd.f32 v11, v12;
	v19 =	vld [tilespmem:s7+$0x2350];
	[tilespmem:s5+$0xC360] =	vst v8  }
0x273: {  	v11 =	vld [tilespmem:s7+$0x2340];
	[tilespmem:s5+$0xC730] =	vst v6  }
0x274: {  	v4 =	vadd.f32 v4, v7;
	v12 =	vld [tilespmem:s7+$0x2330]  }
0x275: {  	v14 =	vld [tilespmem:s7+$0x340]  }
0x276: {  	v21 =	vld [tilespmem:s7+$0x4770];
	[tilespmem:s5+$0xC740] =	vst v4  }
0x277: {  	v23 =	vld [tilespmem:s7+$0x4760];
	[tilespmem:s5+$0xC330] =	vst v17;
	s5 =	smov.u32 s7  }
0x278: {  	v17 =	vld [tilespmem:s5+$0x2320]  }
0x279: {  	v24 =	vld [tilespmem:s5+$0x320]  }
0x27a: {  	v25 =	vld [tilespmem:s5+$0x2310]  }
0x27b: {  	v26 =	vld [tilespmem:s5+$0x310]  }
0x27c: {  	v27 =	vld [tilespmem:s5+$0x2300]  }
0x27d: {  	v29 =	vld [tilespmem:s5+$0x300]  }
0x27e: {  	v8 =	vld [tilespmem:s5+$0x4750]  }
0x27f: {  	v6 =	vld [tilespmem:s5+$0x4730]  }
0x280: {  	v4 =	vld.idx.msk [tilespmem:v28+s20+$0x0], $0xffff  }
0x281: {  	v9 =	vld.idx.msk [tilespmem:v28+s19+$0x0], $0xffff  }
0x282: {  	v10 =	vld [tilespmem:s5+$0x4720]  }
0x283: {  	v7 =	vld.idx.msk [tilespmem:v28+s18+$0x0], $0xffff  }
0x284: {  	v28 =	vld [tilespmem:s5+$0x2730]  }
0x285: {  	v30 =	vld [tilespmem:s5+$0x740]  }
0x286: {  	v31 =	vmul.f32 v22, v4;
	v32 =	vmul.f32 v8, v4;
	v22 =	vld [tilespmem:s5+$0x2740]  }
0x287: {  	v33 =	vmul.f32 v19, v9;
	v8 =	vmul.f32 v13, v9;
	v19 =	vld [tilespmem:s5+$0x750]  }
0x288: {  	v27 =	vmul.f32 v27, v9;
	v17 =	vmul.f32 v17, v9;
	v34 =	vld [tilespmem:s5+$0x2750]  }
0x289: {  	v11 =	vmul.f32 v11, v9;
	v14 =	vmul.f32 v14, v7;
	v35 =	vld [tilespmem:s5+$0x760]  }
0x28a: {  	v25 =	vmul.f32 v25, v9;
	v13 =	vmul.f32 v15, v9;
	v36 =	vld [tilespmem:s5+$0x2760]  }
0x28b: {  	v21 =	vmul.f32 v21, v4;
	v37 =	vadd.f32 v11, v14;
	v14 =	vmul.f32 v23, v4;
	v23 =	vld [tilespmem:s5+$0x770]  }
0x28c: {  	v38 =	vmul.f32 v12, v9;
	v26 =	vmul.f32 v26, v7;
	v12 =	vld [tilespmem:s5+$0x2770]  }
0x28d: {  	v24 =	vmul.f32 v24, v7;
	v11 =	vmul.f32 v29, v7;
	v29 =	vld [tilespmem:s5+$0x4300]  }
0x28e: {  	v34 =	vmul.f32 v34, v9;
	v39 =	vld [tilespmem:s5+$0x4310];
	v35 =	vmul.f32 v35, v7  }
0x28f: {  	v15 =	vmul.f32 v18, v4;
	v27 =	vadd.f32 v27, v11;
	v40 =	vld [tilespmem:s5+$0x4320];
	v36 =	vmul.f32 v36, v9  }
0x290: {  	v17 =	vadd.f32 v17, v24;
	v11 =	vmul.f32 v22, v9;
	v24 =	vld [tilespmem:s5+$0x330];
	v22 =	vmul.f32 v23, v7  }
0x291: {  	v18 =	vmul.f32 v20, v7;
	v23 =	vld [tilespmem:s5+$0x350];
	v20 =	vadd.f32 v36, v35;
	v35 =	vmul.f32 v12, v9  }
0x292: {  	v25 =	vadd.f32 v25, v26;
	v12 =	vmul.f32 v30, v7;
	v29 =	vmul.f32 v29, v4;
	v26 =	vld [tilespmem:s5+$0x4330]  }
0x293: {  	v30 =	vmul.f32 v39, v4;
	v36 =	vld [tilespmem:s5+$0x4340];
	v14 =	vadd.f32 v14, v20;
	v20 =	vadd.f32 v35, v22  }
0x294: {  	v19 =	vmul.f32 v19, v7;
	v22 =	vadd.f32 v29, v27;
	v27 =	vmul.f32 v40, v4;
	v29 =	vld [tilespmem:s5+$0x710]  }
0x295: {  	v25 =	vadd.f32 v30, v25;
	v24 =	vmul.f32 v24, v7;
	v30 =	vld [tilespmem:s5+$0x700];
	[tilespmem:s5+$0xC760] =	vst v14;
	v35 =	vadd.f32 v21, v20  }
.Ltmp2:
0x296: {  	[tilespmem:s5+$0xC300] =	vst v22;
	v17 =	vadd.f32 v27, v17;
	v21 =	vmul.f32 v23, v7;
	v14 =	vld [tilespmem:s5+$0x4740];
	v23 =	vadd.f32 v34, v19;
	(pc) =	sbr.rel @p0 .LBB2_6-.Ltmp2, $4  }
0x297: {  	v19 =	vmul.f32 v28, v9;
	[tilespmem:s5+$0xC310] =	vst v25;
	v24 =	vadd.f32 v38, v24;
	v25 =	vmul.f32 v26, v4;
	v20 =	vld [tilespmem:s5+$0x2370]  }
0x298: {  	[tilespmem:s5+$0xC320] =	vst v17;
	v26 =	vmul.f32 v36, v4;
	v28 =	vadd.f32 v33, v21;
	v22 =	vld [tilespmem:s5+$0x2710];
	v32 =	vadd.f32 v32, v23  }
0x299: {  	v16 =	vmul.f32 v16, v7;
	v17 =	vadd.f32 v25, v24;
	v21 =	vld [tilespmem:s5+$0x4370];
	v23 =	vmul.f32 v29, v7;
	[tilespmem:s5+$0xC770] =	vst v35  }
0x29a: {  	s17 =	sadd.s32 $0x80, s17;
	s6 =	sadd.s32 $0x100, s6;
	s22 =	smov.u32 s21;
	v27 =	vadd.f32 v26, v37;
	v25 =	vadd.f32 v31, v28;
	v26 =	vmul.f32 v30, v7;
	v24 =	vld [tilespmem:s5+$0x4710];
	[tilespmem:s5+$0xC750] =	vst v32  }
0x29b: {  	v28 =	vld [tilespmem:s5+$0x730];
	v5 =	vmul.f32 v5, v7  }
0x29c: {  	v3 =	vmul.f32 v3, v9;
	[tilespmem:s5+$0xC340] =	vst v27;
	v27 =	vld [tilespmem:s5+$0x4360];
	v20 =	vmul.f32 v20, v9  }
0x29d: {  	v13 =	vadd.f32 v13, v26;
	v9 =	vmul.f32 v22, v9  }
0x29e: {  	v10 =	vmul.f32 v10, v4;
	v3 =	vadd.f32 v3, v5;
	v5 =	vadd.f32 v20, v18  }
0x29f: {  	[tilespmem:s5+$0xC330] =	vst v17;
	v18 =	vmul.f32 v21, v4;
	v13 =	vadd.f32 v15, v13;
	v9 =	vadd.f32 v9, v23  }
0x2a0: {  	[tilespmem:s5+$0xC350] =	vst v25;
	v15 =	vmul.f32 v24, v4;
	v3 =	vadd.f32 v10, v3;
	v7 =	vmul.f32 v28, v7  }
0x2a1: {  	v8 =	vadd.f32 v8, v16;
	v5 =	vadd.f32 v18, v5;
	[tilespmem:s5+$0xC700] =	vst v13;
	v10 =	vmul.f32 v27, v4  }
0x2a2: {  	v6 =	vmul.f32 v6, v4;
	v9 =	vadd.f32 v15, v9;
	[tilespmem:s5+$0xC720] =	vst v3;
	v3 =	vadd.f32 v19, v7  }
0x2a3: {  	v4 =	vmul.f32 v14, v4;
	[tilespmem:s5+$0xC370] =	vst v5;
	v7 =	vadd.f32 v11, v12;
	v5 =	vadd.f32 v10, v8  }
0x2a4: {  	[tilespmem:s5+$0xC710] =	vst v9;
	v3 =	vadd.f32 v6, v3  }
0x2a5: {  	v4 =	vadd.f32 v4, v7;
	[tilespmem:s5+$0xC360] =	vst v5  }
0x2a6: {  	[tilespmem:s5+$0xC730] =	vst v3  }
0x2a7: {  	s21 =	simm.s32 $0x0;
	[tilespmem:s5+$0xC740] =	vst v4  }
0x2a8: {  	[hbm4b:s12+s21] =	stream.linear.scatter [tilespmem:s1], [sflag:$0x2], $0x2000, $0x38;
	[tilespmem:$0xE300] =	vst v63  }
0x2a9: {  	_ =	swait.ge [sflag:s15], $0x2000  }
0x2aa: {  	[sflag:s15] =	ssyncset.done $0x0  }
0x2ab: {  	[sflag:s15] =	ssyncadd.s32 $0xFFFFE000  }
0x2ac: {  	_ =	swait.ge [sflag:s16], $0x2000  }
0x2ad: {  	[sflag:s16] =	ssyncset.done $0x0  }
0x2ae: {  	[sflag:s16] =	ssyncadd.s32 $0xFFFFE000  }
0x2af: {  	_ =	swait.ge [sflag:s16], $0x2000  }
0x2b0: {  	[sflag:s16] =	ssyncset.done $0x0  }
0x2b1: {  	[sflag:s16] =	ssyncadd.s32 $0xFFFFE000  }
0x2b2: {  	_ =	swait.ge [sflag:s16], $0x2000  }
0x2b3: {  	s6 =	sand.u32 $0x1800, s21;
	s5 =	sand.u32 $0x380, s21;
	[sflag:s16] =	ssyncset.done $0x0  }
0x2b4: {  	s5 =	sor.u32 s5, s6;
	[sflag:s16] =	ssyncadd.s32 $0xFFFFE000  }
0x2b5: {  	v3 =	vld [tilespmem:s5+$0x8720]  }
0x2b6: {  	v8 =	vld [tilespmem:s5+$0xA350]  }
0x2b7: {  	v11 =	vld [tilespmem:s5+$0x8700]  }
0x2b8: {  	v5 =	vld [tilespmem:s5+$0x6720]  }
0x2b9: {  	v12 =	vld [tilespmem:s5+$0x8360]  }
0x2ba: {  	v16 =	vld [tilespmem:s5+$0x6370]  }
0x2bb: {  	v15 =	vld [tilespmem:s5+$0xA700]  }
0x2bc: {  	v23 =	vld [tilespmem:s5+$0x6360]  }
0x2bd: {  	v13 =	vld [tilespmem:s5+$0x8350]  }
0x2be: {  	v14 =	vld [tilespmem:s5+$0x8340]  }
0x2bf: {  	v17 =	vld [tilespmem:s5+$0x8330]  }
0x2c0: {  	v18 =	vld [tilespmem:s5+$0x6340]  }
0x2c1: {  	v19 =	vld [tilespmem:s5+$0xA770]  }
0x2c2: {  	v20 =	vld [tilespmem:s5+$0xA760]  }
0x2c3: {  	v21 =	vld [tilespmem:s5+$0x8320]  }
0x2c4: {  	v22 =	vld [tilespmem:s5+$0x6320]  }
0x2c5: {  	s22 =	simm.s32 $0x60;
	v24 =	vld [tilespmem:s5+$0x8310]  }
0x2c6: {  	v7 =	vmov s22;
	v25 =	vld [tilespmem:s5+$0x6310]  }
0x2c7: {  	v26 =	vld [tilespmem:s5+$0x8300]  }
0x2c8: {  	v27 =	vld [tilespmem:s5+$0x6300]  }
0x2c9: {  	v28 =	vld [tilespmem:s5+$0xA750]  }
0x2ca: {  	v6 =	vld [tilespmem:s5+$0xA730]  }
0x2cb: {  	v4 =	vld.idx.msk [tilespmem:v7+s20+$0x0], $0xffff  }
0x2cc: {  	v9 =	vld.idx.msk [tilespmem:v7+s19+$0x0], $0xffff  }
0x2cd: {  	v7 =	vld.idx.msk [tilespmem:v7+s18+$0x0], $0xffff  }
0x2ce: {  	v34 =	vld [tilespmem:s5+$0x6760]  }
0x2cf: {  	v35 =	vld [tilespmem:s5+$0x8760]  }
0x2d0: {  	v10 =	vld [tilespmem:s5+$0xA720]  }
0x2d1: {  	v30 =	vld [tilespmem:s5+$0x6740];
	v38 =	vmul.f32 v8, v4;
	v28 =	vmul.f32 v28, v4  }
0x2d2: {  	v39 =	vld [tilespmem:s5+$0xA300];
	v40 =	vmul.f32 v13, v9;
	v8 =	vmul.f32 v12, v9  }
0x2d3: {  	v31 =	vld [tilespmem:s5+$0x8740];
	v13 =	vmul.f32 v26, v9;
	v26 =	vmul.f32 v27, v7  }
0x2d4: {  	v32 =	vld [tilespmem:s5+$0x6750];
	v34 =	vmul.f32 v34, v7;
	v35 =	vmul.f32 v35, v9  }
0x2d5: {  	v33 =	vld [tilespmem:s5+$0x8750];
	v24 =	vmul.f32 v24, v9;
	v25 =	vmul.f32 v25, v7  }
0x2d6: {  	v12 =	vld [tilespmem:s5+$0xA310];
	v21 =	vmul.f32 v21, v9;
	v60 =	vmul.f32 v18, v7  }
0x2d7: {  	v36 =	vld [tilespmem:s5+$0x6770];
	v18 =	vmul.f32 v39, v4;
	v61 =	vmul.f32 v14, v9  }
0x2d8: {  	v27 =	vld [tilespmem:s5+$0xA320];
	v26 =	vadd.f32 v13, v26;
	v13 =	vmul.f32 v20, v4;
	v20 =	vadd.f32 v35, v34  }
0x2d9: {  	v37 =	vld [tilespmem:s5+$0x8770];
	v14 =	vmul.f32 v22, v7;
	v19 =	vmul.f32 v19, v4  }
0x2da: {  	v17 =	vmul.f32 v17, v9;
	v24 =	vadd.f32 v24, v25;
	v25 =	vld [tilespmem:s5+$0xA340];
	v20 =	vadd.f32 v13, v20  }
0x2db: {  	v41 =	vld [tilespmem:s5+$0x6330];
	v13 =	vmul.f32 v11, v9;
	v11 =	vmul.f32 v12, v4;
	v12 =	vadd.f32 v18, v26  }
0x2dc: {  	v42 =	vld [tilespmem:s5+$0x6350];
	v15 =	vmul.f32 v15, v4;
	v18 =	vadd.f32 v21, v14;
	v21 =	vmul.f32 v33, v9;
	[tilespmem:s5+$0xC760] =	vst v20  }
0x2dd: {  	v59 =	vld [tilespmem:s5+$0xA330];
	v20 =	vmul.f32 v27, v4;
	v22 =	vadd.f32 v11, v24;
	[tilespmem:s5+$0xC300] =	vst v12;
	v12 =	vmul.f32 v36, v7  }
0x2de: {  	v29 =	vld [tilespmem:s5+$0x8730];
	v62 =	vadd.f32 v61, v60;
	v24 =	vmul.f32 v37, v9;
	v11 =	vmul.f32 v31, v9  }
0x2df: {  	v26 =	vld [tilespmem:s5+$0x6700];
	v25 =	vmul.f32 v25, v4;
	v27 =	vadd.f32 v20, v18;
	[tilespmem:s5+$0xC310] =	vst v22;
	v22 =	vmul.f32 v32, v7  }
0x2e0: {  	v43 =	vld [tilespmem:s5+$0x6710];
	v18 =	vmul.f32 v16, v7;
	v16 =	vadd.f32 v24, v12;
	v24 =	vmul.f32 v41, v7  }
0x2e1: {  	v14 =	vld [tilespmem:s5+$0xA740];
	v12 =	vmul.f32 v30, v7;
	[tilespmem:s5+$0xC320] =	vst v27;
	v27 =	vmul.f32 v42, v7;
	v63 =	vadd.f32 v21, v22  }
0x2e2: {  	v20 =	vld [tilespmem:s5+$0x8370];
	v16 =	vadd.f32 v19, v16;
	v17 =	vadd.f32 v17, v24;
	v24 =	vmul.f32 v59, v4  }
0x2e3: {  	v22 =	vld [tilespmem:s5+$0x8710];
	v19 =	vmul.f32 v29, v9;
	v29 =	vadd.f32 v40, v27;
	v28 =	vadd.f32 v28, v63  }
0x2e4: {  	v26 =	vmul.f32 v26, v7;
	v21 =	vld [tilespmem:s5+$0xA370];
	v27 =	vadd.f32 v25, v62;
	[tilespmem:s5+$0xC770] =	vst v16;
	v17 =	vadd.f32 v24, v17  }
0x2e5: {  	s17 =	simm.s32 $0x80;
	s22 =	simm.s32 $0x61;
	s6 =	simm.s32 $0x100;
	v16 =	vmul.f32 v23, v7;
	v23 =	vmul.f32 v43, v7;
	v24 =	vld [tilespmem:s5+$0xA710];
	v25 =	vadd.f32 v38, v29;
	[tilespmem:s5+$0xC750] =	vst v28  }
.LBB2_8:
0x2e6: {  	s21 =	smov.u32 s22  }
0x2e7: {  	v28 =	vmov s22;
	s7 =	sand.u32 $0x1800, s6;
	s8 =	sand.u32 $0x380, s17;
	v5 =	vmul.f32 v5, v7;
	v29 =	vmul.f32 v3, v9;
	v30 =	vld [tilespmem:s5+$0x6730];
	s21 =	sadd.s32 $0x1, s22  }
0x2e8: {  	p0 =	sne.s32 s22, $0x7F;
	v10 =	vmul.f32 v10, v4;
	s7 =	sor.u32 s8, s7;
	v20 =	vmul.f32 v20, v9;
	v13 =	vadd.f32 v13, v26;
	[tilespmem:s5+$0xC340] =	vst v27;
	v27 =	vld [tilespmem:s5+$0xA360]  }
0x2e9: {  	v6 =	vmul.f32 v6, v4;
	v9 =	vmul.f32 v22, v9;
	v5 =	vadd.f32 v29, v5;
	v3 =	vld [tilespmem:s7+$0x8720];
	[tilespmem:s5+$0xC350] =	vst v25  }
0x2ea: {  	v18 =	vadd.f32 v20, v18;
	v20 =	vmul.f32 v21, v4;
	v13 =	vadd.f32 v15, v13;
	v22 =	vld [tilespmem:s7+$0xA350]  }
0x2eb: {  	v9 =	vadd.f32 v9, v23;
	v21 =	vmul.f32 v24, v4;
	v10 =	vadd.f32 v10, v5;
	v15 =	vld [tilespmem:s7+$0x8700]  }
0x2ec: {  	v18 =	vadd.f32 v20, v18;
	v7 =	vmul.f32 v30, v7;
	v5 =	vld [tilespmem:s7+$0x6720];
	[tilespmem:s5+$0xC700] =	vst v13  }
0x2ed: {  	v8 =	vadd.f32 v8, v16;
	v9 =	vadd.f32 v21, v9;
	v13 =	vld [tilespmem:s7+$0x8360];
	v16 =	vmul.f32 v27, v4;
	[tilespmem:s5+$0xC720] =	vst v10  }
0x2ee: {  	v7 =	vadd.f32 v19, v7;
	v20 =	vld [tilespmem:s7+$0x6370];
	[tilespmem:s5+$0xC370] =	vst v18  }
0x2ef: {  	v18 =	vld [tilespmem:s7+$0xA700];
	v8 =	vadd.f32 v16, v8;
	[tilespmem:s5+$0xC710] =	vst v9  }
0x2f0: {  	v6 =	vadd.f32 v6, v7;
	v16 =	vld [tilespmem:s7+$0x6360]  }
0x2f1: {  	v4 =	vmul.f32 v14, v4;
	v7 =	vadd.f32 v11, v12;
	v19 =	vld [tilespmem:s7+$0x8350];
	[tilespmem:s5+$0xC360] =	vst v8  }
0x2f2: {  	v11 =	vld [tilespmem:s7+$0x8340];
	[tilespmem:s5+$0xC730] =	vst v6  }
0x2f3: {  	v4 =	vadd.f32 v4, v7;
	v12 =	vld [tilespmem:s7+$0x8330]  }
0x2f4: {  	v14 =	vld [tilespmem:s7+$0x6340]  }
0x2f5: {  	v21 =	vld [tilespmem:s7+$0xA770];
	[tilespmem:s5+$0xC740] =	vst v4  }
0x2f6: {  	v23 =	vld [tilespmem:s7+$0xA760];
	[tilespmem:s5+$0xC330] =	vst v17;
	s5 =	smov.u32 s7  }
0x2f7: {  	v17 =	vld [tilespmem:s5+$0x8320]  }
0x2f8: {  	v24 =	vld [tilespmem:s5+$0x6320]  }
0x2f9: {  	v25 =	vld [tilespmem:s5+$0x8310]  }
0x2fa: {  	v26 =	vld [tilespmem:s5+$0x6310]  }
0x2fb: {  	v27 =	vld [tilespmem:s5+$0x8300]  }
0x2fc: {  	v29 =	vld [tilespmem:s5+$0x6300]  }
0x2fd: {  	v8 =	vld [tilespmem:s5+$0xA750]  }
0x2fe: {  	v6 =	vld [tilespmem:s5+$0xA730]  }
0x2ff: {  	v4 =	vld.idx.msk [tilespmem:v28+s20+$0x0], $0xffff  }
0x300: {  	v9 =	vld.idx.msk [tilespmem:v28+s19+$0x0], $0xffff  }
0x301: {  	v10 =	vld [tilespmem:s5+$0xA720]  }
0x302: {  	v7 =	vld.idx.msk [tilespmem:v28+s18+$0x0], $0xffff  }
0x303: {  	v28 =	vld [tilespmem:s5+$0x8730]  }
0x304: {  	v30 =	vld [tilespmem:s5+$0x6740]  }
0x305: {  	v31 =	vmul.f32 v22, v4;
	v32 =	vmul.f32 v8, v4;
	v22 =	vld [tilespmem:s5+$0x8740]  }
0x306: {  	v33 =	vmul.f32 v19, v9;
	v8 =	vmul.f32 v13, v9;
	v19 =	vld [tilespmem:s5+$0x6750]  }
0x307: {  	v27 =	vmul.f32 v27, v9;
	v17 =	vmul.f32 v17, v9;
	v34 =	vld [tilespmem:s5+$0x8750]  }
0x308: {  	v11 =	vmul.f32 v11, v9;
	v14 =	vmul.f32 v14, v7;
	v35 =	vld [tilespmem:s5+$0x6760]  }
0x309: {  	v25 =	vmul.f32 v25, v9;
	v13 =	vmul.f32 v15, v9;
	v36 =	vld [tilespmem:s5+$0x8760]  }
0x30a: {  	v21 =	vmul.f32 v21, v4;
	v37 =	vadd.f32 v11, v14;
	v14 =	vmul.f32 v23, v4;
	v23 =	vld [tilespmem:s5+$0x6770]  }
0x30b: {  	v38 =	vmul.f32 v12, v9;
	v26 =	vmul.f32 v26, v7;
	v12 =	vld [tilespmem:s5+$0x8770]  }
0x30c: {  	v24 =	vmul.f32 v24, v7;
	v11 =	vmul.f32 v29, v7;
	v29 =	vld [tilespmem:s5+$0xA300]  }
0x30d: {  	v34 =	vmul.f32 v34, v9;
	v39 =	vld [tilespmem:s5+$0xA310];
	v35 =	vmul.f32 v35, v7  }
0x30e: {  	v15 =	vmul.f32 v18, v4;
	v27 =	vadd.f32 v27, v11;
	v40 =	vld [tilespmem:s5+$0xA320];
	v36 =	vmul.f32 v36, v9  }
0x30f: {  	v17 =	vadd.f32 v17, v24;
	v11 =	vmul.f32 v22, v9;
	v24 =	vld [tilespmem:s5+$0x6330];
	v22 =	vmul.f32 v23, v7  }
0x310: {  	v18 =	vmul.f32 v20, v7;
	v23 =	vld [tilespmem:s5+$0x6350];
	v20 =	vadd.f32 v36, v35;
	v35 =	vmul.f32 v12, v9  }
0x311: {  	v25 =	vadd.f32 v25, v26;
	v12 =	vmul.f32 v30, v7;
	v29 =	vmul.f32 v29, v4;
	v26 =	vld [tilespmem:s5+$0xA330]  }
0x312: {  	v30 =	vmul.f32 v39, v4;
	v36 =	vld [tilespmem:s5+$0xA340];
	v14 =	vadd.f32 v14, v20;
	v20 =	vadd.f32 v35, v22  }
0x313: {  	v19 =	vmul.f32 v19, v7;
	v22 =	vadd.f32 v29, v27;
	v27 =	vmul.f32 v40, v4;
	v29 =	vld [tilespmem:s5+$0x6710]  }
0x314: {  	v25 =	vadd.f32 v30, v25;
	v24 =	vmul.f32 v24, v7;
	v30 =	vld [tilespmem:s5+$0x6700];
	[tilespmem:s5+$0xC760] =	vst v14;
	v35 =	vadd.f32 v21, v20  }
.Ltmp3:
0x315: {  	[tilespmem:s5+$0xC300] =	vst v22;
	v17 =	vadd.f32 v27, v17;
	v21 =	vmul.f32 v23, v7;
	v14 =	vld [tilespmem:s5+$0xA740];
	v23 =	vadd.f32 v34, v19;
	(pc) =	sbr.rel @p0 .LBB2_8-.Ltmp3, $4  }
0x316: {  	v19 =	vmul.f32 v28, v9;
	[tilespmem:s5+$0xC310] =	vst v25;
	v24 =	vadd.f32 v38, v24;
	v25 =	vmul.f32 v26, v4;
	v20 =	vld [tilespmem:s5+$0x8370]  }
0x317: {  	[tilespmem:s5+$0xC320] =	vst v17;
	v26 =	vmul.f32 v36, v4;
	v28 =	vadd.f32 v33, v21;
	v22 =	vld [tilespmem:s5+$0x8710];
	v32 =	vadd.f32 v32, v23  }
0x318: {  	v16 =	vmul.f32 v16, v7;
	v17 =	vadd.f32 v25, v24;
	v21 =	vld [tilespmem:s5+$0xA370];
	v23 =	vmul.f32 v29, v7;
	[tilespmem:s5+$0xC770] =	vst v35  }
0x319: {  	s17 =	sadd.s32 $0x80, s17;
	s6 =	sadd.s32 $0x100, s6;
	s22 =	smov.u32 s21;
	v27 =	vadd.f32 v26, v37;
	v25 =	vadd.f32 v31, v28;
	v26 =	vmul.f32 v30, v7;
	v24 =	vld [tilespmem:s5+$0xA710];
	[tilespmem:s5+$0xC750] =	vst v32  }
0x31a: {  	v5 =	vmul.f32 v5, v7  }
0x31b: {  	v28 =	vld [tilespmem:s5+$0x6730];
	v3 =	vmul.f32 v3, v9;
	v10 =	vmul.f32 v10, v4  }
0x31c: {  	v54 =	vld [tilespmem:s5+$0xA360];
	v8 =	vadd.f32 v8, v16;
	v20 =	vmul.f32 v20, v9;
	v13 =	vadd.f32 v13, v26  }
0x31d: {  	v62 =	vadd.f32 v11, v12;
	[tilespmem:s5+$0xC330] =	vst v17;
	v55 =	vmul.f32 v22, v9;
	v3 =	vadd.f32 v3, v5  }
0x31e: {  	[tilespmem:s5+$0xC340] =	vst v27;
	v56 =	vadd.f32 v20, v18;
	v57 =	vmul.f32 v21, v4;
	v13 =	vadd.f32 v15, v13  }
0x31f: {  	v63 =	vmul.f32 v14, v4;
	[tilespmem:s5+$0xC350] =	vst v25;
	v9 =	vadd.f32 v55, v23;
	v3 =	vadd.f32 v10, v3  }
0x320: {  	v58 =	vmul.f32 v24, v4;
	v59 =	vmul.f32 v28, v7;
	v5 =	vadd.f32 v57, v56;
	[tilespmem:s5+$0xC700] =	vst v13  }
0x321: {  	v6 =	vmul.f32 v6, v4;
	v60 =	vmul.f32 v54, v4;
	v4 =	vadd.f32 v63, v62;
	[tilespmem:s5+$0xC720] =	vst v3  }
0x322: {  	v9 =	vadd.f32 v58, v9;
	v3 =	vadd.f32 v19, v59;
	[tilespmem:s5+$0xC370] =	vst v5  }
0x323: {  	v61 =	vadd.f32 v60, v8;
	[tilespmem:s5+$0xC740] =	vst v4  }
0x324: {  	s4 =	sadd.s32 $0x1, s4;
	[tilespmem:s5+$0xC710] =	vst v9;
	v3 =	vadd.f32 v6, v3  }
0x325: {  	p0 =	sne.s32 s4, s14;
	[tilespmem:s5+$0xC360] =	vst v61  }
.Ltmp4:
0x326: {  	[tilespmem:s5+$0xC730] =	vst v3;
	(pc) =	sbr.rel @p0 .LBB2_1-.Ltmp4, $4  }
0x327: {  	[hbm4b:s13+s3] =	stream.linear.scatter [tilespmem:s1], [sflag:$0x2], $0x2000, $0x38;
	[tilespmem:$0xE300] =	vst v63  }
0x328: {  	_ =	swait.ge [sflag:s15], $0x2000  }
0x329: {  	[sflag:s15] =	ssyncset.done $0x0  }
0x32a: {  	[sflag:s15] =	ssyncadd.s32 $0xFFFFE000  }
0x32b: {  	_ =	sfence.sel $0x180000  }
0x32c: {  	[bflag:$0x0] =	sbarrier.arrive $0xFFFF  }
0x32d: {  	_ =	strace $0x90000047  }
0x32e: {  	s0 =	stileid.u32;
	[bflag:$0x2] =	sbarrier.arrive $0xFFFF  }
0x32f: {  	p0 =	sne.s32 s0, $0x0;
	s0 =	rddreg [dreg:$0x2]  }
0x330: {  	s0 =	sadd.s32 @!p0 $0x100000, s0  }
0x331: {  	[sflag:s0] =	ssyncadd.tile.s32 @!p0 $0x1;
	_ =	shalt  }
.Lfunc_end2:
_tile_overlayer_lowered:
.L_overlay_start_2:
0x332: {  	(tag) =	ssettag $0x2  }
0x333: {  	s0 =	rddreg [dreg:$0x0];
	s2 =	stileid.u32  }
0x334: {  	s1 =	rddreg [dreg:$0x1];
	p0 =	sne.s32 s2, $0x0  }
0x335: {  	s3 =	rddreg [dreg:$0x2];
	[bflag:$0x3] =	sbarrier.arrive $0xFFFF;
	s2 =	simm.s32 @!p0 $0x1C02  }
0x336: {  	[timem:s3], [sflag:s2] =	dma.local @!p0 [hbm:s0], s1  }
0x337: {  	s0 =	simm.s32 @!p0 $0x2  }
0x338: {  	_ =	swait.ge @!p0 [sflag:s0], s1  }
0x339: {  	s1 =	ssub.s32 @!p0 $0x0, s1;
	[sflag:s0] =	ssyncset.done @!p0 $0x0  }
0x33a: {  	[sflag:s0] =	ssyncadd.s32 @!p0 s1  }
0x33b: {  	[bflag:$0x3] =	sbarrier.arrive $0xFFFF  }
0x33c: {  	_ =	shalt  }

// kernel: kernel.9.cloned.1.call-start
scs
__scs_entry_jumppad:
0x0: {  	(pc) =	sbr.rel $0x88, $3  }
0x1: {  	(tag) =	ssettag $0x0;
	lr =	simm.s32 $0x1  }
0x2: {  	[smem:$0x3F98] =	sst lr;
	_ =	strace $0xD0000000  }
0x3: {  	_ = 	snop  }
0x4: {  	_ = 	snop  }
0x5: {  	_ = 	snop  }
0x6: {  	_ = 	snop  }
0x7: {  	_ = 	snop  }
__scs_overlays_trampoline_lowered:
0x8: {  	[smem:$0x3FA7] =	sst s0  }
0x9: {  	[smem:$0x3FA8] =	sst s1  }
0xa: {  	[smem:$0x3FA9] =	sst s2  }
0xb: {  	[smem:$0x3FAA] =	sst s3  }
0xc: {  	[smem:$0x3FAB] =	sst s4  }
0xd: {  	[smem:$0x3FAC] =	sst s5  }
0xe: {  	[smem:$0x3FAD] =	sst s6  }
0xf: {  	[smem:$0x3FAE] =	sst s7  }
0x10: {  	[smem:$0x3FAF] =	sst s8  }
0x11: {  	[smem:$0x3FB0] =	sst s9;
	s0 =	simm.s32 @!p0 $0x0  }
0x12: {  	s1 =	sld [smem:$0x3F96];
	s0 =	simm.s32 @p0 $0x1  }
0x13: {  	[smem:$0x3FB1] =	sst s0;
	s0 =	simm.s32 @!p1 $0x0  }
0x14: {  	s2 =	sld [smem:$0x3F95];
	s0 =	simm.s32 @p1 $0x1  }
0x15: {  	[smem:$0x3FB2] =	sst s0;
	s0 =	simm.s32 @!p2 $0x0  }
0x16: {  	s3 =	sld [smem:$0x3FDB];
	s0 =	simm.s32 @p2 $0x1  }
0x17: {  	s4 =	simm.s32 $0x1BF5;
	[smem:$0x3FB4] =	sst s0  }
0x18: {  	s0 =	sld [smem:$0x3F97];
	_ =	swait.ge [sflag:s4], $0x0  }
0x19: {  	s7 =	sld [smem:$0x3F98]  }
0x1a: {  	s8 =	sadd.s32 $0xFFFFE003, lr  }
0x1b: {  	s9 =	sadd.s32 $0xFFFFFEF7, lr;
	s5 =	simm.s32 $0xFFFFFFFF;
	p2 =	slt.u32 s8, $0xFFFFF086  }
0x1c: {  	p1 =	slt.u32 s9, $0xF7A;
	s5 =	simm.s32 @!p2 $0x0  }
0x1d: {  	s5 =	simm.s32 @p1 $0x1;
	p0 =	seq.s32 s7, s2  }
0x1e: {  	s7 =	smul.u32 @!p0 $0xF7A, s2;
	p2 =	seq.s32 @!p0 s5, $0x0  }
0x1f: {  	s9 =	smul.u32 $0xF7A, s1;
	s8 =	simm.s32 @!p0 $0x1BF5;
	p2 =	por !p2, p0  }
0x20: {  	[sflag:s8] =	ssyncset.s32 @!p0 $0xFFFFF086;
	s6 =	sadd.s32 @!p0 s3, s7;
	s7 =	simm.s32 @!p0 $0x108  }
0x21: {  	s3 =	sadd.s32 s3, s9;
	s6 =	sadd.s32 @!p0 $0x88, s6;
	s7 =	simm.s32 @p2 $0x1082  }
0x22: {  	[simem:s7], [sflag:s8] =	dma.local @!p0 [hbm:s6], $0xF7A  }
0x23: {  	s9 =	sor.u32 $0xD0000000, s2;
	s6 =	simm.s32 $0x108;
	_ =	swait.ge @!p0 [sflag:s8], $0x0  }
0x24: {  	s3 =	sadd.s32 $0x88, s3;
	s6 =	simm.s32 @!p1 $0x1082;
	[sflag:s4] =	ssyncset.s32 $0xFFFFF086  }
0x25: {  	[simem:s6], [sflag:s4] =	dma.local [hbm:s3], $0xF7A  }
0x26: {  	[smem:$0x3F98] =	sst s1;
	(tag) =	ssettag s2;
	_ =	strace s9  }
0x27: {  	s1 =	sld [smem:$0x3FA8]  }
0x28: {  	s2 =	sld [smem:$0x3FA9]  }
0x29: {  	s4 =	sld [smem:$0x3FAB]  }
0x2a: {  	p0 =	seq.s32 s5, $0x0;
	s5 =	sld [smem:$0x3FAC]  }
0x2b: {  	s6 =	sld [smem:$0x3FAD]  }
0x2c: {  	s7 =	sld [smem:$0x3FAE]  }
0x2d: {  	s3 =	simm.s32 $0x108;
	s8 =	sld [smem:$0x3FAF]  }
0x2e: {  	s3 =	simm.s32 @!p0 $0x1082;
	s9 =	sld [smem:$0x3FB0]  }
0x2f: {  	lr =	sadd.s32 s0, s3;
	s0 =	sld [smem:$0x3FA7]  }
0x30: {  	s3 =	sld [smem:$0x3FAA]  }
0x31: {  	[smem:$0x3FB3] =	sst s10  }
0x32: {  	s10 =	sld [smem:$0x3FB1];
	_ =	sdelay $0x3  }
0x33: {  	p0 =	seq.s32 s10, $0x1;
	s10 =	sld [smem:$0x3FB3];
	_ =	sdelay $0x3  }
0x34: {  	[smem:$0x3FB3] =	sst s10  }
0x35: {  	s10 =	sld [smem:$0x3FB2];
	_ =	sdelay $0x3  }
0x36: {  	p1 =	seq.s32 s10, $0x1;
	s10 =	sld [smem:$0x3FB3];
	_ =	sdelay $0x3  }
0x37: {  	[smem:$0x3FB3] =	sst s10  }
0x38: {  	s10 =	sld [smem:$0x3FB4]  }
0x39: {  	_ = 	snop;
	(pc) =	sbr.ind lr, $3  }
0x3a: {  	_ = 	snop  }
0x3b: {  	_ = 	snop  }
0x3c: {  	p2 =	seq.s32 s10, $0x1;
	s10 =	sld [smem:$0x3FB3]  }
0x3d: {  	_ =	shalt  }
0x3e: {  	_ =	shalt  }
0x3f: {  	_ =	shalt  }
0x40: {  	_ =	shalt  }
0x41: {  	_ =	shalt  }
0x42: {  	_ =	shalt  }
0x43: {  	_ =	shalt  }
0x44: {  	_ =	shalt  }
0x45: {  	_ =	shalt  }
0x46: {  	_ =	shalt  }
0x47: {  	_ =	shalt  }
0x48: {  	_ =	shalt  }
0x49: {  	_ =	shalt  }
0x4a: {  	_ =	shalt  }
0x4b: {  	_ =	shalt  }
0x4c: {  	_ =	shalt  }
0x4d: {  	_ =	shalt  }
0x4e: {  	_ =	shalt  }
0x4f: {  	_ =	shalt  }
0x50: {  	_ =	shalt  }
0x51: {  	_ =	shalt  }
0x52: {  	_ =	shalt  }
0x53: {  	_ =	shalt  }
0x54: {  	_ =	shalt  }
0x55: {  	_ =	shalt  }
0x56: {  	_ =	shalt  }
0x57: {  	_ =	shalt  }
0x58: {  	_ =	shalt  }
0x59: {  	_ =	shalt  }
0x5a: {  	_ =	shalt  }
0x5b: {  	_ =	shalt  }
0x5c: {  	_ =	shalt  }
0x5d: {  	_ =	shalt  }
0x5e: {  	_ =	shalt  }
0x5f: {  	_ =	shalt  }
0x60: {  	_ =	shalt  }
0x61: {  	_ =	shalt  }
0x62: {  	_ =	shalt  }
0x63: {  	_ =	shalt  }
0x64: {  	_ =	shalt  }
0x65: {  	_ =	shalt  }
0x66: {  	_ =	shalt  }
0x67: {  	_ =	shalt  }
0x68: {  	_ =	shalt  }
0x69: {  	_ =	shalt  }
0x6a: {  	_ =	shalt  }
0x6b: {  	_ =	shalt  }
0x6c: {  	_ =	shalt  }
0x6d: {  	_ =	shalt  }
0x6e: {  	_ =	shalt  }
0x6f: {  	_ =	shalt  }
0x70: {  	_ =	shalt  }
0x71: {  	_ =	shalt  }
0x72: {  	_ =	shalt  }
0x73: {  	_ =	shalt  }
0x74: {  	_ =	shalt  }
0x75: {  	_ =	shalt  }
0x76: {  	_ =	shalt  }
0x77: {  	_ =	shalt  }
0x78: {  	_ =	shalt  }
0x79: {  	_ =	shalt  }
0x7a: {  	_ =	shalt  }
0x7b: {  	_ =	shalt  }
0x7c: {  	_ =	shalt  }
0x7d: {  	_ =	shalt  }
0x7e: {  	_ =	shalt  }
0x7f: {  	_ =	shalt  }
0x80: {  	_ =	shalt  }
0x81: {  	_ =	shalt  }
0x82: {  	_ =	shalt  }
0x83: {  	_ =	shalt  }
0x84: {  	_ =	shalt  }
0x85: {  	_ =	shalt  }
0x86: {  	_ =	shalt  }
0x87: {  	_ =	shalt  }
.Lfunc_end0:
.L_simem_size_0:
called_computation_lowered:
.L_overlay_start_0:
0x88: {  	s2 =	sld [smem:$0x3FD9]  }
0x89: {  	s3 =	sld [smem:$0x3FFE];
	_ =	sdelay $0x1  }
0x8a: {  	s1 =	srdreg.scid  }
0x8b: {  	s0 =	sand.u32 $0x1, s1  }
0x8c: {  	s15 =	sshll.u32 s0, $0xA;
	s2 =	sadd.s32 s3, s2  }
0x8d: {  	s2 =	sadd.s32 s2, s15  }
0x8e: {  	[smem:$0x3FBF] =	sst s2  }
0x8f: {  	_ = 	snop  }
0x90: {  	s16 =	sld [smem:$0x3FD0];
	_ =	sdelay $0x2  }
0x91: {  	s4 =	simm.s32 $0xB;
	s5 =	simm.s32 $0x10;
	s2 =	sld [smem:$0x3FC5]  }
0x92: {  	[smem:s5], [sflag:s4] =	dma.local [hbm:s16], $0x1  }
0x93: {  	_ =	swait.eq [sflag:s4], $0x1  }
0x94: {  	[sflag:s4] =	ssyncset.done $0x0  }
0x95: {  	s17 =	sld [smem:$0x10];
	[sflag:s4] =	ssyncadd.s32 $0xFFFFFFFF  }
0x96: {  	s18 =	sld [smem:$0x11];
	(tm) =	ssettm $0x1  }
0x97: {  	s19 =	sld [smem:$0x3FFB];
	_ =	sdelay $0x3  }
0x98: {  	_ =	strace s19  }
0x99: {  	s3 =	sld [smem:$0x3FFC];
	_ =	sdelay $0x3  }
0x9a: {  	_ =	strace s3  }
0x9b: {  	s3 =	sld [smem:$0x3FFD];
	_ =	sdelay $0x3  }
0x9c: {  	_ =	strace s3  }
0x9d: {  	_ =	strace $0x8FFFFFFF  }
0x9e: {  	s20 =	sld [smem:$0x3FDB];
	_ =	sdelay $0x1  }
0x9f: {  	s6 =	simm.s32 $_scs_section_size  }
0xa0: {  	s7 =	simm.s32 $_size__tile_overlayer_lowered;
	s8 =	simm.s32 $_tile_overlayer_lowered  }
0xa1: {  	s9 =	simm.s32 $0x1BFF;
	s21 =	sshll.u32 s8, $0x1;
	s6 =	sadd.s32 s6, s20  }
0xa2: {  	s22 =	simm.s32 $0x0;
	s7 =	sshll.u32 s7, $0x1;
	s8 =	sadd.s32 s21, s6  }
0xa3: {  	[timem:s22], [sflag:s9] =	dma.local [hbm:s8], s7  }
0xa4: {  	_ =	swait.ge [sflag:s9], s7  }
0xa5: {  	s7 =	ssub.s32 $0x0, s7;
	[sflag:s9] =	ssyncset.done $0x0  }
0xa6: {  	[sflag:s9] =	ssyncadd.s32 s7;
	_ =	sdelay $0x1  }
0xa7: {  	s23 =	simm.s32 $0x1B8B  }
0xa8: {  	_ =	swait.ge [sflag:s23], $0x1  }
0xa9: {  	[sflag:s23] =	ssyncset.done $0x0  }
0xaa: {  	[sflag:s23] =	ssyncadd.s32 $0xFFFFFFFF  }
0xab: {  	s7 =	sld [smem:$0x0]  }
0xac: {  	s8 =	sand.u32 $0xFFFFFFFE, s1  }
0xad: {  	p0 =	sne.s32 s1, s8  }
0xae: {  	s8 =	sshll.u32 @p0 s8, $0xE  }
0xaf: {  	s8 =	sadd.s32 @p0 $0x11B8D, s8;
	s9 =	sshll.u32 @p0 s7, $0x11  }
0xb0: {  	s8 =	sor.u32 @p0 s9, s8  }
0xb1: {  	[sflag:s8] =	ssyncadd.remote.s32 @p0 $0x1;
	_ =	sdelay $0x1  }
0xb2: {  	s8 =	simm.s32 @p0 $0x1B8D  }
0xb3: {  	_ =	swait.eq @p0 [sflag:s8], $0x1  }
0xb4: {  	[sflag:s8] =	ssyncadd.s32 @p0 $0xFFFFFFFF  }
0xb5: {  	s9 =	sshll.u32 @!p0 s1, $0xE  }
0xb6: {  	s9 =	sor.u32 @!p0 $0x4000, s9;
	s8 =	simm.s32 @!p0 $0x1B8D  }
0xb7: {  	s7 =	sshll.u32 @!p0 s7, $0x11;
	s9 =	sadd.s32 @!p0 $0x11B8D, s9;
	_ =	swait.eq @!p0 [sflag:s8], $0x1  }
0xb8: {  	s7 =	sor.u32 @!p0 s7, s9;
	[sflag:s8] =	ssyncadd.s32 @!p0 $0xFFFFFFFF  }
0xb9: {  	s25 =	simm.s32 $0x1B8E;
	s24 =	sld [smem:$0x3FFE];
	[sflag:s7] =	ssyncadd.remote.s32 @!p0 $0x1  }
0xba: {  	s26 =	simm.s32 $execute0_lowered;
	[smem:$0x3FD2] =	sst s25  }
0xbb: {  	s8 =	sshll.u32 s26, $0x1;
	_ =	strace $0x80000049;
	[dreg:$0x1] =	wrdreg $0xFFFFFFFF  }
0xbc: {  	s28 =	simm.s32 $_size_execute0_lowered;
	s6 =	sadd.s32 s6, s8;
	[dreg:$0x0] =	wrdreg $0x0  }
0xbd: {  	s8 =	sshll.u32 s28, $0x1;
	[dreg:$0x2] =	wrdreg s6  }
0xbe: {  	[dreg:$0x3] =	wrdreg s8  }
0xbf: {  	[dreg:$0x4] =	wrdreg $0xC0  }
0xc0: {  	_ =	task [dreg:s22], $0x5FFFF  }
0xc1: {  	[dreg:$0x1] =	wrdreg $0xFFFFFFFF  }
0xc2: {  	[dreg:$0x0] =	wrdreg $0x60  }
0xc3: {  	[dreg:$0x2] =	wrdreg s17  }
0xc4: {  	[dreg:$0x3] =	wrdreg s24  }
0xc5: {  	[dreg:$0x4] =	wrdreg s2  }
0xc6: {  	[dreg:$0x5] =	wrdreg s18  }
0xc7: {  	[dreg:$0x6] =	wrdreg $0x9  }
0xc8: {  	_ =	task.clear_ibuf [dreg:s22], $0x7FFFF;
	_ =	strace $0x90000049  }
0xc9: {  	s29 =	simm.s32 $0x9;
	_ =	strace $0x8000004B  }
0xca: {  	_ =	swait.ge [sflag:s29], $0x1  }
0xcb: {  	[sflag:s29] =	ssyncadd.s32 $0xFFFFFFFF  }
0xcc: {  	_ =	strace $0x9000004B  }
0xcd: {  	_ =	sfence  }
0xce: {  	s30 =	sld [smem:$0x0];
	_ =	sdelay $0x2  }
0xcf: {  	s31 =	sshll.u32 s1, $0xD;
	s1 =	sshrl.u32 s1, $0x2  }
0xd0: {  	s4 =	sand.u32 $0x4000, s31;
	s1 =	sadd.s32 s1, s30  }
0xd1: {  	s0 =	sor.u32 s4, s0;
	s1 =	sshll.u32 s1, $0x11  }
0xd2: {  	s0 =	sor.u32 s1, s0  }
0xd3: {  	s0 =	sadd.s32 $0x8F2B, s0  }
0xd4: {  	[sflag:s0] =	ssyncadd.remote.s32 $0x1  }
0xd5: {  	_ =	sfence.sel $0xFFFF  }
0xd6: {  	[dreg:$0x0] =	wrdreg $0xFFFFFFFF;
	(pc) =	sbr.abs _section_cstart, $3  }
0xd7: {  	[dreg:$0x1] =	wrdreg $0xFFFFFFFF  }
0xd8: {  	_ =	task.clear_ibuf [dreg:s22], $0x2FFFF;
	_ =	strace $0x9FFFFFFF  }
0xd9: {  	(tm) =	ssettm $0x7FFFFFFF  }
tec
execute0_lowered:
.L_overlay_start_1:
0x0: {  	(tag) =	ssettag $0x1  }
0x1: {  	s0 =	rddreg [dreg:$0x0]  }
0x2: {  	s1 =	rddreg [dreg:$0x1]  }
0x3: {  	s2 =	rddreg [dreg:$0x2];
	s3 =	srdreg.scid  }
0x4: {  	s4 =	rddreg [dreg:$0x3];
	s6 =	stileid.u32;
	s15 =	simm.s32 $0x2  }
0x5: {  	s18 =	simm.s32 $0x180;
	s19 =	simm.s32 $0x200;
	s20 =	simm.s32 $0x280  }
0x6: {  	s16 =	simm.s32 $0x1;
	s28 =	simm.s32 $0x9B00;
	s29 =	simm.s32 $0xA300  }
0x7: {  	s30 =	simm.s32 $0xAB00;
	s31 =	simm.s32 $0xB300;
	s5 =	sand.u32 $0x1, s3  }
0x8: {  	s6 =	sshll.u32 s6, $0x8;
	s3 =	simm.s32 $0x0;
	s7 =	sshll.u32 s5, $0x7  }
0x9: {  	s5 =	ssub.s32 $0x2, s5;
	[smem:$0x7FF] =	sst s3;
	s6 =	sor.u32 s7, s6  }
0xa: {  	s8 =	sshrl.u32 s5, $0x1;
	_ =	strace $0x8000004A;
	s7 =	sshrl.u32 s6, $0x3  }
0xb: {  	s5 =	ssub.s32 s5, s8;
	s24 =	sshll.u32 s6, $0x5;
	s1 =	sadd.s32 s7, s1  }
0xc: {  	s0 =	sadd.s32 s0, s7;
	s8 =	sadd.s32 s4, s24;
	s14 =	smax.u32 s5, $0x1  }
0xd: {  	s24 =	simm.s32 $0x8300;
	s4 =	simm.s32 $0xC300;
	[dreg:$0x5] =	wrdreg s0  }
0xe: {  	s23 =	sadd.s32 $0x24400, s1;
	s25 =	sadd.s32 $0x24600, s1;
	s26 =	sadd.s32 $0x24800, s1  }
0xf: {  	s9 =	sadd.s32 $0x24A00, s1;
	s10 =	sadd.s32 $0x24C00, s1;
	s11 =	sadd.s32 $0x400, s8  }
0x10: {  	v2 =	vlaneseq.u32;
	s12 =	sadd.s32 $0x800, s8;
	s13 =	sadd.s32 $0xC00, s8;
	[dreg:$0x6] =	wrdreg s23  }
0x11: {  	vm0 =	vmmov $0xffff;
	v1 =	vshrl.u32 v2, $0x3;
	s0 =	simm.s32 $0xBB00;
	s1 =	simm.s32 $0x0;
	[dreg:$0x7] =	wrdreg s25  }
0x12: {  	v0 =	vand.u32 $0x7, v2;
	v2 =	vor.u32 $0x8, v2;
	v1 =	vmul.u32 $0x8, v1;
	[dreg:$0x8] =	wrdreg s26;
	s25 =	simm.s32 $0x8B00;
	s26 =	simm.s32 $0x9300  }
.LBB2_1:
0x13: {  	s5 =	rddreg [dreg:$0x5]  }
0x14: {  	[tilespmem:s3], [sflag:$0x2] =	stream.linear.gather [hbm4b:s5+s3], $0x80, $0x38;
	[tilespmem:$0xE300] =	vst v63  }
0x15: {  	_ =	swait.ge [sflag:s15], $0x80  }
0x16: {  	[sflag:s15] =	ssyncset.done $0x0  }
0x17: {  	s6 =	simm.s32 $0x80;
	s17 =	rddreg [dreg:$0x6];
	[sflag:s15] =	ssyncadd.s32 $0xFFFFFF80  }
0x18: {  	[tilespmem:s6], [sflag:$0x2] =	stream.linear.gather [hbm4b:s17+s3], $0x80, $0x38;
	[tilespmem:$0xE300] =	vst v63  }
0x19: {  	_ =	swait.ge [sflag:s15], $0x80  }
0x1a: {  	[sflag:s15] =	ssyncset.done $0x0  }
0x1b: {  	s22 =	simm.s32 $0x100;
	s21 =	rddreg [dreg:$0x7];
	[sflag:s15] =	ssyncadd.s32 $0xFFFFFF80  }
0x1c: {  	[tilespmem:s22], [sflag:$0x2] =	stream.linear.gather [hbm4b:s21+s3], $0x80, $0x38;
	[tilespmem:$0xE300] =	vst v63  }
0x1d: {  	_ =	swait.ge [sflag:s15], $0x80  }
0x1e: {  	[sflag:s15] =	ssyncset.done $0x0  }
0x1f: {  	s23 =	rddreg [dreg:$0x8];
	[sflag:s15] =	ssyncadd.s32 $0xFFFFFF80  }
0x20: {  	[tilespmem:s18], [sflag:$0x2] =	stream.linear.gather [hbm4b:s23+s3], $0x80, $0x38;
	[tilespmem:$0xE300] =	vst v63  }
0x21: {  	_ =	swait.ge [sflag:s15], $0x80  }
0x22: {  	[sflag:s15] =	ssyncset.done $0x0  }
0x23: {  	[sflag:s15] =	ssyncadd.s32 $0xFFFFFF80  }
0x24: {  	[tilespmem:s19], [sflag:$0x2] =	stream.linear.gather [hbm4b:s9+s3], $0x80, $0x38;
	[tilespmem:$0xE300] =	vst v63  }
0x25: {  	_ =	swait.ge [sflag:s15], $0x80  }
0x26: {  	[sflag:s15] =	ssyncset.done $0x0  }
0x27: {  	[sflag:s15] =	ssyncadd.s32 $0xFFFFFF80  }
0x28: {  	[tilespmem:s20], [sflag:$0x2] =	stream.linear.gather [hbm4b:s10+s3], $0x80, $0x38;
	[tilespmem:$0xE300] =	vst v63  }
0x29: {  	_ =	swait.ge [sflag:s15], $0x80  }
0x2a: {  	[sflag:s15] =	ssyncset.done $0x0  }
0x2b: {  	[sflag:s15] =	ssyncadd.s32 $0xFFFFFF80  }
0x2c: {  	v3 =	vld [tilespmem:$0x0];
	_ =	sdelay $0x4  }
0x2d: {  	v4 =	vshll.u32 v3, $0x1  }
0x2e: {  	v3 =	vand.u32 $0x7, v3;
	v4 =	vand.u32 $0xFFFFFFF0, v4  }
0x2f: {  	v3 =	vor.u32 v3, v4  }
0x30: {  	v4 =	vperm.xlane v3, v0;
	_ =	sdelay $0x1  }
0x31: {  	v3 =	vperm.xlane v3, v2;
	v4 =	vadd.s32 v1, v4;
	_ =	sdelay $0x1  }
0x32: {  	v3 =	vadd.s32 v1, v3;
	_ =	sdelay $0x1  }
0x33: {  	s6 =	simm.s32 $0x300  }
0x34: {  	[tilespmem:s6], [sflag:$0x1] =	stream.indirect_vreg.gather [hbm4b:s2+s3], $0x80, v4, vm0, $0xb8;
	[tilespmem:$0xE300] =	vst v63  }
0x35: {  	s7 =	simm.s32 $0xB00  }
0x36: {  	[tilespmem:s7], [sflag:$0x1] =	stream.indirect_vreg.gather [hbm4b:s2+s3], $0x80, v3, vm0, $0xb8;
	[tilespmem:$0xE300] =	vst v63  }
0x37: {  	v3 =	vld [tilespmem:$0x10];
	_ =	sdelay $0x4  }
0x38: {  	v4 =	vshll.u32 v3, $0x1  }
0x39: {  	v3 =	vand.u32 $0x7, v3;
	v4 =	vand.u32 $0xFFFFFFF0, v4  }
0x3a: {  	v3 =	vor.u32 v3, v4  }
0x3b: {  	v4 =	vperm.xlane v3, v0;
	_ =	sdelay $0x1  }
0x3c: {  	v3 =	vperm.xlane v3, v2;
	v4 =	vadd.s32 v1, v4;
	_ =	sdelay $0x1  }
0x3d: {  	v3 =	vadd.s32 v1, v3;
	_ =	sdelay $0x1  }
0x3e: {  	s17 =	simm.s32 $0x1300  }
0x3f: {  	[tilespmem:s17], [sflag:$0x1] =	stream.indirect_vreg.gather [hbm4b:s2+s3], $0x80, v4, vm0, $0xb8;
	[tilespmem:$0xE300] =	vst v63  }
0x40: {  	s21 =	simm.s32 $0x1B00  }
0x41: {  	[tilespmem:s21], [sflag:$0x1] =	stream.indirect_vreg.gather [hbm4b:s2+s3], $0x80, v3, vm0, $0xb8;
	[tilespmem:$0xE300] =	vst v63  }
0x42: {  	v3 =	vld [tilespmem:$0x80];
	_ =	sdelay $0x4  }
0x43: {  	v4 =	vshll.u32 v3, $0x1  }
0x44: {  	v3 =	vand.u32 $0x7, v3;
	v4 =	vand.u32 $0xFFFFFFF0, v4  }
0x45: {  	v3 =	vor.u32 v3, v4  }
0x46: {  	v4 =	vperm.xlane v3, v0;
	_ =	sdelay $0x1  }
0x47: {  	v3 =	vperm.xlane v3, v2;
	v4 =	vadd.s32 v1, v4;
	_ =	sdelay $0x1  }
0x48: {  	v3 =	vadd.s32 v1, v3;
	_ =	sdelay $0x1  }
0x49: {  	s22 =	simm.s32 $0x2300  }
0x4a: {  	[tilespmem:s22], [sflag:$0x1] =	stream.indirect_vreg.gather [hbm4b:s2+s3], $0x80, v4, vm0, $0xb8;
	[tilespmem:$0xE300] =	vst v63  }
0x4b: {  	s23 =	simm.s32 $0x2B00  }
0x4c: {  	[tilespmem:s23], [sflag:$0x1] =	stream.indirect_vreg.gather [hbm4b:s2+s3], $0x80, v3, vm0, $0xb8;
	[tilespmem:$0xE300] =	vst v63  }
0x4d: {  	v3 =	vld [tilespmem:$0x90];
	_ =	sdelay $0x4  }
0x4e: {  	v4 =	vshll.u32 v3, $0x1  }
0x4f: {  	v3 =	vand.u32 $0x7, v3;
	v4 =	vand.u32 $0xFFFFFFF0, v4  }
0x50: {  	v3 =	vor.u32 v3, v4  }
0x51: {  	v4 =	vperm.xlane v3, v0;
	_ =	sdelay $0x1  }
0x52: {  	v3 =	vperm.xlane v3, v2;
	v4 =	vadd.s32 v1, v4;
	_ =	sdelay $0x1  }
0x53: {  	v3 =	vadd.s32 v1, v3;
	_ =	sdelay $0x1  }
0x54: {  	s6 =	simm.s32 $0x3300  }
0x55: {  	[tilespmem:s6], [sflag:$0x1] =	stream.indirect_vreg.gather [hbm4b:s2+s3], $0x80, v4, vm0, $0xb8;
	[tilespmem:$0xE300] =	vst v63  }
0x56: {  	s7 =	simm.s32 $0x3B00  }
0x57: {  	[tilespmem:s7], [sflag:$0x1] =	stream.indirect_vreg.gather [hbm4b:s2+s3], $0x80, v3, vm0, $0xb8;
	[tilespmem:$0xE300] =	vst v63  }
0x58: {  	v3 =	vld [tilespmem:$0x100];
	_ =	sdelay $0x4  }
0x59: {  	v4 =	vshll.u32 v3, $0x1  }
0x5a: {  	v3 =	vand.u32 $0x7, v3;
	v4 =	vand.u32 $0xFFFFFFF0, v4  }
0x5b: {  	v3 =	vor.u32 v3, v4  }
0x5c: {  	v4 =	vperm.xlane v3, v0;
	_ =	sdelay $0x1  }
0x5d: {  	v3 =	vperm.xlane v3, v2;
	v4 =	vadd.s32 v1, v4;
	_ =	sdelay $0x1  }
0x5e: {  	v3 =	vadd.s32 v1, v3;
	_ =	sdelay $0x1  }
0x5f: {  	s17 =	simm.s32 $0x4300  }
0x60: {  	[tilespmem:s17], [sflag:$0x1] =	stream.indirect_vreg.gather [hbm4b:s2+s3], $0x80, v4, vm0, $0xb8;
	[tilespmem:$0xE300] =	vst v63  }
0x61: {  	s21 =	simm.s32 $0x4B00  }
0x62: {  	[tilespmem:s21], [sflag:$0x1] =	stream.indirect_vreg.gather [hbm4b:s2+s3], $0x80, v3, vm0, $0xb8;
	[tilespmem:$0xE300] =	vst v63  }
0x63: {  	v3 =	vld [tilespmem:$0x110];
	_ =	sdelay $0x4  }
0x64: {  	v4 =	vshll.u32 v3, $0x1  }
0x65: {  	v3 =	vand.u32 $0x7, v3;
	v4 =	vand.u32 $0xFFFFFFF0, v4  }
0x66: {  	v3 =	vor.u32 v3, v4  }
0x67: {  	v4 =	vperm.xlane v3, v0;
	_ =	sdelay $0x1  }
0x68: {  	v3 =	vperm.xlane v3, v2;
	v4 =	vadd.s32 v1, v4;
	_ =	sdelay $0x1  }
0x69: {  	v3 =	vadd.s32 v1, v3;
	_ =	sdelay $0x1  }
0x6a: {  	s22 =	simm.s32 $0x5300  }
0x6b: {  	[tilespmem:s22], [sflag:$0x1] =	stream.indirect_vreg.gather [hbm4b:s2+s3], $0x80, v4, vm0, $0xb8;
	[tilespmem:$0xE300] =	vst v63  }
0x6c: {  	s23 =	simm.s32 $0x5B00  }
0x6d: {  	[tilespmem:s23], [sflag:$0x1] =	stream.indirect_vreg.gather [hbm4b:s2+s3], $0x80, v3, vm0, $0xb8;
	[tilespmem:$0xE300] =	vst v63  }
0x6e: {  	_ =	swait.ge [sflag:s16], $0x2000  }
0x6f: {  	[sflag:s16] =	ssyncset.done $0x0  }
0x70: {  	[sflag:s16] =	ssyncadd.s32 $0xFFFFE000  }
0x71: {  	_ =	swait.ge [sflag:s16], $0x2000  }
0x72: {  	[sflag:s16] =	ssyncset.done $0x0  }
0x73: {  	[sflag:s16] =	ssyncadd.s32 $0xFFFFE000  }
0x74: {  	_ =	swait.ge [sflag:s16], $0x2000  }
0x75: {  	[sflag:s16] =	ssyncset.done $0x0  }
0x76: {  	[sflag:s16] =	ssyncadd.s32 $0xFFFFE000  }
0x77: {  	v3 =	vld [tilespmem:$0x20];
	_ =	sdelay $0x4  }
0x78: {  	v4 =	vshll.u32 v3, $0x1  }
0x79: {  	v3 =	vand.u32 $0x7, v3;
	v4 =	vand.u32 $0xFFFFFFF0, v4  }
0x7a: {  	v3 =	vor.u32 v3, v4  }
0x7b: {  	v4 =	vperm.xlane v3, v0;
	_ =	sdelay $0x1  }
0x7c: {  	v3 =	vperm.xlane v3, v2;
	v4 =	vadd.s32 v1, v4;
	_ =	sdelay $0x1  }
0x7d: {  	v3 =	vadd.s32 v1, v3;
	_ =	sdelay $0x1  }
0x7e: {  	s6 =	simm.s32 $0x6300  }
0x7f: {  	[tilespmem:s6], [sflag:$0x1] =	stream.indirect_vreg.gather [hbm4b:s2+s3], $0x80, v4, vm0, $0xb8;
	[tilespmem:$0xE300] =	vst v63  }
0x80: {  	s7 =	simm.s32 $0x6B00  }
0x81: {  	[tilespmem:s7], [sflag:$0x1] =	stream.indirect_vreg.gather [hbm4b:s2+s3], $0x80, v3, vm0, $0xb8;
	[tilespmem:$0xE300] =	vst v63  }
0x82: {  	v3 =	vld [tilespmem:$0x30];
	_ =	sdelay $0x4  }
0x83: {  	v4 =	vshll.u32 v3, $0x1  }
0x84: {  	v3 =	vand.u32 $0x7, v3;
	v4 =	vand.u32 $0xFFFFFFF0, v4  }
0x85: {  	v3 =	vor.u32 v3, v4  }
0x86: {  	v4 =	vperm.xlane v3, v0;
	_ =	sdelay $0x1  }
0x87: {  	v3 =	vperm.xlane v3, v2;
	v4 =	vadd.s32 v1, v4;
	_ =	sdelay $0x1  }
0x88: {  	v3 =	vadd.s32 v1, v3;
	_ =	sdelay $0x1  }
0x89: {  	s17 =	simm.s32 $0x7300  }
0x8a: {  	[tilespmem:s17], [sflag:$0x1] =	stream.indirect_vreg.gather [hbm4b:s2+s3], $0x80, v4, vm0, $0xb8;
	[tilespmem:$0xE300] =	vst v63  }
0x8b: {  	s21 =	simm.s32 $0x7B00  }
0x8c: {  	[tilespmem:s21], [sflag:$0x1] =	stream.indirect_vreg.gather [hbm4b:s2+s3], $0x80, v3, vm0, $0xb8;
	[tilespmem:$0xE300] =	vst v63  }
0x8d: {  	v3 =	vld [tilespmem:$0xA0];
	_ =	sdelay $0x4  }
0x8e: {  	v4 =	vshll.u32 v3, $0x1  }
0x8f: {  	v3 =	vand.u32 $0x7, v3;
	v4 =	vand.u32 $0xFFFFFFF0, v4  }
0x90: {  	v3 =	vor.u32 v3, v4  }
0x91: {  	v4 =	vperm.xlane v3, v0;
	_ =	sdelay $0x1  }
0x92: {  	v3 =	vperm.xlane v3, v2;
	v4 =	vadd.s32 v1, v4;
	_ =	sdelay $0x1  }
0x93: {  	v3 =	vadd.s32 v1, v3;
	_ =	sdelay $0x2  }
0x94: {  	[tilespmem:s24], [sflag:$0x1] =	stream.indirect_vreg.gather [hbm4b:s2+s3], $0x80, v4, vm0, $0xb8;
	[tilespmem:$0xE300] =	vst v63  }
0x95: {  	_ = 	snop  }
0x96: {  	[tilespmem:s25], [sflag:$0x1] =	stream.indirect_vreg.gather [hbm4b:s2+s3], $0x80, v3, vm0, $0xb8;
	[tilespmem:$0xE300] =	vst v63  }
0x97: {  	v3 =	vld [tilespmem:$0xB0];
	_ =	sdelay $0x4  }
0x98: {  	v4 =	vshll.u32 v3, $0x1  }
0x99: {  	v3 =	vand.u32 $0x7, v3;
	v4 =	vand.u32 $0xFFFFFFF0, v4  }
0x9a: {  	v3 =	vor.u32 v3, v4  }
0x9b: {  	v4 =	vperm.xlane v3, v0;
	_ =	sdelay $0x1  }
0x9c: {  	v3 =	vperm.xlane v3, v2;
	v4 =	vadd.s32 v1, v4;
	_ =	sdelay $0x1  }
0x9d: {  	v3 =	vadd.s32 v1, v3;
	_ =	sdelay $0x2  }
0x9e: {  	[tilespmem:s26], [sflag:$0x1] =	stream.indirect_vreg.gather [hbm4b:s2+s3], $0x80, v4, vm0, $0xb8;
	[tilespmem:$0xE300] =	vst v63  }
0x9f: {  	_ = 	snop  }
0xa0: {  	[tilespmem:s28], [sflag:$0x1] =	stream.indirect_vreg.gather [hbm4b:s2+s3], $0x80, v3, vm0, $0xb8;
	[tilespmem:$0xE300] =	vst v63  }
0xa1: {  	v3 =	vld [tilespmem:$0x120];
	_ =	sdelay $0x4  }
0xa2: {  	v4 =	vshll.u32 v3, $0x1  }
0xa3: {  	v3 =	vand.u32 $0x7, v3;
	v4 =	vand.u32 $0xFFFFFFF0, v4  }
0xa4: {  	v3 =	vor.u32 v3, v4  }
0xa5: {  	v4 =	vperm.xlane v3, v0;
	_ =	sdelay $0x1  }
0xa6: {  	v3 =	vperm.xlane v3, v2;
	v4 =	vadd.s32 v1, v4;
	_ =	sdelay $0x1  }
0xa7: {  	v3 =	vadd.s32 v1, v3;
	_ =	sdelay $0x2  }
0xa8: {  	[tilespmem:s29], [sflag:$0x1] =	stream.indirect_vreg.gather [hbm4b:s2+s3], $0x80, v4, vm0, $0xb8;
	[tilespmem:$0xE300] =	vst v63  }
0xa9: {  	_ = 	snop  }
0xaa: {  	[tilespmem:s30], [sflag:$0x1] =	stream.indirect_vreg.gather [hbm4b:s2+s3], $0x80, v3, vm0, $0xb8;
	[tilespmem:$0xE300] =	vst v63  }
0xab: {  	v3 =	vld [tilespmem:$0x130];
	_ =	sdelay $0x4  }
0xac: {  	v4 =	vshll.u32 v3, $0x1  }
0xad: {  	v3 =	vand.u32 $0x7, v3;
	v4 =	vand.u32 $0xFFFFFFF0, v4  }
0xae: {  	v3 =	vor.u32 v3, v4  }
0xaf: {  	v4 =	vperm.xlane v3, v0;
	_ =	sdelay $0x1  }
0xb0: {  	v3 =	vperm.xlane v3, v2;
	v4 =	vadd.s32 v1, v4;
	_ =	sdelay $0x1  }
0xb1: {  	v3 =	vadd.s32 v1, v3;
	_ =	sdelay $0x1  }
0xb2: {  	s22 =	sand.u32 $0x1800, s3;
	s23 =	sand.u32 $0x380, s3  }
0xb3: {  	[tilespmem:s31], [sflag:$0x1] =	stream.indirect_vreg.gather [hbm4b:s2+s3], $0x80, v4, vm0, $0xb8;
	[tilespmem:$0xE300] =	vst v63  }
0xb4: {  	s5 =	sor.u32 s23, s22  }
0xb5: {  	[tilespmem:s0], [sflag:$0x1] =	stream.indirect_vreg.gather [hbm4b:s2+s3], $0x80, v3, vm0, $0xb8;
	[tilespmem:$0xE300] =	vst v63  }
0xb6: {  	v3 =	vld [tilespmem:s5+$0x2720]  }
0xb7: {  	v8 =	vld [tilespmem:s5+$0x4350]  }
0xb8: {  	v11 =	vld [tilespmem:s5+$0x2700]  }
0xb9: {  	v5 =	vld [tilespmem:s5+$0x720]  }
0xba: {  	v12 =	vld [tilespmem:s5+$0x2360]  }
0xbb: {  	v16 =	vld [tilespmem:s5+$0x370]  }
0xbc: {  	v15 =	vld [tilespmem:s5+$0x4700]  }
0xbd: {  	v23 =	vld [tilespmem:s5+$0x360]  }
0xbe: {  	v13 =	vld [tilespmem:s5+$0x2350]  }
0xbf: {  	v14 =	vld [tilespmem:s5+$0x2340]  }
0xc0: {  	v17 =	vld [tilespmem:s5+$0x2330]  }
0xc1: {  	v18 =	vld [tilespmem:s5+$0x340]  }
0xc2: {  	v19 =	vld [tilespmem:s5+$0x4770]  }
0xc3: {  	v20 =	vld [tilespmem:s5+$0x4760]  }
0xc4: {  	v21 =	vld [tilespmem:s5+$0x2320]  }
0xc5: {  	v22 =	vld [tilespmem:s5+$0x320]  }
0xc6: {  	v24 =	vld [tilespmem:s5+$0x2310]  }
0xc7: {  	v7 =	vmov s3;
	v25 =	vld [tilespmem:s5+$0x310]  }
0xc8: {  	v26 =	vld [tilespmem:s5+$0x2300]  }
0xc9: {  	v27 =	vld [tilespmem:s5+$0x300]  }
0xca: {  	v28 =	vld [tilespmem:s5+$0x4750]  }
0xcb: {  	v6 =	vld [tilespmem:s5+$0x4730]  }
0xcc: {  	v4 =	vld.idx.msk [tilespmem:v7+s20+$0x0], $0xffff  }
0xcd: {  	v9 =	vld.idx.msk [tilespmem:v7+s19+$0x0], $0xffff  }
0xce: {  	v7 =	vld.idx.msk [tilespmem:v7+s18+$0x0], $0xffff  }
0xcf: {  	v34 =	vld [tilespmem:s5+$0x760]  }
0xd0: {  	v35 =	vld [tilespmem:s5+$0x2760]  }
0xd1: {  	v10 =	vld [tilespmem:s5+$0x4720]  }
0xd2: {  	v30 =	vld [tilespmem:s5+$0x740];
	v38 =	vmul.f32 v8, v4;
	v28 =	vmul.f32 v28, v4  }
0xd3: {  	v39 =	vld [tilespmem:s5+$0x4300];
	v40 =	vmul.f32 v13, v9;
	v8 =	vmul.f32 v12, v9  }
0xd4: {  	v31 =	vld [tilespmem:s5+$0x2740];
	v13 =	vmul.f32 v26, v9;
	v26 =	vmul.f32 v27, v7  }
0xd5: {  	v32 =	vld [tilespmem:s5+$0x750];
	v34 =	vmul.f32 v34, v7;
	v35 =	vmul.f32 v35, v9  }
0xd6: {  	v33 =	vld [tilespmem:s5+$0x2750];
	v24 =	vmul.f32 v24, v9;
	v25 =	vmul.f32 v25, v7  }
0xd7: {  	v12 =	vld [tilespmem:s5+$0x4310];
	v21 =	vmul.f32 v21, v9;
	v60 =	vmul.f32 v18, v7  }
0xd8: {  	v36 =	vld [tilespmem:s5+$0x770];
	v18 =	vmul.f32 v39, v4;
	v61 =	vmul.f32 v14, v9  }
0xd9: {  	v27 =	vld [tilespmem:s5+$0x4320];
	v26 =	vadd.f32 v13, v26;
	v13 =	vmul.f32 v20, v4;
	v20 =	vadd.f32 v35, v34  }
0xda: {  	v37 =	vld [tilespmem:s5+$0x2770];
	v14 =	vmul.f32 v22, v7;
	v19 =	vmul.f32 v19, v4  }
0xdb: {  	v17 =	vmul.f32 v17, v9;
	v24 =	vadd.f32 v24, v25;
	v25 =	vld [tilespmem:s5+$0x4340];
	v20 =	vadd.f32 v13, v20  }
0xdc: {  	v41 =	vld [tilespmem:s5+$0x330];
	v13 =	vmul.f32 v11, v9;
	v11 =	vmul.f32 v12, v4;
	v12 =	vadd.f32 v18, v26  }
0xdd: {  	v42 =	vld [tilespmem:s5+$0x350];
	v15 =	vmul.f32 v15, v4;
	v18 =	vadd.f32 v21, v14;
	v21 =	vmul.f32 v33, v9;
	[tilespmem:s5+$0xC760] =	vst v20  }
0xde: {  	v59 =	vld [tilespmem:s5+$0x4330];
	v20 =	vmul.f32 v27, v4;
	v22 =	vadd.f32 v11, v24;
	[tilespmem:s5+$0xC300] =	vst v12;
	v12 =	vmul.f32 v36, v7  }
0xdf: {  	v29 =	vld [tilespmem:s5+$0x2730];
	v62 =	vadd.f32 v61, v60;
	v24 =	vmul.f32 v37, v9;
	v11 =	vmul.f32 v31, v9  }
0xe0: {  	v26 =	vld [tilespmem:s5+$0x700];
	v25 =	vmul.f32 v25, v4;
	v27 =	vadd.f32 v20, v18;
	[tilespmem:s5+$0xC310] =	vst v22;
	v22 =	vmul.f32 v32, v7  }
0xe1: {  	v43 =	vld [tilespmem:s5+$0x710];
	v18 =	vmul.f32 v16, v7;
	v16 =	vadd.f32 v24, v12;
	v24 =	vmul.f32 v41, v7  }
0xe2: {  	v14 =	vld [tilespmem:s5+$0x4740];
	v12 =	vmul.f32 v30, v7;
	[tilespmem:s5+$0xC320] =	vst v27;
	v27 =	vmul.f32 v42, v7;
	v63 =	vadd.f32 v21, v22  }
0xe3: {  	v20 =	vld [tilespmem:s5+$0x2370];
	v16 =	vadd.f32 v19, v16;
	v17 =	vadd.f32 v17, v24;
	v24 =	vmul.f32 v59, v4  }
0xe4: {  	v22 =	vld [tilespmem:s5+$0x2710];
	v19 =	vmul.f32 v29, v9;
	v29 =	vadd.f32 v40, v27;
	v28 =	vadd.f32 v28, v63  }
0xe5: {  	v26 =	vmul.f32 v26, v7;
	v21 =	vld [tilespmem:s5+$0x4370];
	v27 =	vadd.f32 v25, v62;
	[tilespmem:s5+$0xC770] =	vst v16;
	v17 =	vadd.f32 v24, v17  }
0xe6: {  	s6 =	simm.s32 $0x100;
	s17 =	simm.s32 $0x80;
	s21 =	simm.s32 $0x1;
	v16 =	vmul.f32 v23, v7;
	v23 =	vmul.f32 v43, v7;
	v24 =	vld [tilespmem:s5+$0x4710];
	v25 =	vadd.f32 v38, v29;
	[tilespmem:s5+$0xC750] =	vst v28  }
.LBB2_2:
0xe7: {  	s22 =	smov.u32 s21  }
0xe8: {  	v28 =	vmov s21;
	s7 =	sand.u32 $0x1800, s6;
	s23 =	sand.u32 $0x380, s17;
	v5 =	vmul.f32 v5, v7;
	v29 =	vmul.f32 v3, v9;
	v30 =	vld [tilespmem:s5+$0x730];
	s22 =	sadd.s32 $0x1, s21  }
0xe9: {  	p0 =	sne.s32 s21, $0x1F;
	v10 =	vmul.f32 v10, v4;
	s7 =	sor.u32 s23, s7;
	v20 =	vmul.f32 v20, v9;
	v13 =	vadd.f32 v13, v26;
	[tilespmem:s5+$0xC340] =	vst v27;
	v27 =	vld [tilespmem:s5+$0x4360]  }
0xea: {  	v6 =	vmul.f32 v6, v4;
	v9 =	vmul.f32 v22, v9;
	v5 =	vadd.f32 v29, v5;
	v3 =	vld [tilespmem:s7+$0x2720];
	[tilespmem:s5+$0xC350] =	vst v25  }
0xeb: {  	v18 =	vadd.f32 v20, v18;
	v20 =	vmul.f32 v21, v4;
	v13 =	vadd.f32 v15, v13;
	v22 =	vld [tilespmem:s7+$0x4350]  }
0xec: {  	v9 =	vadd.f32 v9, v23;
	v21 =	vmul.f32 v24, v4;
	v10 =	vadd.f32 v10, v5;
	v15 =	vld [tilespmem:s7+$0x2700]  }
0xed: {  	v18 =	vadd.f32 v20, v18;
	v7 =	vmul.f32 v30, v7;
	v5 =	vld [tilespmem:s7+$0x720];
	[tilespmem:s5+$0xC700] =	vst v13  }
0xee: {  	v8 =	vadd.f32 v8, v16;
	v9 =	vadd.f32 v21, v9;
	v13 =	vld [tilespmem:s7+$0x2360];
	v16 =	vmul.f32 v27, v4;
	[tilespmem:s5+$0xC720] =	vst v10  }
0xef: {  	v7 =	vadd.f32 v19, v7;
	v20 =	vld [tilespmem:s7+$0x370];
	[tilespmem:s5+$0xC370] =	vst v18  }
0xf0: {  	v18 =	vld [tilespmem:s7+$0x4700];
	v8 =	vadd.f32 v16, v8;
	[tilespmem:s5+$0xC710] =	vst v9  }
0xf1: {  	v6 =	vadd.f32 v6, v7;
	v16 =	vld [tilespmem:s7+$0x360]  }
0xf2: {  	v4 =	vmul.f32 v14, v4;
	v7 =	vadd.f32 v11, v12;
	v19 =	vld [tilespmem:s7+$0x2350];
	[tilespmem:s5+$0xC360] =	vst v8  }
0xf3: {  	v11 =	vld [tilespmem:s7+$0x2340];
	[tilespmem:s5+$0xC730] =	vst v6  }
0xf4: {  	v4 =	vadd.f32 v4, v7;
	v12 =	vld [tilespmem:s7+$0x2330]  }
0xf5: {  	v14 =	vld [tilespmem:s7+$0x340]  }
0xf6: {  	v21 =	vld [tilespmem:s7+$0x4770];
	[tilespmem:s5+$0xC740] =	vst v4  }
0xf7: {  	v23 =	vld [tilespmem:s7+$0x4760];
	[tilespmem:s5+$0xC330] =	vst v17;
	s5 =	smov.u32 s7  }
0xf8: {  	v17 =	vld [tilespmem:s5+$0x2320]  }
0xf9: {  	v24 =	vld [tilespmem:s5+$0x320]  }
0xfa: {  	v25 =	vld [tilespmem:s5+$0x2310]  }
0xfb: {  	v26 =	vld [tilespmem:s5+$0x310]  }
0xfc: {  	v27 =	vld [tilespmem:s5+$0x2300]  }
0xfd: {  	v29 =	vld [tilespmem:s5+$0x300]  }
0xfe: {  	v8 =	vld [tilespmem:s5+$0x4750]  }
0xff: {  	v6 =	vld [tilespmem:s5+$0x4730]  }
0x100: {  	v4 =	vld.idx.msk [tilespmem:v28+s20+$0x0], $0xffff  }
0x101: {  	v9 =	vld.idx.msk [tilespmem:v28+s19+$0x0], $0xffff  }
0x102: {  	v10 =	vld [tilespmem:s5+$0x4720]  }
0x103: {  	v7 =	vld.idx.msk [tilespmem:v28+s18+$0x0], $0xffff  }
0x104: {  	v28 =	vld [tilespmem:s5+$0x2730]  }
0x105: {  	v30 =	vld [tilespmem:s5+$0x740]  }
0x106: {  	v31 =	vmul.f32 v22, v4;
	v32 =	vmul.f32 v8, v4;
	v22 =	vld [tilespmem:s5+$0x2740]  }
0x107: {  	v33 =	vmul.f32 v19, v9;
	v8 =	vmul.f32 v13, v9;
	v19 =	vld [tilespmem:s5+$0x750]  }
0x108: {  	v27 =	vmul.f32 v27, v9;
	v17 =	vmul.f32 v17, v9;
	v34 =	vld [tilespmem:s5+$0x2750]  }
0x109: {  	v11 =	vmul.f32 v11, v9;
	v14 =	vmul.f32 v14, v7;
	v35 =	vld [tilespmem:s5+$0x760]  }
0x10a: {  	v25 =	vmul.f32 v25, v9;
	v13 =	vmul.f32 v15, v9;
	v36 =	vld [tilespmem:s5+$0x2760]  }
0x10b: {  	v21 =	vmul.f32 v21, v4;
	v37 =	vadd.f32 v11, v14;
	v14 =	vmul.f32 v23, v4;
	v23 =	vld [tilespmem:s5+$0x770]  }
0x10c: {  	v38 =	vmul.f32 v12, v9;
	v26 =	vmul.f32 v26, v7;
	v12 =	vld [tilespmem:s5+$0x2770]  }
0x10d: {  	v24 =	vmul.f32 v24, v7;
	v11 =	vmul.f32 v29, v7;
	v29 =	vld [tilespmem:s5+$0x4300]  }
0x10e: {  	v34 =	vmul.f32 v34, v9;
	v39 =	vld [tilespmem:s5+$0x4310];
	v35 =	vmul.f32 v35, v7  }
0x10f: {  	v15 =	vmul.f32 v18, v4;
	v27 =	vadd.f32 v27, v11;
	v40 =	vld [tilespmem:s5+$0x4320];
	v36 =	vmul.f32 v36, v9  }
0x110: {  	v17 =	vadd.f32 v17, v24;
	v11 =	vmul.f32 v22, v9;
	v24 =	vld [tilespmem:s5+$0x330];
	v22 =	vmul.f32 v23, v7  }
0x111: {  	v18 =	vmul.f32 v20, v7;
	v23 =	vld [tilespmem:s5+$0x350];
	v20 =	vadd.f32 v36, v35;
	v35 =	vmul.f32 v12, v9  }
0x112: {  	v25 =	vadd.f32 v25, v26;
	v12 =	vmul.f32 v30, v7;
	v29 =	vmul.f32 v29, v4;
	v26 =	vld [tilespmem:s5+$0x4330]  }
0x113: {  	v30 =	vmul.f32 v39, v4;
	v36 =	vld [tilespmem:s5+$0x4340];
	v14 =	vadd.f32 v14, v20;
	v20 =	vadd.f32 v35, v22  }
0x114: {  	v19 =	vmul.f32 v19, v7;
	v22 =	vadd.f32 v29, v27;
	v27 =	vmul.f32 v40, v4;
	v29 =	vld [tilespmem:s5+$0x710]  }
0x115: {  	v25 =	vadd.f32 v30, v25;
	v24 =	vmul.f32 v24, v7;
	v30 =	vld [tilespmem:s5+$0x700];
	[tilespmem:s5+$0xC760] =	vst v14;
	v35 =	vadd.f32 v21, v20  }
.Ltmp0:
0x116: {  	[tilespmem:s5+$0xC300] =	vst v22;
	v17 =	vadd.f32 v27, v17;
	v21 =	vmul.f32 v23, v7;
	v14 =	vld [tilespmem:s5+$0x4740];
	v23 =	vadd.f32 v34, v19;
	(pc) =	sbr.rel @p0 .LBB2_2-.Ltmp0, $4  }
0x117: {  	v19 =	vmul.f32 v28, v9;
	[tilespmem:s5+$0xC310] =	vst v25;
	v24 =	vadd.f32 v38, v24;
	v25 =	vmul.f32 v26, v4;
	v20 =	vld [tilespmem:s5+$0x2370]  }
0x118: {  	[tilespmem:s5+$0xC320] =	vst v17;
	v26 =	vmul.f32 v36, v4;
	v28 =	vadd.f32 v33, v21;
	v22 =	vld [tilespmem:s5+$0x2710];
	v32 =	vadd.f32 v32, v23  }
0x119: {  	v16 =	vmul.f32 v16, v7;
	v17 =	vadd.f32 v25, v24;
	v21 =	vld [tilespmem:s5+$0x4370];
	v23 =	vmul.f32 v29, v7;
	[tilespmem:s5+$0xC770] =	vst v35  }
0x11a: {  	s17 =	sadd.s32 $0x80, s17;
	s6 =	sadd.s32 $0x100, s6;
	s21 =	smov.u32 s22;
	v27 =	vadd.f32 v26, v37;
	v25 =	vadd.f32 v31, v28;
	v26 =	vmul.f32 v30, v7;
	v24 =	vld [tilespmem:s5+$0x4710];
	[tilespmem:s5+$0xC750] =	vst v32  }
0x11b: {  	v28 =	vld [tilespmem:s5+$0x730];
	v5 =	vmul.f32 v5, v7  }
0x11c: {  	v3 =	vmul.f32 v3, v9;
	[tilespmem:s5+$0xC340] =	vst v27;
	v27 =	vld [tilespmem:s5+$0x4360];
	v20 =	vmul.f32 v20, v9  }
0x11d: {  	v13 =	vadd.f32 v13, v26;
	v9 =	vmul.f32 v22, v9  }
0x11e: {  	v10 =	vmul.f32 v10, v4;
	v3 =	vadd.f32 v3, v5;
	v5 =	vadd.f32 v20, v18  }
0x11f: {  	[tilespmem:s5+$0xC330] =	vst v17;
	v18 =	vmul.f32 v21, v4;
	v13 =	vadd.f32 v15, v13;
	v9 =	vadd.f32 v9, v23  }
0x120: {  	[tilespmem:s5+$0xC350] =	vst v25;
	v15 =	vmul.f32 v24, v4;
	v3 =	vadd.f32 v10, v3;
	v7 =	vmul.f32 v28, v7  }
0x121: {  	v8 =	vadd.f32 v8, v16;
	v5 =	vadd.f32 v18, v5;
	[tilespmem:s5+$0xC700] =	vst v13;
	v10 =	vmul.f32 v27, v4  }
0x122: {  	v6 =	vmul.f32 v6, v4;
	v9 =	vadd.f32 v15, v9;
	[tilespmem:s5+$0xC720] =	vst v3;
	v3 =	vadd.f32 v19, v7  }
0x123: {  	v4 =	vmul.f32 v14, v4;
	[tilespmem:s5+$0xC370] =	vst v5;
	v7 =	vadd.f32 v11, v12;
	v5 =	vadd.f32 v10, v8  }
0x124: {  	[tilespmem:s5+$0xC710] =	vst v9;
	v3 =	vadd.f32 v6, v3  }
0x125: {  	v4 =	vadd.f32 v4, v7;
	[tilespmem:s5+$0xC360] =	vst v5  }
0x126: {  	[tilespmem:s5+$0xC730] =	vst v3  }
0x127: {  	[tilespmem:s5+$0xC740] =	vst v4;
	s5 =	simm.s32 $0x0  }
0x128: {  	[hbm4b:s8+s5] =	stream.linear.scatter [tilespmem:s4], [sflag:$0x2], $0x2000, $0x38;
	[tilespmem:$0xE300] =	vst v63  }
0x129: {  	_ =	swait.ge [sflag:s15], $0x2000  }
0x12a: {  	[sflag:s15] =	ssyncset.done $0x0  }
0x12b: {  	[sflag:s15] =	ssyncadd.s32 $0xFFFFE000  }
0x12c: {  	_ =	swait.ge [sflag:s16], $0x2000  }
0x12d: {  	[sflag:s16] =	ssyncset.done $0x0  }
0x12e: {  	[sflag:s16] =	ssyncadd.s32 $0xFFFFE000  }
0x12f: {  	_ =	swait.ge [sflag:s16], $0x2000  }
0x130: {  	[sflag:s16] =	ssyncset.done $0x0  }
0x131: {  	[sflag:s16] =	ssyncadd.s32 $0xFFFFE000  }
0x132: {  	_ =	swait.ge [sflag:s16], $0x2000  }
0x133: {  	[sflag:s16] =	ssyncset.done $0x0  }
0x134: {  	[sflag:s16] =	ssyncadd.s32 $0xFFFFE000  }
0x135: {  	v3 =	vld [tilespmem:$0x40];
	_ =	sdelay $0x4  }
0x136: {  	v4 =	vshll.u32 v3, $0x1  }
0x137: {  	v3 =	vand.u32 $0x7, v3;
	v4 =	vand.u32 $0xFFFFFFF0, v4  }
0x138: {  	v3 =	vor.u32 v3, v4  }
0x139: {  	v4 =	vperm.xlane v3, v0;
	_ =	sdelay $0x1  }
0x13a: {  	v3 =	vperm.xlane v3, v2;
	v4 =	vadd.s32 v1, v4;
	_ =	sdelay $0x1  }
0x13b: {  	v3 =	vadd.s32 v1, v3;
	_ =	sdelay $0x1  }
0x13c: {  	s6 =	simm.s32 $0x300  }
0x13d: {  	[tilespmem:s6], [sflag:$0x1] =	stream.indirect_vreg.gather [hbm4b:s2+s5], $0x80, v4, vm0, $0xb8;
	[tilespmem:$0xE300] =	vst v63  }
0x13e: {  	s21 =	simm.s32 $0xB00  }
0x13f: {  	[tilespmem:s21], [sflag:$0x1] =	stream.indirect_vreg.gather [hbm4b:s2+s5], $0x80, v3, vm0, $0xb8;
	[tilespmem:$0xE300] =	vst v63  }
0x140: {  	v3 =	vld [tilespmem:$0x50];
	_ =	sdelay $0x4  }
0x141: {  	v4 =	vshll.u32 v3, $0x1  }
0x142: {  	v3 =	vand.u32 $0x7, v3;
	v4 =	vand.u32 $0xFFFFFFF0, v4  }
0x143: {  	v3 =	vor.u32 v3, v4  }
0x144: {  	v4 =	vperm.xlane v3, v0;
	_ =	sdelay $0x1  }
0x145: {  	v3 =	vperm.xlane v3, v2;
	v4 =	vadd.s32 v1, v4;
	_ =	sdelay $0x1  }
0x146: {  	v3 =	vadd.s32 v1, v3;
	_ =	sdelay $0x1  }
0x147: {  	s22 =	simm.s32 $0x1300  }
0x148: {  	[tilespmem:s22], [sflag:$0x1] =	stream.indirect_vreg.gather [hbm4b:s2+s5], $0x80, v4, vm0, $0xb8;
	[tilespmem:$0xE300] =	vst v63  }
0x149: {  	s23 =	simm.s32 $0x1B00  }
0x14a: {  	[tilespmem:s23], [sflag:$0x1] =	stream.indirect_vreg.gather [hbm4b:s2+s5], $0x80, v3, vm0, $0xb8;
	[tilespmem:$0xE300] =	vst v63  }
0x14b: {  	v3 =	vld [tilespmem:$0xC0];
	_ =	sdelay $0x4  }
0x14c: {  	v4 =	vshll.u32 v3, $0x1  }
0x14d: {  	v3 =	vand.u32 $0x7, v3;
	v4 =	vand.u32 $0xFFFFFFF0, v4  }
0x14e: {  	v3 =	vor.u32 v3, v4  }
0x14f: {  	v4 =	vperm.xlane v3, v0;
	_ =	sdelay $0x1  }
0x150: {  	v3 =	vperm.xlane v3, v2;
	v4 =	vadd.s32 v1, v4;
	_ =	sdelay $0x1  }
0x151: {  	v3 =	vadd.s32 v1, v3;
	_ =	sdelay $0x1  }
0x152: {  	s7 =	simm.s32 $0x2300  }
0x153: {  	[tilespmem:s7], [sflag:$0x1] =	stream.indirect_vreg.gather [hbm4b:s2+s5], $0x80, v4, vm0, $0xb8;
	[tilespmem:$0xE300] =	vst v63  }
0x154: {  	s17 =	simm.s32 $0x2B00  }
0x155: {  	[tilespmem:s17], [sflag:$0x1] =	stream.indirect_vreg.gather [hbm4b:s2+s5], $0x80, v3, vm0, $0xb8;
	[tilespmem:$0xE300] =	vst v63  }
0x156: {  	v3 =	vld [tilespmem:$0xD0];
	_ =	sdelay $0x4  }
0x157: {  	v4 =	vshll.u32 v3, $0x1  }
0x158: {  	v3 =	vand.u32 $0x7, v3;
	v4 =	vand.u32 $0xFFFFFFF0, v4  }
0x159: {  	v3 =	vor.u32 v3, v4  }
0x15a: {  	v4 =	vperm.xlane v3, v0;
	_ =	sdelay $0x1  }
0x15b: {  	v3 =	vperm.xlane v3, v2;
	v4 =	vadd.s32 v1, v4;
	_ =	sdelay $0x1  }
0x15c: {  	v3 =	vadd.s32 v1, v3;
	_ =	sdelay $0x1  }
0x15d: {  	s21 =	simm.s32 $0x3300  }
0x15e: {  	[tilespmem:s21], [sflag:$0x1] =	stream.indirect_vreg.gather [hbm4b:s2+s5], $0x80, v4, vm0, $0xb8;
	[tilespmem:$0xE300] =	vst v63  }
0x15f: {  	s22 =	simm.s32 $0x3B00  }
0x160: {  	[tilespmem:s22], [sflag:$0x1] =	stream.indirect_vreg.gather [hbm4b:s2+s5], $0x80, v3, vm0, $0xb8;
	[tilespmem:$0xE300] =	vst v63  }
0x161: {  	v3 =	vld [tilespmem:$0x140];
	_ =	sdelay $0x4  }
0x162: {  	v4 =	vshll.u32 v3, $0x1  }
0x163: {  	v3 =	vand.u32 $0x7, v3;
	v4 =	vand.u32 $0xFFFFFFF0, v4  }
0x164: {  	v3 =	vor.u32 v3, v4  }
0x165: {  	v4 =	vperm.xlane v3, v0;
	_ =	sdelay $0x1  }
0x166: {  	v3 =	vperm.xlane v3, v2;
	v4 =	vadd.s32 v1, v4;
	_ =	sdelay $0x1  }
0x167: {  	v3 =	vadd.s32 v1, v3;
	_ =	sdelay $0x1  }
0x168: {  	s23 =	simm.s32 $0x4300  }
0x169: {  	[tilespmem:s23], [sflag:$0x1] =	stream.indirect_vreg.gather [hbm4b:s2+s5], $0x80, v4, vm0, $0xb8;
	[tilespmem:$0xE300] =	vst v63  }
0x16a: {  	s7 =	simm.s32 $0x4B00  }
0x16b: {  	[tilespmem:s7], [sflag:$0x1] =	stream.indirect_vreg.gather [hbm4b:s2+s5], $0x80, v3, vm0, $0xb8;
	[tilespmem:$0xE300] =	vst v63  }
0x16c: {  	v3 =	vld [tilespmem:$0x150];
	_ =	sdelay $0x4  }
0x16d: {  	v4 =	vshll.u32 v3, $0x1  }
0x16e: {  	v3 =	vand.u32 $0x7, v3;
	v4 =	vand.u32 $0xFFFFFFF0, v4  }
0x16f: {  	v3 =	vor.u32 v3, v4  }
0x170: {  	v4 =	vperm.xlane v3, v0;
	_ =	sdelay $0x1  }
0x171: {  	v3 =	vperm.xlane v3, v2;
	v4 =	vadd.s32 v1, v4;
	_ =	sdelay $0x1  }
0x172: {  	s23 =	simm.s32 $0x20;
	v3 =	vadd.s32 v1, v3  }
0x173: {  	v7 =	vmov s23  }
0x174: {  	s17 =	simm.s32 $0x5300  }
0x175: {  	[tilespmem:s17], [sflag:$0x1] =	stream.indirect_vreg.gather [hbm4b:s2+s5], $0x80, v4, vm0, $0xb8;
	[tilespmem:$0xE300] =	vst v63  }
0x176: {  	s21 =	simm.s32 $0x5B00  }
0x177: {  	[tilespmem:s21], [sflag:$0x1] =	stream.indirect_vreg.gather [hbm4b:s2+s5], $0x80, v3, vm0, $0xb8;
	[tilespmem:$0xE300] =	vst v63  }
0x178: {  	v4 =	vld.idx.msk [tilespmem:v7+s20+$0x0], $0xffff  }
0x179: {  	s22 =	sand.u32 $0x1800, s5;
	s5 =	sand.u32 $0x380, s5;
	v9 =	vld.idx.msk [tilespmem:v7+s19+$0x0], $0xffff  }
0x17a: {  	s5 =	sor.u32 s5, s22;
	v7 =	vld.idx.msk [tilespmem:v7+s18+$0x0], $0xffff  }
0x17b: {  	v3 =	vld [tilespmem:s5+$0x8720]  }
0x17c: {  	v8 =	vld [tilespmem:s5+$0xA350]  }
0x17d: {  	v11 =	vld [tilespmem:s5+$0x8700]  }
0x17e: {  	v5 =	vld [tilespmem:s5+$0x6720]  }
0x17f: {  	v12 =	vld [tilespmem:s5+$0x8360]  }
0x180: {  	v16 =	vld [tilespmem:s5+$0x6370]  }
0x181: {  	v15 =	vld [tilespmem:s5+$0xA700]  }
0x182: {  	v23 =	vld [tilespmem:s5+$0x6360]  }
0x183: {  	v13 =	vld [tilespmem:s5+$0x8350]  }
0x184: {  	v14 =	vld [tilespmem:s5+$0x8340]  }
0x185: {  	v17 =	vld [tilespmem:s5+$0x8330]  }
0x186: {  	v18 =	vld [tilespmem:s5+$0x6340]  }
0x187: {  	v19 =	vld [tilespmem:s5+$0xA770]  }
0x188: {  	v20 =	vld [tilespmem:s5+$0xA760]  }
0x189: {  	v21 =	vld [tilespmem:s5+$0x8320]  }
0x18a: {  	v22 =	vld [tilespmem:s5+$0x6320]  }
0x18b: {  	v24 =	vld [tilespmem:s5+$0x8310]  }
0x18c: {  	v25 =	vld [tilespmem:s5+$0x6310]  }
0x18d: {  	v26 =	vld [tilespmem:s5+$0x8300]  }
0x18e: {  	v27 =	vld [tilespmem:s5+$0x6300]  }
0x18f: {  	v28 =	vld [tilespmem:s5+$0xA750]  }
0x190: {  	v6 =	vld [tilespmem:s5+$0xA730]  }
0x191: {  	v34 =	vld [tilespmem:s5+$0x6760]  }
0x192: {  	v35 =	vld [tilespmem:s5+$0x8760]  }
0x193: {  	v10 =	vld [tilespmem:s5+$0xA720]  }
0x194: {  	v30 =	vld [tilespmem:s5+$0x6740];
	v38 =	vmul.f32 v8, v4;
	v28 =	vmul.f32 v28, v4  }
0x195: {  	v39 =	vld [tilespmem:s5+$0xA300];
	v40 =	vmul.f32 v13, v9;
	v8 =	vmul.f32 v12, v9  }
0x196: {  	v31 =	vld [tilespmem:s5+$0x8740];
	v13 =	vmul.f32 v26, v9;
	v26 =	vmul.f32 v27, v7  }
0x197: {  	v32 =	vld [tilespmem:s5+$0x6750];
	v34 =	vmul.f32 v34, v7;
	v35 =	vmul.f32 v35, v9  }
0x198: {  	v33 =	vld [tilespmem:s5+$0x8750];
	v24 =	vmul.f32 v24, v9;
	v25 =	vmul.f32 v25, v7  }
0x199: {  	v12 =	vld [tilespmem:s5+$0xA310];
	v21 =	vmul.f32 v21, v9;
	v60 =	vmul.f32 v18, v7  }
0x19a: {  	v36 =	vld [tilespmem:s5+$0x6770];
	v18 =	vmul.f32 v39, v4;
	v61 =	vmul.f32 v14, v9  }
0x19b: {  	v27 =	vld [tilespmem:s5+$0xA320];
	v26 =	vadd.f32 v13, v26;
	v13 =	vmul.f32 v20, v4;
	v20 =	vadd.f32 v35, v34  }
0x19c: {  	v37 =	vld [tilespmem:s5+$0x8770];
	v14 =	vmul.f32 v22, v7;
	v19 =	vmul.f32 v19, v4  }
0x19d: {  	v17 =	vmul.f32 v17, v9;
	v24 =	vadd.f32 v24, v25;
	v25 =	vld [tilespmem:s5+$0xA340];
	v20 =	vadd.f32 v13, v20  }
0x19e: {  	v41 =	vld [tilespmem:s5+$0x6330];
	v13 =	vmul.f32 v11, v9;
	v11 =	vmul.f32 v12, v4;
	v12 =	vadd.f32 v18, v26  }
0x19f: {  	v42 =	vld [tilespmem:s5+$0x6350];
	v15 =	vmul.f32 v15, v4;
	v18 =	vadd.f32 v21, v14;
	v21 =	vmul.f32 v33, v9;
	[tilespmem:s5+$0xC760] =	vst v20  }
0x1a0: {  	v59 =	vld [tilespmem:s5+$0xA330];
	v20 =	vmul.f32 v27, v4;
	v22 =	vadd.f32 v11, v24;
	[tilespmem:s5+$0xC300] =	vst v12;
	v12 =	vmul.f32 v36, v7  }
0x1a1: {  	v29 =	vld [tilespmem:s5+$0x8730];
	v62 =	vadd.f32 v61, v60;
	v24 =	vmul.f32 v37, v9;
	v11 =	vmul.f32 v31, v9  }
0x1a2: {  	v26 =	vld [tilespmem:s5+$0x6700];
	v25 =	vmul.f32 v25, v4;
	v27 =	vadd.f32 v20, v18;
	[tilespmem:s5+$0xC310] =	vst v22;
	v22 =	vmul.f32 v32, v7  }
0x1a3: {  	v43 =	vld [tilespmem:s5+$0x6710];
	v18 =	vmul.f32 v16, v7;
	v16 =	vadd.f32 v24, v12;
	v24 =	vmul.f32 v41, v7  }
0x1a4: {  	v14 =	vld [tilespmem:s5+$0xA740];
	v12 =	vmul.f32 v30, v7;
	[tilespmem:s5+$0xC320] =	vst v27;
	v27 =	vmul.f32 v42, v7;
	v63 =	vadd.f32 v21, v22  }
0x1a5: {  	v20 =	vld [tilespmem:s5+$0x8370];
	v16 =	vadd.f32 v19, v16;
	v17 =	vadd.f32 v17, v24;
	v24 =	vmul.f32 v59, v4  }
0x1a6: {  	v22 =	vld [tilespmem:s5+$0x8710];
	v19 =	vmul.f32 v29, v9;
	v29 =	vadd.f32 v40, v27;
	v28 =	vadd.f32 v28, v63  }
0x1a7: {  	v26 =	vmul.f32 v26, v7;
	v21 =	vld [tilespmem:s5+$0xA370];
	v27 =	vadd.f32 v25, v62;
	[tilespmem:s5+$0xC770] =	vst v16;
	v17 =	vadd.f32 v24, v17  }
0x1a8: {  	s6 =	simm.s32 $0x100;
	s17 =	simm.s32 $0x80;
	s22 =	simm.s32 $0x21;
	v16 =	vmul.f32 v23, v7;
	v23 =	vmul.f32 v43, v7;
	v24 =	vld [tilespmem:s5+$0xA710];
	v25 =	vadd.f32 v38, v29;
	[tilespmem:s5+$0xC750] =	vst v28  }
.LBB2_4:
0x1a9: {  	s21 =	smov.u32 s22  }
0x1aa: {  	v28 =	vmov s22;
	s7 =	sand.u32 $0x1800, s6;
	s23 =	sand.u32 $0x380, s17;
	v5 =	vmul.f32 v5, v7;
	v29 =	vmul.f32 v3, v9;
	v30 =	vld [tilespmem:s5+$0x6730];
	s21 =	sadd.s32 $0x1, s22  }
0x1ab: {  	p0 =	sne.s32 s22, $0x3F;
	v10 =	vmul.f32 v10, v4;
	s7 =	sor.u32 s23, s7;
	v20 =	vmul.f32 v20, v9;
	v13 =	vadd.f32 v13, v26;
	[tilespmem:s5+$0xC340] =	vst v27;
	v27 =	vld [tilespmem:s5+$0xA360]  }
0x1ac: {  	v6 =	vmul.f32 v6, v4;
	v9 =	vmul.f32 v22, v9;
	v5 =	vadd.f32 v29, v5;
	v3 =	vld [tilespmem:s7+$0x8720];
	[tilespmem:s5+$0xC350] =	vst v25  }
0x1ad: {  	v18 =	vadd.f32 v20, v18;
	v20 =	vmul.f32 v21, v4;
	v13 =	vadd.f32 v15, v13;
	v22 =	vld [tilespmem:s7+$0xA350]  }
0x1ae: {  	v9 =	vadd.f32 v9, v23;
	v21 =	vmul.f32 v24, v4;
	v10 =	vadd.f32 v10, v5;
	v15 =	vld [tilespmem:s7+$0x8700]  }
0x1af: {  	v18 =	vadd.f32 v20, v18;
	v7 =	vmul.f32 v30, v7;
	v5 =	vld [tilespmem:s7+$0x6720];
	[tilespmem:s5+$0xC700] =	vst v13  }
0x1b0: {  	v8 =	vadd.f32 v8, v16;
	v9 =	vadd.f32 v21, v9;
	v13 =	vld [tilespmem:s7+$0x8360];
	v16 =	vmul.f32 v27, v4;
	[tilespmem:s5+$0xC720] =	vst v10  }
0x1b1: {  	v7 =	vadd.f32 v19, v7;
	v20 =	vld [tilespmem:s7+$0x6370];
	[tilespmem:s5+$0xC370] =	vst v18  }
0x1b2: {  	v18 =	vld [tilespmem:s7+$0xA700];
	v8 =	vadd.f32 v16, v8;
	[tilespmem:s5+$0xC710] =	vst v9  }
0x1b3: {  	v6 =	vadd.f32 v6, v7;
	v16 =	vld [tilespmem:s7+$0x6360]  }
0x1b4: {  	v4 =	vmul.f32 v14, v4;
	v7 =	vadd.f32 v11, v12;
	v19 =	vld [tilespmem:s7+$0x8350];
	[tilespmem:s5+$0xC360] =	vst v8  }
0x1b5: {  	v11 =	vld [tilespmem:s7+$0x8340];
	[tilespmem:s5+$0xC730] =	vst v6  }
0x1b6: {  	v4 =	vadd.f32 v4, v7;
	v12 =	vld [tilespmem:s7+$0x8330]  }
0x1b7: {  	v14 =	vld [tilespmem:s7+$0x6340]  }
0x1b8: {  	v21 =	vld [tilespmem:s7+$0xA770];
	[tilespmem:s5+$0xC740] =	vst v4  }
0x1b9: {  	v23 =	vld [tilespmem:s7+$0xA760];
	[tilespmem:s5+$0xC330] =	vst v17;
	s5 =	smov.u32 s7  }
0x1ba: {  	v17 =	vld [tilespmem:s5+$0x8320]  }
0x1bb: {  	v24 =	vld [tilespmem:s5+$0x6320]  }
0x1bc: {  	v25 =	vld [tilespmem:s5+$0x8310]  }
0x1bd: {  	v26 =	vld [tilespmem:s5+$0x6310]  }
0x1be: {  	v27 =	vld [tilespmem:s5+$0x8300]  }
0x1bf: {  	v29 =	vld [tilespmem:s5+$0x6300]  }
0x1c0: {  	v8 =	vld [tilespmem:s5+$0xA750]  }
0x1c1: {  	v6 =	vld [tilespmem:s5+$0xA730]  }
0x1c2: {  	v4 =	vld.idx.msk [tilespmem:v28+s20+$0x0], $0xffff  }
0x1c3: {  	v9 =	vld.idx.msk [tilespmem:v28+s19+$0x0], $0xffff  }
0x1c4: {  	v10 =	vld [tilespmem:s5+$0xA720]  }
0x1c5: {  	v7 =	vld.idx.msk [tilespmem:v28+s18+$0x0], $0xffff  }
0x1c6: {  	v28 =	vld [tilespmem:s5+$0x8730]  }
0x1c7: {  	v30 =	vld [tilespmem:s5+$0x6740]  }
0x1c8: {  	v31 =	vmul.f32 v22, v4;
	v32 =	vmul.f32 v8, v4;
	v22 =	vld [tilespmem:s5+$0x8740]  }
0x1c9: {  	v33 =	vmul.f32 v19, v9;
	v8 =	vmul.f32 v13, v9;
	v19 =	vld [tilespmem:s5+$0x6750]  }
0x1ca: {  	v27 =	vmul.f32 v27, v9;
	v17 =	vmul.f32 v17, v9;
	v34 =	vld [tilespmem:s5+$0x8750]  }
0x1cb: {  	v11 =	vmul.f32 v11, v9;
	v14 =	vmul.f32 v14, v7;
	v35 =	vld [tilespmem:s5+$0x6760]  }
0x1cc: {  	v25 =	vmul.f32 v25, v9;
	v13 =	vmul.f32 v15, v9;
	v36 =	vld [tilespmem:s5+$0x8760]  }
0x1cd: {  	v21 =	vmul.f32 v21, v4;
	v37 =	vadd.f32 v11, v14;
	v14 =	vmul.f32 v23, v4;
	v23 =	vld [tilespmem:s5+$0x6770]  }
0x1ce: {  	v38 =	vmul.f32 v12, v9;
	v26 =	vmul.f32 v26, v7;
	v12 =	vld [tilespmem:s5+$0x8770]  }
0x1cf: {  	v24 =	vmul.f32 v24, v7;
	v11 =	vmul.f32 v29, v7;
	v29 =	vld [tilespmem:s5+$0xA300]  }
0x1d0: {  	v34 =	vmul.f32 v34, v9;
	v39 =	vld [tilespmem:s5+$0xA310];
	v35 =	vmul.f32 v35, v7  }
0x1d1: {  	v15 =	vmul.f32 v18, v4;
	v27 =	vadd.f32 v27, v11;
	v40 =	vld [tilespmem:s5+$0xA320];
	v36 =	vmul.f32 v36, v9  }
0x1d2: {  	v17 =	vadd.f32 v17, v24;
	v11 =	vmul.f32 v22, v9;
	v24 =	vld [tilespmem:s5+$0x6330];
	v22 =	vmul.f32 v23, v7  }
0x1d3: {  	v18 =	vmul.f32 v20, v7;
	v23 =	vld [tilespmem:s5+$0x6350];
	v20 =	vadd.f32 v36, v35;
	v35 =	vmul.f32 v12, v9  }
0x1d4: {  	v25 =	vadd.f32 v25, v26;
	v12 =	vmul.f32 v30, v7;
	v29 =	vmul.f32 v29, v4;
	v26 =	vld [tilespmem:s5+$0xA330]  }
0x1d5: {  	v30 =	vmul.f32 v39, v4;
	v36 =	vld [tilespmem:s5+$0xA340];
	v14 =	vadd.f32 v14, v20;
	v20 =	vadd.f32 v35, v22  }
0x1d6: {  	v19 =	vmul.f32 v19, v7;
	v22 =	vadd.f32 v29, v27;
	v27 =	vmul.f32 v40, v4;
	v29 =	vld [tilespmem:s5+$0x6710]  }
0x1d7: {  	v25 =	vadd.f32 v30, v25;
	v24 =	vmul.f32 v24, v7;
	v30 =	vld [tilespmem:s5+$0x6700];
	[tilespmem:s5+$0xC760] =	vst v14;
	v35 =	vadd.f32 v21, v20  }
.Ltmp1:
0x1d8: {  	[tilespmem:s5+$0xC300] =	vst v22;
	v17 =	vadd.f32 v27, v17;
	v21 =	vmul.f32 v23, v7;
	v14 =	vld [tilespmem:s5+$0xA740];
	v23 =	vadd.f32 v34, v19;
	(pc) =	sbr.rel @p0 .LBB2_4-.Ltmp1, $4  }
0x1d9: {  	v19 =	vmul.f32 v28, v9;
	[tilespmem:s5+$0xC310] =	vst v25;
	v24 =	vadd.f32 v38, v24;
	v25 =	vmul.f32 v26, v4;
	v20 =	vld [tilespmem:s5+$0x8370]  }
0x1da: {  	[tilespmem:s5+$0xC320] =	vst v17;
	v26 =	vmul.f32 v36, v4;
	v28 =	vadd.f32 v33, v21;
	v22 =	vld [tilespmem:s5+$0x8710];
	v32 =	vadd.f32 v32, v23  }
0x1db: {  	v16 =	vmul.f32 v16, v7;
	v17 =	vadd.f32 v25, v24;
	v21 =	vld [tilespmem:s5+$0xA370];
	v23 =	vmul.f32 v29, v7;
	[tilespmem:s5+$0xC770] =	vst v35  }
0x1dc: {  	s17 =	sadd.s32 $0x80, s17;
	s6 =	sadd.s32 $0x100, s6;
	s22 =	smov.u32 s21;
	v27 =	vadd.f32 v26, v37;
	v25 =	vadd.f32 v31, v28;
	v26 =	vmul.f32 v30, v7;
	v24 =	vld [tilespmem:s5+$0xA710];
	[tilespmem:s5+$0xC750] =	vst v32  }
0x1dd: {  	v28 =	vld [tilespmem:s5+$0x6730];
	v5 =	vmul.f32 v5, v7  }
0x1de: {  	v3 =	vmul.f32 v3, v9;
	[tilespmem:s5+$0xC340] =	vst v27;
	v27 =	vld [tilespmem:s5+$0xA360];
	v20 =	vmul.f32 v20, v9  }
0x1df: {  	v13 =	vadd.f32 v13, v26;
	v9 =	vmul.f32 v22, v9  }
0x1e0: {  	v10 =	vmul.f32 v10, v4;
	v3 =	vadd.f32 v3, v5;
	v5 =	vadd.f32 v20, v18  }
0x1e1: {  	[tilespmem:s5+$0xC330] =	vst v17;
	v18 =	vmul.f32 v21, v4;
	v13 =	vadd.f32 v15, v13;
	v9 =	vadd.f32 v9, v23  }
0x1e2: {  	[tilespmem:s5+$0xC350] =	vst v25;
	v15 =	vmul.f32 v24, v4;
	v3 =	vadd.f32 v10, v3;
	v7 =	vmul.f32 v28, v7  }
0x1e3: {  	v8 =	vadd.f32 v8, v16;
	v5 =	vadd.f32 v18, v5;
	[tilespmem:s5+$0xC700] =	vst v13;
	v10 =	vmul.f32 v27, v4  }
0x1e4: {  	v6 =	vmul.f32 v6, v4;
	v9 =	vadd.f32 v15, v9;
	[tilespmem:s5+$0xC720] =	vst v3;
	v3 =	vadd.f32 v19, v7  }
0x1e5: {  	v4 =	vmul.f32 v14, v4;
	[tilespmem:s5+$0xC370] =	vst v5;
	v7 =	vadd.f32 v11, v12;
	v5 =	vadd.f32 v10, v8  }
0x1e6: {  	[tilespmem:s5+$0xC710] =	vst v9;
	v3 =	vadd.f32 v6, v3  }
0x1e7: {  	v4 =	vadd.f32 v4, v7;
	[tilespmem:s5+$0xC360] =	vst v5  }
0x1e8: {  	[tilespmem:s5+$0xC730] =	vst v3  }
0x1e9: {  	s23 =	simm.s32 $0x0;
	[tilespmem:s5+$0xC740] =	vst v4  }
0x1ea: {  	[hbm4b:s11+s23] =	stream.linear.scatter [tilespmem:s4], [sflag:$0x2], $0x2000, $0x38;
	[tilespmem:$0xE300] =	vst v63  }
0x1eb: {  	_ =	swait.ge [sflag:s15], $0x2000  }
0x1ec: {  	[sflag:s15] =	ssyncset.done $0x0  }
0x1ed: {  	[sflag:s15] =	ssyncadd.s32 $0xFFFFE000  }
0x1ee: {  	_ =	swait.ge [sflag:s16], $0x2000  }
0x1ef: {  	[sflag:s16] =	ssyncset.done $0x0  }
0x1f0: {  	[sflag:s16] =	ssyncadd.s32 $0xFFFFE000  }
0x1f1: {  	_ =	swait.ge [sflag:s16], $0x2000  }
0x1f2: {  	[sflag:s16] =	ssyncset.done $0x0  }
0x1f3: {  	[sflag:s16] =	ssyncadd.s32 $0xFFFFE000  }
0x1f4: {  	_ =	swait.ge [sflag:s16], $0x2000  }
0x1f5: {  	[sflag:s16] =	ssyncset.done $0x0  }
0x1f6: {  	[sflag:s16] =	ssyncadd.s32 $0xFFFFE000  }
0x1f7: {  	v3 =	vld [tilespmem:$0x60];
	_ =	sdelay $0x4  }
0x1f8: {  	v4 =	vshll.u32 v3, $0x1  }
0x1f9: {  	v3 =	vand.u32 $0x7, v3;
	v4 =	vand.u32 $0xFFFFFFF0, v4  }
0x1fa: {  	v3 =	vor.u32 v3, v4  }
0x1fb: {  	v4 =	vperm.xlane v3, v0;
	_ =	sdelay $0x1  }
0x1fc: {  	v3 =	vperm.xlane v3, v2;
	v4 =	vadd.s32 v1, v4;
	_ =	sdelay $0x1  }
0x1fd: {  	v3 =	vadd.s32 v1, v3;
	_ =	sdelay $0x1  }
0x1fe: {  	s6 =	simm.s32 $0x6300  }
0x1ff: {  	[tilespmem:s6], [sflag:$0x1] =	stream.indirect_vreg.gather [hbm4b:s2+s23], $0x80, v4, vm0, $0xb8;
	[tilespmem:$0xE300] =	vst v63  }
0x200: {  	s7 =	simm.s32 $0x6B00  }
0x201: {  	[tilespmem:s7], [sflag:$0x1] =	stream.indirect_vreg.gather [hbm4b:s2+s23], $0x80, v3, vm0, $0xb8;
	[tilespmem:$0xE300] =	vst v63  }
0x202: {  	v3 =	vld [tilespmem:$0x70];
	_ =	sdelay $0x4  }
0x203: {  	v4 =	vshll.u32 v3, $0x1  }
0x204: {  	v3 =	vand.u32 $0x7, v3;
	v4 =	vand.u32 $0xFFFFFFF0, v4  }
0x205: {  	v3 =	vor.u32 v3, v4  }
0x206: {  	v4 =	vperm.xlane v3, v0;
	_ =	sdelay $0x1  }
0x207: {  	v3 =	vperm.xlane v3, v2;
	v4 =	vadd.s32 v1, v4;
	_ =	sdelay $0x1  }
0x208: {  	v3 =	vadd.s32 v1, v3;
	_ =	sdelay $0x1  }
0x209: {  	s17 =	simm.s32 $0x7300  }
0x20a: {  	[tilespmem:s17], [sflag:$0x1] =	stream.indirect_vreg.gather [hbm4b:s2+s23], $0x80, v4, vm0, $0xb8;
	[tilespmem:$0xE300] =	vst v63  }
0x20b: {  	s21 =	simm.s32 $0x7B00  }
0x20c: {  	[tilespmem:s21], [sflag:$0x1] =	stream.indirect_vreg.gather [hbm4b:s2+s23], $0x80, v3, vm0, $0xb8;
	[tilespmem:$0xE300] =	vst v63  }
0x20d: {  	v3 =	vld [tilespmem:$0xE0];
	_ =	sdelay $0x4  }
0x20e: {  	v4 =	vshll.u32 v3, $0x1  }
0x20f: {  	v3 =	vand.u32 $0x7, v3;
	v4 =	vand.u32 $0xFFFFFFF0, v4  }
0x210: {  	v3 =	vor.u32 v3, v4  }
0x211: {  	v4 =	vperm.xlane v3, v0;
	_ =	sdelay $0x1  }
0x212: {  	v3 =	vperm.xlane v3, v2;
	v4 =	vadd.s32 v1, v4;
	_ =	sdelay $0x1  }
0x213: {  	v3 =	vadd.s32 v1, v3;
	_ =	sdelay $0x2  }
0x214: {  	[tilespmem:s24], [sflag:$0x1] =	stream.indirect_vreg.gather [hbm4b:s2+s23], $0x80, v4, vm0, $0xb8;
	[tilespmem:$0xE300] =	vst v63  }
0x215: {  	_ = 	snop  }
0x216: {  	[tilespmem:s25], [sflag:$0x1] =	stream.indirect_vreg.gather [hbm4b:s2+s23], $0x80, v3, vm0, $0xb8;
	[tilespmem:$0xE300] =	vst v63  }
0x217: {  	v3 =	vld [tilespmem:$0xF0];
	_ =	sdelay $0x4  }
0x218: {  	v4 =	vshll.u32 v3, $0x1  }
0x219: {  	v3 =	vand.u32 $0x7, v3;
	v4 =	vand.u32 $0xFFFFFFF0, v4  }
0x21a: {  	v3 =	vor.u32 v3, v4  }
0x21b: {  	v4 =	vperm.xlane v3, v0;
	_ =	sdelay $0x1  }
0x21c: {  	v3 =	vperm.xlane v3, v2;
	v4 =	vadd.s32 v1, v4;
	_ =	sdelay $0x1  }
0x21d: {  	v3 =	vadd.s32 v1, v3;
	_ =	sdelay $0x2  }
0x21e: {  	[tilespmem:s26], [sflag:$0x1] =	stream.indirect_vreg.gather [hbm4b:s2+s23], $0x80, v4, vm0, $0xb8;
	[tilespmem:$0xE300] =	vst v63  }
0x21f: {  	_ = 	snop  }
0x220: {  	[tilespmem:s28], [sflag:$0x1] =	stream.indirect_vreg.gather [hbm4b:s2+s23], $0x80, v3, vm0, $0xb8;
	[tilespmem:$0xE300] =	vst v63  }
0x221: {  	v3 =	vld [tilespmem:$0x160];
	_ =	sdelay $0x4  }
0x222: {  	v4 =	vshll.u32 v3, $0x1  }
0x223: {  	v3 =	vand.u32 $0x7, v3;
	v4 =	vand.u32 $0xFFFFFFF0, v4  }
0x224: {  	v3 =	vor.u32 v3, v4  }
0x225: {  	v4 =	vperm.xlane v3, v0;
	_ =	sdelay $0x1  }
0x226: {  	v3 =	vperm.xlane v3, v2;
	v4 =	vadd.s32 v1, v4;
	_ =	sdelay $0x1  }
0x227: {  	v3 =	vadd.s32 v1, v3;
	_ =	sdelay $0x2  }
0x228: {  	[tilespmem:s29], [sflag:$0x1] =	stream.indirect_vreg.gather [hbm4b:s2+s23], $0x80, v4, vm0, $0xb8;
	[tilespmem:$0xE300] =	vst v63  }
0x229: {  	_ = 	snop  }
0x22a: {  	[tilespmem:s30], [sflag:$0x1] =	stream.indirect_vreg.gather [hbm4b:s2+s23], $0x80, v3, vm0, $0xb8;
	[tilespmem:$0xE300] =	vst v63  }
0x22b: {  	v3 =	vld [tilespmem:$0x170];
	_ =	sdelay $0x4  }
0x22c: {  	v4 =	vshll.u32 v3, $0x1  }
0x22d: {  	v3 =	vand.u32 $0x7, v3;
	v4 =	vand.u32 $0xFFFFFFF0, v4  }
0x22e: {  	v3 =	vor.u32 v3, v4  }
0x22f: {  	v4 =	vperm.xlane v3, v0;
	_ =	sdelay $0x1  }
0x230: {  	v3 =	vperm.xlane v3, v2;
	v4 =	vadd.s32 v1, v4;
	_ =	sdelay $0x1  }
0x231: {  	v3 =	vadd.s32 v1, v3;
	_ =	sdelay $0x1  }
0x232: {  	s22 =	sand.u32 $0x1800, s23;
	s5 =	sand.u32 $0x380, s23  }
0x233: {  	[tilespmem:s31], [sflag:$0x1] =	stream.indirect_vreg.gather [hbm4b:s2+s23], $0x80, v4, vm0, $0xb8;
	[tilespmem:$0xE300] =	vst v63  }
0x234: {  	s5 =	sor.u32 s5, s22  }
0x235: {  	[tilespmem:s0], [sflag:$0x1] =	stream.indirect_vreg.gather [hbm4b:s2+s23], $0x80, v3, vm0, $0xb8;
	[tilespmem:$0xE300] =	vst v63  }
0x236: {  	v3 =	vld [tilespmem:s5+$0x2720]  }
0x237: {  	v8 =	vld [tilespmem:s5+$0x4350]  }
0x238: {  	v11 =	vld [tilespmem:s5+$0x2700]  }
0x239: {  	v5 =	vld [tilespmem:s5+$0x720]  }
0x23a: {  	v12 =	vld [tilespmem:s5+$0x2360]  }
0x23b: {  	v16 =	vld [tilespmem:s5+$0x370]  }
0x23c: {  	v15 =	vld [tilespmem:s5+$0x4700]  }
0x23d: {  	v23 =	vld [tilespmem:s5+$0x360]  }
0x23e: {  	v13 =	vld [tilespmem:s5+$0x2350]  }
0x23f: {  	v14 =	vld [tilespmem:s5+$0x2340]  }
0x240: {  	v17 =	vld [tilespmem:s5+$0x2330]  }
0x241: {  	v18 =	vld [tilespmem:s5+$0x340]  }
0x242: {  	v19 =	vld [tilespmem:s5+$0x4770]  }
0x243: {  	v20 =	vld [tilespmem:s5+$0x4760]  }
0x244: {  	v21 =	vld [tilespmem:s5+$0x2320]  }
0x245: {  	v22 =	vld [tilespmem:s5+$0x320]  }
0x246: {  	v24 =	vld [tilespmem:s5+$0x2310]  }
0x247: {  	s23 =	simm.s32 $0x40;
	v25 =	vld [tilespmem:s5+$0x310]  }
0x248: {  	v7 =	vmov s23;
	v26 =	vld [tilespmem:s5+$0x2300]  }
0x249: {  	v27 =	vld [tilespmem:s5+$0x300]  }
0x24a: {  	v28 =	vld [tilespmem:s5+$0x4750]  }
0x24b: {  	v6 =	vld [tilespmem:s5+$0x4730]  }
0x24c: {  	v34 =	vld [tilespmem:s5+$0x760]  }
0x24d: {  	v4 =	vld.idx.msk [tilespmem:v7+s20+$0x0], $0xffff  }
0x24e: {  	v9 =	vld.idx.msk [tilespmem:v7+s19+$0x0], $0xffff  }
0x24f: {  	v7 =	vld.idx.msk [tilespmem:v7+s18+$0x0], $0xffff  }
0x250: {  	v35 =	vld [tilespmem:s5+$0x2760]  }
0x251: {  	v10 =	vld [tilespmem:s5+$0x4720]  }
0x252: {  	v30 =	vld [tilespmem:s5+$0x740];
	v38 =	vmul.f32 v8, v4;
	v28 =	vmul.f32 v28, v4  }
0x253: {  	v39 =	vld [tilespmem:s5+$0x4300];
	v40 =	vmul.f32 v13, v9;
	v8 =	vmul.f32 v12, v9  }
0x254: {  	v31 =	vld [tilespmem:s5+$0x2740];
	v13 =	vmul.f32 v26, v9;
	v26 =	vmul.f32 v27, v7  }
0x255: {  	v32 =	vld [tilespmem:s5+$0x750];
	v34 =	vmul.f32 v34, v7;
	v35 =	vmul.f32 v35, v9  }
0x256: {  	v33 =	vld [tilespmem:s5+$0x2750];
	v24 =	vmul.f32 v24, v9;
	v25 =	vmul.f32 v25, v7  }
0x257: {  	v12 =	vld [tilespmem:s5+$0x4310];
	v21 =	vmul.f32 v21, v9;
	v60 =	vmul.f32 v18, v7  }
0x258: {  	v36 =	vld [tilespmem:s5+$0x770];
	v18 =	vmul.f32 v39, v4;
	v61 =	vmul.f32 v14, v9  }
0x259: {  	v27 =	vld [tilespmem:s5+$0x4320];
	v26 =	vadd.f32 v13, v26;
	v13 =	vmul.f32 v20, v4;
	v20 =	vadd.f32 v35, v34  }
0x25a: {  	v37 =	vld [tilespmem:s5+$0x2770];
	v14 =	vmul.f32 v22, v7;
	v19 =	vmul.f32 v19, v4  }
0x25b: {  	v17 =	vmul.f32 v17, v9;
	v24 =	vadd.f32 v24, v25;
	v25 =	vld [tilespmem:s5+$0x4340];
	v20 =	vadd.f32 v13, v20  }
0x25c: {  	v41 =	vld [tilespmem:s5+$0x330];
	v13 =	vmul.f32 v11, v9;
	v11 =	vmul.f32 v12, v4;
	v12 =	vadd.f32 v18, v26  }
0x25d: {  	v42 =	vld [tilespmem:s5+$0x350];
	v15 =	vmul.f32 v15, v4;
	v18 =	vadd.f32 v21, v14;
	v21 =	vmul.f32 v33, v9;
	[tilespmem:s5+$0xC760] =	vst v20  }
0x25e: {  	v59 =	vld [tilespmem:s5+$0x4330];
	v20 =	vmul.f32 v27, v4;
	v22 =	vadd.f32 v11, v24;
	[tilespmem:s5+$0xC300] =	vst v12;
	v12 =	vmul.f32 v36, v7  }
0x25f: {  	v29 =	vld [tilespmem:s5+$0x2730];
	v62 =	vadd.f32 v61, v60;
	v24 =	vmul.f32 v37, v9;
	v11 =	vmul.f32 v31, v9  }
0x260: {  	v26 =	vld [tilespmem:s5+$0x700];
	v25 =	vmul.f32 v25, v4;
	v27 =	vadd.f32 v20, v18;
	[tilespmem:s5+$0xC310] =	vst v22;
	v22 =	vmul.f32 v32, v7  }
0x261: {  	v43 =	vld [tilespmem:s5+$0x710];
	v18 =	vmul.f32 v16, v7;
	v16 =	vadd.f32 v24, v12;
	v24 =	vmul.f32 v41, v7  }
0x262: {  	v14 =	vld [tilespmem:s5+$0x4740];
	v12 =	vmul.f32 v30, v7;
	[tilespmem:s5+$0xC320] =	vst v27;
	v27 =	vmul.f32 v42, v7;
	v63 =	vadd.f32 v21, v22  }
0x263: {  	v20 =	vld [tilespmem:s5+$0x2370];
	v16 =	vadd.f32 v19, v16;
	v17 =	vadd.f32 v17, v24;
	v24 =	vmul.f32 v59, v4  }
0x264: {  	v22 =	vld [tilespmem:s5+$0x2710];
	v19 =	vmul.f32 v29, v9;
	v29 =	vadd.f32 v40, v27;
	v28 =	vadd.f32 v28, v63  }
0x265: {  	v26 =	vmul.f32 v26, v7;
	v21 =	vld [tilespmem:s5+$0x4370];
	v27 =	vadd.f32 v25, v62;
	[tilespmem:s5+$0xC770] =	vst v16;
	v17 =	vadd.f32 v24, v17  }
0x266: {  	s22 =	simm.s32 $0x41;
	s6 =	simm.s32 $0x100;
	s17 =	simm.s32 $0x80;
	v16 =	vmul.f32 v23, v7;
	v23 =	vmul.f32 v43, v7;
	v24 =	vld [tilespmem:s5+$0x4710];
	v25 =	vadd.f32 v38, v29;
	[tilespmem:s5+$0xC750] =	vst v28  }
.LBB2_6:
0x267: {  	s21 =	smov.u32 s22  }
0x268: {  	v28 =	vmov s22;
	s7 =	sand.u32 $0x1800, s6;
	s23 =	sand.u32 $0x380, s17;
	v5 =	vmul.f32 v5, v7;
	v29 =	vmul.f32 v3, v9;
	v30 =	vld [tilespmem:s5+$0x730];
	s21 =	sadd.s32 $0x1, s22  }
0x269: {  	p0 =	sne.s32 s22, $0x5F;
	v10 =	vmul.f32 v10, v4;
	s7 =	sor.u32 s23, s7;
	v20 =	vmul.f32 v20, v9;
	v13 =	vadd.f32 v13, v26;
	[tilespmem:s5+$0xC340] =	vst v27;
	v27 =	vld [tilespmem:s5+$0x4360]  }
0x26a: {  	v6 =	vmul.f32 v6, v4;
	v9 =	vmul.f32 v22, v9;
	v5 =	vadd.f32 v29, v5;
	v3 =	vld [tilespmem:s7+$0x2720];
	[tilespmem:s5+$0xC350] =	vst v25  }
0x26b: {  	v18 =	vadd.f32 v20, v18;
	v20 =	vmul.f32 v21, v4;
	v13 =	vadd.f32 v15, v13;
	v22 =	vld [tilespmem:s7+$0x4350]  }
0x26c: {  	v9 =	vadd.f32 v9, v23;
	v21 =	vmul.f32 v24, v4;
	v10 =	vadd.f32 v10, v5;
	v15 =	vld [tilespmem:s7+$0x2700]  }
0x26d: {  	v18 =	vadd.f32 v20, v18;
	v7 =	vmul.f32 v30, v7;
	v5 =	vld [tilespmem:s7+$0x720];
	[tilespmem:s5+$0xC700] =	vst v13  }
0x26e: {  	v8 =	vadd.f32 v8, v16;
	v9 =	vadd.f32 v21, v9;
	v13 =	vld [tilespmem:s7+$0x2360];
	v16 =	vmul.f32 v27, v4;
	[tilespmem:s5+$0xC720] =	vst v10  }
0x26f: {  	v7 =	vadd.f32 v19, v7;
	v20 =	vld [tilespmem:s7+$0x370];
	[tilespmem:s5+$0xC370] =	vst v18  }
0x270: {  	v18 =	vld [tilespmem:s7+$0x4700];
	v8 =	vadd.f32 v16, v8;
	[tilespmem:s5+$0xC710] =	vst v9  }
0x271: {  	v6 =	vadd.f32 v6, v7;
	v16 =	vld [tilespmem:s7+$0x360]  }
0x272: {  	v4 =	vmul.f32 v14, v4;
	v7 =	vadd.f32 v11, v12;
	v19 =	vld [tilespmem:s7+$0x2350];
	[tilespmem:s5+$0xC360] =	vst v8  }
0x273: {  	v11 =	vld [tilespmem:s7+$0x2340];
	[tilespmem:s5+$0xC730] =	vst v6  }
0x274: {  	v4 =	vadd.f32 v4, v7;
	v12 =	vld [tilespmem:s7+$0x2330]  }
0x275: {  	v14 =	vld [tilespmem:s7+$0x340]  }
0x276: {  	v21 =	vld [tilespmem:s7+$0x4770];
	[tilespmem:s5+$0xC740] =	vst v4  }
0x277: {  	v23 =	vld [tilespmem:s7+$0x4760];
	[tilespmem:s5+$0xC330] =	vst v17;
	s5 =	smov.u32 s7  }
0x278: {  	v17 =	vld [tilespmem:s5+$0x2320]  }
0x279: {  	v24 =	vld [tilespmem:s5+$0x320]  }
0x27a: {  	v25 =	vld [tilespmem:s5+$0x2310]  }
0x27b: {  	v26 =	vld [tilespmem:s5+$0x310]  }
0x27c: {  	v27 =	vld [tilespmem:s5+$0x2300]  }
0x27d: {  	v29 =	vld [tilespmem:s5+$0x300]  }
0x27e: {  	v8 =	vld [tilespmem:s5+$0x4750]  }
0x27f: {  	v6 =	vld [tilespmem:s5+$0x4730]  }
0x280: {  	v4 =	vld.idx.msk [tilespmem:v28+s20+$0x0], $0xffff  }
0x281: {  	v9 =	vld.idx.msk [tilespmem:v28+s19+$0x0], $0xffff  }
0x282: {  	v10 =	vld [tilespmem:s5+$0x4720]  }
0x283: {  	v7 =	vld.idx.msk [tilespmem:v28+s18+$0x0], $0xffff  }
0x284: {  	v28 =	vld [tilespmem:s5+$0x2730]  }
0x285: {  	v30 =	vld [tilespmem:s5+$0x740]  }
0x286: {  	v31 =	vmul.f32 v22, v4;
	v32 =	vmul.f32 v8, v4;
	v22 =	vld [tilespmem:s5+$0x2740]  }
0x287: {  	v33 =	vmul.f32 v19, v9;
	v8 =	vmul.f32 v13, v9;
	v19 =	vld [tilespmem:s5+$0x750]  }
0x288: {  	v27 =	vmul.f32 v27, v9;
	v17 =	vmul.f32 v17, v9;
	v34 =	vld [tilespmem:s5+$0x2750]  }
0x289: {  	v11 =	vmul.f32 v11, v9;
	v14 =	vmul.f32 v14, v7;
	v35 =	vld [tilespmem:s5+$0x760]  }
0x28a: {  	v25 =	vmul.f32 v25, v9;
	v13 =	vmul.f32 v15, v9;
	v36 =	vld [tilespmem:s5+$0x2760]  }
0x28b: {  	v21 =	vmul.f32 v21, v4;
	v37 =	vadd.f32 v11, v14;
	v14 =	vmul.f32 v23, v4;
	v23 =	vld [tilespmem:s5+$0x770]  }
0x28c: {  	v38 =	vmul.f32 v12, v9;
	v26 =	vmul.f32 v26, v7;
	v12 =	vld [tilespmem:s5+$0x2770]  }
0x28d: {  	v24 =	vmul.f32 v24, v7;
	v11 =	vmul.f32 v29, v7;
	v29 =	vld [tilespmem:s5+$0x4300]  }
0x28e: {  	v34 =	vmul.f32 v34, v9;
	v39 =	vld [tilespmem:s5+$0x4310];
	v35 =	vmul.f32 v35, v7  }
0x28f: {  	v15 =	vmul.f32 v18, v4;
	v27 =	vadd.f32 v27, v11;
	v40 =	vld [tilespmem:s5+$0x4320];
	v36 =	vmul.f32 v36, v9  }
0x290: {  	v17 =	vadd.f32 v17, v24;
	v11 =	vmul.f32 v22, v9;
	v24 =	vld [tilespmem:s5+$0x330];
	v22 =	vmul.f32 v23, v7  }
0x291: {  	v18 =	vmul.f32 v20, v7;
	v23 =	vld [tilespmem:s5+$0x350];
	v20 =	vadd.f32 v36, v35;
	v35 =	vmul.f32 v12, v9  }
0x292: {  	v25 =	vadd.f32 v25, v26;
	v12 =	vmul.f32 v30, v7;
	v29 =	vmul.f32 v29, v4;
	v26 =	vld [tilespmem:s5+$0x4330]  }
0x293: {  	v30 =	vmul.f32 v39, v4;
	v36 =	vld [tilespmem:s5+$0x4340];
	v14 =	vadd.f32 v14, v20;
	v20 =	vadd.f32 v35, v22  }
0x294: {  	v19 =	vmul.f32 v19, v7;
	v22 =	vadd.f32 v29, v27;
	v27 =	vmul.f32 v40, v4;
	v29 =	vld [tilespmem:s5+$0x710]  }
0x295: {  	v25 =	vadd.f32 v30, v25;
	v24 =	vmul.f32 v24, v7;
	v30 =	vld [tilespmem:s5+$0x700];
	[tilespmem:s5+$0xC760] =	vst v14;
	v35 =	vadd.f32 v21, v20  }
.Ltmp2:
0x296: {  	[tilespmem:s5+$0xC300] =	vst v22;
	v17 =	vadd.f32 v27, v17;
	v21 =	vmul.f32 v23, v7;
	v14 =	vld [tilespmem:s5+$0x4740];
	v23 =	vadd.f32 v34, v19;
	(pc) =	sbr.rel @p0 .LBB2_6-.Ltmp2, $4  }
0x297: {  	v19 =	vmul.f32 v28, v9;
	[tilespmem:s5+$0xC310] =	vst v25;
	v24 =	vadd.f32 v38, v24;
	v25 =	vmul.f32 v26, v4;
	v20 =	vld [tilespmem:s5+$0x2370]  }
0x298: {  	[tilespmem:s5+$0xC320] =	vst v17;
	v26 =	vmul.f32 v36, v4;
	v28 =	vadd.f32 v33, v21;
	v22 =	vld [tilespmem:s5+$0x2710];
	v32 =	vadd.f32 v32, v23  }
0x299: {  	v16 =	vmul.f32 v16, v7;
	v17 =	vadd.f32 v25, v24;
	v21 =	vld [tilespmem:s5+$0x4370];
	v23 =	vmul.f32 v29, v7;
	[tilespmem:s5+$0xC770] =	vst v35  }
0x29a: {  	s17 =	sadd.s32 $0x80, s17;
	s6 =	sadd.s32 $0x100, s6;
	s22 =	smov.u32 s21;
	v27 =	vadd.f32 v26, v37;
	v25 =	vadd.f32 v31, v28;
	v26 =	vmul.f32 v30, v7;
	v24 =	vld [tilespmem:s5+$0x4710];
	[tilespmem:s5+$0xC750] =	vst v32  }
0x29b: {  	v28 =	vld [tilespmem:s5+$0x730];
	v5 =	vmul.f32 v5, v7  }
0x29c: {  	v3 =	vmul.f32 v3, v9;
	[tilespmem:s5+$0xC340] =	vst v27;
	v27 =	vld [tilespmem:s5+$0x4360];
	v20 =	vmul.f32 v20, v9  }
0x29d: {  	v13 =	vadd.f32 v13, v26;
	v9 =	vmul.f32 v22, v9  }
0x29e: {  	v10 =	vmul.f32 v10, v4;
	v3 =	vadd.f32 v3, v5;
	v5 =	vadd.f32 v20, v18  }
0x29f: {  	[tilespmem:s5+$0xC330] =	vst v17;
	v18 =	vmul.f32 v21, v4;
	v13 =	vadd.f32 v15, v13;
	v9 =	vadd.f32 v9, v23  }
0x2a0: {  	[tilespmem:s5+$0xC350] =	vst v25;
	v15 =	vmul.f32 v24, v4;
	v3 =	vadd.f32 v10, v3;
	v7 =	vmul.f32 v28, v7  }
0x2a1: {  	v8 =	vadd.f32 v8, v16;
	v5 =	vadd.f32 v18, v5;
	[tilespmem:s5+$0xC700] =	vst v13;
	v10 =	vmul.f32 v27, v4  }
0x2a2: {  	v6 =	vmul.f32 v6, v4;
	v9 =	vadd.f32 v15, v9;
	[tilespmem:s5+$0xC720] =	vst v3;
	v3 =	vadd.f32 v19, v7  }
0x2a3: {  	v4 =	vmul.f32 v14, v4;
	[tilespmem:s5+$0xC370] =	vst v5;
	v7 =	vadd.f32 v11, v12;
	v5 =	vadd.f32 v10, v8  }
0x2a4: {  	[tilespmem:s5+$0xC710] =	vst v9;
	v3 =	vadd.f32 v6, v3  }
0x2a5: {  	v4 =	vadd.f32 v4, v7;
	[tilespmem:s5+$0xC360] =	vst v5  }
0x2a6: {  	[tilespmem:s5+$0xC730] =	vst v3  }
0x2a7: {  	s22 =	simm.s32 $0x0;
	[tilespmem:s5+$0xC740] =	vst v4  }
0x2a8: {  	[hbm4b:s12+s22] =	stream.linear.scatter [tilespmem:s4], [sflag:$0x2], $0x2000, $0x38;
	[tilespmem:$0xE300] =	vst v63  }
0x2a9: {  	_ =	swait.ge [sflag:s15], $0x2000  }
0x2aa: {  	[sflag:s15] =	ssyncset.done $0x0  }
0x2ab: {  	[sflag:s15] =	ssyncadd.s32 $0xFFFFE000  }
0x2ac: {  	_ =	swait.ge [sflag:s16], $0x2000  }
0x2ad: {  	[sflag:s16] =	ssyncset.done $0x0  }
0x2ae: {  	[sflag:s16] =	ssyncadd.s32 $0xFFFFE000  }
0x2af: {  	_ =	swait.ge [sflag:s16], $0x2000  }
0x2b0: {  	[sflag:s16] =	ssyncset.done $0x0  }
0x2b1: {  	[sflag:s16] =	ssyncadd.s32 $0xFFFFE000  }
0x2b2: {  	_ =	swait.ge [sflag:s16], $0x2000  }
0x2b3: {  	s6 =	sand.u32 $0x1800, s22;
	s5 =	sand.u32 $0x380, s22;
	[sflag:s16] =	ssyncset.done $0x0  }
0x2b4: {  	s5 =	sor.u32 s5, s6;
	[sflag:s16] =	ssyncadd.s32 $0xFFFFE000  }
0x2b5: {  	v3 =	vld [tilespmem:s5+$0x8720]  }
0x2b6: {  	v8 =	vld [tilespmem:s5+$0xA350]  }
0x2b7: {  	v11 =	vld [tilespmem:s5+$0x8700]  }
0x2b8: {  	v5 =	vld [tilespmem:s5+$0x6720]  }
0x2b9: {  	v12 =	vld [tilespmem:s5+$0x8360]  }
0x2ba: {  	v16 =	vld [tilespmem:s5+$0x6370]  }
0x2bb: {  	v15 =	vld [tilespmem:s5+$0xA700]  }
0x2bc: {  	v23 =	vld [tilespmem:s5+$0x6360]  }
0x2bd: {  	v13 =	vld [tilespmem:s5+$0x8350]  }
0x2be: {  	v14 =	vld [tilespmem:s5+$0x8340]  }
0x2bf: {  	v17 =	vld [tilespmem:s5+$0x8330]  }
0x2c0: {  	v18 =	vld [tilespmem:s5+$0x6340]  }
0x2c1: {  	v19 =	vld [tilespmem:s5+$0xA770]  }
0x2c2: {  	v20 =	vld [tilespmem:s5+$0xA760]  }
0x2c3: {  	v21 =	vld [tilespmem:s5+$0x8320]  }
0x2c4: {  	v22 =	vld [tilespmem:s5+$0x6320]  }
0x2c5: {  	s23 =	simm.s32 $0x60;
	v24 =	vld [tilespmem:s5+$0x8310]  }
0x2c6: {  	v7 =	vmov s23;
	v25 =	vld [tilespmem:s5+$0x6310]  }
0x2c7: {  	v26 =	vld [tilespmem:s5+$0x8300]  }
0x2c8: {  	v27 =	vld [tilespmem:s5+$0x6300]  }
0x2c9: {  	v28 =	vld [tilespmem:s5+$0xA750]  }
0x2ca: {  	v6 =	vld [tilespmem:s5+$0xA730]  }
0x2cb: {  	v4 =	vld.idx.msk [tilespmem:v7+s20+$0x0], $0xffff  }
0x2cc: {  	v9 =	vld.idx.msk [tilespmem:v7+s19+$0x0], $0xffff  }
0x2cd: {  	v7 =	vld.idx.msk [tilespmem:v7+s18+$0x0], $0xffff  }
0x2ce: {  	v34 =	vld [tilespmem:s5+$0x6760]  }
0x2cf: {  	v35 =	vld [tilespmem:s5+$0x8760]  }
0x2d0: {  	v10 =	vld [tilespmem:s5+$0xA720]  }
0x2d1: {  	v30 =	vld [tilespmem:s5+$0x6740];
	v38 =	vmul.f32 v8, v4;
	v28 =	vmul.f32 v28, v4  }
0x2d2: {  	v39 =	vld [tilespmem:s5+$0xA300];
	v40 =	vmul.f32 v13, v9;
	v8 =	vmul.f32 v12, v9  }
0x2d3: {  	v31 =	vld [tilespmem:s5+$0x8740];
	v13 =	vmul.f32 v26, v9;
	v26 =	vmul.f32 v27, v7  }
0x2d4: {  	v32 =	vld [tilespmem:s5+$0x6750];
	v34 =	vmul.f32 v34, v7;
	v35 =	vmul.f32 v35, v9  }
0x2d5: {  	v33 =	vld [tilespmem:s5+$0x8750];
	v24 =	vmul.f32 v24, v9;
	v25 =	vmul.f32 v25, v7  }
0x2d6: {  	v12 =	vld [tilespmem:s5+$0xA310];
	v21 =	vmul.f32 v21, v9;
	v60 =	vmul.f32 v18, v7  }
0x2d7: {  	v36 =	vld [tilespmem:s5+$0x6770];
	v18 =	vmul.f32 v39, v4;
	v61 =	vmul.f32 v14, v9  }
0x2d8: {  	v27 =	vld [tilespmem:s5+$0xA320];
	v26 =	vadd.f32 v13, v26;
	v13 =	vmul.f32 v20, v4;
	v20 =	vadd.f32 v35, v34  }
0x2d9: {  	v37 =	vld [tilespmem:s5+$0x8770];
	v14 =	vmul.f32 v22, v7;
	v19 =	vmul.f32 v19, v4  }
0x2da: {  	v17 =	vmul.f32 v17, v9;
	v24 =	vadd.f32 v24, v25;
	v25 =	vld [tilespmem:s5+$0xA340];
	v20 =	vadd.f32 v13, v20  }
0x2db: {  	v41 =	vld [tilespmem:s5+$0x6330];
	v13 =	vmul.f32 v11, v9;
	v11 =	vmul.f32 v12, v4;
	v12 =	vadd.f32 v18, v26  }
0x2dc: {  	v42 =	vld [tilespmem:s5+$0x6350];
	v15 =	vmul.f32 v15, v4;
	v18 =	vadd.f32 v21, v14;
	v21 =	vmul.f32 v33, v9;
	[tilespmem:s5+$0xC760] =	vst v20  }
0x2dd: {  	v59 =	vld [tilespmem:s5+$0xA330];
	v20 =	vmul.f32 v27, v4;
	v22 =	vadd.f32 v11, v24;
	[tilespmem:s5+$0xC300] =	vst v12;
	v12 =	vmul.f32 v36, v7  }
0x2de: {  	v29 =	vld [tilespmem:s5+$0x8730];
	v62 =	vadd.f32 v61, v60;
	v24 =	vmul.f32 v37, v9;
	v11 =	vmul.f32 v31, v9  }
0x2df: {  	v26 =	vld [tilespmem:s5+$0x6700];
	v25 =	vmul.f32 v25, v4;
	v27 =	vadd.f32 v20, v18;
	[tilespmem:s5+$0xC310] =	vst v22;
	v22 =	vmul.f32 v32, v7  }
0x2e0: {  	v43 =	vld [tilespmem:s5+$0x6710];
	v18 =	vmul.f32 v16, v7;
	v16 =	vadd.f32 v24, v12;
	v24 =	vmul.f32 v41, v7  }
0x2e1: {  	v14 =	vld [tilespmem:s5+$0xA740];
	v12 =	vmul.f32 v30, v7;
	[tilespmem:s5+$0xC320] =	vst v27;
	v27 =	vmul.f32 v42, v7;
	v63 =	vadd.f32 v21, v22  }
0x2e2: {  	v20 =	vld [tilespmem:s5+$0x8370];
	v16 =	vadd.f32 v19, v16;
	v17 =	vadd.f32 v17, v24;
	v24 =	vmul.f32 v59, v4  }
0x2e3: {  	v22 =	vld [tilespmem:s5+$0x8710];
	v19 =	vmul.f32 v29, v9;
	v29 =	vadd.f32 v40, v27;
	v28 =	vadd.f32 v28, v63  }
0x2e4: {  	v26 =	vmul.f32 v26, v7;
	v21 =	vld [tilespmem:s5+$0xA370];
	v27 =	vadd.f32 v25, v62;
	[tilespmem:s5+$0xC770] =	vst v16;
	v17 =	vadd.f32 v24, v17  }
0x2e5: {  	s17 =	simm.s32 $0x80;
	s22 =	simm.s32 $0x61;
	s6 =	simm.s32 $0x100;
	v16 =	vmul.f32 v23, v7;
	v23 =	vmul.f32 v43, v7;
	v24 =	vld [tilespmem:s5+$0xA710];
	v25 =	vadd.f32 v38, v29;
	[tilespmem:s5+$0xC750] =	vst v28  }
.LBB2_8:
0x2e6: {  	s21 =	smov.u32 s22  }
0x2e7: {  	v28 =	vmov s22;
	s7 =	sand.u32 $0x1800, s6;
	s23 =	sand.u32 $0x380, s17;
	v5 =	vmul.f32 v5, v7;
	v29 =	vmul.f32 v3, v9;
	v30 =	vld [tilespmem:s5+$0x6730];
	s21 =	sadd.s32 $0x1, s22  }
0x2e8: {  	p0 =	sne.s32 s22, $0x7F;
	v10 =	vmul.f32 v10, v4;
	s7 =	sor.u32 s23, s7;
	v20 =	vmul.f32 v20, v9;
	v13 =	vadd.f32 v13, v26;
	[tilespmem:s5+$0xC340] =	vst v27;
	v27 =	vld [tilespmem:s5+$0xA360]  }
0x2e9: {  	v6 =	vmul.f32 v6, v4;
	v9 =	vmul.f32 v22, v9;
	v5 =	vadd.f32 v29, v5;
	v3 =	vld [tilespmem:s7+$0x8720];
	[tilespmem:s5+$0xC350] =	vst v25  }
0x2ea: {  	v18 =	vadd.f32 v20, v18;
	v20 =	vmul.f32 v21, v4;
	v13 =	vadd.f32 v15, v13;
	v22 =	vld [tilespmem:s7+$0xA350]  }
0x2eb: {  	v9 =	vadd.f32 v9, v23;
	v21 =	vmul.f32 v24, v4;
	v10 =	vadd.f32 v10, v5;
	v15 =	vld [tilespmem:s7+$0x8700]  }
0x2ec: {  	v18 =	vadd.f32 v20, v18;
	v7 =	vmul.f32 v30, v7;
	v5 =	vld [tilespmem:s7+$0x6720];
	[tilespmem:s5+$0xC700] =	vst v13  }
0x2ed: {  	v8 =	vadd.f32 v8, v16;
	v9 =	vadd.f32 v21, v9;
	v13 =	vld [tilespmem:s7+$0x8360];
	v16 =	vmul.f32 v27, v4;
	[tilespmem:s5+$0xC720] =	vst v10  }
0x2ee: {  	v7 =	vadd.f32 v19, v7;
	v20 =	vld [tilespmem:s7+$0x6370];
	[tilespmem:s5+$0xC370] =	vst v18  }
0x2ef: {  	v18 =	vld [tilespmem:s7+$0xA700];
	v8 =	vadd.f32 v16, v8;
	[tilespmem:s5+$0xC710] =	vst v9  }
0x2f0: {  	v6 =	vadd.f32 v6, v7;
	v16 =	vld [tilespmem:s7+$0x6360]  }
0x2f1: {  	v4 =	vmul.f32 v14, v4;
	v7 =	vadd.f32 v11, v12;
	v19 =	vld [tilespmem:s7+$0x8350];
	[tilespmem:s5+$0xC360] =	vst v8  }
0x2f2: {  	v11 =	vld [tilespmem:s7+$0x8340];
	[tilespmem:s5+$0xC730] =	vst v6  }
0x2f3: {  	v4 =	vadd.f32 v4, v7;
	v12 =	vld [tilespmem:s7+$0x8330]  }
0x2f4: {  	v14 =	vld [tilespmem:s7+$0x6340]  }
0x2f5: {  	v21 =	vld [tilespmem:s7+$0xA770];
	[tilespmem:s5+$0xC740] =	vst v4  }
0x2f6: {  	v23 =	vld [tilespmem:s7+$0xA760];
	[tilespmem:s5+$0xC330] =	vst v17;
	s5 =	smov.u32 s7  }
0x2f7: {  	v17 =	vld [tilespmem:s5+$0x8320]  }
0x2f8: {  	v24 =	vld [tilespmem:s5+$0x6320]  }
0x2f9: {  	v25 =	vld [tilespmem:s5+$0x8310]  }
0x2fa: {  	v26 =	vld [tilespmem:s5+$0x6310]  }
0x2fb: {  	v27 =	vld [tilespmem:s5+$0x8300]  }
0x2fc: {  	v29 =	vld [tilespmem:s5+$0x6300]  }
0x2fd: {  	v8 =	vld [tilespmem:s5+$0xA750]  }
0x2fe: {  	v6 =	vld [tilespmem:s5+$0xA730]  }
0x2ff: {  	v4 =	vld.idx.msk [tilespmem:v28+s20+$0x0], $0xffff  }
0x300: {  	v9 =	vld.idx.msk [tilespmem:v28+s19+$0x0], $0xffff  }
0x301: {  	v10 =	vld [tilespmem:s5+$0xA720]  }
0x302: {  	v7 =	vld.idx.msk [tilespmem:v28+s18+$0x0], $0xffff  }
0x303: {  	v28 =	vld [tilespmem:s5+$0x8730]  }
0x304: {  	v30 =	vld [tilespmem:s5+$0x6740]  }
0x305: {  	v31 =	vmul.f32 v22, v4;
	v32 =	vmul.f32 v8, v4;
	v22 =	vld [tilespmem:s5+$0x8740]  }
0x306: {  	v33 =	vmul.f32 v19, v9;
	v8 =	vmul.f32 v13, v9;
	v19 =	vld [tilespmem:s5+$0x6750]  }
0x307: {  	v27 =	vmul.f32 v27, v9;
	v17 =	vmul.f32 v17, v9;
	v34 =	vld [tilespmem:s5+$0x8750]  }
0x308: {  	v11 =	vmul.f32 v11, v9;
	v14 =	vmul.f32 v14, v7;
	v35 =	vld [tilespmem:s5+$0x6760]  }
0x309: {  	v25 =	vmul.f32 v25, v9;
	v13 =	vmul.f32 v15, v9;
	v36 =	vld [tilespmem:s5+$0x8760]  }
0x30a: {  	v21 =	vmul.f32 v21, v4;
	v37 =	vadd.f32 v11, v14;
	v14 =	vmul.f32 v23, v4;
	v23 =	vld [tilespmem:s5+$0x6770]  }
0x30b: {  	v38 =	vmul.f32 v12, v9;
	v26 =	vmul.f32 v26, v7;
	v12 =	vld [tilespmem:s5+$0x8770]  }
0x30c: {  	v24 =	vmul.f32 v24, v7;
	v11 =	vmul.f32 v29, v7;
	v29 =	vld [tilespmem:s5+$0xA300]  }
0x30d: {  	v34 =	vmul.f32 v34, v9;
	v39 =	vld [tilespmem:s5+$0xA310];
	v35 =	vmul.f32 v35, v7  }
0x30e: {  	v15 =	vmul.f32 v18, v4;
	v27 =	vadd.f32 v27, v11;
	v40 =	vld [tilespmem:s5+$0xA320];
	v36 =	vmul.f32 v36, v9  }
0x30f: {  	v17 =	vadd.f32 v17, v24;
	v11 =	vmul.f32 v22, v9;
	v24 =	vld [tilespmem:s5+$0x6330];
	v22 =	vmul.f32 v23, v7  }
0x310: {  	v18 =	vmul.f32 v20, v7;
	v23 =	vld [tilespmem:s5+$0x6350];
	v20 =	vadd.f32 v36, v35;
	v35 =	vmul.f32 v12, v9  }
0x311: {  	v25 =	vadd.f32 v25, v26;
	v12 =	vmul.f32 v30, v7;
	v29 =	vmul.f32 v29, v4;
	v26 =	vld [tilespmem:s5+$0xA330]  }
0x312: {  	v30 =	vmul.f32 v39, v4;
	v36 =	vld [tilespmem:s5+$0xA340];
	v14 =	vadd.f32 v14, v20;
	v20 =	vadd.f32 v35, v22  }
0x313: {  	v19 =	vmul.f32 v19, v7;
	v22 =	vadd.f32 v29, v27;
	v27 =	vmul.f32 v40, v4;
	v29 =	vld [tilespmem:s5+$0x6710]  }
0x314: {  	v25 =	vadd.f32 v30, v25;
	v24 =	vmul.f32 v24, v7;
	v30 =	vld [tilespmem:s5+$0x6700];
	[tilespmem:s5+$0xC760] =	vst v14;
	v35 =	vadd.f32 v21, v20  }
.Ltmp3:
0x315: {  	[tilespmem:s5+$0xC300] =	vst v22;
	v17 =	vadd.f32 v27, v17;
	v21 =	vmul.f32 v23, v7;
	v14 =	vld [tilespmem:s5+$0xA740];
	v23 =	vadd.f32 v34, v19;
	(pc) =	sbr.rel @p0 .LBB2_8-.Ltmp3, $4  }
0x316: {  	v19 =	vmul.f32 v28, v9;
	[tilespmem:s5+$0xC310] =	vst v25;
	v24 =	vadd.f32 v38, v24;
	v25 =	vmul.f32 v26, v4;
	v20 =	vld [tilespmem:s5+$0x8370]  }
0x317: {  	[tilespmem:s5+$0xC320] =	vst v17;
	v26 =	vmul.f32 v36, v4;
	v28 =	vadd.f32 v33, v21;
	v22 =	vld [tilespmem:s5+$0x8710];
	v32 =	vadd.f32 v32, v23  }
0x318: {  	v16 =	vmul.f32 v16, v7;
	v17 =	vadd.f32 v25, v24;
	v21 =	vld [tilespmem:s5+$0xA370];
	v23 =	vmul.f32 v29, v7;
	[tilespmem:s5+$0xC770] =	vst v35  }
0x319: {  	s17 =	sadd.s32 $0x80, s17;
	s6 =	sadd.s32 $0x100, s6;
	s22 =	smov.u32 s21;
	v27 =	vadd.f32 v26, v37;
	v25 =	vadd.f32 v31, v28;
	v26 =	vmul.f32 v30, v7;
	v24 =	vld [tilespmem:s5+$0xA710];
	[tilespmem:s5+$0xC750] =	vst v32  }
0x31a: {  	v5 =	vmul.f32 v5, v7  }
0x31b: {  	v28 =	vld [tilespmem:s5+$0x6730];
	v3 =	vmul.f32 v3, v9;
	v10 =	vmul.f32 v10, v4  }
0x31c: {  	v54 =	vld [tilespmem:s5+$0xA360];
	v8 =	vadd.f32 v8, v16;
	v20 =	vmul.f32 v20, v9;
	v13 =	vadd.f32 v13, v26  }
0x31d: {  	v62 =	vadd.f32 v11, v12;
	[tilespmem:s5+$0xC330] =	vst v17;
	v55 =	vmul.f32 v22, v9;
	v3 =	vadd.f32 v3, v5  }
0x31e: {  	[tilespmem:s5+$0xC340] =	vst v27;
	v56 =	vadd.f32 v20, v18;
	v57 =	vmul.f32 v21, v4;
	v13 =	vadd.f32 v15, v13  }
0x31f: {  	v63 =	vmul.f32 v14, v4;
	[tilespmem:s5+$0xC350] =	vst v25;
	v9 =	vadd.f32 v55, v23;
	v3 =	vadd.f32 v10, v3  }
0x320: {  	v58 =	vmul.f32 v24, v4;
	v59 =	vmul.f32 v28, v7;
	v5 =	vadd.f32 v57, v56;
	[tilespmem:s5+$0xC700] =	vst v13  }
0x321: {  	v6 =	vmul.f32 v6, v4;
	v60 =	vmul.f32 v54, v4;
	v4 =	vadd.f32 v63, v62;
	[tilespmem:s5+$0xC720] =	vst v3  }
0x322: {  	v9 =	vadd.f32 v58, v9;
	v3 =	vadd.f32 v19, v59;
	[tilespmem:s5+$0xC370] =	vst v5  }
0x323: {  	v61 =	vadd.f32 v60, v8;
	[tilespmem:s5+$0xC740] =	vst v4  }
0x324: {  	s1 =	sadd.s32 $0x1, s1;
	[tilespmem:s5+$0xC710] =	vst v9;
	v3 =	vadd.f32 v6, v3  }
0x325: {  	p0 =	sne.s32 s1, s14;
	[tilespmem:s5+$0xC360] =	vst v61  }
.Ltmp4:
0x326: {  	[tilespmem:s5+$0xC730] =	vst v3;
	(pc) =	sbr.rel @p0 .LBB2_1-.Ltmp4, $4  }
0x327: {  	[hbm4b:s13+s3] =	stream.linear.scatter [tilespmem:s4], [sflag:$0x2], $0x2000, $0x38;
	[tilespmem:$0xE300] =	vst v63  }
0x328: {  	_ =	swait.ge [sflag:s15], $0x2000  }
0x329: {  	[sflag:s15] =	ssyncset.done $0x0  }
0x32a: {  	[sflag:s15] =	ssyncadd.s32 $0xFFFFE000  }
0x32b: {  	_ =	sfence.sel $0x180000  }
0x32c: {  	[bflag:$0x0] =	sbarrier.arrive $0xFFFF  }
0x32d: {  	_ =	strace $0x9000004A  }
0x32e: {  	s0 =	stileid.u32;
	[bflag:$0x2] =	sbarrier.arrive $0xFFFF  }
0x32f: {  	p0 =	sne.s32 s0, $0x0;
	s0 =	rddreg [dreg:$0x4]  }
0x330: {  	s0 =	sadd.s32 @!p0 $0x100000, s0  }
0x331: {  	[sflag:s0] =	ssyncadd.tile.s32 @!p0 $0x1;
	_ =	shalt  }
.Lfunc_end2:
_tile_overlayer_lowered:
.L_overlay_start_2:
0x332: {  	(tag) =	ssettag $0x2  }
0x333: {  	s0 =	rddreg [dreg:$0x0];
	s2 =	stileid.u32  }
0x334: {  	s1 =	rddreg [dreg:$0x1];
	p0 =	sne.s32 s2, $0x0  }
0x335: {  	s3 =	rddreg [dreg:$0x2];
	[bflag:$0x3] =	sbarrier.arrive $0xFFFF;
	s2 =	simm.s32 @!p0 $0x1C02  }
0x336: {  	[timem:s3], [sflag:s2] =	dma.local @!p0 [hbm:s0], s1  }
0x337: {  	s0 =	simm.s32 @!p0 $0x2  }
0x338: {  	_ =	swait.ge @!p0 [sflag:s0], s1  }
0x339: {  	s1 =	ssub.s32 @!p0 $0x0, s1;
	[sflag:s0] =	ssyncset.done @!p0 $0x0  }
0x33a: {  	[sflag:s0] =	ssyncadd.s32 @!p0 s1  }
0x33b: {  	[bflag:$0x3] =	sbarrier.arrive $0xFFFF  }
0x33c: {  	_ =	shalt  }

</sc_bundles>
